<compile_context>
chip_gen: v7x
topology: tpu7x:2x2x1
jax: 0.10.2.dev20260603
libtpu: 0.0.44.dev20260713+nightly
codegen_flags: <defaults>
</compile_context>

<pallas_src>
import functools

import jax
import jax.numpy as jnp
from jax import lax
from jax.experimental import pallas as pl
from jax.experimental.pallas import tpu as pltpu
from jax.experimental.pallas import tpu_sc as plsc

_PIDX = (4, 2, 3, 3, 0, 1, 1, 4, 4, 5, 6, 7, 7, 8, 9, 9)
_D = 256
_NW = 32
_CN = 8
_NI = 2
_NP = 10
_J = 16
_L = 16


def _sc_body(part_hbm, out_hbm, ibuf, gsems, wsems):
    wid = lax.axis_index("s") * 2 + lax.axis_index("c")
    n_total = part_hbm.shape[0]
    nb = n_total // _NW
    nchunks = nb // _CN
    n0 = wid * nb

    def gather(c, b):
        pltpu.async_copy(part_hbm.at[pl.ds(n0 + c * _CN, _CN)],
                         ibuf.at[b], gsems.at[b])

    def gather_wait(c, b):
        pltpu.make_async_copy(part_hbm.at[pl.ds(n0 + c * _CN, _CN)],
                              ibuf.at[b], gsems.at[b]).wait()

    def write_all(c, b):
        nn = n0 + c * _CN
        for j, p in enumerate(_PIDX):
            pltpu.async_copy(
                ibuf.at[b, :, pl.ds(p, 1)],
                out_hbm.at[pl.ds(nn, _CN), pl.ds(j, 1)],
                wsems.at[b])

    def write_wait_all(c, b):
        nn = n0 + c * _CN
        for j, p in enumerate(_PIDX):
            pltpu.make_async_copy(
                ibuf.at[b, :, pl.ds(p, 1)],
                out_hbm.at[pl.ds(nn, _CN), pl.ds(j, 1)],
                wsems.at[b]).wait()

    for b in range(_NI):
        gather(b, b)

    def step(g, _):
        for b in range(_NI):
            c = g * _NI + b
            gather_wait(c, b)
            write_all(c, b)

            @pl.when(g < nchunks // _NI - 1)
            def _():
                write_wait_all(c, b)
                gather(c + _NI, b)
        return 0

    lax.fori_loop(0, nchunks // _NI, step, 0)

    for b in range(_NI):
        write_wait_all(nchunks - _NI + b, b)


def kernel(part):
    n, npart, d = part.shape
    mesh = plsc.VectorSubcoreMesh(core_axis_name="c", subcore_axis_name="s")
    k = functools.partial(
        pl.kernel,
        mesh=mesh,
        out_type=jax.ShapeDtypeStruct((n, _J, d), jnp.float32),
        scratch_types=[
            pltpu.VMEM((_NI, _CN, _NP, d), jnp.float32),
            pltpu.SemaphoreType.DMA((_NI,)),
            pltpu.SemaphoreType.DMA((_NI,)),
        ],
    )(_sc_body)
    return k(part)

# --- scband reference (transcript-rebuilt; emitter-appended) ---
"""Pipeline reference for scband-up-part2-joint-26414048870634 (READ-ONLY COPY).

The authoritative reference and input builder live on the scoring server;
editing this copy changes nothing except your own understanding.
"""

import jax, jax.numpy as jnp
import numpy as np

# joint j in [0,16) receives part feature PART_IDX[j]
# torso=[0,7,8]<-4, right_leg_up=[1]<-2, right_leg_down=[2,3]<-3,
# left_leg_up=[4]<-0, left_leg_down=[5,6]<-1, head=[9]<-5,
# left_arm_up=[10]<-6, left_arm_down=[11,12]<-7,
# right_arm_up=[13]<-8, right_arm_down=[14,15]<-9
PART_IDX = jnp.array([4, 2, 3, 3, 0, 1, 1, 4, 4, 5, 6, 7, 7, 8, 9, 9], dtype=jnp.int32)


def setup_inputs(seed: int = 0) -> dict:
    key = jax.random.key(seed)
    part = jax.random.normal(key, (16384, 10, 256), dtype=jnp.float32)
    return {"part": part}


def reference(part):
    # Original torch code permutes to [N, d, w], builds zeros [N, d, 16],
    # scatter-writes each joint slot from its source part, permutes back.
    # Equivalent: gather along the part axis with the fixed joint->part map.
    # part: [N, 10, d] -> out: [N, 16, d]
    x = jnp.take(part, PART_IDX, axis=1)
    return x

if __name__ == "__main__":
    import jax
    _d = setup_inputs()
    print(jax.jit(kernel)(*tuple(_d.values())))

</pallas_src>

<mosaic_0001>
#map = affine_map<(d0, d1) -> (0, 0, 0)>
module attributes {stable_mosaic.version = 14 : i64} {
  func.func @_sc_body(%arg0: i32, %arg1: i32, %arg2: memref<16384x10x256xf32, #tpu.memory_space<hbm>>, %arg3: memref<16384x16x256xf32, #tpu.memory_space<hbm>>, %arg4: memref<2x8x10x256xf32, #tpu.memory_space<vmem>>, %arg5: memref<2x!tpu.dma_semaphore, #tpu.memory_space<semaphore_mem>>, %arg6: memref<2x!tpu.dma_semaphore, #tpu.memory_space<semaphore_mem>>) attributes {dimension_semantics = [#tpu.dimension_semantics<core_parallel>, #tpu.dimension_semantics<subcore_parallel>], iteration_bounds = array<i64: 2, 16>, scalar_prefetch = 0 : i64, scratch_operands = 3 : i64, tpu.core_type = #tpu.core_type<sc_vector_subcore>, window_params = [{transform_indices = #map}, {transform_indices = #map}]} {
    %mul3A = arith.constant 2 : i32
    %mul3A_0 = arith.muli %arg1, %mul3A : i32
    %add3A = arith.addi %mul3A_0, %arg0 : i32
    %mul3A_1 = arith.constant 512 : i32
    %mul3A_2 = arith.muli %add3A, %mul3A_1 : i32
    %add3A_3 = arith.constant 0 : i32
    %add3A_4 = arith.addi %mul3A_2, %add3A_3 : i32
    %dma_start3A = arith.constant 0 : i32
    %dma_start3A_5 = arith.constant 0 : i32
    %dma_start3A_6 = arith.constant 0 : i32
    %dma_start3A_7 = arith.constant 0 : i32
    %dma_start3A_8 = arith.constant 0 : i32
    %dma_start3A_9 = tpu.memref_slice %arg4[%dma_start3A, %dma_start3A_6, %dma_start3A_7, %dma_start3A_8] : memref<2x8x10x256xf32, #tpu.memory_space<vmem>> -> memref<1x8x10x256xf32, #tpu.memory_space<vmem>>
    %dma_start3A_10 = tpu.memref_squeeze %dma_start3A_9 : memref<1x8x10x256xf32, #tpu.memory_space<vmem>> -> memref<8x10x256xf32, #tpu.memory_space<vmem>>
    %dma_start3A_11 = arith.constant 0 : i32
    %dma_start3A_12 = arith.constant 0 : i32
    %dma_start3A_13 = tpu.memref_slice %arg2[%add3A_4, %dma_start3A_11, %dma_start3A_12] : memref<16384x10x256xf32, #tpu.memory_space<hbm>> -> memref<8x10x256xf32, #tpu.memory_space<hbm>>
    %dma_start3A_14 = tpu.memref_slice %arg5[%dma_start3A_5] : memref<2x!tpu.dma_semaphore, #tpu.memory_space<semaphore_mem>> -> memref<1x!tpu.dma_semaphore, #tpu.memory_space<semaphore_mem>>
    %dma_start3A_15 = tpu.memref_squeeze %dma_start3A_14 : memref<1x!tpu.dma_semaphore, #tpu.memory_space<semaphore_mem>> -> memref<!tpu.dma_semaphore, #tpu.memory_space<semaphore_mem>>
    %dma_start3A_16 = arith.constant 0 : i32
    %dma_start3A_17 = arith.constant 0 : i32
    %dma_start3A_18 = arith.constant 0 : i32
    %dma_start3A_19 = tpu.memref_slice %arg4[%dma_start3A, %dma_start3A_16, %dma_start3A_17, %dma_start3A_18] : memref<2x8x10x256xf32, #tpu.memory_space<vmem>> -> memref<1x8x10x256xf32, #tpu.memory_space<vmem>>
    %dma_start3A_20 = tpu.memref_squeeze %dma_start3A_19 : memref<1x8x10x256xf32, #tpu.memory_space<vmem>> -> memref<8x10x256xf32, #tpu.memory_space<vmem>>
    %dma_start3A_21 = arith.constant 0 : i32
    %dma_start3A_22 = arith.constant 0 : i32
    %dma_start3A_23 = tpu.memref_slice %arg2[%add3A_4, %dma_start3A_21, %dma_start3A_22] : memref<16384x10x256xf32, #tpu.memory_space<hbm>> -> memref<8x10x256xf32, #tpu.memory_space<hbm>>
    tpu.enqueue_dma source(%dma_start3A_23 : memref<8x10x256xf32, #tpu.memory_space<hbm>>) target(%dma_start3A_20 : memref<8x10x256xf32, #tpu.memory_space<vmem>>) target_semaphore(%dma_start3A_15 : memref<!tpu.dma_semaphore, #tpu.memory_space<semaphore_mem>>)
    %add3A_24 = arith.constant 8 : i32
    %add3A_25 = arith.addi %mul3A_2, %add3A_24 : i32
    %dma_start3A_26 = arith.constant 1 : i32
    %dma_start3A_27 = arith.constant 1 : i32
    %dma_start3A_28 = arith.constant 0 : i32
    %dma_start3A_29 = arith.constant 0 : i32
    %dma_start3A_30 = arith.constant 0 : i32
    %dma_start3A_31 = tpu.memref_slice %arg4[%dma_start3A_26, %dma_start3A_28, %dma_start3A_29, %dma_start3A_30] : memref<2x8x10x256xf32, #tpu.memory_space<vmem>> -> memref<1x8x10x256xf32, #tpu.memory_space<vmem>>
    %dma_start3A_32 = tpu.memref_squeeze %dma_start3A_31 : memref<1x8x10x256xf32, #tpu.memory_space<vmem>> -> memref<8x10x256xf32, #tpu.memory_space<vmem>>
    %dma_start3A_33 = arith.constant 0 : i32
    %dma_start3A_34 = arith.constant 0 : i32
    %dma_start3A_35 = tpu.memref_slice %arg2[%add3A_25, %dma_start3A_33, %dma_start3A_34] : memref<16384x10x256xf32, #tpu.memory_space<hbm>> -> memref<8x10x256xf32, #tpu.memory_space<hbm>>
    %dma_start3A_36 = tpu.memref_slice %arg5[%dma_start3A_27] : memref<2x!tpu.dma_semaphore, #tpu.memory_space<semaphore_mem>> -> memref<1x!tpu.dma_semaphore, #tpu.memory_space<semaphore_mem>>
    %dma_start3A_37 = tpu.memref_squeeze %dma_start3A_36 : memref<1x!tpu.dma_semaphore, #tpu.memory_space<semaphore_mem>> -> memref<!tpu.dma_semaphore, #tpu.memory_space<semaphore_mem>>
    %dma_start3A_38 = arith.constant 0 : i32
    %dma_start3A_39 = arith.constant 0 : i32
    %dma_start3A_40 = arith.constant 0 : i32
    %dma_start3A_41 = tpu.memref_slice %arg4[%dma_start3A_26, %dma_start3A_38, %dma_start3A_39, %dma_start3A_40] : memref<2x8x10x256xf32, #tpu.memory_space<vmem>> -> memref<1x8x10x256xf32, #tpu.memory_space<vmem>>
    %dma_start3A_42 = tpu.memref_squeeze %dma_start3A_41 : memref<1x8x10x256xf32, #tpu.memory_space<vmem>> -> memref<8x10x256xf32, #tpu.memory_space<vmem>>
    %dma_start3A_43 = arith.constant 0 : i32
    %dma_start3A_44 = arith.constant 0 : i32
    %dma_start3A_45 = tpu.memref_slice %arg2[%add3A_25, %dma_start3A_43, %dma_start3A_44] : memref<16384x10x256xf32, #tpu.memory_space<hbm>> -> memref<8x10x256xf32, #tpu.memory_space<hbm>>
    tpu.enqueue_dma source(%dma_start3A_45 : memref<8x10x256xf32, #tpu.memory_space<hbm>>) target(%dma_start3A_42 : memref<8x10x256xf32, #tpu.memory_space<vmem>>) target_semaphore(%dma_start3A_37 : memref<!tpu.dma_semaphore, #tpu.memory_space<semaphore_mem>>)
    %scan3A = arith.constant 0 : i32
    %scan3A_46 = arith.constant 0 : i32
    %scan3A_47 = arith.constant 32 : i32
    %scan3A_48 = arith.addi %scan3A_46, %scan3A_47 : i32
    %scan3A_49 = arith.constant 1 : i32
    %scan3A_50 = scf.for %scan3A_695 = %scan3A_46 to %scan3A_48 step %scan3A_49 iter_args(%scan3A_696 = %scan3A) -> (i32)  : i32 {
      %mul3A_697 = arith.constant 2 : i32
      %mul3A_698 = arith.muli %scan3A_695, %mul3A_697 : i32
      %add3A_699 = arith.constant 0 : i32
      %add3A_700 = arith.addi %mul3A_698, %add3A_699 : i32
      %mul3A_701 = arith.constant 8 : i32
      %mul3A_702 = arith.muli %add3A_700, %mul3A_701 : i32
      %add3A_703 = arith.addi %mul3A_2, %mul3A_702 : i32
      %dma_wait3A_704 = arith.constant 0 : i32
      %dma_wait3A_705 = arith.constant 0 : i32
      %dma_wait3A_706 = arith.constant 0 : i32
      %dma_wait3A_707 = arith.constant 0 : i32
      %dma_wait3A_708 = arith.constant 0 : i32
      %dma_wait3A_709 = tpu.memref_slice %arg4[%dma_wait3A_704, %dma_wait3A_706, %dma_wait3A_707, %dma_wait3A_708] : memref<2x8x10x256xf32, #tpu.memory_space<vmem>> -> memref<1x8x10x256xf32, #tpu.memory_space<vmem>>
      %dma_wait3A_710 = tpu.memref_squeeze %dma_wait3A_709 : memref<1x8x10x256xf32, #tpu.memory_space<vmem>> -> memref<8x10x256xf32, #tpu.memory_space<vmem>>
      %dma_wait3A_711 = arith.constant 0 : i32
      %dma_wait3A_712 = arith.constant 0 : i32
      %dma_wait3A_713 = tpu.memref_slice %arg2[%add3A_703, %dma_wait3A_711, %dma_wait3A_712] : memref<16384x10x256xf32, #tpu.memory_space<hbm>> -> memref<8x10x256xf32, #tpu.memory_space<hbm>>
      %dma_wait3A_714 = tpu.memref_slice %arg5[%dma_wait3A_705] : memref<2x!tpu.dma_semaphore, #tpu.memory_space<semaphore_mem>> -> memref<1x!tpu.dma_semaphore, #tpu.memory_space<semaphore_mem>>
      %dma_wait3A_715 = tpu.memref_squeeze %dma_wait3A_714 : memref<1x!tpu.dma_semaphore, #tpu.memory_space<semaphore_mem>> -> memref<!tpu.dma_semaphore, #tpu.memory_space<semaphore_mem>>
      %dma_wait3A_716 = arith.constant 0 : i32
      %dma_wait3A_717 = arith.constant 0 : i32
      %dma_wait3A_718 = arith.constant 0 : i32
      %dma_wait3A_719 = tpu.memref_slice %arg4[%dma_wait3A_704, %dma_wait3A_716, %dma_wait3A_717, %dma_wait3A_718] : memref<2x8x10x256xf32, #tpu.memory_space<vmem>> -> memref<1x8x10x256xf32, #tpu.memory_space<vmem>>
      %dma_wait3A_720 = tpu.memref_squeeze %dma_wait3A_719 : memref<1x8x10x256xf32, #tpu.memory_space<vmem>> -> memref<8x10x256xf32, #tpu.memory_space<vmem>>
      %dma_wait3A_721 = arith.constant 0 : i32
      %dma_wait3A_722 = arith.constant 0 : i32
      %dma_wait3A_723 = tpu.memref_slice %arg2[%add3A_703, %dma_wait3A_721, %dma_wait3A_722] : memref<16384x10x256xf32, #tpu.memory_space<hbm>> -> memref<8x10x256xf32, #tpu.memory_space<hbm>>
      tpu.wait_dma2 semaphore(%dma_wait3A_715 : memref<!tpu.dma_semaphore, #tpu.memory_space<semaphore_mem>>) src(%dma_wait3A_723 : memref<8x10x256xf32, #tpu.memory_space<hbm>>) dst(%dma_wait3A_720 : memref<8x10x256xf32, #tpu.memory_space<vmem>>)
      %mul3A_724 = arith.constant 8 : i32
      %mul3A_725 = arith.muli %add3A_700, %mul3A_724 : i32
      %add3A_726 = arith.addi %mul3A_2, %mul3A_725 : i32
      %dma_start3A_727 = arith.constant 0 : i32
      %dma_start3A_728 = arith.constant 0 : i32
      %dma_start3A_729 = arith.constant 0 : i32
      %dma_start3A_730 = arith.constant 4 : i32
      %dma_start3A_731 = arith.constant 0 : i32
      %dma_start3A_732 = tpu.memref_slice %arg4[%dma_start3A_727, %dma_start3A_729, %dma_start3A_730, %dma_start3A_731] : memref<2x8x10x256xf32, #tpu.memory_space<vmem>> -> memref<1x8x1x256xf32, #tpu.memory_space<vmem>>
      %dma_start3A_733 = tpu.memref_squeeze %dma_start3A_732 : memref<1x8x1x256xf32, #tpu.memory_space<vmem>> -> memref<8x1x256xf32, #tpu.memory_space<vmem>>
      %dma_start3A_734 = arith.constant 0 : i32
      %dma_start3A_735 = arith.constant 0 : i32
      %dma_start3A_736 = tpu.memref_slice %arg3[%add3A_726, %dma_start3A_734, %dma_start3A_735] : memref<16384x16x256xf32, #tpu.memory_space<hbm>> -> memref<8x1x256xf32, #tpu.memory_space<hbm>>
      %dma_start3A_737 = tpu.memref_slice %arg6[%dma_start3A_728] : memref<2x!tpu.dma_semaphore, #tpu.memory_space<semaphore_mem>> -> memref<1x!tpu.dma_semaphore, #tpu.memory_space<semaphore_mem>>
      %dma_start3A_738 = tpu.memref_squeeze %dma_start3A_737 : memref<1x!tpu.dma_semaphore, #tpu.memory_space<semaphore_mem>> -> memref<!tpu.dma_semaphore, #tpu.memory_space<semaphore_mem>>
      %dma_start3A_739 = arith.constant 0 : i32
      %dma_start3A_740 = arith.constant 0 : i32
      %dma_start3A_741 = tpu.memref_slice %arg3[%add3A_726, %dma_start3A_739, %dma_start3A_740] : memref<16384x16x256xf32, #tpu.memory_space<hbm>> -> memref<8x1x256xf32, #tpu.memory_space<hbm>>
      %dma_start3A_742 = arith.constant 0 : i32
      %dma_start3A_743 = arith.constant 4 : i32
      %dma_start3A_744 = arith.constant 0 : i32
      %dma_start3A_745 = tpu.memref_slice %arg4[%dma_start3A_727, %dma_start3A_742, %dma_start3A_743, %dma_start3A_744] : memref<2x8x10x256xf32, #tpu.memory_space<vmem>> -> memref<1x8x1x256xf32, #tpu.memory_space<vmem>>
      %dma_start3A_746 = tpu.memref_squeeze %dma_start3A_745 : memref<1x8x1x256xf32, #tpu.memory_space<vmem>> -> memref<8x1x256xf32, #tpu.memory_space<vmem>>
      tpu.enqueue_dma source(%dma_start3A_746 : memref<8x1x256xf32, #tpu.memory_space<vmem>>) target(%dma_start3A_741 : memref<8x1x256xf32, #tpu.memory_space<hbm>>) target_semaphore(%dma_start3A_738 : memref<!tpu.dma_semaphore, #tpu.memory_space<semaphore_mem>>)
      %dma_start3A_747 = arith.constant 0 : i32
      %dma_start3A_748 = arith.constant 0 : i32
      %dma_start3A_749 = arith.constant 0 : i32
      %dma_start3A_750 = arith.constant 2 : i32
      %dma_start3A_751 = arith.constant 0 : i32
      %dma_start3A_752 = tpu.memref_slice %arg4[%dma_start3A_747, %dma_start3A_749, %dma_start3A_750, %dma_start3A_751] : memref<2x8x10x256xf32, #tpu.memory_space<vmem>> -> memref<1x8x1x256xf32, #tpu.memory_space<vmem>>
      %dma_start3A_753 = tpu.memref_squeeze %dma_start3A_752 : memref<1x8x1x256xf32, #tpu.memory_space<vmem>> -> memref<8x1x256xf32, #tpu.memory_space<vmem>>
      %dma_start3A_754 = arith.constant 1 : i32
      %dma_start3A_755 = arith.constant 0 : i32
      %dma_start3A_756 = tpu.memref_slice %arg3[%add3A_726, %dma_start3A_754, %dma_start3A_755] : memref<16384x16x256xf32, #tpu.memory_space<hbm>> -> memref<8x1x256xf32, #tpu.memory_space<hbm>>
      %dma_start3A_757 = tpu.memref_slice %arg6[%dma_start3A_748] : memref<2x!tpu.dma_semaphore, #tpu.memory_space<semaphore_mem>> -> memref<1x!tpu.dma_semaphore, #tpu.memory_space<semaphore_mem>>
      %dma_start3A_758 = tpu.memref_squeeze %dma_start3A_757 : memref<1x!tpu.dma_semaphore, #tpu.memory_space<semaphore_mem>> -> memref<!tpu.dma_semaphore, #tpu.memory_space<semaphore_mem>>
      %dma_start3A_759 = arith.constant 1 : i32
      %dma_start3A_760 = arith.constant 0 : i32
      %dma_start3A_761 = tpu.memref_slice %arg3[%add3A_726, %dma_start3A_759, %dma_start3A_760] : memref<16384x16x256xf32, #tpu.memory_space<hbm>> -> memref<8x1x256xf32, #tpu.memory_space<hbm>>
      %dma_start3A_762 = arith.constant 0 : i32
      %dma_start3A_763 = arith.constant 2 : i32
      %dma_start3A_764 = arith.constant 0 : i32
      %dma_start3A_765 = tpu.memref_slice %arg4[%dma_start3A_747, %dma_start3A_762, %dma_start3A_763, %dma_start3A_764] : memref<2x8x10x256xf32, #tpu.memory_space<vmem>> -> memref<1x8x1x256xf32, #tpu.memory_space<vmem>>
      %dma_start3A_766 = tpu.memref_squeeze %dma_start3A_765 : memref<1x8x1x256xf32, #tpu.memory_space<vmem>> -> memref<8x1x256xf32, #tpu.memory_space<vmem>>
      tpu.enqueue_dma source(%dma_start3A_766 : memref<8x1x256xf32, #tpu.memory_space<vmem>>) target(%dma_start3A_761 : memref<8x1x256xf32, #tpu.memory_space<hbm>>) target_semaphore(%dma_start3A_758 : memref<!tpu.dma_semaphore, #tpu.memory_space<semaphore_mem>>)
      %dma_start3A_767 = arith.constant 0 : i32
      %dma_start3A_768 = arith.constant 0 : i32
      %dma_start3A_769 = arith.constant 0 : i32
      %dma_start3A_770 = arith.constant 3 : i32
      %dma_start3A_771 = arith.constant 0 : i32
      %dma_start3A_772 = tpu.memref_slice %arg4[%dma_start3A_767, %dma_start3A_769, %dma_start3A_770, %dma_start3A_771] : memref<2x8x10x256xf32, #tpu.memory_space<vmem>> -> memref<1x8x1x256xf32, #tpu.memory_space<vmem>>
      %dma_start3A_773 = tpu.memref_squeeze %dma_start3A_772 : memref<1x8x1x256xf32, #tpu.memory_space<vmem>> -> memref<8x1x256xf32, #tpu.memory_space<vmem>>
      %dma_start3A_774 = arith.constant 2 : i32
      %dma_start3A_775 = arith.constant 0 : i32
      %dma_start3A_776 = tpu.memref_slice %arg3[%add3A_726, %dma_start3A_774, %dma_start3A_775] : memref<16384x16x256xf32, #tpu.memory_space<hbm>> -> memref<8x1x256xf32, #tpu.memory_space<hbm>>
      %dma_start3A_777 = tpu.memref_slice %arg6[%dma_start3A_768] : memref<2x!tpu.dma_semaphore, #tpu.memory_space<semaphore_mem>> -> memref<1x!tpu.dma_semaphore, #tpu.memory_space<semaphore_mem>>
      %dma_start3A_778 = tpu.memref_squeeze %dma_start3A_777 : memref<1x!tpu.dma_semaphore, #tpu.memory_space<semaphore_mem>> -> memref<!tpu.dma_semaphore, #tpu.memory_space<semaphore_mem>>
      %dma_start3A_779 = arith.constant 2 : i32
      %dma_start3A_780 = arith.constant 0 : i32
      %dma_start3A_781 = tpu.memref_slice %arg3[%add3A_726, %dma_start3A_779, %dma_start3A_780] : memref<16384x16x256xf32, #tpu.memory_space<hbm>> -> memref<8x1x256xf32, #tpu.memory_space<hbm>>
      %dma_start3A_782 = arith.constant 0 : i32
      %dma_start3A_783 = arith.constant 3 : i32
      %dma_start3A_784 = arith.constant 0 : i32
      %dma_start3A_785 = tpu.memref_slice %arg4[%dma_start3A_767, %dma_start3A_782, %dma_start3A_783, %dma_start3A_784] : memref<2x8x10x256xf32, #tpu.memory_space<vmem>> -> memref<1x8x1x256xf32, #tpu.memory_space<vmem>>
      %dma_start3A_786 = tpu.memref_squeeze %dma_start3A_785 : memref<1x8x1x256xf32, #tpu.memory_space<vmem>> -> memref<8x1x256xf32, #tpu.memory_space<vmem>>
      tpu.enqueue_dma source(%dma_start3A_786 : memref<8x1x256xf32, #tpu.memory_space<vmem>>) target(%dma_start3A_781 : memref<8x1x256xf32, #tpu.memory_space<hbm>>) target_semaphore(%dma_start3A_778 : memref<!tpu.dma_semaphore, #tpu.memory_space<semaphore_mem>>)
      %dma_start3A_787 = arith.constant 0 : i32
      %dma_start3A_788 = arith.constant 0 : i32
      %dma_start3A_789 = arith.constant 0 : i32
      %dma_start3A_790 = arith.constant 3 : i32
      %dma_start3A_791 = arith.constant 0 : i32
      %dma_start3A_792 = tpu.memref_slice %arg4[%dma_start3A_787, %dma_start3A_789, %dma_start3A_790, %dma_start3A_791] : memref<2x8x10x256xf32, #tpu.memory_space<vmem>> -> memref<1x8x1x256xf32, #tpu.memory_space<vmem>>
      %dma_start3A_793 = tpu.memref_squeeze %dma_start3A_792 : memref<1x8x1x256xf32, #tpu.memory_space<vmem>> -> memref<8x1x256xf32, #tpu.memory_space<vmem>>
      %dma_start3A_794 = arith.constant 3 : i32
      %dma_start3A_795 = arith.constant 0 : i32
      %dma_start3A_796 = tpu.memref_slice %arg3[%add3A_726, %dma_start3A_794, %dma_start3A_795] : memref<16384x16x256xf32, #tpu.memory_space<hbm>> -> memref<8x1x256xf32, #tpu.memory_space<hbm>>
      %dma_start3A_797 = tpu.memref_slice %arg6[%dma_start3A_788] : memref<2x!tpu.dma_semaphore, #tpu.memory_space<semaphore_mem>> -> memref<1x!tpu.dma_semaphore, #tpu.memory_space<semaphore_mem>>
      %dma_start3A_798 = tpu.memref_squeeze %dma_start3A_797 : memref<1x!tpu.dma_semaphore, #tpu.memory_space<semaphore_mem>> -> memref<!tpu.dma_semaphore, #tpu.memory_space<semaphore_mem>>
      %dma_start3A_799 = arith.constant 3 : i32
      %dma_start3A_800 = arith.constant 0 : i32
      %dma_start3A_801 = tpu.memref_slice %arg3[%add3A_726, %dma_start3A_799, %dma_start3A_800] : memref<16384x16x256xf32, #tpu.memory_space<hbm>> -> memref<8x1x256xf32, #tpu.memory_space<hbm>>
      %dma_start3A_802 = arith.constant 0 : i32
      %dma_start3A_803 = arith.constant 3 : i32
      %dma_start3A_804 = arith.constant 0 : i32
      %dma_start3A_805 = tpu.memref_slice %arg4[%dma_start3A_787, %dma_start3A_802, %dma_start3A_803, %dma_start3A_804] : memref<2x8x10x256xf32, #tpu.memory_space<vmem>> -> memref<1x8x1x256xf32, #tpu.memory_space<vmem>>
      %dma_start3A_806 = tpu.memref_squeeze %dma_start3A_805 : memref<1x8x1x256xf32, #tpu.memory_space<vmem>> -> memref<8x1x256xf32, #tpu.memory_space<vmem>>
      tpu.enqueue_dma source(%dma_start3A_806 : memref<8x1x256xf32, #tpu.memory_space<vmem>>) target(%dma_start3A_801 : memref<8x1x256xf32, #tpu.memory_space<hbm>>) target_semaphore(%dma_start3A_798 : memref<!tpu.dma_semaphore, #tpu.memory_space<semaphore_mem>>)
      %dma_start3A_807 = arith.constant 0 : i32
      %dma_start3A_808 = arith.constant 0 : i32
      %dma_start3A_809 = arith.constant 0 : i32
      %dma_start3A_810 = arith.constant 0 : i32
      %dma_start3A_811 = arith.constant 0 : i32
      %dma_start3A_812 = tpu.memref_slice %arg4[%dma_start3A_807, %dma_start3A_809, %dma_start3A_810, %dma_start3A_811] : memref<2x8x10x256xf32, #tpu.memory_space<vmem>> -> memref<1x8x1x256xf32, #tpu.memory_space<vmem>>
      %dma_start3A_813 = tpu.memref_squeeze %dma_start3A_812 : memref<1x8x1x256xf32, #tpu.memory_space<vmem>> -> memref<8x1x256xf32, #tpu.memory_space<vmem>>
      %dma_start3A_814 = arith.constant 4 : i32
      %dma_start3A_815 = arith.constant 0 : i32
      %dma_start3A_816 = tpu.memref_slice %arg3[%add3A_726, %dma_start3A_814, %dma_start3A_815] : memref<16384x16x256xf32, #tpu.memory_space<hbm>> -> memref<8x1x256xf32, #tpu.memory_space<hbm>>
      %dma_start3A_817 = tpu.memref_slice %arg6[%dma_start3A_808] : memref<2x!tpu.dma_semaphore, #tpu.memory_space<semaphore_mem>> -> memref<1x!tpu.dma_semaphore, #tpu.memory_space<semaphore_mem>>
      %dma_start3A_818 = tpu.memref_squeeze %dma_start3A_817 : memref<1x!tpu.dma_semaphore, #tpu.memory_space<semaphore_mem>> -> memref<!tpu.dma_semaphore, #tpu.memory_space<semaphore_mem>>
      %dma_start3A_819 = arith.constant 4 : i32
      %dma_start3A_820 = arith.constant 0 : i32
      %dma_start3A_821 = tpu.memref_slice %arg3[%add3A_726, %dma_start3A_819, %dma_start3A_820] : memref<16384x16x256xf32, #tpu.memory_space<hbm>> -> memref<8x1x256xf32, #tpu.memory_space<hbm>>
      %dma_start3A_822 = arith.constant 0 : i32
      %dma_start3A_823 = arith.constant 0 : i32
      %dma_start3A_824 = arith.constant 0 : i32
      %dma_start3A_825 = tpu.memref_slice %arg4[%dma_start3A_807, %dma_start3A_822, %dma_start3A_823, %dma_start3A_824] : memref<2x8x10x256xf32, #tpu.memory_space<vmem>> -> memref<1x8x1x256xf32, #tpu.memory_space<vmem>>
      %dma_start3A_826 = tpu.memref_squeeze %dma_start3A_825 : memref<1x8x1x256xf32, #tpu.memory_space<vmem>> -> memref<8x1x256xf32, #tpu.memory_space<vmem>>
      tpu.enqueue_dma source(%dma_start3A_826 : memref<8x1x256xf32, #tpu.memory_space<vmem>>) target(%dma_start3A_821 : memref<8x1x256xf32, #tpu.memory_space<hbm>>) target_semaphore(%dma_start3A_818 : memref<!tpu.dma_semaphore, #tpu.memory_space<semaphore_mem>>)
      %dma_start3A_827 = arith.constant 0 : i32
      %dma_start3A_828 = arith.constant 0 : i32
      %dma_start3A_829 = arith.constant 0 : i32
      %dma_start3A_830 = arith.constant 1 : i32
      %dma_start3A_831 = arith.constant 0 : i32
      %dma_start3A_832 = tpu.memref_slice %arg4[%dma_start3A_827, %dma_start3A_829, %dma_start3A_830, %dma_start3A_831] : memref<2x8x10x256xf32, #tpu.memory_space<vmem>> -> memref<1x8x1x256xf32, #tpu.memory_space<vmem>>
      %dma_start3A_833 = tpu.memref_squeeze %dma_start3A_832 : memref<1x8x1x256xf32, #tpu.memory_space<vmem>> -> memref<8x1x256xf32, #tpu.memory_space<vmem>>
      %dma_start3A_834 = arith.constant 5 : i32
      %dma_start3A_835 = arith.constant 0 : i32
      %dma_start3A_836 = tpu.memref_slice %arg3[%add3A_726, %dma_start3A_834, %dma_start3A_835] : memref<16384x16x256xf32, #tpu.memory_space<hbm>> -> memref<8x1x256xf32, #tpu.memory_space<hbm>>
      %dma_start3A_837 = tpu.memref_slice %arg6[%dma_start3A_828] : memref<2x!tpu.dma_semaphore, #tpu.memory_space<semaphore_mem>> -> memref<1x!tpu.dma_semaphore, #tpu.memory_space<semaphore_mem>>
      %dma_start3A_838 = tpu.memref_squeeze %dma_start3A_837 : memref<1x!tpu.dma_semaphore, #tpu.memory_space<semaphore_mem>> -> memref<!tpu.dma_semaphore, #tpu.memory_space<semaphore_mem>>
      %dma_start3A_839 = arith.constant 5 : i32
      %dma_start3A_840 = arith.constant 0 : i32
      %dma_start3A_841 = tpu.memref_slice %arg3[%add3A_726, %dma_start3A_839, %dma_start3A_840] : memref<16384x16x256xf32, #tpu.memory_space<hbm>> -> memref<8x1x256xf32, #tpu.memory_space<hbm>>
      %dma_start3A_842 = arith.constant 0 : i32
      %dma_start3A_843 = arith.constant 1 : i32
      %dma_start3A_844 = arith.constant 0 : i32
      %dma_start3A_845 = tpu.memref_slice %arg4[%dma_start3A_827, %dma_start3A_842, %dma_start3A_843, %dma_start3A_844] : memref<2x8x10x256xf32, #tpu.memory_space<vmem>> -> memref<1x8x1x256xf32, #tpu.memory_space<vmem>>
      %dma_start3A_846 = tpu.memref_squeeze %dma_start3A_845 : memref<1x8x1x256xf32, #tpu.memory_space<vmem>> -> memref<8x1x256xf32, #tpu.memory_space<vmem>>
      tpu.enqueue_dma source(%dma_start3A_846 : memref<8x1x256xf32, #tpu.memory_space<vmem>>) target(%dma_start3A_841 : memref<8x1x256xf32, #tpu.memory_space<hbm>>) target_semaphore(%dma_start3A_838 : memref<!tpu.dma_semaphore, #tpu.memory_space<semaphore_mem>>)
      %dma_start3A_847 = arith.constant 0 : i32
      %dma_start3A_848 = arith.constant 0 : i32
      %dma_start3A_849 = arith.constant 0 : i32
      %dma_start3A_850 = arith.constant 1 : i32
      %dma_start3A_851 = arith.constant 0 : i32
      %dma_start3A_852 = tpu.memref_slice %arg4[%dma_start3A_847, %dma_start3A_849, %dma_start3A_850, %dma_start3A_851] : memref<2x8x10x256xf32, #tpu.memory_space<vmem>> -> memref<1x8x1x256xf32, #tpu.memory_space<vmem>>
      %dma_start3A_853 = tpu.memref_squeeze %dma_start3A_852 : memref<1x8x1x256xf32, #tpu.memory_space<vmem>> -> memref<8x1x256xf32, #tpu.memory_space<vmem>>
      %dma_start3A_854 = arith.constant 6 : i32
      %dma_start3A_855 = arith.constant 0 : i32
      %dma_start3A_856 = tpu.memref_slice %arg3[%add3A_726, %dma_start3A_854, %dma_start3A_855] : memref<16384x16x256xf32, #tpu.memory_space<hbm>> -> memref<8x1x256xf32, #tpu.memory_space<hbm>>
      %dma_start3A_857 = tpu.memref_slice %arg6[%dma_start3A_848] : memref<2x!tpu.dma_semaphore, #tpu.memory_space<semaphore_mem>> -> memref<1x!tpu.dma_semaphore, #tpu.memory_space<semaphore_mem>>
      %dma_start3A_858 = tpu.memref_squeeze %dma_start3A_857 : memref<1x!tpu.dma_semaphore, #tpu.memory_space<semaphore_mem>> -> memref<!tpu.dma_semaphore, #tpu.memory_space<semaphore_mem>>
      %dma_start3A_859 = arith.constant 6 : i32
      %dma_start3A_860 = arith.constant 0 : i32
      %dma_start3A_861 = tpu.memref_slice %arg3[%add3A_726, %dma_start3A_859, %dma_start3A_860] : memref<16384x16x256xf32, #tpu.memory_space<hbm>> -> memref<8x1x256xf32, #tpu.memory_space<hbm>>
      %dma_start3A_862 = arith.constant 0 : i32
      %dma_start3A_863 = arith.constant 1 : i32
      %dma_start3A_864 = arith.constant 0 : i32
      %dma_start3A_865 = tpu.memref_slice %arg4[%dma_start3A_847, %dma_start3A_862, %dma_start3A_863, %dma_start3A_864] : memref<2x8x10x256xf32, #tpu.memory_space<vmem>> -> memref<1x8x1x256xf32, #tpu.memory_space<vmem>>
      %dma_start3A_866 = tpu.memref_squeeze %dma_start3A_865 : memref<1x8x1x256xf32, #tpu.memory_space<vmem>> -> memref<8x1x256xf32, #tpu.memory_space<vmem>>
      tpu.enqueue_dma source(%dma_start3A_866 : memref<8x1x256xf32, #tpu.memory_space<vmem>>) target(%dma_start3A_861 : memref<8x1x256xf32, #tpu.memory_space<hbm>>) target_semaphore(%dma_start3A_858 : memref<!tpu.dma_semaphore, #tpu.memory_space<semaphore_mem>>)
      %dma_start3A_867 = arith.constant 0 : i32
      %dma_start3A_868 = arith.constant 0 : i32
      %dma_start3A_869 = arith.constant 0 : i32
      %dma_start3A_870 = arith.constant 4 : i32
      %dma_start3A_871 = arith.constant 0 : i32
      %dma_start3A_872 = tpu.memref_slice %arg4[%dma_start3A_867, %dma_start3A_869, %dma_start3A_870, %dma_start3A_871] : memref<2x8x10x256xf32, #tpu.memory_space<vmem>> -> memref<1x8x1x256xf32, #tpu.memory_space<vmem>>
      %dma_start3A_873 = tpu.memref_squeeze %dma_start3A_872 : memref<1x8x1x256xf32, #tpu.memory_space<vmem>> -> memref<8x1x256xf32, #tpu.memory_space<vmem>>
      %dma_start3A_874 = arith.constant 7 : i32
      %dma_start3A_875 = arith.constant 0 : i32
      %dma_start3A_876 = tpu.memref_slice %arg3[%add3A_726, %dma_start3A_874, %dma_start3A_875] : memref<16384x16x256xf32, #tpu.memory_space<hbm>> -> memref<8x1x256xf32, #tpu.memory_space<hbm>>
      %dma_start3A_877 = tpu.memref_slice %arg6[%dma_start3A_868] : memref<2x!tpu.dma_semaphore, #tpu.memory_space<semaphore_mem>> -> memref<1x!tpu.dma_semaphore, #tpu.memory_space<semaphore_mem>>
      %dma_start3A_878 = tpu.memref_squeeze %dma_start3A_877 : memref<1x!tpu.dma_semaphore, #tpu.memory_space<semaphore_mem>> -> memref<!tpu.dma_semaphore, #tpu.memory_space<semaphore_mem>>
      %dma_start3A_879 = arith.constant 7 : i32
      %dma_start3A_880 = arith.constant 0 : i32
      %dma_start3A_881 = tpu.memref_slice %arg3[%add3A_726, %dma_start3A_879, %dma_start3A_880] : memref<16384x16x256xf32, #tpu.memory_space<hbm>> -> memref<8x1x256xf32, #tpu.memory_space<hbm>>
      %dma_start3A_882 = arith.constant 0 : i32
      %dma_start3A_883 = arith.constant 4 : i32
      %dma_start3A_884 = arith.constant 0 : i32
      %dma_start3A_885 = tpu.memref_slice %arg4[%dma_start3A_867, %dma_start3A_882, %dma_start3A_883, %dma_start3A_884] : memref<2x8x10x256xf32, #tpu.memory_space<vmem>> -> memref<1x8x1x256xf32, #tpu.memory_space<vmem>>
      %dma_start3A_886 = tpu.memref_squeeze %dma_start3A_885 : memref<1x8x1x256xf32, #tpu.memory_space<vmem>> -> memref<8x1x256xf32, #tpu.memory_space<vmem>>
      tpu.enqueue_dma source(%dma_start3A_886 : memref<8x1x256xf32, #tpu.memory_space<vmem>>) target(%dma_start3A_881 : memref<8x1x256xf32, #tpu.memory_space<hbm>>) target_semaphore(%dma_start3A_878 : memref<!tpu.dma_semaphore, #tpu.memory_space<semaphore_mem>>)
      %dma_start3A_887 = arith.constant 0 : i32
      %dma_start3A_888 = arith.constant 0 : i32
      %dma_start3A_889 = arith.constant 0 : i32
      %dma_start3A_890 = arith.constant 4 : i32
      %dma_start3A_891 = arith.constant 0 : i32
      %dma_start3A_892 = tpu.memref_slice %arg4[%dma_start3A_887, %dma_start3A_889, %dma_start3A_890, %dma_start3A_891] : memref<2x8x10x256xf32, #tpu.memory_space<vmem>> -> memref<1x8x1x256xf32, #tpu.memory_space<vmem>>
      %dma_start3A_893 = tpu.memref_squeeze %dma_start3A_892 : memref<1x8x1x256xf32, #tpu.memory_space<vmem>> -> memref<8x1x256xf32, #tpu.memory_space<vmem>>
      %dma_start3A_894 = arith.constant 8 : i32
      %dma_start3A_895 = arith.constant 0 : i32
      %dma_start3A_896 = tpu.memref_slice %arg3[%add3A_726, %dma_start3A_894, %dma_start3A_895] : memref<16384x16x256xf32, #tpu.memory_space<hbm>> -> memref<8x1x256xf32, #tpu.memory_space<hbm>>
      %dma_start3A_897 = tpu.memref_slice %arg6[%dma_start3A_888] : memref<2x!tpu.dma_semaphore, #tpu.memory_space<semaphore_mem>> -> memref<1x!tpu.dma_semaphore, #tpu.memory_space<semaphore_mem>>
      %dma_start3A_898 = tpu.memref_squeeze %dma_start3A_897 : memref<1x!tpu.dma_semaphore, #tpu.memory_space<semaphore_mem>> -> memref<!tpu.dma_semaphore, #tpu.memory_space<semaphore_mem>>
      %dma_start3A_899 = arith.constant 8 : i32
      %dma_start3A_900 = arith.constant 0 : i32
      %dma_start3A_901 = tpu.memref_slice %arg3[%add3A_726, %dma_start3A_899, %dma_start3A_900] : memref<16384x16x256xf32, #tpu.memory_space<hbm>> -> memref<8x1x256xf32, #tpu.memory_space<hbm>>
      %dma_start3A_902 = arith.constant 0 : i32
      %dma_start3A_903 = arith.constant 4 : i32
      %dma_start3A_904 = arith.constant 0 : i32
      %dma_start3A_905 = tpu.memref_slice %arg4[%dma_start3A_887, %dma_start3A_902, %dma_start3A_903, %dma_start3A_904] : memref<2x8x10x256xf32, #tpu.memory_space<vmem>> -> memref<1x8x1x256xf32, #tpu.memory_space<vmem>>
      %dma_start3A_906 = tpu.memref_squeeze %dma_start3A_905 : memref<1x8x1x256xf32, #tpu.memory_space<vmem>> -> memref<8x1x256xf32, #tpu.memory_space<vmem>>
      tpu.enqueue_dma source(%dma_start3A_906 : memref<8x1x256xf32, #tpu.memory_space<vmem>>) target(%dma_start3A_901 : memref<8x1x256xf32, #tpu.memory_space<hbm>>) target_semaphore(%dma_start3A_898 : memref<!tpu.dma_semaphore, #tpu.memory_space<semaphore_mem>>)
      %dma_start3A_907 = arith.constant 0 : i32
      %dma_start3A_908 = arith.constant 0 : i32
      %dma_start3A_909 = arith.constant 0 : i32
      %dma_start3A_910 = arith.constant 5 : i32
      %dma_start3A_911 = arith.constant 0 : i32
      %dma_start3A_912 = tpu.memref_slice %arg4[%dma_start3A_907, %dma_start3A_909, %dma_start3A_910, %dma_start3A_911] : memref<2x8x10x256xf32, #tpu.memory_space<vmem>> -> memref<1x8x1x256xf32, #tpu.memory_space<vmem>>
      %dma_start3A_913 = tpu.memref_squeeze %dma_start3A_912 : memref<1x8x1x256xf32, #tpu.memory_space<vmem>> -> memref<8x1x256xf32, #tpu.memory_space<vmem>>
      %dma_start3A_914 = arith.constant 9 : i32
      %dma_start3A_915 = arith.constant 0 : i32
      %dma_start3A_916 = tpu.memref_slice %arg3[%add3A_726, %dma_start3A_914, %dma_start3A_915] : memref<16384x16x256xf32, #tpu.memory_space<hbm>> -> memref<8x1x256xf32, #tpu.memory_space<hbm>>
      %dma_start3A_917 = tpu.memref_slice %arg6[%dma_start3A_908] : memref<2x!tpu.dma_semaphore, #tpu.memory_space<semaphore_mem>> -> memref<1x!tpu.dma_semaphore, #tpu.memory_space<semaphore_mem>>
      %dma_start3A_918 = tpu.memref_squeeze %dma_start3A_917 : memref<1x!tpu.dma_semaphore, #tpu.memory_space<semaphore_mem>> -> memref<!tpu.dma_semaphore, #tpu.memory_space<semaphore_mem>>
      %dma_start3A_919 = arith.constant 9 : i32
      %dma_start3A_920 = arith.constant 0 : i32
      %dma_start3A_921 = tpu.memref_slice %arg3[%add3A_726, %dma_start3A_919, %dma_start3A_920] : memref<16384x16x256xf32, #tpu.memory_space<hbm>> -> memref<8x1x256xf32, #tpu.memory_space<hbm>>
      %dma_start3A_922 = arith.constant 0 : i32
      %dma_start3A_923 = arith.constant 5 : i32
      %dma_start3A_924 = arith.constant 0 : i32
      %dma_start3A_925 = tpu.memref_slice %arg4[%dma_start3A_907, %dma_start3A_922, %dma_start3A_923, %dma_start3A_924] : memref<2x8x10x256xf32, #tpu.memory_space<vmem>> -> memref<1x8x1x256xf32, #tpu.memory_space<vmem>>
      %dma_start3A_926 = tpu.memref_squeeze %dma_start3A_925 : memref<1x8x1x256xf32, #tpu.memory_space<vmem>> -> memref<8x1x256xf32, #tpu.memory_space<vmem>>
      tpu.enqueue_dma source(%dma_start3A_926 : memref<8x1x256xf32, #tpu.memory_space<vmem>>) target(%dma_start3A_921 : memref<8x1x256xf32, #tpu.memory_space<hbm>>) target_semaphore(%dma_start3A_918 : memref<!tpu.dma_semaphore, #tpu.memory_space<semaphore_mem>>)
      %dma_start3A_927 = arith.constant 0 : i32
      %dma_start3A_928 = arith.constant 0 : i32
      %dma_start3A_929 = arith.constant 0 : i32
      %dma_start3A_930 = arith.constant 6 : i32
      %dma_start3A_931 = arith.constant 0 : i32
      %dma_start3A_932 = tpu.memref_slice %arg4[%dma_start3A_927, %dma_start3A_929, %dma_start3A_930, %dma_start3A_931] : memref<2x8x10x256xf32, #tpu.memory_space<vmem>> -> memref<1x8x1x256xf32, #tpu.memory_space<vmem>>
      %dma_start3A_933 = tpu.memref_squeeze %dma_start3A_932 : memref<1x8x1x256xf32, #tpu.memory_space<vmem>> -> memref<8x1x256xf32, #tpu.memory_space<vmem>>
      %dma_start3A_934 = arith.constant 10 : i32
      %dma_start3A_935 = arith.constant 0 : i32
      %dma_start3A_936 = tpu.memref_slice %arg3[%add3A_726, %dma_start3A_934, %dma_start3A_935] : memref<16384x16x256xf32, #tpu.memory_space<hbm>> -> memref<8x1x256xf32, #tpu.memory_space<hbm>>
      %dma_start3A_937 = tpu.memref_slice %arg6[%dma_start3A_928] : memref<2x!tpu.dma_semaphore, #tpu.memory_space<semaphore_mem>> -> memref<1x!tpu.dma_semaphore, #tpu.memory_space<semaphore_mem>>
      %dma_start3A_938 = tpu.memref_squeeze %dma_start3A_937 : memref<1x!tpu.dma_semaphore, #tpu.memory_space<semaphore_mem>> -> memref<!tpu.dma_semaphore, #tpu.memory_space<semaphore_mem>>
      %dma_start3A_939 = arith.constant 10 : i32
      %dma_start3A_940 = arith.constant 0 : i32
      %dma_start3A_941 = tpu.memref_slice %arg3[%add3A_726, %dma_start3A_939, %dma_start3A_940] : memref<16384x16x256xf32, #tpu.memory_space<hbm>> -> memref<8x1x256xf32, #tpu.memory_space<hbm>>
      %dma_start3A_942 = arith.constant 0 : i32
      %dma_start3A_943 = arith.constant 6 : i32
      %dma_start3A_944 = arith.constant 0 : i32
      %dma_start3A_945 = tpu.memref_slice %arg4[%dma_start3A_927, %dma_start3A_942, %dma_start3A_943, %dma_start3A_944] : memref<2x8x10x256xf32, #tpu.memory_space<vmem>> -> memref<1x8x1x256xf32, #tpu.memory_space<vmem>>
      %dma_start3A_946 = tpu.memref_squeeze %dma_start3A_945 : memref<1x8x1x256xf32, #tpu.memory_space<vmem>> -> memref<8x1x256xf32, #tpu.memory_space<vmem>>
      tpu.enqueue_dma source(%dma_start3A_946 : memref<8x1x256xf32, #tpu.memory_space<vmem>>) target(%dma_start3A_941 : memref<8x1x256xf32, #tpu.memory_space<hbm>>) target_semaphore(%dma_start3A_938 : memref<!tpu.dma_semaphore, #tpu.memory_space<semaphore_mem>>)
      %dma_start3A_947 = arith.constant 0 : i32
      %dma_start3A_948 = arith.constant 0 : i32
      %dma_start3A_949 = arith.constant 0 : i32
      %dma_start3A_950 = arith.constant 7 : i32
      %dma_start3A_951 = arith.constant 0 : i32
      %dma_start3A_952 = tpu.memref_slice %arg4[%dma_start3A_947, %dma_start3A_949, %dma_start3A_950, %dma_start3A_951] : memref<2x8x10x256xf32, #tpu.memory_space<vmem>> -> memref<1x8x1x256xf32, #tpu.memory_space<vmem>>
      %dma_start3A_953 = tpu.memref_squeeze %dma_start3A_952 : memref<1x8x1x256xf32, #tpu.memory_space<vmem>> -> memref<8x1x256xf32, #tpu.memory_space<vmem>>
      %dma_start3A_954 = arith.constant 11 : i32
      %dma_start3A_955 = arith.constant 0 : i32
      %dma_start3A_956 = tpu.memref_slice %arg3[%add3A_726, %dma_start3A_954, %dma_start3A_955] : memref<16384x16x256xf32, #tpu.memory_space<hbm>> -> memref<8x1x256xf32, #tpu.memory_space<hbm>>
      %dma_start3A_957 = tpu.memref_slice %arg6[%dma_start3A_948] : memref<2x!tpu.dma_semaphore, #tpu.memory_space<semaphore_mem>> -> memref<1x!tpu.dma_semaphore, #tpu.memory_space<semaphore_mem>>
      %dma_start3A_958 = tpu.memref_squeeze %dma_start3A_957 : memref<1x!tpu.dma_semaphore, #tpu.memory_space<semaphore_mem>> -> memref<!tpu.dma_semaphore, #tpu.memory_space<semaphore_mem>>
      %dma_start3A_959 = arith.constant 11 : i32
      %dma_start3A_960 = arith.constant 0 : i32
      %dma_start3A_961 = tpu.memref_slice %arg3[%add3A_726, %dma_start3A_959, %dma_start3A_960] : memref<16384x16x256xf32, #tpu.memory_space<hbm>> -> memref<8x1x256xf32, #tpu.memory_space<hbm>>
      %dma_start3A_962 = arith.constant 0 : i32
      %dma_start3A_963 = arith.constant 7 : i32
      %dma_start3A_964 = arith.constant 0 : i32
      %dma_start3A_965 = tpu.memref_slice %arg4[%dma_start3A_947, %dma_start3A_962, %dma_start3A_963, %dma_start3A_964] : memref<2x8x10x256xf32, #tpu.memory_space<vmem>> -> memref<1x8x1x256xf32, #tpu.memory_space<vmem>>
      %dma_start3A_966 = tpu.memref_squeeze %dma_start3A_965 : memref<1x8x1x256xf32, #tpu.memory_space<vmem>> -> memref<8x1x256xf32, #tpu.memory_space<vmem>>
      tpu.enqueue_dma source(%dma_start3A_966 : memref<8x1x256xf32, #tpu.memory_space<vmem>>) target(%dma_start3A_961 : memref<8x1x256xf32, #tpu.memory_space<hbm>>) target_semaphore(%dma_start3A_958 : memref<!tpu.dma_semaphore, #tpu.memory_space<semaphore_mem>>)
      %dma_start3A_967 = arith.constant 0 : i32
      %dma_start3A_968 = arith.constant 0 : i32
      %dma_start3A_969 = arith.constant 0 : i32
      %dma_start3A_970 = arith.constant 7 : i32
      %dma_start3A_971 = arith.constant 0 : i32
      %dma_start3A_972 = tpu.memref_slice %arg4[%dma_start3A_967, %dma_start3A_969, %dma_start3A_970, %dma_start3A_971] : memref<2x8x10x256xf32, #tpu.memory_space<vmem>> -> memref<1x8x1x256xf32, #tpu.memory_space<vmem>>
      %dma_start3A_973 = tpu.memref_squeeze %dma_start3A_972 : memref<1x8x1x256xf32, #tpu.memory_space<vmem>> -> memref<8x1x256xf32, #tpu.memory_space<vmem>>
      %dma_start3A_974 = arith.constant 12 : i32
      %dma_start3A_975 = arith.constant 0 : i32
      %dma_start3A_976 = tpu.memref_slice %arg3[%add3A_726, %dma_start3A_974, %dma_start3A_975] : memref<16384x16x256xf32, #tpu.memory_space<hbm>> -> memref<8x1x256xf32, #tpu.memory_space<hbm>>
      %dma_start3A_977 = tpu.memref_slice %arg6[%dma_start3A_968] : memref<2x!tpu.dma_semaphore, #tpu.memory_space<semaphore_mem>> -> memref<1x!tpu.dma_semaphore, #tpu.memory_space<semaphore_mem>>
      %dma_start3A_978 = tpu.memref_squeeze %dma_start3A_977 : memref<1x!tpu.dma_semaphore, #tpu.memory_space<semaphore_mem>> -> memref<!tpu.dma_semaphore, #tpu.memory_space<semaphore_mem>>
      %dma_start3A_979 = arith.constant 12 : i32
      %dma_start3A_980 = arith.constant 0 : i32
      %dma_start3A_981 = tpu.memref_slice %arg3[%add3A_726, %dma_start3A_979, %dma_start3A_980] : memref<16384x16x256xf32, #tpu.memory_space<hbm>> -> memref<8x1x256xf32, #tpu.memory_space<hbm>>
      %dma_start3A_982 = arith.constant 0 : i32
      %dma_start3A_983 = arith.constant 7 : i32
      %dma_start3A_984 = arith.constant 0 : i32
      %dma_start3A_985 = tpu.memref_slice %arg4[%dma_start3A_967, %dma_start3A_982, %dma_start3A_983, %dma_start3A_984] : memref<2x8x10x256xf32, #tpu.memory_space<vmem>> -> memref<1x8x1x256xf32, #tpu.memory_space<vmem>>
      %dma_start3A_986 = tpu.memref_squeeze %dma_start3A_985 : memref<1x8x1x256xf32, #tpu.memory_space<vmem>> -> memref<8x1x256xf32, #tpu.memory_space<vmem>>
      tpu.enqueue_dma source(%dma_start3A_986 : memref<8x1x256xf32, #tpu.memory_space<vmem>>) target(%dma_start3A_981 : memref<8x1x256xf32, #tpu.memory_space<hbm>>) target_semaphore(%dma_start3A_978 : memref<!tpu.dma_semaphore, #tpu.memory_space<semaphore_mem>>)
      %dma_start3A_987 = arith.constant 0 : i32
      %dma_start3A_988 = arith.constant 0 : i32
      %dma_start3A_989 = arith.constant 0 : i32
      %dma_start3A_990 = arith.constant 8 : i32
      %dma_start3A_991 = arith.constant 0 : i32
      %dma_start3A_992 = tpu.memref_slice %arg4[%dma_start3A_987, %dma_start3A_989, %dma_start3A_990, %dma_start3A_991] : memref<2x8x10x256xf32, #tpu.memory_space<vmem>> -> memref<1x8x1x256xf32, #tpu.memory_space<vmem>>
      %dma_start3A_993 = tpu.memref_squeeze %dma_start3A_992 : memref<1x8x1x256xf32, #tpu.memory_space<vmem>> -> memref<8x1x256xf32, #tpu.memory_space<vmem>>
      %dma_start3A_994 = arith.constant 13 : i32
      %dma_start3A_995 = arith.constant 0 : i32
      %dma_start3A_996 = tpu.memref_slice %arg3[%add3A_726, %dma_start3A_994, %dma_start3A_995] : memref<16384x16x256xf32, #tpu.memory_space<hbm>> -> memref<8x1x256xf32, #tpu.memory_space<hbm>>
      %dma_start3A_997 = tpu.memref_slice %arg6[%dma_start3A_988] : memref<2x!tpu.dma_semaphore, #tpu.memory_space<semaphore_mem>> -> memref<1x!tpu.dma_semaphore, #tpu.memory_space<semaphore_mem>>
      %dma_start3A_998 = tpu.memref_squeeze %dma_start3A_997 : memref<1x!tpu.dma_semaphore, #tpu.memory_space<semaphore_mem>> -> memref<!tpu.dma_semaphore, #tpu.memory_space<semaphore_mem>>
      %dma_start3A_999 = arith.constant 13 : i32
      %dma_start3A_1000 = arith.constant 0 : i32
      %dma_start3A_1001 = tpu.memref_slice %arg3[%add3A_726, %dma_start3A_999, %dma_start3A_1000] : memref<16384x16x256xf32, #tpu.memory_space<hbm>> -> memref<8x1x256xf32, #tpu.memory_space<hbm>>
      %dma_start3A_1002 = arith.constant 0 : i32
      %dma_start3A_1003 = arith.constant 8 : i32
      %dma_start3A_1004 = arith.constant 0 : i32
      %dma_start3A_1005 = tpu.memref_slice %arg4[%dma_start3A_987, %dma_start3A_1002, %dma_start3A_1003, %dma_start3A_1004] : memref<2x8x10x256xf32, #tpu.memory_space<vmem>> -> memref<1x8x1x256xf32, #tpu.memory_space<vmem>>
      %dma_start3A_1006 = tpu.memref_squeeze %dma_start3A_1005 : memref<1x8x1x256xf32, #tpu.memory_space<vmem>> -> memref<8x1x256xf32, #tpu.memory_space<vmem>>
      tpu.enqueue_dma source(%dma_start3A_1006 : memref<8x1x256xf32, #tpu.memory_space<vmem>>) target(%dma_start3A_1001 : memref<8x1x256xf32, #tpu.memory_space<hbm>>) target_semaphore(%dma_start3A_998 : memref<!tpu.dma_semaphore, #tpu.memory_space<semaphore_mem>>)
      %dma_start3A_1007 = arith.constant 0 : i32
      %dma_start3A_1008 = arith.constant 0 : i32
      %dma_start3A_1009 = arith.constant 0 : i32
      %dma_start3A_1010 = arith.constant 9 : i32
      %dma_start3A_1011 = arith.constant 0 : i32
      %dma_start3A_1012 = tpu.memref_slice %arg4[%dma_start3A_1007, %dma_start3A_1009, %dma_start3A_1010, %dma_start3A_1011] : memref<2x8x10x256xf32, #tpu.memory_space<vmem>> -> memref<1x8x1x256xf32, #tpu.memory_space<vmem>>
      %dma_start3A_1013 = tpu.memref_squeeze %dma_start3A_1012 : memref<1x8x1x256xf32, #tpu.memory_space<vmem>> -> memref<8x1x256xf32, #tpu.memory_space<vmem>>
      %dma_start3A_1014 = arith.constant 14 : i32
      %dma_start3A_1015 = arith.constant 0 : i32
      %dma_start3A_1016 = tpu.memref_slice %arg3[%add3A_726, %dma_start3A_1014, %dma_start3A_1015] : memref<16384x16x256xf32, #tpu.memory_space<hbm>> -> memref<8x1x256xf32, #tpu.memory_space<hbm>>
      %dma_start3A_1017 = tpu.memref_slice %arg6[%dma_start3A_1008] : memref<2x!tpu.dma_semaphore, #tpu.memory_space<semaphore_mem>> -> memref<1x!tpu.dma_semaphore, #tpu.memory_space<semaphore_mem>>
      %dma_start3A_1018 = tpu.memref_squeeze %dma_start3A_1017 : memref<1x!tpu.dma_semaphore, #tpu.memory_space<semaphore_mem>> -> memref<!tpu.dma_semaphore, #tpu.memory_space<semaphore_mem>>
      %dma_start3A_1019 = arith.constant 14 : i32
      %dma_start3A_1020 = arith.constant 0 : i32
      %dma_start3A_1021 = tpu.memref_slice %arg3[%add3A_726, %dma_start3A_1019, %dma_start3A_1020] : memref<16384x16x256xf32, #tpu.memory_space<hbm>> -> memref<8x1x256xf32, #tpu.memory_space<hbm>>
      %dma_start3A_1022 = arith.constant 0 : i32
      %dma_start3A_1023 = arith.constant 9 : i32
      %dma_start3A_1024 = arith.constant 0 : i32
      %dma_start3A_1025 = tpu.memref_slice %arg4[%dma_start3A_1007, %dma_start3A_1022, %dma_start3A_1023, %dma_start3A_1024] : memref<2x8x10x256xf32, #tpu.memory_space<vmem>> -> memref<1x8x1x256xf32, #tpu.memory_space<vmem>>
      %dma_start3A_1026 = tpu.memref_squeeze %dma_start3A_1025 : memref<1x8x1x256xf32, #tpu.memory_space<vmem>> -> memref<8x1x256xf32, #tpu.memory_space<vmem>>
      tpu.enqueue_dma source(%dma_start3A_1026 : memref<8x1x256xf32, #tpu.memory_space<vmem>>) target(%dma_start3A_1021 : memref<8x1x256xf32, #tpu.memory_space<hbm>>) target_semaphore(%dma_start3A_1018 : memref<!tpu.dma_semaphore, #tpu.memory_space<semaphore_mem>>)
      %dma_start3A_1027 = arith.constant 0 : i32
      %dma_start3A_1028 = arith.constant 0 : i32
      %dma_start3A_1029 = arith.constant 0 : i32
      %dma_start3A_1030 = arith.constant 9 : i32
      %dma_start3A_1031 = arith.constant 0 : i32
      %dma_start3A_1032 = tpu.memref_slice %arg4[%dma_start3A_1027, %dma_start3A_1029, %dma_start3A_1030, %dma_start3A_1031] : memref<2x8x10x256xf32, #tpu.memory_space<vmem>> -> memref<1x8x1x256xf32, #tpu.memory_space<vmem>>
      %dma_start3A_1033 = tpu.memref_squeeze %dma_start3A_1032 : memref<1x8x1x256xf32, #tpu.memory_space<vmem>> -> memref<8x1x256xf32, #tpu.memory_space<vmem>>
      %dma_start3A_1034 = arith.constant 15 : i32
      %dma_start3A_1035 = arith.constant 0 : i32
      %dma_start3A_1036 = tpu.memref_slice %arg3[%add3A_726, %dma_start3A_1034, %dma_start3A_1035] : memref<16384x16x256xf32, #tpu.memory_space<hbm>> -> memref<8x1x256xf32, #tpu.memory_space<hbm>>
      %dma_start3A_1037 = tpu.memref_slice %arg6[%dma_start3A_1028] : memref<2x!tpu.dma_semaphore, #tpu.memory_space<semaphore_mem>> -> memref<1x!tpu.dma_semaphore, #tpu.memory_space<semaphore_mem>>
      %dma_start3A_1038 = tpu.memref_squeeze %dma_start3A_1037 : memref<1x!tpu.dma_semaphore, #tpu.memory_space<semaphore_mem>> -> memref<!tpu.dma_semaphore, #tpu.memory_space<semaphore_mem>>
      %dma_start3A_1039 = arith.constant 15 : i32
      %dma_start3A_1040 = arith.constant 0 : i32
      %dma_start3A_1041 = tpu.memref_slice %arg3[%add3A_726, %dma_start3A_1039, %dma_start3A_1040] : memref<16384x16x256xf32, #tpu.memory_space<hbm>> -> memref<8x1x256xf32, #tpu.memory_space<hbm>>
      %dma_start3A_1042 = arith.constant 0 : i32
      %dma_start3A_1043 = arith.constant 9 : i32
      %dma_start3A_1044 = arith.constant 0 : i32
      %dma_start3A_1045 = tpu.memref_slice %arg4[%dma_start3A_1027, %dma_start3A_1042, %dma_start3A_1043, %dma_start3A_1044] : memref<2x8x10x256xf32, #tpu.memory_space<vmem>> -> memref<1x8x1x256xf32, #tpu.memory_space<vmem>>
      %dma_start3A_1046 = tpu.memref_squeeze %dma_start3A_1045 : memref<1x8x1x256xf32, #tpu.memory_space<vmem>> -> memref<8x1x256xf32, #tpu.memory_space<vmem>>
      tpu.enqueue_dma source(%dma_start3A_1046 : memref<8x1x256xf32, #tpu.memory_space<vmem>>) target(%dma_start3A_1041 : memref<8x1x256xf32, #tpu.memory_space<hbm>>) target_semaphore(%dma_start3A_1038 : memref<!tpu.dma_semaphore, #tpu.memory_space<semaphore_mem>>)
      %lt3A = arith.constant 31 : i32
      %lt3A_1047 = arith.cmpi slt, %scan3A_695, %lt3A : i32
      %convert_element_type3A = arith.extui %lt3A_1047 : i1 to i32
      %cond3A = arith.constant 0 : i32
      %cond3A_1048 = arith.cmpi ne, %convert_element_type3A, %cond3A : i32
      scf.if %cond3A_1048 {
        %mul3A_1405 = arith.constant 8 : i32
        %mul3A_1406 = arith.muli %add3A_700, %mul3A_1405 : i32
        %add3A_1407 = arith.addi %mul3A_2, %mul3A_1406 : i32
        %dma_wait3A_1408 = arith.constant 0 : i32
        %dma_wait3A_1409 = arith.constant 0 : i32
        %dma_wait3A_1410 = arith.constant 0 : i32
        %dma_wait3A_1411 = arith.constant 4 : i32
        %dma_wait3A_1412 = arith.constant 0 : i32
        %dma_wait3A_1413 = tpu.memref_slice %arg4[%dma_wait3A_1408, %dma_wait3A_1410, %dma_wait3A_1411, %dma_wait3A_1412] : memref<2x8x10x256xf32, #tpu.memory_space<vmem>> -> memref<1x8x1x256xf32, #tpu.memory_space<vmem>>
        %dma_wait3A_1414 = tpu.memref_squeeze %dma_wait3A_1413 : memref<1x8x1x256xf32, #tpu.memory_space<vmem>> -> memref<8x1x256xf32, #tpu.memory_space<vmem>>
        %dma_wait3A_1415 = arith.constant 0 : i32
        %dma_wait3A_1416 = arith.constant 0 : i32
        %dma_wait3A_1417 = tpu.memref_slice %arg3[%add3A_1407, %dma_wait3A_1415, %dma_wait3A_1416] : memref<16384x16x256xf32, #tpu.memory_space<hbm>> -> memref<8x1x256xf32, #tpu.memory_space<hbm>>
        %dma_wait3A_1418 = tpu.memref_slice %arg6[%dma_wait3A_1409] : memref<2x!tpu.dma_semaphore, #tpu.memory_space<semaphore_mem>> -> memref<1x!tpu.dma_semaphore, #tpu.memory_space<semaphore_mem>>
        %dma_wait3A_1419 = tpu.memref_squeeze %dma_wait3A_1418 : memref<1x!tpu.dma_semaphore, #tpu.memory_space<semaphore_mem>> -> memref<!tpu.dma_semaphore, #tpu.memory_space<semaphore_mem>>
        %dma_wait3A_1420 = arith.constant 0 : i32
        %dma_wait3A_1421 = arith.constant 0 : i32
        %dma_wait3A_1422 = tpu.memref_slice %arg3[%add3A_1407, %dma_wait3A_1420, %dma_wait3A_1421] : memref<16384x16x256xf32, #tpu.memory_space<hbm>> -> memref<8x1x256xf32, #tpu.memory_space<hbm>>
        %dma_wait3A_1423 = arith.constant 0 : i32
        %dma_wait3A_1424 = arith.constant 4 : i32
        %dma_wait3A_1425 = arith.constant 0 : i32
        %dma_wait3A_1426 = tpu.memref_slice %arg4[%dma_wait3A_1408, %dma_wait3A_1423, %dma_wait3A_1424, %dma_wait3A_1425] : memref<2x8x10x256xf32, #tpu.memory_space<vmem>> -> memref<1x8x1x256xf32, #tpu.memory_space<vmem>>
        %dma_wait3A_1427 = tpu.memref_squeeze %dma_wait3A_1426 : memref<1x8x1x256xf32, #tpu.memory_space<vmem>> -> memref<8x1x256xf32, #tpu.memory_space<vmem>>
        tpu.wait_dma2 semaphore(%dma_wait3A_1419 : memref<!tpu.dma_semaphore, #tpu.memory_space<semaphore_mem>>) src(%dma_wait3A_1427 : memref<8x1x256xf32, #tpu.memory_space<vmem>>) dst(%dma_wait3A_1422 : memref<8x1x256xf32, #tpu.memory_space<hbm>>)
        %dma_wait3A_1428 = arith.constant 0 : i32
        %dma_wait3A_1429 = arith.constant 0 : i32
        %dma_wait3A_1430 = arith.constant 0 : i32
        %dma_wait3A_1431 = arith.constant 2 : i32
        %dma_wait3A_1432 = arith.constant 0 : i32
        %dma_wait3A_1433 = tpu.memref_slice %arg4[%dma_wait3A_1428, %dma_wait3A_1430, %dma_wait3A_1431, %dma_wait3A_1432] : memref<2x8x10x256xf32, #tpu.memory_space<vmem>> -> memref<1x8x1x256xf32, #tpu.memory_space<vmem>>
        %dma_wait3A_1434 = tpu.memref_squeeze %dma_wait3A_1433 : memref<1x8x1x256xf32, #tpu.memory_space<vmem>> -> memref<8x1x256xf32, #tpu.memory_space<vmem>>
        %dma_wait3A_1435 = arith.constant 1 : i32
        %dma_wait3A_1436 = arith.constant 0 : i32
        %dma_wait3A_1437 = tpu.memref_slice %arg3[%add3A_1407, %dma_wait3A_1435, %dma_wait3A_1436] : memref<16384x16x256xf32, #tpu.memory_space<hbm>> -> memref<8x1x256xf32, #tpu.memory_space<hbm>>
        %dma_wait3A_1438 = tpu.memref_slice %arg6[%dma_wait3A_1429] : memref<2x!tpu.dma_semaphore, #tpu.memory_space<semaphore_mem>> -> memref<1x!tpu.dma_semaphore, #tpu.memory_space<semaphore_mem>>
        %dma_wait3A_1439 = tpu.memref_squeeze %dma_wait3A_1438 : memref<1x!tpu.dma_semaphore, #tpu.memory_space<semaphore_mem>> -> memref<!tpu.dma_semaphore, #tpu.memory_space<semaphore_mem>>
        %dma_wait3A_1440 = arith.constant 1 : i32
        %dma_wait3A_1441 = arith.constant 0 : i32
        %dma_wait3A_1442 = tpu.memref_slice %arg3[%add3A_1407, %dma_wait3A_1440, %dma_wait3A_1441] : memref<16384x16x256xf32, #tpu.memory_space<hbm>> -> memref<8x1x256xf32, #tpu.memory_space<hbm>>
        %dma_wait3A_1443 = arith.constant 0 : i32
        %dma_wait3A_1444 = arith.constant 2 : i32
        %dma_wait3A_1445 = arith.constant 0 : i32
        %dma_wait3A_1446 = tpu.memref_slice %arg4[%dma_wait3A_1428, %dma_wait3A_1443, %dma_wait3A_1444, %dma_wait3A_1445] : memref<2x8x10x256xf32, #tpu.memory_space<vmem>> -> memref<1x8x1x256xf32, #tpu.memory_space<vmem>>
        %dma_wait3A_1447 = tpu.memref_squeeze %dma_wait3A_1446 : memref<1x8x1x256xf32, #tpu.memory_space<vmem>> -> memref<8x1x256xf32, #tpu.memory_space<vmem>>
        tpu.wait_dma2 semaphore(%dma_wait3A_1439 : memref<!tpu.dma_semaphore, #tpu.memory_space<semaphore_mem>>) src(%dma_wait3A_1447 : memref<8x1x256xf32, #tpu.memory_space<vmem>>) dst(%dma_wait3A_1442 : memref<8x1x256xf32, #tpu.memory_space<hbm>>)
        %dma_wait3A_1448 = arith.constant 0 : i32
        %dma_wait3A_1449 = arith.constant 0 : i32
        %dma_wait3A_1450 = arith.constant 0 : i32
        %dma_wait3A_1451 = arith.constant 3 : i32
        %dma_wait3A_1452 = arith.constant 0 : i32
        %dma_wait3A_1453 = tpu.memref_slice %arg4[%dma_wait3A_1448, %dma_wait3A_1450, %dma_wait3A_1451, %dma_wait3A_1452] : memref<2x8x10x256xf32, #tpu.memory_space<vmem>> -> memref<1x8x1x256xf32, #tpu.memory_space<vmem>>
        %dma_wait3A_1454 = tpu.memref_squeeze %dma_wait3A_1453 : memref<1x8x1x256xf32, #tpu.memory_space<vmem>> -> memref<8x1x256xf32, #tpu.memory_space<vmem>>
        %dma_wait3A_1455 = arith.constant 2 : i32
        %dma_wait3A_1456 = arith.constant 0 : i32
        %dma_wait3A_1457 = tpu.memref_slice %arg3[%add3A_1407, %dma_wait3A_1455, %dma_wait3A_1456] : memref<16384x16x256xf32, #tpu.memory_space<hbm>> -> memref<8x1x256xf32, #tpu.memory_space<hbm>>
        %dma_wait3A_1458 = tpu.memref_slice %arg6[%dma_wait3A_1449] : memref<2x!tpu.dma_semaphore, #tpu.memory_space<semaphore_mem>> -> memref<1x!tpu.dma_semaphore, #tpu.memory_space<semaphore_mem>>
        %dma_wait3A_1459 = tpu.memref_squeeze %dma_wait3A_1458 : memref<1x!tpu.dma_semaphore, #tpu.memory_space<semaphore_mem>> -> memref<!tpu.dma_semaphore, #tpu.memory_space<semaphore_mem>>
        %dma_wait3A_1460 = arith.constant 2 : i32
        %dma_wait3A_1461 = arith.constant 0 : i32
        %dma_wait3A_1462 = tpu.memref_slice %arg3[%add3A_1407, %dma_wait3A_1460, %dma_wait3A_1461] : memref<16384x16x256xf32, #tpu.memory_space<hbm>> -> memref<8x1x256xf32, #tpu.memory_space<hbm>>
        %dma_wait3A_1463 = arith.constant 0 : i32
        %dma_wait3A_1464 = arith.constant 3 : i32
        %dma_wait3A_1465 = arith.constant 0 : i32
        %dma_wait3A_1466 = tpu.memref_slice %arg4[%dma_wait3A_1448, %dma_wait3A_1463, %dma_wait3A_1464, %dma_wait3A_1465] : memref<2x8x10x256xf32, #tpu.memory_space<vmem>> -> memref<1x8x1x256xf32, #tpu.memory_space<vmem>>
        %dma_wait3A_1467 = tpu.memref_squeeze %dma_wait3A_1466 : memref<1x8x1x256xf32, #tpu.memory_space<vmem>> -> memref<8x1x256xf32, #tpu.memory_space<vmem>>
        tpu.wait_dma2 semaphore(%dma_wait3A_1459 : memref<!tpu.dma_semaphore, #tpu.memory_space<semaphore_mem>>) src(%dma_wait3A_1467 : memref<8x1x256xf32, #tpu.memory_space<vmem>>) dst(%dma_wait3A_1462 : memref<8x1x256xf32, #tpu.memory_space<hbm>>)
        %dma_wait3A_1468 = arith.constant 0 : i32
        %dma_wait3A_1469 = arith.constant 0 : i32
        %dma_wait3A_1470 = arith.constant 0 : i32
        %dma_wait3A_1471 = arith.constant 3 : i32
        %dma_wait3A_1472 = arith.constant 0 : i32
        %dma_wait3A_1473 = tpu.memref_slice %arg4[%dma_wait3A_1468, %dma_wait3A_1470, %dma_wait3A_1471, %dma_wait3A_1472] : memref<2x8x10x256xf32, #tpu.memory_space<vmem>> -> memref<1x8x1x256xf32, #tpu.memory_space<vmem>>
        %dma_wait3A_1474 = tpu.memref_squeeze %dma_wait3A_1473 : memref<1x8x1x256xf32, #tpu.memory_space<vmem>> -> memref<8x1x256xf32, #tpu.memory_space<vmem>>
        %dma_wait3A_1475 = arith.constant 3 : i32
        %dma_wait3A_1476 = arith.constant 0 : i32
        %dma_wait3A_1477 = tpu.memref_slice %arg3[%add3A_1407, %dma_wait3A_1475, %dma_wait3A_1476] : memref<16384x16x256xf32, #tpu.memory_space<hbm>> -> memref<8x1x256xf32, #tpu.memory_space<hbm>>
        %dma_wait3A_1478 = tpu.memref_slice %arg6[%dma_wait3A_1469] : memref<2x!tpu.dma_semaphore, #tpu.memory_space<semaphore_mem>> -> memref<1x!tpu.dma_semaphore, #tpu.memory_space<semaphore_mem>>
        %dma_wait3A_1479 = tpu.memref_squeeze %dma_wait3A_1478 : memref<1x!tpu.dma_semaphore, #tpu.memory_space<semaphore_mem>> -> memref<!tpu.dma_semaphore, #tpu.memory_space<semaphore_mem>>
        %dma_wait3A_1480 = arith.constant 3 : i32
        %dma_wait3A_1481 = arith.constant 0 : i32
        %dma_wait3A_1482 = tpu.memref_slice %arg3[%add3A_1407, %dma_wait3A_1480, %dma_wait3A_1481] : memref<16384x16x256xf32, #tpu.memory_space<hbm>> -> memref<8x1x256xf32, #tpu.memory_space<hbm>>
        %dma_wait3A_1483 = arith.constant 0 : i32
        %dma_wait3A_1484 = arith.constant 3 : i32
        %dma_wait3A_1485 = arith.constant 0 : i32
        %dma_wait3A_1486 = tpu.memref_slice %arg4[%dma_wait3A_1468, %dma_wait3A_1483, %dma_wait3A_1484, %dma_wait3A_1485] : memref<2x8x10x256xf32, #tpu.memory_space<vmem>> -> memref<1x8x1x256xf32, #tpu.memory_space<vmem>>
        %dma_wait3A_1487 = tpu.memref_squeeze %dma_wait3A_1486 : memref<1x8x1x256xf32, #tpu.memory_space<vmem>> -> memref<8x1x256xf32, #tpu.memory_space<vmem>>
        tpu.wait_dma2 semaphore(%dma_wait3A_1479 : memref<!tpu.dma_semaphore, #tpu.memory_space<semaphore_mem>>) src(%dma_wait3A_1487 : memref<8x1x256xf32, #tpu.memory_space<vmem>>) dst(%dma_wait3A_1482 : memref<8x1x256xf32, #tpu.memory_space<hbm>>)
        %dma_wait3A_1488 = arith.constant 0 : i32
        %dma_wait3A_1489 = arith.constant 0 : i32
        %dma_wait3A_1490 = arith.constant 0 : i32
        %dma_wait3A_1491 = arith.constant 0 : i32
        %dma_wait3A_1492 = arith.constant 0 : i32
        %dma_wait3A_1493 = tpu.memref_slice %arg4[%dma_wait3A_1488, %dma_wait3A_1490, %dma_wait3A_1491, %dma_wait3A_1492] : memref<2x8x10x256xf32, #tpu.memory_space<vmem>> -> memref<1x8x1x256xf32, #tpu.memory_space<vmem>>
        %dma_wait3A_1494 = tpu.memref_squeeze %dma_wait3A_1493 : memref<1x8x1x256xf32, #tpu.memory_space<vmem>> -> memref<8x1x256xf32, #tpu.memory_space<vmem>>
        %dma_wait3A_1495 = arith.constant 4 : i32
        %dma_wait3A_1496 = arith.constant 0 : i32
        %dma_wait3A_1497 = tpu.memref_slice %arg3[%add3A_1407, %dma_wait3A_1495, %dma_wait3A_1496] : memref<16384x16x256xf32, #tpu.memory_space<hbm>> -> memref<8x1x256xf32, #tpu.memory_space<hbm>>
        %dma_wait3A_1498 = tpu.memref_slice %arg6[%dma_wait3A_1489] : memref<2x!tpu.dma_semaphore, #tpu.memory_space<semaphore_mem>> -> memref<1x!tpu.dma_semaphore, #tpu.memory_space<semaphore_mem>>
        %dma_wait3A_1499 = tpu.memref_squeeze %dma_wait3A_1498 : memref<1x!tpu.dma_semaphore, #tpu.memory_space<semaphore_mem>> -> memref<!tpu.dma_semaphore, #tpu.memory_space<semaphore_mem>>
        %dma_wait3A_1500 = arith.constant 4 : i32
        %dma_wait3A_1501 = arith.constant 0 : i32
        %dma_wait3A_1502 = tpu.memref_slice %arg3[%add3A_1407, %dma_wait3A_1500, %dma_wait3A_1501] : memref<16384x16x256xf32, #tpu.memory_space<hbm>> -> memref<8x1x256xf32, #tpu.memory_space<hbm>>
        %dma_wait3A_1503 = arith.constant 0 : i32
        %dma_wait3A_1504 = arith.constant 0 : i32
        %dma_wait3A_1505 = arith.constant 0 : i32
        %dma_wait3A_1506 = tpu.memref_slice %arg4[%dma_wait3A_1488, %dma_wait3A_1503, %dma_wait3A_1504, %dma_wait3A_1505] : memref<2x8x10x256xf32, #tpu.memory_space<vmem>> -> memref<1x8x1x256xf32, #tpu.memory_space<vmem>>
        %dma_wait3A_1507 = tpu.memref_squeeze %dma_wait3A_1506 : memref<1x8x1x256xf32, #tpu.memory_space<vmem>> -> memref<8x1x256xf32, #tpu.memory_space<vmem>>
        tpu.wait_dma2 semaphore(%dma_wait3A_1499 : memref<!tpu.dma_semaphore, #tpu.memory_space<semaphore_mem>>) src(%dma_wait3A_1507 : memref<8x1x256xf32, #tpu.memory_space<vmem>>) dst(%dma_wait3A_1502 : memref<8x1x256xf32, #tpu.memory_space<hbm>>)
        %dma_wait3A_1508 = arith.constant 0 : i32
        %dma_wait3A_1509 = arith.constant 0 : i32
        %dma_wait3A_1510 = arith.constant 0 : i32
        %dma_wait3A_1511 = arith.constant 1 : i32
        %dma_wait3A_1512 = arith.constant 0 : i32
        %dma_wait3A_1513 = tpu.memref_slice %arg4[%dma_wait3A_1508, %dma_wait3A_1510, %dma_wait3A_1511, %dma_wait3A_1512] : memref<2x8x10x256xf32, #tpu.memory_space<vmem>> -> memref<1x8x1x256xf32, #tpu.memory_space<vmem>>
        %dma_wait3A_1514 = tpu.memref_squeeze %dma_wait3A_1513 : memref<1x8x1x256xf32, #tpu.memory_space<vmem>> -> memref<8x1x256xf32, #tpu.memory_space<vmem>>
        %dma_wait3A_1515 = arith.constant 5 : i32
        %dma_wait3A_1516 = arith.constant 0 : i32
        %dma_wait3A_1517 = tpu.memref_slice %arg3[%add3A_1407, %dma_wait3A_1515, %dma_wait3A_1516] : memref<16384x16x256xf32, #tpu.memory_space<hbm>> -> memref<8x1x256xf32, #tpu.memory_space<hbm>>
        %dma_wait3A_1518 = tpu.memref_slice %arg6[%dma_wait3A_1509] : memref<2x!tpu.dma_semaphore, #tpu.memory_space<semaphore_mem>> -> memref<1x!tpu.dma_semaphore, #tpu.memory_space<semaphore_mem>>
        %dma_wait3A_1519 = tpu.memref_squeeze %dma_wait3A_1518 : memref<1x!tpu.dma_semaphore, #tpu.memory_space<semaphore_mem>> -> memref<!tpu.dma_semaphore, #tpu.memory_space<semaphore_mem>>
        %dma_wait3A_1520 = arith.constant 5 : i32
        %dma_wait3A_1521 = arith.constant 0 : i32
        %dma_wait3A_1522 = tpu.memref_slice %arg3[%add3A_1407, %dma_wait3A_1520, %dma_wait3A_1521] : memref<16384x16x256xf32, #tpu.memory_space<hbm>> -> memref<8x1x256xf32, #tpu.memory_space<hbm>>
        %dma_wait3A_1523 = arith.constant 0 : i32
        %dma_wait3A_1524 = arith.constant 1 : i32
        %dma_wait3A_1525 = arith.constant 0 : i32
        %dma_wait3A_1526 = tpu.memref_slice %arg4[%dma_wait3A_1508, %dma_wait3A_1523, %dma_wait3A_1524, %dma_wait3A_1525] : memref<2x8x10x256xf32, #tpu.memory_space<vmem>> -> memref<1x8x1x256xf32, #tpu.memory_space<vmem>>
        %dma_wait3A_1527 = tpu.memref_squeeze %dma_wait3A_1526 : memref<1x8x1x256xf32, #tpu.memory_space<vmem>> -> memref<8x1x256xf32, #tpu.memory_space<vmem>>
        tpu.wait_dma2 semaphore(%dma_wait3A_1519 : memref<!tpu.dma_semaphore, #tpu.memory_space<semaphore_mem>>) src(%dma_wait3A_1527 : memref<8x1x256xf32, #tpu.memory_space<vmem>>) dst(%dma_wait3A_1522 : memref<8x1x256xf32, #tpu.memory_space<hbm>>)
        %dma_wait3A_1528 = arith.constant 0 : i32
        %dma_wait3A_1529 = arith.constant 0 : i32
        %dma_wait3A_1530 = arith.constant 0 : i32
        %dma_wait3A_1531 = arith.constant 1 : i32
        %dma_wait3A_1532 = arith.constant 0 : i32
        %dma_wait3A_1533 = tpu.memref_slice %arg4[%dma_wait3A_1528, %dma_wait3A_1530, %dma_wait3A_1531, %dma_wait3A_1532] : memref<2x8x10x256xf32, #tpu.memory_space<vmem>> -> memref<1x8x1x256xf32, #tpu.memory_space<vmem>>
        %dma_wait3A_1534 = tpu.memref_squeeze %dma_wait3A_1533 : memref<1x8x1x256xf32, #tpu.memory_space<vmem>> -> memref<8x1x256xf32, #tpu.memory_space<vmem>>
        %dma_wait3A_1535 = arith.constant 6 : i32
        %dma_wait3A_1536 = arith.constant 0 : i32
        %dma_wait3A_1537 = tpu.memref_slice %arg3[%add3A_1407, %dma_wait3A_1535, %dma_wait3A_1536] : memref<16384x16x256xf32, #tpu.memory_space<hbm>> -> memref<8x1x256xf32, #tpu.memory_space<hbm>>
        %dma_wait3A_1538 = tpu.memref_slice %arg6[%dma_wait3A_1529] : memref<2x!tpu.dma_semaphore, #tpu.memory_space<semaphore_mem>> -> memref<1x!tpu.dma_semaphore, #tpu.memory_space<semaphore_mem>>
        %dma_wait3A_1539 = tpu.memref_squeeze %dma_wait3A_1538 : memref<1x!tpu.dma_semaphore, #tpu.memory_space<semaphore_mem>> -> memref<!tpu.dma_semaphore, #tpu.memory_space<semaphore_mem>>
        %dma_wait3A_1540 = arith.constant 6 : i32
        %dma_wait3A_1541 = arith.constant 0 : i32
        %dma_wait3A_1542 = tpu.memref_slice %arg3[%add3A_1407, %dma_wait3A_1540, %dma_wait3A_1541] : memref<16384x16x256xf32, #tpu.memory_space<hbm>> -> memref<8x1x256xf32, #tpu.memory_space<hbm>>
        %dma_wait3A_1543 = arith.constant 0 : i32
        %dma_wait3A_1544 = arith.constant 1 : i32
        %dma_wait3A_1545 = arith.constant 0 : i32
        %dma_wait3A_1546 = tpu.memref_slice %arg4[%dma_wait3A_1528, %dma_wait3A_1543, %dma_wait3A_1544, %dma_wait3A_1545] : memref<2x8x10x256xf32, #tpu.memory_space<vmem>> -> memref<1x8x1x256xf32, #tpu.memory_space<vmem>>
        %dma_wait3A_1547 = tpu.memref_squeeze %dma_wait3A_1546 : memref<1x8x1x256xf32, #tpu.memory_space<vmem>> -> memref<8x1x256xf32, #tpu.memory_space<vmem>>
        tpu.wait_dma2 semaphore(%dma_wait3A_1539 : memref<!tpu.dma_semaphore, #tpu.memory_space<semaphore_mem>>) src(%dma_wait3A_1547 : memref<8x1x256xf32, #tpu.memory_space<vmem>>) dst(%dma_wait3A_1542 : memref<8x1x256xf32, #tpu.memory_space<hbm>>)
        %dma_wait3A_1548 = arith.constant 0 : i32
        %dma_wait3A_1549 = arith.constant 0 : i32
        %dma_wait3A_1550 = arith.constant 0 : i32
        %dma_wait3A_1551 = arith.constant 4 : i32
        %dma_wait3A_1552 = arith.constant 0 : i32
        %dma_wait3A_1553 = tpu.memref_slice %arg4[%dma_wait3A_1548, %dma_wait3A_1550, %dma_wait3A_1551, %dma_wait3A_1552] : memref<2x8x10x256xf32, #tpu.memory_space<vmem>> -> memref<1x8x1x256xf32, #tpu.memory_space<vmem>>
        %dma_wait3A_1554 = tpu.memref_squeeze %dma_wait3A_1553 : memref<1x8x1x256xf32, #tpu.memory_space<vmem>> -> memref<8x1x256xf32, #tpu.memory_space<vmem>>
        %dma_wait3A_1555 = arith.constant 7 : i32
        %dma_wait3A_1556 = arith.constant 0 : i32
        %dma_wait3A_1557 = tpu.memref_slice %arg3[%add3A_1407, %dma_wait3A_1555, %dma_wait3A_1556] : memref<16384x16x256xf32, #tpu.memory_space<hbm>> -> memref<8x1x256xf32, #tpu.memory_space<hbm>>
        %dma_wait3A_1558 = tpu.memref_slice %arg6[%dma_wait3A_1549] : memref<2x!tpu.dma_semaphore, #tpu.memory_space<semaphore_mem>> -> memref<1x!tpu.dma_semaphore, #tpu.memory_space<semaphore_mem>>
        %dma_wait3A_1559 = tpu.memref_squeeze %dma_wait3A_1558 : memref<1x!tpu.dma_semaphore, #tpu.memory_space<semaphore_mem>> -> memref<!tpu.dma_semaphore, #tpu.memory_space<semaphore_mem>>
        %dma_wait3A_1560 = arith.constant 7 : i32
        %dma_wait3A_1561 = arith.constant 0 : i32
        %dma_wait3A_1562 = tpu.memref_slice %arg3[%add3A_1407, %dma_wait3A_1560, %dma_wait3A_1561] : memref<16384x16x256xf32, #tpu.memory_space<hbm>> -> memref<8x1x256xf32, #tpu.memory_space<hbm>>
        %dma_wait3A_1563 = arith.constant 0 : i32
        %dma_wait3A_1564 = arith.constant 4 : i32
        %dma_wait3A_1565 = arith.constant 0 : i32
        %dma_wait3A_1566 = tpu.memref_slice %arg4[%dma_wait3A_1548, %dma_wait3A_1563, %dma_wait3A_1564, %dma_wait3A_1565] : memref<2x8x10x256xf32, #tpu.memory_space<vmem>> -> memref<1x8x1x256xf32, #tpu.memory_space<vmem>>
        %dma_wait3A_1567 = tpu.memref_squeeze %dma_wait3A_1566 : memref<1x8x1x256xf32, #tpu.memory_space<vmem>> -> memref<8x1x256xf32, #tpu.memory_space<vmem>>
        tpu.wait_dma2 semaphore(%dma_wait3A_1559 : memref<!tpu.dma_semaphore, #tpu.memory_space<semaphore_mem>>) src(%dma_wait3A_1567 : memref<8x1x256xf32, #tpu.memory_space<vmem>>) dst(%dma_wait3A_1562 : memref<8x1x256xf32, #tpu.memory_space<hbm>>)
        %dma_wait3A_1568 = arith.constant 0 : i32
        %dma_wait3A_1569 = arith.constant 0 : i32
        %dma_wait3A_1570 = arith.constant 0 : i32
        %dma_wait3A_1571 = arith.constant 4 : i32
        %dma_wait3A_1572 = arith.constant 0 : i32
        %dma_wait3A_1573 = tpu.memref_slice %arg4[%dma_wait3A_1568, %dma_wait3A_1570, %dma_wait3A_1571, %dma_wait3A_1572] : memref<2x8x10x256xf32, #tpu.memory_space<vmem>> -> memref<1x8x1x256xf32, #tpu.memory_space<vmem>>
        %dma_wait3A_1574 = tpu.memref_squeeze %dma_wait3A_1573 : memref<1x8x1x256xf32, #tpu.memory_space<vmem>> -> memref<8x1x256xf32, #tpu.memory_space<vmem>>
        %dma_wait3A_1575 = arith.constant 8 : i32
        %dma_wait3A_1576 = arith.constant 0 : i32
        %dma_wait3A_1577 = tpu.memref_slice %arg3[%add3A_1407, %dma_wait3A_1575, %dma_wait3A_1576] : memref<16384x16x256xf32, #tpu.memory_space<hbm>> -> memref<8x1x256xf32, #tpu.memory_space<hbm>>
        %dma_wait3A_1578 = tpu.memref_slice %arg6[%dma_wait3A_1569] : memref<2x!tpu.dma_semaphore, #tpu.memory_space<semaphore_mem>> -> memref<1x!tpu.dma_semaphore, #tpu.memory_space<semaphore_mem>>
        %dma_wait3A_1579 = tpu.memref_squeeze %dma_wait3A_1578 : memref<1x!tpu.dma_semaphore, #tpu.memory_space<semaphore_mem>> -> memref<!tpu.dma_semaphore, #tpu.memory_space<semaphore_mem>>
        %dma_wait3A_1580 = arith.constant 8 : i32
        %dma_wait3A_1581 = arith.constant 0 : i32
        %dma_wait3A_1582 = tpu.memref_slice %arg3[%add3A_1407, %dma_wait3A_1580, %dma_wait3A_1581] : memref<16384x16x256xf32, #tpu.memory_space<hbm>> -> memref<8x1x256xf32, #tpu.memory_space<hbm>>
        %dma_wait3A_1583 = arith.constant 0 : i32
        %dma_wait3A_1584 = arith.constant 4 : i32
        %dma_wait3A_1585 = arith.constant 0 : i32
        %dma_wait3A_1586 = tpu.memref_slice %arg4[%dma_wait3A_1568, %dma_wait3A_1583, %dma_wait3A_1584, %dma_wait3A_1585] : memref<2x8x10x256xf32, #tpu.memory_space<vmem>> -> memref<1x8x1x256xf32, #tpu.memory_space<vmem>>
        %dma_wait3A_1587 = tpu.memref_squeeze %dma_wait3A_1586 : memref<1x8x1x256xf32, #tpu.memory_space<vmem>> -> memref<8x1x256xf32, #tpu.memory_space<vmem>>
        tpu.wait_dma2 semaphore(%dma_wait3A_1579 : memref<!tpu.dma_semaphore, #tpu.memory_space<semaphore_mem>>) src(%dma_wait3A_1587 : memref<8x1x256xf32, #tpu.memory_space<vmem>>) dst(%dma_wait3A_1582 : memref<8x1x256xf32, #tpu.memory_space<hbm>>)
        %dma_wait3A_1588 = arith.constant 0 : i32
        %dma_wait3A_1589 = arith.constant 0 : i32
        %dma_wait3A_1590 = arith.constant 0 : i32
        %dma_wait3A_1591 = arith.constant 5 : i32
        %dma_wait3A_1592 = arith.constant 0 : i32
        %dma_wait3A_1593 = tpu.memref_slice %arg4[%dma_wait3A_1588, %dma_wait3A_1590, %dma_wait3A_1591, %dma_wait3A_1592] : memref<2x8x10x256xf32, #tpu.memory_space<vmem>> -> memref<1x8x1x256xf32, #tpu.memory_space<vmem>>
        %dma_wait3A_1594 = tpu.memref_squeeze %dma_wait3A_1593 : memref<1x8x1x256xf32, #tpu.memory_space<vmem>> -> memref<8x1x256xf32, #tpu.memory_space<vmem>>
        %dma_wait3A_1595 = arith.constant 9 : i32
        %dma_wait3A_1596 = arith.constant 0 : i32
        %dma_wait3A_1597 = tpu.memref_slice %arg3[%add3A_1407, %dma_wait3A_1595, %dma_wait3A_1596] : memref<16384x16x256xf32, #tpu.memory_space<hbm>> -> memref<8x1x256xf32, #tpu.memory_space<hbm>>
        %dma_wait3A_1598 = tpu.memref_slice %arg6[%dma_wait3A_1589] : memref<2x!tpu.dma_semaphore, #tpu.memory_space<semaphore_mem>> -> memref<1x!tpu.dma_semaphore, #tpu.memory_space<semaphore_mem>>
        %dma_wait3A_1599 = tpu.memref_squeeze %dma_wait3A_1598 : memref<1x!tpu.dma_semaphore, #tpu.memory_space<semaphore_mem>> -> memref<!tpu.dma_semaphore, #tpu.memory_space<semaphore_mem>>
        %dma_wait3A_1600 = arith.constant 9 : i32
        %dma_wait3A_1601 = arith.constant 0 : i32
        %dma_wait3A_1602 = tpu.memref_slice %arg3[%add3A_1407, %dma_wait3A_1600, %dma_wait3A_1601] : memref<16384x16x256xf32, #tpu.memory_space<hbm>> -> memref<8x1x256xf32, #tpu.memory_space<hbm>>
        %dma_wait3A_1603 = arith.constant 0 : i32
        %dma_wait3A_1604 = arith.constant 5 : i32
        %dma_wait3A_1605 = arith.constant 0 : i32
        %dma_wait3A_1606 = tpu.memref_slice %arg4[%dma_wait3A_1588, %dma_wait3A_1603, %dma_wait3A_1604, %dma_wait3A_1605] : memref<2x8x10x256xf32, #tpu.memory_space<vmem>> -> memref<1x8x1x256xf32, #tpu.memory_space<vmem>>
        %dma_wait3A_1607 = tpu.memref_squeeze %dma_wait3A_1606 : memref<1x8x1x256xf32, #tpu.memory_space<vmem>> -> memref<8x1x256xf32, #tpu.memory_space<vmem>>
        tpu.wait_dma2 semaphore(%dma_wait3A_1599 : memref<!tpu.dma_semaphore, #tpu.memory_space<semaphore_mem>>) src(%dma_wait3A_1607 : memref<8x1x256xf32, #tpu.memory_space<vmem>>) dst(%dma_wait3A_1602 : memref<8x1x256xf32, #tpu.memory_space<hbm>>)
        %dma_wait3A_1608 = arith.constant 0 : i32
        %dma_wait3A_1609 = arith.constant 0 : i32
        %dma_wait3A_1610 = arith.constant 0 : i32
        %dma_wait3A_1611 = arith.constant 6 : i32
        %dma_wait3A_1612 = arith.constant 0 : i32
        %dma_wait3A_1613 = tpu.memref_slice %arg4[%dma_wait3A_1608, %dma_wait3A_1610, %dma_wait3A_1611, %dma_wait3A_1612] : memref<2x8x10x256xf32, #tpu.memory_space<vmem>> -> memref<1x8x1x256xf32, #tpu.memory_space<vmem>>
        %dma_wait3A_1614 = tpu.memref_squeeze %dma_wait3A_1613 : memref<1x8x1x256xf32, #tpu.memory_space<vmem>> -> memref<8x1x256xf32, #tpu.memory_space<vmem>>
        %dma_wait3A_1615 = arith.constant 10 : i32
        %dma_wait3A_1616 = arith.constant 0 : i32
        %dma_wait3A_1617 = tpu.memref_slice %arg3[%add3A_1407, %dma_wait3A_1615, %dma_wait3A_1616] : memref<16384x16x256xf32, #tpu.memory_space<hbm>> -> memref<8x1x256xf32, #tpu.memory_space<hbm>>
        %dma_wait3A_1618 = tpu.memref_slice %arg6[%dma_wait3A_1609] : memref<2x!tpu.dma_semaphore, #tpu.memory_space<semaphore_mem>> -> memref<1x!tpu.dma_semaphore, #tpu.memory_space<semaphore_mem>>
        %dma_wait3A_1619 = tpu.memref_squeeze %dma_wait3A_1618 : memref<1x!tpu.dma_semaphore, #tpu.memory_space<semaphore_mem>> -> memref<!tpu.dma_semaphore, #tpu.memory_space<semaphore_mem>>
        %dma_wait3A_1620 = arith.constant 10 : i32
        %dma_wait3A_1621 = arith.constant 0 : i32
        %dma_wait3A_1622 = tpu.memref_slice %arg3[%add3A_1407, %dma_wait3A_1620, %dma_wait3A_1621] : memref<16384x16x256xf32, #tpu.memory_space<hbm>> -> memref<8x1x256xf32, #tpu.memory_space<hbm>>
        %dma_wait3A_1623 = arith.constant 0 : i32
        %dma_wait3A_1624 = arith.constant 6 : i32
        %dma_wait3A_1625 = arith.constant 0 : i32
        %dma_wait3A_1626 = tpu.memref_slice %arg4[%dma_wait3A_1608, %dma_wait3A_1623, %dma_wait3A_1624, %dma_wait3A_1625] : memref<2x8x10x256xf32, #tpu.memory_space<vmem>> -> memref<1x8x1x256xf32, #tpu.memory_space<vmem>>
        %dma_wait3A_1627 = tpu.memref_squeeze %dma_wait3A_1626 : memref<1x8x1x256xf32, #tpu.memory_space<vmem>> -> memref<8x1x256xf32, #tpu.memory_space<vmem>>
        tpu.wait_dma2 semaphore(%dma_wait3A_1619 : memref<!tpu.dma_semaphore, #tpu.memory_space<semaphore_mem>>) src(%dma_wait3A_1627 : memref<8x1x256xf32, #tpu.memory_space<vmem>>) dst(%dma_wait3A_1622 : memref<8x1x256xf32, #tpu.memory_space<hbm>>)
        %dma_wait3A_1628 = arith.constant 0 : i32
        %dma_wait3A_1629 = arith.constant 0 : i32
        %dma_wait3A_1630 = arith.constant 0 : i32
        %dma_wait3A_1631 = arith.constant 7 : i32
        %dma_wait3A_1632 = arith.constant 0 : i32
        %dma_wait3A_1633 = tpu.memref_slice %arg4[%dma_wait3A_1628, %dma_wait3A_1630, %dma_wait3A_1631, %dma_wait3A_1632] : memref<2x8x10x256xf32, #tpu.memory_space<vmem>> -> memref<1x8x1x256xf32, #tpu.memory_space<vmem>>
        %dma_wait3A_1634 = tpu.memref_squeeze %dma_wait3A_1633 : memref<1x8x1x256xf32, #tpu.memory_space<vmem>> -> memref<8x1x256xf32, #tpu.memory_space<vmem>>
        %dma_wait3A_1635 = arith.constant 11 : i32
        %dma_wait3A_1636 = arith.constant 0 : i32
        %dma_wait3A_1637 = tpu.memref_slice %arg3[%add3A_1407, %dma_wait3A_1635, %dma_wait3A_1636] : memref<16384x16x256xf32, #tpu.memory_space<hbm>> -> memref<8x1x256xf32, #tpu.memory_space<hbm>>
        %dma_wait3A_1638 = tpu.memref_slice %arg6[%dma_wait3A_1629] : memref<2x!tpu.dma_semaphore, #tpu.memory_space<semaphore_mem>> -> memref<1x!tpu.dma_semaphore, #tpu.memory_space<semaphore_mem>>
        %dma_wait3A_1639 = tpu.memref_squeeze %dma_wait3A_1638 : memref<1x!tpu.dma_semaphore, #tpu.memory_space<semaphore_mem>> -> memref<!tpu.dma_semaphore, #tpu.memory_space<semaphore_mem>>
        %dma_wait3A_1640 = arith.constant 11 : i32
        %dma_wait3A_1641 = arith.constant 0 : i32
        %dma_wait3A_1642 = tpu.memref_slice %arg3[%add3A_1407, %dma_wait3A_1640, %dma_wait3A_1641] : memref<16384x16x256xf32, #tpu.memory_space<hbm>> -> memref<8x1x256xf32, #tpu.memory_space<hbm>>
        %dma_wait3A_1643 = arith.constant 0 : i32
        %dma_wait3A_1644 = arith.constant 7 : i32
        %dma_wait3A_1645 = arith.constant 0 : i32
        %dma_wait3A_1646 = tpu.memref_slice %arg4[%dma_wait3A_1628, %dma_wait3A_1643, %dma_wait3A_1644, %dma_wait3A_1645] : memref<2x8x10x256xf32, #tpu.memory_space<vmem>> -> memref<1x8x1x256xf32, #tpu.memory_space<vmem>>
        %dma_wait3A_1647 = tpu.memref_squeeze %dma_wait3A_1646 : memref<1x8x1x256xf32, #tpu.memory_space<vmem>> -> memref<8x1x256xf32, #tpu.memory_space<vmem>>
        tpu.wait_dma2 semaphore(%dma_wait3A_1639 : memref<!tpu.dma_semaphore, #tpu.memory_space<semaphore_mem>>) src(%dma_wait3A_1647 : memref<8x1x256xf32, #tpu.memory_space<vmem>>) dst(%dma_wait3A_1642 : memref<8x1x256xf32, #tpu.memory_space<hbm>>)
        %dma_wait3A_1648 = arith.constant 0 : i32
        %dma_wait3A_1649 = arith.constant 0 : i32
        %dma_wait3A_1650 = arith.constant 0 : i32
        %dma_wait3A_1651 = arith.constant 7 : i32
        %dma_wait3A_1652 = arith.constant 0 : i32
        %dma_wait3A_1653 = tpu.memref_slice %arg4[%dma_wait3A_1648, %dma_wait3A_1650, %dma_wait3A_1651, %dma_wait3A_1652] : memref<2x8x10x256xf32, #tpu.memory_space<vmem>> -> memref<1x8x1x256xf32, #tpu.memory_space<vmem>>
        %dma_wait3A_1654 = tpu.memref_squeeze %dma_wait3A_1653 : memref<1x8x1x256xf32, #tpu.memory_space<vmem>> -> memref<8x1x256xf32, #tpu.memory_space<vmem>>
        %dma_wait3A_1655 = arith.constant 12 : i32
        %dma_wait3A_1656 = arith.constant 0 : i32
        %dma_wait3A_1657 = tpu.memref_slice %arg3[%add3A_1407, %dma_wait3A_1655, %dma_wait3A_1656] : memref<16384x16x256xf32, #tpu.memory_space<hbm>> -> memref<8x1x256xf32, #tpu.memory_space<hbm>>
        %dma_wait3A_1658 = tpu.memref_slice %arg6[%dma_wait3A_1649] : memref<2x!tpu.dma_semaphore, #tpu.memory_space<semaphore_mem>> -> memref<1x!tpu.dma_semaphore, #tpu.memory_space<semaphore_mem>>
        %dma_wait3A_1659 = tpu.memref_squeeze %dma_wait3A_1658 : memref<1x!tpu.dma_semaphore, #tpu.memory_space<semaphore_mem>> -> memref<!tpu.dma_semaphore, #tpu.memory_space<semaphore_mem>>
        %dma_wait3A_1660 = arith.constant 12 : i32
        %dma_wait3A_1661 = arith.constant 0 : i32
        %dma_wait3A_1662 = tpu.memref_slice %arg3[%add3A_1407, %dma_wait3A_1660, %dma_wait3A_1661] : memref<16384x16x256xf32, #tpu.memory_space<hbm>> -> memref<8x1x256xf32, #tpu.memory_space<hbm>>
        %dma_wait3A_1663 = arith.constant 0 : i32
        %dma_wait3A_1664 = arith.constant 7 : i32
        %dma_wait3A_1665 = arith.constant 0 : i32
        %dma_wait3A_1666 = tpu.memref_slice %arg4[%dma_wait3A_1648, %dma_wait3A_1663, %dma_wait3A_1664, %dma_wait3A_1665] : memref<2x8x10x256xf32, #tpu.memory_space<vmem>> -> memref<1x8x1x256xf32, #tpu.memory_space<vmem>>
        %dma_wait3A_1667 = tpu.memref_squeeze %dma_wait3A_1666 : memref<1x8x1x256xf32, #tpu.memory_space<vmem>> -> memref<8x1x256xf32, #tpu.memory_space<vmem>>
        tpu.wait_dma2 semaphore(%dma_wait3A_1659 : memref<!tpu.dma_semaphore, #tpu.memory_space<semaphore_mem>>) src(%dma_wait3A_1667 : memref<8x1x256xf32, #tpu.memory_space<vmem>>) dst(%dma_wait3A_1662 : memref<8x1x256xf32, #tpu.memory_space<hbm>>)
        %dma_wait3A_1668 = arith.constant 0 : i32
        %dma_wait3A_1669 = arith.constant 0 : i32
        %dma_wait3A_1670 = arith.constant 0 : i32
        %dma_wait3A_1671 = arith.constant 8 : i32
        %dma_wait3A_1672 = arith.constant 0 : i32
        %dma_wait3A_1673 = tpu.memref_slice %arg4[%dma_wait3A_1668, %dma_wait3A_1670, %dma_wait3A_1671, %dma_wait3A_1672] : memref<2x8x10x256xf32, #tpu.memory_space<vmem>> -> memref<1x8x1x256xf32, #tpu.memory_space<vmem>>
        %dma_wait3A_1674 = tpu.memref_squeeze %dma_wait3A_1673 : memref<1x8x1x256xf32, #tpu.memory_space<vmem>> -> memref<8x1x256xf32, #tpu.memory_space<vmem>>
        %dma_wait3A_1675 = arith.constant 13 : i32
        %dma_wait3A_1676 = arith.constant 0 : i32
        %dma_wait3A_1677 = tpu.memref_slice %arg3[%add3A_1407, %dma_wait3A_1675, %dma_wait3A_1676] : memref<16384x16x256xf32, #tpu.memory_space<hbm>> -> memref<8x1x256xf32, #tpu.memory_space<hbm>>
        %dma_wait3A_1678 = tpu.memref_slice %arg6[%dma_wait3A_1669] : memref<2x!tpu.dma_semaphore, #tpu.memory_space<semaphore_mem>> -> memref<1x!tpu.dma_semaphore, #tpu.memory_space<semaphore_mem>>
        %dma_wait3A_1679 = tpu.memref_squeeze %dma_wait3A_1678 : memref<1x!tpu.dma_semaphore, #tpu.memory_space<semaphore_mem>> -> memref<!tpu.dma_semaphore, #tpu.memory_space<semaphore_mem>>
        %dma_wait3A_1680 = arith.constant 13 : i32
        %dma_wait3A_1681 = arith.constant 0 : i32
        %dma_wait3A_1682 = tpu.memref_slice %arg3[%add3A_1407, %dma_wait3A_1680, %dma_wait3A_1681] : memref<16384x16x256xf32, #tpu.memory_space<hbm>> -> memref<8x1x256xf32, #tpu.memory_space<hbm>>
        %dma_wait3A_1683 = arith.constant 0 : i32
        %dma_wait3A_1684 = arith.constant 8 : i32
        %dma_wait3A_1685 = arith.constant 0 : i32
        %dma_wait3A_1686 = tpu.memref_slice %arg4[%dma_wait3A_1668, %dma_wait3A_1683, %dma_wait3A_1684, %dma_wait3A_1685] : memref<2x8x10x256xf32, #tpu.memory_space<vmem>> -> memref<1x8x1x256xf32, #tpu.memory_space<vmem>>
        %dma_wait3A_1687 = tpu.memref_squeeze %dma_wait3A_1686 : memref<1x8x1x256xf32, #tpu.memory_space<vmem>> -> memref<8x1x256xf32, #tpu.memory_space<vmem>>
        tpu.wait_dma2 semaphore(%dma_wait3A_1679 : memref<!tpu.dma_semaphore, #tpu.memory_space<semaphore_mem>>) src(%dma_wait3A_1687 : memref<8x1x256xf32, #tpu.memory_space<vmem>>) dst(%dma_wait3A_1682 : memref<8x1x256xf32, #tpu.memory_space<hbm>>)
        %dma_wait3A_1688 = arith.constant 0 : i32
        %dma_wait3A_1689 = arith.constant 0 : i32
        %dma_wait3A_1690 = arith.constant 0 : i32
        %dma_wait3A_1691 = arith.constant 9 : i32
        %dma_wait3A_1692 = arith.constant 0 : i32
        %dma_wait3A_1693 = tpu.memref_slice %arg4[%dma_wait3A_1688, %dma_wait3A_1690, %dma_wait3A_1691, %dma_wait3A_1692] : memref<2x8x10x256xf32, #tpu.memory_space<vmem>> -> memref<1x8x1x256xf32, #tpu.memory_space<vmem>>
        %dma_wait3A_1694 = tpu.memref_squeeze %dma_wait3A_1693 : memref<1x8x1x256xf32, #tpu.memory_space<vmem>> -> memref<8x1x256xf32, #tpu.memory_space<vmem>>
        %dma_wait3A_1695 = arith.constant 14 : i32
        %dma_wait3A_1696 = arith.constant 0 : i32
        %dma_wait3A_1697 = tpu.memref_slice %arg3[%add3A_1407, %dma_wait3A_1695, %dma_wait3A_1696] : memref<16384x16x256xf32, #tpu.memory_space<hbm>> -> memref<8x1x256xf32, #tpu.memory_space<hbm>>
        %dma_wait3A_1698 = tpu.memref_slice %arg6[%dma_wait3A_1689] : memref<2x!tpu.dma_semaphore, #tpu.memory_space<semaphore_mem>> -> memref<1x!tpu.dma_semaphore, #tpu.memory_space<semaphore_mem>>
        %dma_wait3A_1699 = tpu.memref_squeeze %dma_wait3A_1698 : memref<1x!tpu.dma_semaphore, #tpu.memory_space<semaphore_mem>> -> memref<!tpu.dma_semaphore, #tpu.memory_space<semaphore_mem>>
        %dma_wait3A_1700 = arith.constant 14 : i32
        %dma_wait3A_1701 = arith.constant 0 : i32
        %dma_wait3A_1702 = tpu.memref_slice %arg3[%add3A_1407, %dma_wait3A_1700, %dma_wait3A_1701] : memref<16384x16x256xf32, #tpu.memory_space<hbm>> -> memref<8x1x256xf32, #tpu.memory_space<hbm>>
        %dma_wait3A_1703 = arith.constant 0 : i32
        %dma_wait3A_1704 = arith.constant 9 : i32
        %dma_wait3A_1705 = arith.constant 0 : i32
        %dma_wait3A_1706 = tpu.memref_slice %arg4[%dma_wait3A_1688, %dma_wait3A_1703, %dma_wait3A_1704, %dma_wait3A_1705] : memref<2x8x10x256xf32, #tpu.memory_space<vmem>> -> memref<1x8x1x256xf32, #tpu.memory_space<vmem>>
        %dma_wait3A_1707 = tpu.memref_squeeze %dma_wait3A_1706 : memref<1x8x1x256xf32, #tpu.memory_space<vmem>> -> memref<8x1x256xf32, #tpu.memory_space<vmem>>
        tpu.wait_dma2 semaphore(%dma_wait3A_1699 : memref<!tpu.dma_semaphore, #tpu.memory_space<semaphore_mem>>) src(%dma_wait3A_1707 : memref<8x1x256xf32, #tpu.memory_space<vmem>>) dst(%dma_wait3A_1702 : memref<8x1x256xf32, #tpu.memory_space<hbm>>)
        %dma_wait3A_1708 = arith.constant 0 : i32
        %dma_wait3A_1709 = arith.constant 0 : i32
        %dma_wait3A_1710 = arith.constant 0 : i32
        %dma_wait3A_1711 = arith.constant 9 : i32
        %dma_wait3A_1712 = arith.constant 0 : i32
        %dma_wait3A_1713 = tpu.memref_slice %arg4[%dma_wait3A_1708, %dma_wait3A_1710, %dma_wait3A_1711, %dma_wait3A_1712] : memref<2x8x10x256xf32, #tpu.memory_space<vmem>> -> memref<1x8x1x256xf32, #tpu.memory_space<vmem>>
        %dma_wait3A_1714 = tpu.memref_squeeze %dma_wait3A_1713 : memref<1x8x1x256xf32, #tpu.memory_space<vmem>> -> memref<8x1x256xf32, #tpu.memory_space<vmem>>
        %dma_wait3A_1715 = arith.constant 15 : i32
        %dma_wait3A_1716 = arith.constant 0 : i32
        %dma_wait3A_1717 = tpu.memref_slice %arg3[%add3A_1407, %dma_wait3A_1715, %dma_wait3A_1716] : memref<16384x16x256xf32, #tpu.memory_space<hbm>> -> memref<8x1x256xf32, #tpu.memory_space<hbm>>
        %dma_wait3A_1718 = tpu.memref_slice %arg6[%dma_wait3A_1709] : memref<2x!tpu.dma_semaphore, #tpu.memory_space<semaphore_mem>> -> memref<1x!tpu.dma_semaphore, #tpu.memory_space<semaphore_mem>>
        %dma_wait3A_1719 = tpu.memref_squeeze %dma_wait3A_1718 : memref<1x!tpu.dma_semaphore, #tpu.memory_space<semaphore_mem>> -> memref<!tpu.dma_semaphore, #tpu.memory_space<semaphore_mem>>
        %dma_wait3A_1720 = arith.constant 15 : i32
        %dma_wait3A_1721 = arith.constant 0 : i32
        %dma_wait3A_1722 = tpu.memref_slice %arg3[%add3A_1407, %dma_wait3A_1720, %dma_wait3A_1721] : memref<16384x16x256xf32, #tpu.memory_space<hbm>> -> memref<8x1x256xf32, #tpu.memory_space<hbm>>
        %dma_wait3A_1723 = arith.constant 0 : i32
        %dma_wait3A_1724 = arith.constant 9 : i32
        %dma_wait3A_1725 = arith.constant 0 : i32
        %dma_wait3A_1726 = tpu.memref_slice %arg4[%dma_wait3A_1708, %dma_wait3A_1723, %dma_wait3A_1724, %dma_wait3A_1725] : memref<2x8x10x256xf32, #tpu.memory_space<vmem>> -> memref<1x8x1x256xf32, #tpu.memory_space<vmem>>
        %dma_wait3A_1727 = tpu.memref_squeeze %dma_wait3A_1726 : memref<1x8x1x256xf32, #tpu.memory_space<vmem>> -> memref<8x1x256xf32, #tpu.memory_space<vmem>>
        tpu.wait_dma2 semaphore(%dma_wait3A_1719 : memref<!tpu.dma_semaphore, #tpu.memory_space<semaphore_mem>>) src(%dma_wait3A_1727 : memref<8x1x256xf32, #tpu.memory_space<vmem>>) dst(%dma_wait3A_1722 : memref<8x1x256xf32, #tpu.memory_space<hbm>>)
        %add3A_1728 = arith.constant 2 : i32
        %add3A_1729 = arith.addi %add3A_700, %add3A_1728 : i32
        %mul3A_1730 = arith.constant 8 : i32
        %mul3A_1731 = arith.muli %add3A_1729, %mul3A_1730 : i32
        %add3A_1732 = arith.addi %mul3A_2, %mul3A_1731 : i32
        %dma_start3A_1733 = arith.constant 0 : i32
        %dma_start3A_1734 = arith.constant 0 : i32
        %dma_start3A_1735 = arith.constant 0 : i32
        %dma_start3A_1736 = arith.constant 0 : i32
        %dma_start3A_1737 = arith.constant 0 : i32
        %dma_start3A_1738 = tpu.memref_slice %arg4[%dma_start3A_1733, %dma_start3A_1735, %dma_start3A_1736, %dma_start3A_1737] : memref<2x8x10x256xf32, #tpu.memory_space<vmem>> -> memref<1x8x10x256xf32, #tpu.memory_space<vmem>>
        %dma_start3A_1739 = tpu.memref_squeeze %dma_start3A_1738 : memref<1x8x10x256xf32, #tpu.memory_space<vmem>> -> memref<8x10x256xf32, #tpu.memory_space<vmem>>
        %dma_start3A_1740 = arith.constant 0 : i32
        %dma_start3A_1741 = arith.constant 0 : i32
        %dma_start3A_1742 = tpu.memref_slice %arg2[%add3A_1732, %dma_start3A_1740, %dma_start3A_1741] : memref<16384x10x256xf32, #tpu.memory_space<hbm>> -> memref<8x10x256xf32, #tpu.memory_space<hbm>>
        %dma_start3A_1743 = tpu.memref_slice %arg5[%dma_start3A_1734] : memref<2x!tpu.dma_semaphore, #tpu.memory_space<semaphore_mem>> -> memref<1x!tpu.dma_semaphore, #tpu.memory_space<semaphore_mem>>
        %dma_start3A_1744 = tpu.memref_squeeze %dma_start3A_1743 : memref<1x!tpu.dma_semaphore, #tpu.memory_space<semaphore_mem>> -> memref<!tpu.dma_semaphore, #tpu.memory_space<semaphore_mem>>
        %dma_start3A_1745 = arith.constant 0 : i32
        %dma_start3A_1746 = arith.constant 0 : i32
        %dma_start3A_1747 = arith.constant 0 : i32
        %dma_start3A_1748 = tpu.memref_slice %arg4[%dma_start3A_1733, %dma_start3A_1745, %dma_start3A_1746, %dma_start3A_1747] : memref<2x8x10x256xf32, #tpu.memory_space<vmem>> -> memref<1x8x10x256xf32, #tpu.memory_space<vmem>>
        %dma_start3A_1749 = tpu.memref_squeeze %dma_start3A_1748 : memref<1x8x10x256xf32, #tpu.memory_space<vmem>> -> memref<8x10x256xf32, #tpu.memory_space<vmem>>
        %dma_start3A_1750 = arith.constant 0 : i32
        %dma_start3A_1751 = arith.constant 0 : i32
        %dma_start3A_1752 = tpu.memref_slice %arg2[%add3A_1732, %dma_start3A_1750, %dma_start3A_1751] : memref<16384x10x256xf32, #tpu.memory_space<hbm>> -> memref<8x10x256xf32, #tpu.memory_space<hbm>>
        tpu.enqueue_dma source(%dma_start3A_1752 : memref<8x10x256xf32, #tpu.memory_space<hbm>>) target(%dma_start3A_1749 : memref<8x10x256xf32, #tpu.memory_space<vmem>>) target_semaphore(%dma_start3A_1744 : memref<!tpu.dma_semaphore, #tpu.memory_space<semaphore_mem>>)
      } else {
      }
      %mul3A_1049 = arith.constant 2 : i32
      %mul3A_1050 = arith.muli %scan3A_695, %mul3A_1049 : i32
      %add3A_1051 = arith.constant 1 : i32
      %add3A_1052 = arith.addi %mul3A_1050, %add3A_1051 : i32
      %mul3A_1053 = arith.constant 8 : i32
      %mul3A_1054 = arith.muli %add3A_1052, %mul3A_1053 : i32
      %add3A_1055 = arith.addi %mul3A_2, %mul3A_1054 : i32
      %dma_wait3A_1056 = arith.constant 1 : i32
      %dma_wait3A_1057 = arith.constant 1 : i32
      %dma_wait3A_1058 = arith.constant 0 : i32
      %dma_wait3A_1059 = arith.constant 0 : i32
      %dma_wait3A_1060 = arith.constant 0 : i32
      %dma_wait3A_1061 = tpu.memref_slice %arg4[%dma_wait3A_1056, %dma_wait3A_1058, %dma_wait3A_1059, %dma_wait3A_1060] : memref<2x8x10x256xf32, #tpu.memory_space<vmem>> -> memref<1x8x10x256xf32, #tpu.memory_space<vmem>>
      %dma_wait3A_1062 = tpu.memref_squeeze %dma_wait3A_1061 : memref<1x8x10x256xf32, #tpu.memory_space<vmem>> -> memref<8x10x256xf32, #tpu.memory_space<vmem>>
      %dma_wait3A_1063 = arith.constant 0 : i32
      %dma_wait3A_1064 = arith.constant 0 : i32
      %dma_wait3A_1065 = tpu.memref_slice %arg2[%add3A_1055, %dma_wait3A_1063, %dma_wait3A_1064] : memref<16384x10x256xf32, #tpu.memory_space<hbm>> -> memref<8x10x256xf32, #tpu.memory_space<hbm>>
      %dma_wait3A_1066 = tpu.memref_slice %arg5[%dma_wait3A_1057] : memref<2x!tpu.dma_semaphore, #tpu.memory_space<semaphore_mem>> -> memref<1x!tpu.dma_semaphore, #tpu.memory_space<semaphore_mem>>
      %dma_wait3A_1067 = tpu.memref_squeeze %dma_wait3A_1066 : memref<1x!tpu.dma_semaphore, #tpu.memory_space<semaphore_mem>> -> memref<!tpu.dma_semaphore, #tpu.memory_space<semaphore_mem>>
      %dma_wait3A_1068 = arith.constant 0 : i32
      %dma_wait3A_1069 = arith.constant 0 : i32
      %dma_wait3A_1070 = arith.constant 0 : i32
      %dma_wait3A_1071 = tpu.memref_slice %arg4[%dma_wait3A_1056, %dma_wait3A_1068, %dma_wait3A_1069, %dma_wait3A_1070] : memref<2x8x10x256xf32, #tpu.memory_space<vmem>> -> memref<1x8x10x256xf32, #tpu.memory_space<vmem>>
      %dma_wait3A_1072 = tpu.memref_squeeze %dma_wait3A_1071 : memref<1x8x10x256xf32, #tpu.memory_space<vmem>> -> memref<8x10x256xf32, #tpu.memory_space<vmem>>
      %dma_wait3A_1073 = arith.constant 0 : i32
      %dma_wait3A_1074 = arith.constant 0 : i32
      %dma_wait3A_1075 = tpu.memref_slice %arg2[%add3A_1055, %dma_wait3A_1073, %dma_wait3A_1074] : memref<16384x10x256xf32, #tpu.memory_space<hbm>> -> memref<8x10x256xf32, #tpu.memory_space<hbm>>
      tpu.wait_dma2 semaphore(%dma_wait3A_1067 : memref<!tpu.dma_semaphore, #tpu.memory_space<semaphore_mem>>) src(%dma_wait3A_1075 : memref<8x10x256xf32, #tpu.memory_space<hbm>>) dst(%dma_wait3A_1072 : memref<8x10x256xf32, #tpu.memory_space<vmem>>)
      %mul3A_1076 = arith.constant 8 : i32
      %mul3A_1077 = arith.muli %add3A_1052, %mul3A_1076 : i32
      %add3A_1078 = arith.addi %mul3A_2, %mul3A_1077 : i32
      %dma_start3A_1079 = arith.constant 1 : i32
      %dma_start3A_1080 = arith.constant 1 : i32
      %dma_start3A_1081 = arith.constant 0 : i32
      %dma_start3A_1082 = arith.constant 4 : i32
      %dma_start3A_1083 = arith.constant 0 : i32
      %dma_start3A_1084 = tpu.memref_slice %arg4[%dma_start3A_1079, %dma_start3A_1081, %dma_start3A_1082, %dma_start3A_1083] : memref<2x8x10x256xf32, #tpu.memory_space<vmem>> -> memref<1x8x1x256xf32, #tpu.memory_space<vmem>>
      %dma_start3A_1085 = tpu.memref_squeeze %dma_start3A_1084 : memref<1x8x1x256xf32, #tpu.memory_space<vmem>> -> memref<8x1x256xf32, #tpu.memory_space<vmem>>
      %dma_start3A_1086 = arith.constant 0 : i32
      %dma_start3A_1087 = arith.constant 0 : i32
      %dma_start3A_1088 = tpu.memref_slice %arg3[%add3A_1078, %dma_start3A_1086, %dma_start3A_1087] : memref<16384x16x256xf32, #tpu.memory_space<hbm>> -> memref<8x1x256xf32, #tpu.memory_space<hbm>>
      %dma_start3A_1089 = tpu.memref_slice %arg6[%dma_start3A_1080] : memref<2x!tpu.dma_semaphore, #tpu.memory_space<semaphore_mem>> -> memref<1x!tpu.dma_semaphore, #tpu.memory_space<semaphore_mem>>
      %dma_start3A_1090 = tpu.memref_squeeze %dma_start3A_1089 : memref<1x!tpu.dma_semaphore, #tpu.memory_space<semaphore_mem>> -> memref<!tpu.dma_semaphore, #tpu.memory_space<semaphore_mem>>
      %dma_start3A_1091 = arith.constant 0 : i32
      %dma_start3A_1092 = arith.constant 0 : i32
      %dma_start3A_1093 = tpu.memref_slice %arg3[%add3A_1078, %dma_start3A_1091, %dma_start3A_1092] : memref<16384x16x256xf32, #tpu.memory_space<hbm>> -> memref<8x1x256xf32, #tpu.memory_space<hbm>>
      %dma_start3A_1094 = arith.constant 0 : i32
      %dma_start3A_1095 = arith.constant 4 : i32
      %dma_start3A_1096 = arith.constant 0 : i32
      %dma_start3A_1097 = tpu.memref_slice %arg4[%dma_start3A_1079, %dma_start3A_1094, %dma_start3A_1095, %dma_start3A_1096] : memref<2x8x10x256xf32, #tpu.memory_space<vmem>> -> memref<1x8x1x256xf32, #tpu.memory_space<vmem>>
      %dma_start3A_1098 = tpu.memref_squeeze %dma_start3A_1097 : memref<1x8x1x256xf32, #tpu.memory_space<vmem>> -> memref<8x1x256xf32, #tpu.memory_space<vmem>>
      tpu.enqueue_dma source(%dma_start3A_1098 : memref<8x1x256xf32, #tpu.memory_space<vmem>>) target(%dma_start3A_1093 : memref<8x1x256xf32, #tpu.memory_space<hbm>>) target_semaphore(%dma_start3A_1090 : memref<!tpu.dma_semaphore, #tpu.memory_space<semaphore_mem>>)
      %dma_start3A_1099 = arith.constant 1 : i32
      %dma_start3A_1100 = arith.constant 1 : i32
      %dma_start3A_1101 = arith.constant 0 : i32
      %dma_start3A_1102 = arith.constant 2 : i32
      %dma_start3A_1103 = arith.constant 0 : i32
      %dma_start3A_1104 = tpu.memref_slice %arg4[%dma_start3A_1099, %dma_start3A_1101, %dma_start3A_1102, %dma_start3A_1103] : memref<2x8x10x256xf32, #tpu.memory_space<vmem>> -> memref<1x8x1x256xf32, #tpu.memory_space<vmem>>
      %dma_start3A_1105 = tpu.memref_squeeze %dma_start3A_1104 : memref<1x8x1x256xf32, #tpu.memory_space<vmem>> -> memref<8x1x256xf32, #tpu.memory_space<vmem>>
      %dma_start3A_1106 = arith.constant 1 : i32
      %dma_start3A_1107 = arith.constant 0 : i32
      %dma_start3A_1108 = tpu.memref_slice %arg3[%add3A_1078, %dma_start3A_1106, %dma_start3A_1107] : memref<16384x16x256xf32, #tpu.memory_space<hbm>> -> memref<8x1x256xf32, #tpu.memory_space<hbm>>
      %dma_start3A_1109 = tpu.memref_slice %arg6[%dma_start3A_1100] : memref<2x!tpu.dma_semaphore, #tpu.memory_space<semaphore_mem>> -> memref<1x!tpu.dma_semaphore, #tpu.memory_space<semaphore_mem>>
      %dma_start3A_1110 = tpu.memref_squeeze %dma_start3A_1109 : memref<1x!tpu.dma_semaphore, #tpu.memory_space<semaphore_mem>> -> memref<!tpu.dma_semaphore, #tpu.memory_space<semaphore_mem>>
      %dma_start3A_1111 = arith.constant 1 : i32
      %dma_start3A_1112 = arith.constant 0 : i32
      %dma_start3A_1113 = tpu.memref_slice %arg3[%add3A_1078, %dma_start3A_1111, %dma_start3A_1112] : memref<16384x16x256xf32, #tpu.memory_space<hbm>> -> memref<8x1x256xf32, #tpu.memory_space<hbm>>
      %dma_start3A_1114 = arith.constant 0 : i32
      %dma_start3A_1115 = arith.constant 2 : i32
      %dma_start3A_1116 = arith.constant 0 : i32
      %dma_start3A_1117 = tpu.memref_slice %arg4[%dma_start3A_1099, %dma_start3A_1114, %dma_start3A_1115, %dma_start3A_1116] : memref<2x8x10x256xf32, #tpu.memory_space<vmem>> -> memref<1x8x1x256xf32, #tpu.memory_space<vmem>>
      %dma_start3A_1118 = tpu.memref_squeeze %dma_start3A_1117 : memref<1x8x1x256xf32, #tpu.memory_space<vmem>> -> memref<8x1x256xf32, #tpu.memory_space<vmem>>
      tpu.enqueue_dma source(%dma_start3A_1118 : memref<8x1x256xf32, #tpu.memory_space<vmem>>) target(%dma_start3A_1113 : memref<8x1x256xf32, #tpu.memory_space<hbm>>) target_semaphore(%dma_start3A_1110 : memref<!tpu.dma_semaphore, #tpu.memory_space<semaphore_mem>>)
      %dma_start3A_1119 = arith.constant 1 : i32
      %dma_start3A_1120 = arith.constant 1 : i32
      %dma_start3A_1121 = arith.constant 0 : i32
      %dma_start3A_1122 = arith.constant 3 : i32
      %dma_start3A_1123 = arith.constant 0 : i32
      %dma_start3A_1124 = tpu.memref_slice %arg4[%dma_start3A_1119, %dma_start3A_1121, %dma_start3A_1122, %dma_start3A_1123] : memref<2x8x10x256xf32, #tpu.memory_space<vmem>> -> memref<1x8x1x256xf32, #tpu.memory_space<vmem>>
      %dma_start3A_1125 = tpu.memref_squeeze %dma_start3A_1124 : memref<1x8x1x256xf32, #tpu.memory_space<vmem>> -> memref<8x1x256xf32, #tpu.memory_space<vmem>>
      %dma_start3A_1126 = arith.constant 2 : i32
      %dma_start3A_1127 = arith.constant 0 : i32
      %dma_start3A_1128 = tpu.memref_slice %arg3[%add3A_1078, %dma_start3A_1126, %dma_start3A_1127] : memref<16384x16x256xf32, #tpu.memory_space<hbm>> -> memref<8x1x256xf32, #tpu.memory_space<hbm>>
      %dma_start3A_1129 = tpu.memref_slice %arg6[%dma_start3A_1120] : memref<2x!tpu.dma_semaphore, #tpu.memory_space<semaphore_mem>> -> memref<1x!tpu.dma_semaphore, #tpu.memory_space<semaphore_mem>>
      %dma_start3A_1130 = tpu.memref_squeeze %dma_start3A_1129 : memref<1x!tpu.dma_semaphore, #tpu.memory_space<semaphore_mem>> -> memref<!tpu.dma_semaphore, #tpu.memory_space<semaphore_mem>>
      %dma_start3A_1131 = arith.constant 2 : i32
      %dma_start3A_1132 = arith.constant 0 : i32
      %dma_start3A_1133 = tpu.memref_slice %arg3[%add3A_1078, %dma_start3A_1131, %dma_start3A_1132] : memref<16384x16x256xf32, #tpu.memory_space<hbm>> -> memref<8x1x256xf32, #tpu.memory_space<hbm>>
      %dma_start3A_1134 = arith.constant 0 : i32
      %dma_start3A_1135 = arith.constant 3 : i32
      %dma_start3A_1136 = arith.constant 0 : i32
      %dma_start3A_1137 = tpu.memref_slice %arg4[%dma_start3A_1119, %dma_start3A_1134, %dma_start3A_1135, %dma_start3A_1136] : memref<2x8x10x256xf32, #tpu.memory_space<vmem>> -> memref<1x8x1x256xf32, #tpu.memory_space<vmem>>
      %dma_start3A_1138 = tpu.memref_squeeze %dma_start3A_1137 : memref<1x8x1x256xf32, #tpu.memory_space<vmem>> -> memref<8x1x256xf32, #tpu.memory_space<vmem>>
      tpu.enqueue_dma source(%dma_start3A_1138 : memref<8x1x256xf32, #tpu.memory_space<vmem>>) target(%dma_start3A_1133 : memref<8x1x256xf32, #tpu.memory_space<hbm>>) target_semaphore(%dma_start3A_1130 : memref<!tpu.dma_semaphore, #tpu.memory_space<semaphore_mem>>)
      %dma_start3A_1139 = arith.constant 1 : i32
      %dma_start3A_1140 = arith.constant 1 : i32
      %dma_start3A_1141 = arith.constant 0 : i32
      %dma_start3A_1142 = arith.constant 3 : i32
      %dma_start3A_1143 = arith.constant 0 : i32
      %dma_start3A_1144 = tpu.memref_slice %arg4[%dma_start3A_1139, %dma_start3A_1141, %dma_start3A_1142, %dma_start3A_1143] : memref<2x8x10x256xf32, #tpu.memory_space<vmem>> -> memref<1x8x1x256xf32, #tpu.memory_space<vmem>>
      %dma_start3A_1145 = tpu.memref_squeeze %dma_start3A_1144 : memref<1x8x1x256xf32, #tpu.memory_space<vmem>> -> memref<8x1x256xf32, #tpu.memory_space<vmem>>
      %dma_start3A_1146 = arith.constant 3 : i32
      %dma_start3A_1147 = arith.constant 0 : i32
      %dma_start3A_1148 = tpu.memref_slice %arg3[%add3A_1078, %dma_start3A_1146, %dma_start3A_1147] : memref<16384x16x256xf32, #tpu.memory_space<hbm>> -> memref<8x1x256xf32, #tpu.memory_space<hbm>>
      %dma_start3A_1149 = tpu.memref_slice %arg6[%dma_start3A_1140] : memref<2x!tpu.dma_semaphore, #tpu.memory_space<semaphore_mem>> -> memref<1x!tpu.dma_semaphore, #tpu.memory_space<semaphore_mem>>
      %dma_start3A_1150 = tpu.memref_squeeze %dma_start3A_1149 : memref<1x!tpu.dma_semaphore, #tpu.memory_space<semaphore_mem>> -> memref<!tpu.dma_semaphore, #tpu.memory_space<semaphore_mem>>
      %dma_start3A_1151 = arith.constant 3 : i32
      %dma_start3A_1152 = arith.constant 0 : i32
      %dma_start3A_1153 = tpu.memref_slice %arg3[%add3A_1078, %dma_start3A_1151, %dma_start3A_1152] : memref<16384x16x256xf32, #tpu.memory_space<hbm>> -> memref<8x1x256xf32, #tpu.memory_space<hbm>>
      %dma_start3A_1154 = arith.constant 0 : i32
      %dma_start3A_1155 = arith.constant 3 : i32
      %dma_start3A_1156 = arith.constant 0 : i32
      %dma_start3A_1157 = tpu.memref_slice %arg4[%dma_start3A_1139, %dma_start3A_1154, %dma_start3A_1155, %dma_start3A_1156] : memref<2x8x10x256xf32, #tpu.memory_space<vmem>> -> memref<1x8x1x256xf32, #tpu.memory_space<vmem>>
      %dma_start3A_1158 = tpu.memref_squeeze %dma_start3A_1157 : memref<1x8x1x256xf32, #tpu.memory_space<vmem>> -> memref<8x1x256xf32, #tpu.memory_space<vmem>>
      tpu.enqueue_dma source(%dma_start3A_1158 : memref<8x1x256xf32, #tpu.memory_space<vmem>>) target(%dma_start3A_1153 : memref<8x1x256xf32, #tpu.memory_space<hbm>>) target_semaphore(%dma_start3A_1150 : memref<!tpu.dma_semaphore, #tpu.memory_space<semaphore_mem>>)
      %dma_start3A_1159 = arith.constant 1 : i32
      %dma_start3A_1160 = arith.constant 1 : i32
      %dma_start3A_1161 = arith.constant 0 : i32
      %dma_start3A_1162 = arith.constant 0 : i32
      %dma_start3A_1163 = arith.constant 0 : i32
      %dma_start3A_1164 = tpu.memref_slice %arg4[%dma_start3A_1159, %dma_start3A_1161, %dma_start3A_1162, %dma_start3A_1163] : memref<2x8x10x256xf32, #tpu.memory_space<vmem>> -> memref<1x8x1x256xf32, #tpu.memory_space<vmem>>
      %dma_start3A_1165 = tpu.memref_squeeze %dma_start3A_1164 : memref<1x8x1x256xf32, #tpu.memory_space<vmem>> -> memref<8x1x256xf32, #tpu.memory_space<vmem>>
      %dma_start3A_1166 = arith.constant 4 : i32
      %dma_start3A_1167 = arith.constant 0 : i32
      %dma_start3A_1168 = tpu.memref_slice %arg3[%add3A_1078, %dma_start3A_1166, %dma_start3A_1167] : memref<16384x16x256xf32, #tpu.memory_space<hbm>> -> memref<8x1x256xf32, #tpu.memory_space<hbm>>
      %dma_start3A_1169 = tpu.memref_slice %arg6[%dma_start3A_1160] : memref<2x!tpu.dma_semaphore, #tpu.memory_space<semaphore_mem>> -> memref<1x!tpu.dma_semaphore, #tpu.memory_space<semaphore_mem>>
      %dma_start3A_1170 = tpu.memref_squeeze %dma_start3A_1169 : memref<1x!tpu.dma_semaphore, #tpu.memory_space<semaphore_mem>> -> memref<!tpu.dma_semaphore, #tpu.memory_space<semaphore_mem>>
      %dma_start3A_1171 = arith.constant 4 : i32
      %dma_start3A_1172 = arith.constant 0 : i32
      %dma_start3A_1173 = tpu.memref_slice %arg3[%add3A_1078, %dma_start3A_1171, %dma_start3A_1172] : memref<16384x16x256xf32, #tpu.memory_space<hbm>> -> memref<8x1x256xf32, #tpu.memory_space<hbm>>
      %dma_start3A_1174 = arith.constant 0 : i32
      %dma_start3A_1175 = arith.constant 0 : i32
      %dma_start3A_1176 = arith.constant 0 : i32
      %dma_start3A_1177 = tpu.memref_slice %arg4[%dma_start3A_1159, %dma_start3A_1174, %dma_start3A_1175, %dma_start3A_1176] : memref<2x8x10x256xf32, #tpu.memory_space<vmem>> -> memref<1x8x1x256xf32, #tpu.memory_space<vmem>>
      %dma_start3A_1178 = tpu.memref_squeeze %dma_start3A_1177 : memref<1x8x1x256xf32, #tpu.memory_space<vmem>> -> memref<8x1x256xf32, #tpu.memory_space<vmem>>
      tpu.enqueue_dma source(%dma_start3A_1178 : memref<8x1x256xf32, #tpu.memory_space<vmem>>) target(%dma_start3A_1173 : memref<8x1x256xf32, #tpu.memory_space<hbm>>) target_semaphore(%dma_start3A_1170 : memref<!tpu.dma_semaphore, #tpu.memory_space<semaphore_mem>>)
      %dma_start3A_1179 = arith.constant 1 : i32
      %dma_start3A_1180 = arith.constant 1 : i32
      %dma_start3A_1181 = arith.constant 0 : i32
      %dma_start3A_1182 = arith.constant 1 : i32
      %dma_start3A_1183 = arith.constant 0 : i32
      %dma_start3A_1184 = tpu.memref_slice %arg4[%dma_start3A_1179, %dma_start3A_1181, %dma_start3A_1182, %dma_start3A_1183] : memref<2x8x10x256xf32, #tpu.memory_space<vmem>> -> memref<1x8x1x256xf32, #tpu.memory_space<vmem>>
      %dma_start3A_1185 = tpu.memref_squeeze %dma_start3A_1184 : memref<1x8x1x256xf32, #tpu.memory_space<vmem>> -> memref<8x1x256xf32, #tpu.memory_space<vmem>>
      %dma_start3A_1186 = arith.constant 5 : i32
      %dma_start3A_1187 = arith.constant 0 : i32
      %dma_start3A_1188 = tpu.memref_slice %arg3[%add3A_1078, %dma_start3A_1186, %dma_start3A_1187] : memref<16384x16x256xf32, #tpu.memory_space<hbm>> -> memref<8x1x256xf32, #tpu.memory_space<hbm>>
      %dma_start3A_1189 = tpu.memref_slice %arg6[%dma_start3A_1180] : memref<2x!tpu.dma_semaphore, #tpu.memory_space<semaphore_mem>> -> memref<1x!tpu.dma_semaphore, #tpu.memory_space<semaphore_mem>>
      %dma_start3A_1190 = tpu.memref_squeeze %dma_start3A_1189 : memref<1x!tpu.dma_semaphore, #tpu.memory_space<semaphore_mem>> -> memref<!tpu.dma_semaphore, #tpu.memory_space<semaphore_mem>>
      %dma_start3A_1191 = arith.constant 5 : i32
      %dma_start3A_1192 = arith.constant 0 : i32
      %dma_start3A_1193 = tpu.memref_slice %arg3[%add3A_1078, %dma_start3A_1191, %dma_start3A_1192] : memref<16384x16x256xf32, #tpu.memory_space<hbm>> -> memref<8x1x256xf32, #tpu.memory_space<hbm>>
      %dma_start3A_1194 = arith.constant 0 : i32
      %dma_start3A_1195 = arith.constant 1 : i32
      %dma_start3A_1196 = arith.constant 0 : i32
      %dma_start3A_1197 = tpu.memref_slice %arg4[%dma_start3A_1179, %dma_start3A_1194, %dma_start3A_1195, %dma_start3A_1196] : memref<2x8x10x256xf32, #tpu.memory_space<vmem>> -> memref<1x8x1x256xf32, #tpu.memory_space<vmem>>
      %dma_start3A_1198 = tpu.memref_squeeze %dma_start3A_1197 : memref<1x8x1x256xf32, #tpu.memory_space<vmem>> -> memref<8x1x256xf32, #tpu.memory_space<vmem>>
      tpu.enqueue_dma source(%dma_start3A_1198 : memref<8x1x256xf32, #tpu.memory_space<vmem>>) target(%dma_start3A_1193 : memref<8x1x256xf32, #tpu.memory_space<hbm>>) target_semaphore(%dma_start3A_1190 : memref<!tpu.dma_semaphore, #tpu.memory_space<semaphore_mem>>)
      %dma_start3A_1199 = arith.constant 1 : i32
      %dma_start3A_1200 = arith.constant 1 : i32
      %dma_start3A_1201 = arith.constant 0 : i32
      %dma_start3A_1202 = arith.constant 1 : i32
      %dma_start3A_1203 = arith.constant 0 : i32
      %dma_start3A_1204 = tpu.memref_slice %arg4[%dma_start3A_1199, %dma_start3A_1201, %dma_start3A_1202, %dma_start3A_1203] : memref<2x8x10x256xf32, #tpu.memory_space<vmem>> -> memref<1x8x1x256xf32, #tpu.memory_space<vmem>>
      %dma_start3A_1205 = tpu.memref_squeeze %dma_start3A_1204 : memref<1x8x1x256xf32, #tpu.memory_space<vmem>> -> memref<8x1x256xf32, #tpu.memory_space<vmem>>
      %dma_start3A_1206 = arith.constant 6 : i32
      %dma_start3A_1207 = arith.constant 0 : i32
      %dma_start3A_1208 = tpu.memref_slice %arg3[%add3A_1078, %dma_start3A_1206, %dma_start3A_1207] : memref<16384x16x256xf32, #tpu.memory_space<hbm>> -> memref<8x1x256xf32, #tpu.memory_space<hbm>>
      %dma_start3A_1209 = tpu.memref_slice %arg6[%dma_start3A_1200] : memref<2x!tpu.dma_semaphore, #tpu.memory_space<semaphore_mem>> -> memref<1x!tpu.dma_semaphore, #tpu.memory_space<semaphore_mem>>
      %dma_start3A_1210 = tpu.memref_squeeze %dma_start3A_1209 : memref<1x!tpu.dma_semaphore, #tpu.memory_space<semaphore_mem>> -> memref<!tpu.dma_semaphore, #tpu.memory_space<semaphore_mem>>
      %dma_start3A_1211 = arith.constant 6 : i32
      %dma_start3A_1212 = arith.constant 0 : i32
      %dma_start3A_1213 = tpu.memref_slice %arg3[%add3A_1078, %dma_start3A_1211, %dma_start3A_1212] : memref<16384x16x256xf32, #tpu.memory_space<hbm>> -> memref<8x1x256xf32, #tpu.memory_space<hbm>>
      %dma_start3A_1214 = arith.constant 0 : i32
      %dma_start3A_1215 = arith.constant 1 : i32
      %dma_start3A_1216 = arith.constant 0 : i32
      %dma_start3A_1217 = tpu.memref_slice %arg4[%dma_start3A_1199, %dma_start3A_1214, %dma_start3A_1215, %dma_start3A_1216] : memref<2x8x10x256xf32, #tpu.memory_space<vmem>> -> memref<1x8x1x256xf32, #tpu.memory_space<vmem>>
      %dma_start3A_1218 = tpu.memref_squeeze %dma_start3A_1217 : memref<1x8x1x256xf32, #tpu.memory_space<vmem>> -> memref<8x1x256xf32, #tpu.memory_space<vmem>>
      tpu.enqueue_dma source(%dma_start3A_1218 : memref<8x1x256xf32, #tpu.memory_space<vmem>>) target(%dma_start3A_1213 : memref<8x1x256xf32, #tpu.memory_space<hbm>>) target_semaphore(%dma_start3A_1210 : memref<!tpu.dma_semaphore, #tpu.memory_space<semaphore_mem>>)
      %dma_start3A_1219 = arith.constant 1 : i32
      %dma_start3A_1220 = arith.constant 1 : i32
      %dma_start3A_1221 = arith.constant 0 : i32
      %dma_start3A_1222 = arith.constant 4 : i32
      %dma_start3A_1223 = arith.constant 0 : i32
      %dma_start3A_1224 = tpu.memref_slice %arg4[%dma_start3A_1219, %dma_start3A_1221, %dma_start3A_1222, %dma_start3A_1223] : memref<2x8x10x256xf32, #tpu.memory_space<vmem>> -> memref<1x8x1x256xf32, #tpu.memory_space<vmem>>
      %dma_start3A_1225 = tpu.memref_squeeze %dma_start3A_1224 : memref<1x8x1x256xf32, #tpu.memory_space<vmem>> -> memref<8x1x256xf32, #tpu.memory_space<vmem>>
      %dma_start3A_1226 = arith.constant 7 : i32
      %dma_start3A_1227 = arith.constant 0 : i32
      %dma_start3A_1228 = tpu.memref_slice %arg3[%add3A_1078, %dma_start3A_1226, %dma_start3A_1227] : memref<16384x16x256xf32, #tpu.memory_space<hbm>> -> memref<8x1x256xf32, #tpu.memory_space<hbm>>
      %dma_start3A_1229 = tpu.memref_slice %arg6[%dma_start3A_1220] : memref<2x!tpu.dma_semaphore, #tpu.memory_space<semaphore_mem>> -> memref<1x!tpu.dma_semaphore, #tpu.memory_space<semaphore_mem>>
      %dma_start3A_1230 = tpu.memref_squeeze %dma_start3A_1229 : memref<1x!tpu.dma_semaphore, #tpu.memory_space<semaphore_mem>> -> memref<!tpu.dma_semaphore, #tpu.memory_space<semaphore_mem>>
      %dma_start3A_1231 = arith.constant 7 : i32
      %dma_start3A_1232 = arith.constant 0 : i32
      %dma_start3A_1233 = tpu.memref_slice %arg3[%add3A_1078, %dma_start3A_1231, %dma_start3A_1232] : memref<16384x16x256xf32, #tpu.memory_space<hbm>> -> memref<8x1x256xf32, #tpu.memory_space<hbm>>
      %dma_start3A_1234 = arith.constant 0 : i32
      %dma_start3A_1235 = arith.constant 4 : i32
      %dma_start3A_1236 = arith.constant 0 : i32
      %dma_start3A_1237 = tpu.memref_slice %arg4[%dma_start3A_1219, %dma_start3A_1234, %dma_start3A_1235, %dma_start3A_1236] : memref<2x8x10x256xf32, #tpu.memory_space<vmem>> -> memref<1x8x1x256xf32, #tpu.memory_space<vmem>>
      %dma_start3A_1238 = tpu.memref_squeeze %dma_start3A_1237 : memref<1x8x1x256xf32, #tpu.memory_space<vmem>> -> memref<8x1x256xf32, #tpu.memory_space<vmem>>
      tpu.enqueue_dma source(%dma_start3A_1238 : memref<8x1x256xf32, #tpu.memory_space<vmem>>) target(%dma_start3A_1233 : memref<8x1x256xf32, #tpu.memory_space<hbm>>) target_semaphore(%dma_start3A_1230 : memref<!tpu.dma_semaphore, #tpu.memory_space<semaphore_mem>>)
      %dma_start3A_1239 = arith.constant 1 : i32
      %dma_start3A_1240 = arith.constant 1 : i32
      %dma_start3A_1241 = arith.constant 0 : i32
      %dma_start3A_1242 = arith.constant 4 : i32
      %dma_start3A_1243 = arith.constant 0 : i32
      %dma_start3A_1244 = tpu.memref_slice %arg4[%dma_start3A_1239, %dma_start3A_1241, %dma_start3A_1242, %dma_start3A_1243] : memref<2x8x10x256xf32, #tpu.memory_space<vmem>> -> memref<1x8x1x256xf32, #tpu.memory_space<vmem>>
      %dma_start3A_1245 = tpu.memref_squeeze %dma_start3A_1244 : memref<1x8x1x256xf32, #tpu.memory_space<vmem>> -> memref<8x1x256xf32, #tpu.memory_space<vmem>>
      %dma_start3A_1246 = arith.constant 8 : i32
      %dma_start3A_1247 = arith.constant 0 : i32
      %dma_start3A_1248 = tpu.memref_slice %arg3[%add3A_1078, %dma_start3A_1246, %dma_start3A_1247] : memref<16384x16x256xf32, #tpu.memory_space<hbm>> -> memref<8x1x256xf32, #tpu.memory_space<hbm>>
      %dma_start3A_1249 = tpu.memref_slice %arg6[%dma_start3A_1240] : memref<2x!tpu.dma_semaphore, #tpu.memory_space<semaphore_mem>> -> memref<1x!tpu.dma_semaphore, #tpu.memory_space<semaphore_mem>>
      %dma_start3A_1250 = tpu.memref_squeeze %dma_start3A_1249 : memref<1x!tpu.dma_semaphore, #tpu.memory_space<semaphore_mem>> -> memref<!tpu.dma_semaphore, #tpu.memory_space<semaphore_mem>>
      %dma_start3A_1251 = arith.constant 8 : i32
      %dma_start3A_1252 = arith.constant 0 : i32
      %dma_start3A_1253 = tpu.memref_slice %arg3[%add3A_1078, %dma_start3A_1251, %dma_start3A_1252] : memref<16384x16x256xf32, #tpu.memory_space<hbm>> -> memref<8x1x256xf32, #tpu.memory_space<hbm>>
      %dma_start3A_1254 = arith.constant 0 : i32
      %dma_start3A_1255 = arith.constant 4 : i32
      %dma_start3A_1256 = arith.constant 0 : i32
      %dma_start3A_1257 = tpu.memref_slice %arg4[%dma_start3A_1239, %dma_start3A_1254, %dma_start3A_1255, %dma_start3A_1256] : memref<2x8x10x256xf32, #tpu.memory_space<vmem>> -> memref<1x8x1x256xf32, #tpu.memory_space<vmem>>
      %dma_start3A_1258 = tpu.memref_squeeze %dma_start3A_1257 : memref<1x8x1x256xf32, #tpu.memory_space<vmem>> -> memref<8x1x256xf32, #tpu.memory_space<vmem>>
      tpu.enqueue_dma source(%dma_start3A_1258 : memref<8x1x256xf32, #tpu.memory_space<vmem>>) target(%dma_start3A_1253 : memref<8x1x256xf32, #tpu.memory_space<hbm>>) target_semaphore(%dma_start3A_1250 : memref<!tpu.dma_semaphore, #tpu.memory_space<semaphore_mem>>)
      %dma_start3A_1259 = arith.constant 1 : i32
      %dma_start3A_1260 = arith.constant 1 : i32
      %dma_start3A_1261 = arith.constant 0 : i32
      %dma_start3A_1262 = arith.constant 5 : i32
      %dma_start3A_1263 = arith.constant 0 : i32
      %dma_start3A_1264 = tpu.memref_slice %arg4[%dma_start3A_1259, %dma_start3A_1261, %dma_start3A_1262, %dma_start3A_1263] : memref<2x8x10x256xf32, #tpu.memory_space<vmem>> -> memref<1x8x1x256xf32, #tpu.memory_space<vmem>>
      %dma_start3A_1265 = tpu.memref_squeeze %dma_start3A_1264 : memref<1x8x1x256xf32, #tpu.memory_space<vmem>> -> memref<8x1x256xf32, #tpu.memory_space<vmem>>
      %dma_start3A_1266 = arith.constant 9 : i32
      %dma_start3A_1267 = arith.constant 0 : i32
      %dma_start3A_1268 = tpu.memref_slice %arg3[%add3A_1078, %dma_start3A_1266, %dma_start3A_1267] : memref<16384x16x256xf32, #tpu.memory_space<hbm>> -> memref<8x1x256xf32, #tpu.memory_space<hbm>>
      %dma_start3A_1269 = tpu.memref_slice %arg6[%dma_start3A_1260] : memref<2x!tpu.dma_semaphore, #tpu.memory_space<semaphore_mem>> -> memref<1x!tpu.dma_semaphore, #tpu.memory_space<semaphore_mem>>
      %dma_start3A_1270 = tpu.memref_squeeze %dma_start3A_1269 : memref<1x!tpu.dma_semaphore, #tpu.memory_space<semaphore_mem>> -> memref<!tpu.dma_semaphore, #tpu.memory_space<semaphore_mem>>
      %dma_start3A_1271 = arith.constant 9 : i32
      %dma_start3A_1272 = arith.constant 0 : i32
      %dma_start3A_1273 = tpu.memref_slice %arg3[%add3A_1078, %dma_start3A_1271, %dma_start3A_1272] : memref<16384x16x256xf32, #tpu.memory_space<hbm>> -> memref<8x1x256xf32, #tpu.memory_space<hbm>>
      %dma_start3A_1274 = arith.constant 0 : i32
      %dma_start3A_1275 = arith.constant 5 : i32
      %dma_start3A_1276 = arith.constant 0 : i32
      %dma_start3A_1277 = tpu.memref_slice %arg4[%dma_start3A_1259, %dma_start3A_1274, %dma_start3A_1275, %dma_start3A_1276] : memref<2x8x10x256xf32, #tpu.memory_space<vmem>> -> memref<1x8x1x256xf32, #tpu.memory_space<vmem>>
      %dma_start3A_1278 = tpu.memref_squeeze %dma_start3A_1277 : memref<1x8x1x256xf32, #tpu.memory_space<vmem>> -> memref<8x1x256xf32, #tpu.memory_space<vmem>>
      tpu.enqueue_dma source(%dma_start3A_1278 : memref<8x1x256xf32, #tpu.memory_space<vmem>>) target(%dma_start3A_1273 : memref<8x1x256xf32, #tpu.memory_space<hbm>>) target_semaphore(%dma_start3A_1270 : memref<!tpu.dma_semaphore, #tpu.memory_space<semaphore_mem>>)
      %dma_start3A_1279 = arith.constant 1 : i32
      %dma_start3A_1280 = arith.constant 1 : i32
      %dma_start3A_1281 = arith.constant 0 : i32
      %dma_start3A_1282 = arith.constant 6 : i32
      %dma_start3A_1283 = arith.constant 0 : i32
      %dma_start3A_1284 = tpu.memref_slice %arg4[%dma_start3A_1279, %dma_start3A_1281, %dma_start3A_1282, %dma_start3A_1283] : memref<2x8x10x256xf32, #tpu.memory_space<vmem>> -> memref<1x8x1x256xf32, #tpu.memory_space<vmem>>
      %dma_start3A_1285 = tpu.memref_squeeze %dma_start3A_1284 : memref<1x8x1x256xf32, #tpu.memory_space<vmem>> -> memref<8x1x256xf32, #tpu.memory_space<vmem>>
      %dma_start3A_1286 = arith.constant 10 : i32
      %dma_start3A_1287 = arith.constant 0 : i32
      %dma_start3A_1288 = tpu.memref_slice %arg3[%add3A_1078, %dma_start3A_1286, %dma_start3A_1287] : memref<16384x16x256xf32, #tpu.memory_space<hbm>> -> memref<8x1x256xf32, #tpu.memory_space<hbm>>
      %dma_start3A_1289 = tpu.memref_slice %arg6[%dma_start3A_1280] : memref<2x!tpu.dma_semaphore, #tpu.memory_space<semaphore_mem>> -> memref<1x!tpu.dma_semaphore, #tpu.memory_space<semaphore_mem>>
      %dma_start3A_1290 = tpu.memref_squeeze %dma_start3A_1289 : memref<1x!tpu.dma_semaphore, #tpu.memory_space<semaphore_mem>> -> memref<!tpu.dma_semaphore, #tpu.memory_space<semaphore_mem>>
      %dma_start3A_1291 = arith.constant 10 : i32
      %dma_start3A_1292 = arith.constant 0 : i32
      %dma_start3A_1293 = tpu.memref_slice %arg3[%add3A_1078, %dma_start3A_1291, %dma_start3A_1292] : memref<16384x16x256xf32, #tpu.memory_space<hbm>> -> memref<8x1x256xf32, #tpu.memory_space<hbm>>
      %dma_start3A_1294 = arith.constant 0 : i32
      %dma_start3A_1295 = arith.constant 6 : i32
      %dma_start3A_1296 = arith.constant 0 : i32
      %dma_start3A_1297 = tpu.memref_slice %arg4[%dma_start3A_1279, %dma_start3A_1294, %dma_start3A_1295, %dma_start3A_1296] : memref<2x8x10x256xf32, #tpu.memory_space<vmem>> -> memref<1x8x1x256xf32, #tpu.memory_space<vmem>>
      %dma_start3A_1298 = tpu.memref_squeeze %dma_start3A_1297 : memref<1x8x1x256xf32, #tpu.memory_space<vmem>> -> memref<8x1x256xf32, #tpu.memory_space<vmem>>
      tpu.enqueue_dma source(%dma_start3A_1298 : memref<8x1x256xf32, #tpu.memory_space<vmem>>) target(%dma_start3A_1293 : memref<8x1x256xf32, #tpu.memory_space<hbm>>) target_semaphore(%dma_start3A_1290 : memref<!tpu.dma_semaphore, #tpu.memory_space<semaphore_mem>>)
      %dma_start3A_1299 = arith.constant 1 : i32
      %dma_start3A_1300 = arith.constant 1 : i32
      %dma_start3A_1301 = arith.constant 0 : i32
      %dma_start3A_1302 = arith.constant 7 : i32
      %dma_start3A_1303 = arith.constant 0 : i32
      %dma_start3A_1304 = tpu.memref_slice %arg4[%dma_start3A_1299, %dma_start3A_1301, %dma_start3A_1302, %dma_start3A_1303] : memref<2x8x10x256xf32, #tpu.memory_space<vmem>> -> memref<1x8x1x256xf32, #tpu.memory_space<vmem>>
      %dma_start3A_1305 = tpu.memref_squeeze %dma_start3A_1304 : memref<1x8x1x256xf32, #tpu.memory_space<vmem>> -> memref<8x1x256xf32, #tpu.memory_space<vmem>>
      %dma_start3A_1306 = arith.constant 11 : i32
      %dma_start3A_1307 = arith.constant 0 : i32
      %dma_start3A_1308 = tpu.memref_slice %arg3[%add3A_1078, %dma_start3A_1306, %dma_start3A_1307] : memref<16384x16x256xf32, #tpu.memory_space<hbm>> -> memref<8x1x256xf32, #tpu.memory_space<hbm>>
      %dma_start3A_1309 = tpu.memref_slice %arg6[%dma_start3A_1300] : memref<2x!tpu.dma_semaphore, #tpu.memory_space<semaphore_mem>> -> memref<1x!tpu.dma_semaphore, #tpu.memory_space<semaphore_mem>>
      %dma_start3A_1310 = tpu.memref_squeeze %dma_start3A_1309 : memref<1x!tpu.dma_semaphore, #tpu.memory_space<semaphore_mem>> -> memref<!tpu.dma_semaphore, #tpu.memory_space<semaphore_mem>>
      %dma_start3A_1311 = arith.constant 11 : i32
      %dma_start3A_1312 = arith.constant 0 : i32
      %dma_start3A_1313 = tpu.memref_slice %arg3[%add3A_1078, %dma_start3A_1311, %dma_start3A_1312] : memref<16384x16x256xf32, #tpu.memory_space<hbm>> -> memref<8x1x256xf32, #tpu.memory_space<hbm>>
      %dma_start3A_1314 = arith.constant 0 : i32
      %dma_start3A_1315 = arith.constant 7 : i32
      %dma_start3A_1316 = arith.constant 0 : i32
      %dma_start3A_1317 = tpu.memref_slice %arg4[%dma_start3A_1299, %dma_start3A_1314, %dma_start3A_1315, %dma_start3A_1316] : memref<2x8x10x256xf32, #tpu.memory_space<vmem>> -> memref<1x8x1x256xf32, #tpu.memory_space<vmem>>
      %dma_start3A_1318 = tpu.memref_squeeze %dma_start3A_1317 : memref<1x8x1x256xf32, #tpu.memory_space<vmem>> -> memref<8x1x256xf32, #tpu.memory_space<vmem>>
      tpu.enqueue_dma source(%dma_start3A_1318 : memref<8x1x256xf32, #tpu.memory_space<vmem>>) target(%dma_start3A_1313 : memref<8x1x256xf32, #tpu.memory_space<hbm>>) target_semaphore(%dma_start3A_1310 : memref<!tpu.dma_semaphore, #tpu.memory_space<semaphore_mem>>)
      %dma_start3A_1319 = arith.constant 1 : i32
      %dma_start3A_1320 = arith.constant 1 : i32
      %dma_start3A_1321 = arith.constant 0 : i32
      %dma_start3A_1322 = arith.constant 7 : i32
      %dma_start3A_1323 = arith.constant 0 : i32
      %dma_start3A_1324 = tpu.memref_slice %arg4[%dma_start3A_1319, %dma_start3A_1321, %dma_start3A_1322, %dma_start3A_1323] : memref<2x8x10x256xf32, #tpu.memory_space<vmem>> -> memref<1x8x1x256xf32, #tpu.memory_space<vmem>>
      %dma_start3A_1325 = tpu.memref_squeeze %dma_start3A_1324 : memref<1x8x1x256xf32, #tpu.memory_space<vmem>> -> memref<8x1x256xf32, #tpu.memory_space<vmem>>
      %dma_start3A_1326 = arith.constant 12 : i32
      %dma_start3A_1327 = arith.constant 0 : i32
      %dma_start3A_1328 = tpu.memref_slice %arg3[%add3A_1078, %dma_start3A_1326, %dma_start3A_1327] : memref<16384x16x256xf32, #tpu.memory_space<hbm>> -> memref<8x1x256xf32, #tpu.memory_space<hbm>>
      %dma_start3A_1329 = tpu.memref_slice %arg6[%dma_start3A_1320] : memref<2x!tpu.dma_semaphore, #tpu.memory_space<semaphore_mem>> -> memref<1x!tpu.dma_semaphore, #tpu.memory_space<semaphore_mem>>
      %dma_start3A_1330 = tpu.memref_squeeze %dma_start3A_1329 : memref<1x!tpu.dma_semaphore, #tpu.memory_space<semaphore_mem>> -> memref<!tpu.dma_semaphore, #tpu.memory_space<semaphore_mem>>
      %dma_start3A_1331 = arith.constant 12 : i32
      %dma_start3A_1332 = arith.constant 0 : i32
      %dma_start3A_1333 = tpu.memref_slice %arg3[%add3A_1078, %dma_start3A_1331, %dma_start3A_1332] : memref<16384x16x256xf32, #tpu.memory_space<hbm>> -> memref<8x1x256xf32, #tpu.memory_space<hbm>>
      %dma_start3A_1334 = arith.constant 0 : i32
      %dma_start3A_1335 = arith.constant 7 : i32
      %dma_start3A_1336 = arith.constant 0 : i32
      %dma_start3A_1337 = tpu.memref_slice %arg4[%dma_start3A_1319, %dma_start3A_1334, %dma_start3A_1335, %dma_start3A_1336] : memref<2x8x10x256xf32, #tpu.memory_space<vmem>> -> memref<1x8x1x256xf32, #tpu.memory_space<vmem>>
      %dma_start3A_1338 = tpu.memref_squeeze %dma_start3A_1337 : memref<1x8x1x256xf32, #tpu.memory_space<vmem>> -> memref<8x1x256xf32, #tpu.memory_space<vmem>>
      tpu.enqueue_dma source(%dma_start3A_1338 : memref<8x1x256xf32, #tpu.memory_space<vmem>>) target(%dma_start3A_1333 : memref<8x1x256xf32, #tpu.memory_space<hbm>>) target_semaphore(%dma_start3A_1330 : memref<!tpu.dma_semaphore, #tpu.memory_space<semaphore_mem>>)
      %dma_start3A_1339 = arith.constant 1 : i32
      %dma_start3A_1340 = arith.constant 1 : i32
      %dma_start3A_1341 = arith.constant 0 : i32
      %dma_start3A_1342 = arith.constant 8 : i32
      %dma_start3A_1343 = arith.constant 0 : i32
      %dma_start3A_1344 = tpu.memref_slice %arg4[%dma_start3A_1339, %dma_start3A_1341, %dma_start3A_1342, %dma_start3A_1343] : memref<2x8x10x256xf32, #tpu.memory_space<vmem>> -> memref<1x8x1x256xf32, #tpu.memory_space<vmem>>
      %dma_start3A_1345 = tpu.memref_squeeze %dma_start3A_1344 : memref<1x8x1x256xf32, #tpu.memory_space<vmem>> -> memref<8x1x256xf32, #tpu.memory_space<vmem>>
      %dma_start3A_1346 = arith.constant 13 : i32
      %dma_start3A_1347 = arith.constant 0 : i32
      %dma_start3A_1348 = tpu.memref_slice %arg3[%add3A_1078, %dma_start3A_1346, %dma_start3A_1347] : memref<16384x16x256xf32, #tpu.memory_space<hbm>> -> memref<8x1x256xf32, #tpu.memory_space<hbm>>
      %dma_start3A_1349 = tpu.memref_slice %arg6[%dma_start3A_1340] : memref<2x!tpu.dma_semaphore, #tpu.memory_space<semaphore_mem>> -> memref<1x!tpu.dma_semaphore, #tpu.memory_space<semaphore_mem>>
      %dma_start3A_1350 = tpu.memref_squeeze %dma_start3A_1349 : memref<1x!tpu.dma_semaphore, #tpu.memory_space<semaphore_mem>> -> memref<!tpu.dma_semaphore, #tpu.memory_space<semaphore_mem>>
      %dma_start3A_1351 = arith.constant 13 : i32
      %dma_start3A_1352 = arith.constant 0 : i32
      %dma_start3A_1353 = tpu.memref_slice %arg3[%add3A_1078, %dma_start3A_1351, %dma_start3A_1352] : memref<16384x16x256xf32, #tpu.memory_space<hbm>> -> memref<8x1x256xf32, #tpu.memory_space<hbm>>
      %dma_start3A_1354 = arith.constant 0 : i32
      %dma_start3A_1355 = arith.constant 8 : i32
      %dma_start3A_1356 = arith.constant 0 : i32
      %dma_start3A_1357 = tpu.memref_slice %arg4[%dma_start3A_1339, %dma_start3A_1354, %dma_start3A_1355, %dma_start3A_1356] : memref<2x8x10x256xf32, #tpu.memory_space<vmem>> -> memref<1x8x1x256xf32, #tpu.memory_space<vmem>>
      %dma_start3A_1358 = tpu.memref_squeeze %dma_start3A_1357 : memref<1x8x1x256xf32, #tpu.memory_space<vmem>> -> memref<8x1x256xf32, #tpu.memory_space<vmem>>
      tpu.enqueue_dma source(%dma_start3A_1358 : memref<8x1x256xf32, #tpu.memory_space<vmem>>) target(%dma_start3A_1353 : memref<8x1x256xf32, #tpu.memory_space<hbm>>) target_semaphore(%dma_start3A_1350 : memref<!tpu.dma_semaphore, #tpu.memory_space<semaphore_mem>>)
      %dma_start3A_1359 = arith.constant 1 : i32
      %dma_start3A_1360 = arith.constant 1 : i32
      %dma_start3A_1361 = arith.constant 0 : i32
      %dma_start3A_1362 = arith.constant 9 : i32
      %dma_start3A_1363 = arith.constant 0 : i32
      %dma_start3A_1364 = tpu.memref_slice %arg4[%dma_start3A_1359, %dma_start3A_1361, %dma_start3A_1362, %dma_start3A_1363] : memref<2x8x10x256xf32, #tpu.memory_space<vmem>> -> memref<1x8x1x256xf32, #tpu.memory_space<vmem>>
      %dma_start3A_1365 = tpu.memref_squeeze %dma_start3A_1364 : memref<1x8x1x256xf32, #tpu.memory_space<vmem>> -> memref<8x1x256xf32, #tpu.memory_space<vmem>>
      %dma_start3A_1366 = arith.constant 14 : i32
      %dma_start3A_1367 = arith.constant 0 : i32
      %dma_start3A_1368 = tpu.memref_slice %arg3[%add3A_1078, %dma_start3A_1366, %dma_start3A_1367] : memref<16384x16x256xf32, #tpu.memory_space<hbm>> -> memref<8x1x256xf32, #tpu.memory_space<hbm>>
      %dma_start3A_1369 = tpu.memref_slice %arg6[%dma_start3A_1360] : memref<2x!tpu.dma_semaphore, #tpu.memory_space<semaphore_mem>> -> memref<1x!tpu.dma_semaphore, #tpu.memory_space<semaphore_mem>>
      %dma_start3A_1370 = tpu.memref_squeeze %dma_start3A_1369 : memref<1x!tpu.dma_semaphore, #tpu.memory_space<semaphore_mem>> -> memref<!tpu.dma_semaphore, #tpu.memory_space<semaphore_mem>>
      %dma_start3A_1371 = arith.constant 14 : i32
      %dma_start3A_1372 = arith.constant 0 : i32
      %dma_start3A_1373 = tpu.memref_slice %arg3[%add3A_1078, %dma_start3A_1371, %dma_start3A_1372] : memref<16384x16x256xf32, #tpu.memory_space<hbm>> -> memref<8x1x256xf32, #tpu.memory_space<hbm>>
      %dma_start3A_1374 = arith.constant 0 : i32
      %dma_start3A_1375 = arith.constant 9 : i32
      %dma_start3A_1376 = arith.constant 0 : i32
      %dma_start3A_1377 = tpu.memref_slice %arg4[%dma_start3A_1359, %dma_start3A_1374, %dma_start3A_1375, %dma_start3A_1376] : memref<2x8x10x256xf32, #tpu.memory_space<vmem>> -> memref<1x8x1x256xf32, #tpu.memory_space<vmem>>
      %dma_start3A_1378 = tpu.memref_squeeze %dma_start3A_1377 : memref<1x8x1x256xf32, #tpu.memory_space<vmem>> -> memref<8x1x256xf32, #tpu.memory_space<vmem>>
      tpu.enqueue_dma source(%dma_start3A_1378 : memref<8x1x256xf32, #tpu.memory_space<vmem>>) target(%dma_start3A_1373 : memref<8x1x256xf32, #tpu.memory_space<hbm>>) target_semaphore(%dma_start3A_1370 : memref<!tpu.dma_semaphore, #tpu.memory_space<semaphore_mem>>)
      %dma_start3A_1379 = arith.constant 1 : i32
      %dma_start3A_1380 = arith.constant 1 : i32
      %dma_start3A_1381 = arith.constant 0 : i32
      %dma_start3A_1382 = arith.constant 9 : i32
      %dma_start3A_1383 = arith.constant 0 : i32
      %dma_start3A_1384 = tpu.memref_slice %arg4[%dma_start3A_1379, %dma_start3A_1381, %dma_start3A_1382, %dma_start3A_1383] : memref<2x8x10x256xf32, #tpu.memory_space<vmem>> -> memref<1x8x1x256xf32, #tpu.memory_space<vmem>>
      %dma_start3A_1385 = tpu.memref_squeeze %dma_start3A_1384 : memref<1x8x1x256xf32, #tpu.memory_space<vmem>> -> memref<8x1x256xf32, #tpu.memory_space<vmem>>
      %dma_start3A_1386 = arith.constant 15 : i32
      %dma_start3A_1387 = arith.constant 0 : i32
      %dma_start3A_1388 = tpu.memref_slice %arg3[%add3A_1078, %dma_start3A_1386, %dma_start3A_1387] : memref<16384x16x256xf32, #tpu.memory_space<hbm>> -> memref<8x1x256xf32, #tpu.memory_space<hbm>>
      %dma_start3A_1389 = tpu.memref_slice %arg6[%dma_start3A_1380] : memref<2x!tpu.dma_semaphore, #tpu.memory_space<semaphore_mem>> -> memref<1x!tpu.dma_semaphore, #tpu.memory_space<semaphore_mem>>
      %dma_start3A_1390 = tpu.memref_squeeze %dma_start3A_1389 : memref<1x!tpu.dma_semaphore, #tpu.memory_space<semaphore_mem>> -> memref<!tpu.dma_semaphore, #tpu.memory_space<semaphore_mem>>
      %dma_start3A_1391 = arith.constant 15 : i32
      %dma_start3A_1392 = arith.constant 0 : i32
      %dma_start3A_1393 = tpu.memref_slice %arg3[%add3A_1078, %dma_start3A_1391, %dma_start3A_1392] : memref<16384x16x256xf32, #tpu.memory_space<hbm>> -> memref<8x1x256xf32, #tpu.memory_space<hbm>>
      %dma_start3A_1394 = arith.constant 0 : i32
      %dma_start3A_1395 = arith.constant 9 : i32
      %dma_start3A_1396 = arith.constant 0 : i32
      %dma_start3A_1397 = tpu.memref_slice %arg4[%dma_start3A_1379, %dma_start3A_1394, %dma_start3A_1395, %dma_start3A_1396] : memref<2x8x10x256xf32, #tpu.memory_space<vmem>> -> memref<1x8x1x256xf32, #tpu.memory_space<vmem>>
      %dma_start3A_1398 = tpu.memref_squeeze %dma_start3A_1397 : memref<1x8x1x256xf32, #tpu.memory_space<vmem>> -> memref<8x1x256xf32, #tpu.memory_space<vmem>>
      tpu.enqueue_dma source(%dma_start3A_1398 : memref<8x1x256xf32, #tpu.memory_space<vmem>>) target(%dma_start3A_1393 : memref<8x1x256xf32, #tpu.memory_space<hbm>>) target_semaphore(%dma_start3A_1390 : memref<!tpu.dma_semaphore, #tpu.memory_space<semaphore_mem>>)
      %lt3A_1399 = arith.constant 31 : i32
      %lt3A_1400 = arith.cmpi slt, %scan3A_695, %lt3A_1399 : i32
      %convert_element_type3A_1401 = arith.extui %lt3A_1400 : i1 to i32
      %cond3A_1402 = arith.constant 0 : i32
      %cond3A_1403 = arith.cmpi ne, %convert_element_type3A_1401, %cond3A_1402 : i32
      scf.if %cond3A_1403 {
        %mul3A_1405 = arith.constant 8 : i32
        %mul3A_1406 = arith.muli %add3A_1052, %mul3A_1405 : i32
        %add3A_1407 = arith.addi %mul3A_2, %mul3A_1406 : i32
        %dma_wait3A_1408 = arith.constant 1 : i32
        %dma_wait3A_1409 = arith.constant 1 : i32
        %dma_wait3A_1410 = arith.constant 0 : i32
        %dma_wait3A_1411 = arith.constant 4 : i32
        %dma_wait3A_1412 = arith.constant 0 : i32
        %dma_wait3A_1413 = tpu.memref_slice %arg4[%dma_wait3A_1408, %dma_wait3A_1410, %dma_wait3A_1411, %dma_wait3A_1412] : memref<2x8x10x256xf32, #tpu.memory_space<vmem>> -> memref<1x8x1x256xf32, #tpu.memory_space<vmem>>
        %dma_wait3A_1414 = tpu.memref_squeeze %dma_wait3A_1413 : memref<1x8x1x256xf32, #tpu.memory_space<vmem>> -> memref<8x1x256xf32, #tpu.memory_space<vmem>>
        %dma_wait3A_1415 = arith.constant 0 : i32
        %dma_wait3A_1416 = arith.constant 0 : i32
        %dma_wait3A_1417 = tpu.memref_slice %arg3[%add3A_1407, %dma_wait3A_1415, %dma_wait3A_1416] : memref<16384x16x256xf32, #tpu.memory_space<hbm>> -> memref<8x1x256xf32, #tpu.memory_space<hbm>>
        %dma_wait3A_1418 = tpu.memref_slice %arg6[%dma_wait3A_1409] : memref<2x!tpu.dma_semaphore, #tpu.memory_space<semaphore_mem>> -> memref<1x!tpu.dma_semaphore, #tpu.memory_space<semaphore_mem>>
        %dma_wait3A_1419 = tpu.memref_squeeze %dma_wait3A_1418 : memref<1x!tpu.dma_semaphore, #tpu.memory_space<semaphore_mem>> -> memref<!tpu.dma_semaphore, #tpu.memory_space<semaphore_mem>>
        %dma_wait3A_1420 = arith.constant 0 : i32
        %dma_wait3A_1421 = arith.constant 0 : i32
        %dma_wait3A_1422 = tpu.memref_slice %arg3[%add3A_1407, %dma_wait3A_1420, %dma_wait3A_1421] : memref<16384x16x256xf32, #tpu.memory_space<hbm>> -> memref<8x1x256xf32, #tpu.memory_space<hbm>>
        %dma_wait3A_1423 = arith.constant 0 : i32
        %dma_wait3A_1424 = arith.constant 4 : i32
        %dma_wait3A_1425 = arith.constant 0 : i32
        %dma_wait3A_1426 = tpu.memref_slice %arg4[%dma_wait3A_1408, %dma_wait3A_1423, %dma_wait3A_1424, %dma_wait3A_1425] : memref<2x8x10x256xf32, #tpu.memory_space<vmem>> -> memref<1x8x1x256xf32, #tpu.memory_space<vmem>>
        %dma_wait3A_1427 = tpu.memref_squeeze %dma_wait3A_1426 : memref<1x8x1x256xf32, #tpu.memory_space<vmem>> -> memref<8x1x256xf32, #tpu.memory_space<vmem>>
        tpu.wait_dma2 semaphore(%dma_wait3A_1419 : memref<!tpu.dma_semaphore, #tpu.memory_space<semaphore_mem>>) src(%dma_wait3A_1427 : memref<8x1x256xf32, #tpu.memory_space<vmem>>) dst(%dma_wait3A_1422 : memref<8x1x256xf32, #tpu.memory_space<hbm>>)
        %dma_wait3A_1428 = arith.constant 1 : i32
        %dma_wait3A_1429 = arith.constant 1 : i32
        %dma_wait3A_1430 = arith.constant 0 : i32
        %dma_wait3A_1431 = arith.constant 2 : i32
        %dma_wait3A_1432 = arith.constant 0 : i32
        %dma_wait3A_1433 = tpu.memref_slice %arg4[%dma_wait3A_1428, %dma_wait3A_1430, %dma_wait3A_1431, %dma_wait3A_1432] : memref<2x8x10x256xf32, #tpu.memory_space<vmem>> -> memref<1x8x1x256xf32, #tpu.memory_space<vmem>>
        %dma_wait3A_1434 = tpu.memref_squeeze %dma_wait3A_1433 : memref<1x8x1x256xf32, #tpu.memory_space<vmem>> -> memref<8x1x256xf32, #tpu.memory_space<vmem>>
        %dma_wait3A_1435 = arith.constant 1 : i32
        %dma_wait3A_1436 = arith.constant 0 : i32
        %dma_wait3A_1437 = tpu.memref_slice %arg3[%add3A_1407, %dma_wait3A_1435, %dma_wait3A_1436] : memref<16384x16x256xf32, #tpu.memory_space<hbm>> -> memref<8x1x256xf32, #tpu.memory_space<hbm>>
        %dma_wait3A_1438 = tpu.memref_slice %arg6[%dma_wait3A_1429] : memref<2x!tpu.dma_semaphore, #tpu.memory_space<semaphore_mem>> -> memref<1x!tpu.dma_semaphore, #tpu.memory_space<semaphore_mem>>
        %dma_wait3A_1439 = tpu.memref_squeeze %dma_wait3A_1438 : memref<1x!tpu.dma_semaphore, #tpu.memory_space<semaphore_mem>> -> memref<!tpu.dma_semaphore, #tpu.memory_space<semaphore_mem>>
        %dma_wait3A_1440 = arith.constant 1 : i32
        %dma_wait3A_1441 = arith.constant 0 : i32
        %dma_wait3A_1442 = tpu.memref_slice %arg3[%add3A_1407, %dma_wait3A_1440, %dma_wait3A_1441] : memref<16384x16x256xf32, #tpu.memory_space<hbm>> -> memref<8x1x256xf32, #tpu.memory_space<hbm>>
        %dma_wait3A_1443 = arith.constant 0 : i32
        %dma_wait3A_1444 = arith.constant 2 : i32
        %dma_wait3A_1445 = arith.constant 0 : i32
        %dma_wait3A_1446 = tpu.memref_slice %arg4[%dma_wait3A_1428, %dma_wait3A_1443, %dma_wait3A_1444, %dma_wait3A_1445] : memref<2x8x10x256xf32, #tpu.memory_space<vmem>> -> memref<1x8x1x256xf32, #tpu.memory_space<vmem>>
        %dma_wait3A_1447 = tpu.memref_squeeze %dma_wait3A_1446 : memref<1x8x1x256xf32, #tpu.memory_space<vmem>> -> memref<8x1x256xf32, #tpu.memory_space<vmem>>
        tpu.wait_dma2 semaphore(%dma_wait3A_1439 : memref<!tpu.dma_semaphore, #tpu.memory_space<semaphore_mem>>) src(%dma_wait3A_1447 : memref<8x1x256xf32, #tpu.memory_space<vmem>>) dst(%dma_wait3A_1442 : memref<8x1x256xf32, #tpu.memory_space<hbm>>)
        %dma_wait3A_1448 = arith.constant 1 : i32
        %dma_wait3A_1449 = arith.constant 1 : i32
        %dma_wait3A_1450 = arith.constant 0 : i32
        %dma_wait3A_1451 = arith.constant 3 : i32
        %dma_wait3A_1452 = arith.constant 0 : i32
        %dma_wait3A_1453 = tpu.memref_slice %arg4[%dma_wait3A_1448, %dma_wait3A_1450, %dma_wait3A_1451, %dma_wait3A_1452] : memref<2x8x10x256xf32, #tpu.memory_space<vmem>> -> memref<1x8x1x256xf32, #tpu.memory_space<vmem>>
        %dma_wait3A_1454 = tpu.memref_squeeze %dma_wait3A_1453 : memref<1x8x1x256xf32, #tpu.memory_space<vmem>> -> memref<8x1x256xf32, #tpu.memory_space<vmem>>
        %dma_wait3A_1455 = arith.constant 2 : i32
        %dma_wait3A_1456 = arith.constant 0 : i32
        %dma_wait3A_1457 = tpu.memref_slice %arg3[%add3A_1407, %dma_wait3A_1455, %dma_wait3A_1456] : memref<16384x16x256xf32, #tpu.memory_space<hbm>> -> memref<8x1x256xf32, #tpu.memory_space<hbm>>
        %dma_wait3A_1458 = tpu.memref_slice %arg6[%dma_wait3A_1449] : memref<2x!tpu.dma_semaphore, #tpu.memory_space<semaphore_mem>> -> memref<1x!tpu.dma_semaphore, #tpu.memory_space<semaphore_mem>>
        %dma_wait3A_1459 = tpu.memref_squeeze %dma_wait3A_1458 : memref<1x!tpu.dma_semaphore, #tpu.memory_space<semaphore_mem>> -> memref<!tpu.dma_semaphore, #tpu.memory_space<semaphore_mem>>
        %dma_wait3A_1460 = arith.constant 2 : i32
        %dma_wait3A_1461 = arith.constant 0 : i32
        %dma_wait3A_1462 = tpu.memref_slice %arg3[%add3A_1407, %dma_wait3A_1460, %dma_wait3A_1461] : memref<16384x16x256xf32, #tpu.memory_space<hbm>> -> memref<8x1x256xf32, #tpu.memory_space<hbm>>
        %dma_wait3A_1463 = arith.constant 0 : i32
        %dma_wait3A_1464 = arith.constant 3 : i32
        %dma_wait3A_1465 = arith.constant 0 : i32
        %dma_wait3A_1466 = tpu.memref_slice %arg4[%dma_wait3A_1448, %dma_wait3A_1463, %dma_wait3A_1464, %dma_wait3A_1465] : memref<2x8x10x256xf32, #tpu.memory_space<vmem>> -> memref<1x8x1x256xf32, #tpu.memory_space<vmem>>
        %dma_wait3A_1467 = tpu.memref_squeeze %dma_wait3A_1466 : memref<1x8x1x256xf32, #tpu.memory_space<vmem>> -> memref<8x1x256xf32, #tpu.memory_space<vmem>>
        tpu.wait_dma2 semaphore(%dma_wait3A_1459 : memref<!tpu.dma_semaphore, #tpu.memory_space<semaphore_mem>>) src(%dma_wait3A_1467 : memref<8x1x256xf32, #tpu.memory_space<vmem>>) dst(%dma_wait3A_1462 : memref<8x1x256xf32, #tpu.memory_space<hbm>>)
        %dma_wait3A_1468 = arith.constant 1 : i32
        %dma_wait3A_1469 = arith.constant 1 : i32
        %dma_wait3A_1470 = arith.constant 0 : i32
        %dma_wait3A_1471 = arith.constant 3 : i32
        %dma_wait3A_1472 = arith.constant 0 : i32
        %dma_wait3A_1473 = tpu.memref_slice %arg4[%dma_wait3A_1468, %dma_wait3A_1470, %dma_wait3A_1471, %dma_wait3A_1472] : memref<2x8x10x256xf32, #tpu.memory_space<vmem>> -> memref<1x8x1x256xf32, #tpu.memory_space<vmem>>
        %dma_wait3A_1474 = tpu.memref_squeeze %dma_wait3A_1473 : memref<1x8x1x256xf32, #tpu.memory_space<vmem>> -> memref<8x1x256xf32, #tpu.memory_space<vmem>>
        %dma_wait3A_1475 = arith.constant 3 : i32
        %dma_wait3A_1476 = arith.constant 0 : i32
        %dma_wait3A_1477 = tpu.memref_slice %arg3[%add3A_1407, %dma_wait3A_1475, %dma_wait3A_1476] : memref<16384x16x256xf32, #tpu.memory_space<hbm>> -> memref<8x1x256xf32, #tpu.memory_space<hbm>>
        %dma_wait3A_1478 = tpu.memref_slice %arg6[%dma_wait3A_1469] : memref<2x!tpu.dma_semaphore, #tpu.memory_space<semaphore_mem>> -> memref<1x!tpu.dma_semaphore, #tpu.memory_space<semaphore_mem>>
        %dma_wait3A_1479 = tpu.memref_squeeze %dma_wait3A_1478 : memref<1x!tpu.dma_semaphore, #tpu.memory_space<semaphore_mem>> -> memref<!tpu.dma_semaphore, #tpu.memory_space<semaphore_mem>>
        %dma_wait3A_1480 = arith.constant 3 : i32
        %dma_wait3A_1481 = arith.constant 0 : i32
        %dma_wait3A_1482 = tpu.memref_slice %arg3[%add3A_1407, %dma_wait3A_1480, %dma_wait3A_1481] : memref<16384x16x256xf32, #tpu.memory_space<hbm>> -> memref<8x1x256xf32, #tpu.memory_space<hbm>>
        %dma_wait3A_1483 = arith.constant 0 : i32
        %dma_wait3A_1484 = arith.constant 3 : i32
        %dma_wait3A_1485 = arith.constant 0 : i32
        %dma_wait3A_1486 = tpu.memref_slice %arg4[%dma_wait3A_1468, %dma_wait3A_1483, %dma_wait3A_1484, %dma_wait3A_1485] : memref<2x8x10x256xf32, #tpu.memory_space<vmem>> -> memref<1x8x1x256xf32, #tpu.memory_space<vmem>>
        %dma_wait3A_1487 = tpu.memref_squeeze %dma_wait3A_1486 : memref<1x8x1x256xf32, #tpu.memory_space<vmem>> -> memref<8x1x256xf32, #tpu.memory_space<vmem>>
        tpu.wait_dma2 semaphore(%dma_wait3A_1479 : memref<!tpu.dma_semaphore, #tpu.memory_space<semaphore_mem>>) src(%dma_wait3A_1487 : memref<8x1x256xf32, #tpu.memory_space<vmem>>) dst(%dma_wait3A_1482 : memref<8x1x256xf32, #tpu.memory_space<hbm>>)
        %dma_wait3A_1488 = arith.constant 1 : i32
        %dma_wait3A_1489 = arith.constant 1 : i32
        %dma_wait3A_1490 = arith.constant 0 : i32
        %dma_wait3A_1491 = arith.constant 0 : i32
        %dma_wait3A_1492 = arith.constant 0 : i32
        %dma_wait3A_1493 = tpu.memref_slice %arg4[%dma_wait3A_1488, %dma_wait3A_1490, %dma_wait3A_1491, %dma_wait3A_1492] : memref<2x8x10x256xf32, #tpu.memory_space<vmem>> -> memref<1x8x1x256xf32, #tpu.memory_space<vmem>>
        %dma_wait3A_1494 = tpu.memref_squeeze %dma_wait3A_1493 : memref<1x8x1x256xf32, #tpu.memory_space<vmem>> -> memref<8x1x256xf32, #tpu.memory_space<vmem>>
        %dma_wait3A_1495 = arith.constant 4 : i32
        %dma_wait3A_1496 = arith.constant 0 : i32
        %dma_wait3A_1497 = tpu.memref_slice %arg3[%add3A_1407, %dma_wait3A_1495, %dma_wait3A_1496] : memref<16384x16x256xf32, #tpu.memory_space<hbm>> -> memref<8x1x256xf32, #tpu.memory_space<hbm>>
        %dma_wait3A_1498 = tpu.memref_slice %arg6[%dma_wait3A_1489] : memref<2x!tpu.dma_semaphore, #tpu.memory_space<semaphore_mem>> -> memref<1x!tpu.dma_semaphore, #tpu.memory_space<semaphore_mem>>
        %dma_wait3A_1499 = tpu.memref_squeeze %dma_wait3A_1498 : memref<1x!tpu.dma_semaphore, #tpu.memory_space<semaphore_mem>> -> memref<!tpu.dma_semaphore, #tpu.memory_space<semaphore_mem>>
        %dma_wait3A_1500 = arith.constant 4 : i32
        %dma_wait3A_1501 = arith.constant 0 : i32
        %dma_wait3A_1502 = tpu.memref_slice %arg3[%add3A_1407, %dma_wait3A_1500, %dma_wait3A_1501] : memref<16384x16x256xf32, #tpu.memory_space<hbm>> -> memref<8x1x256xf32, #tpu.memory_space<hbm>>
        %dma_wait3A_1503 = arith.constant 0 : i32
        %dma_wait3A_1504 = arith.constant 0 : i32
        %dma_wait3A_1505 = arith.constant 0 : i32
        %dma_wait3A_1506 = tpu.memref_slice %arg4[%dma_wait3A_1488, %dma_wait3A_1503, %dma_wait3A_1504, %dma_wait3A_1505] : memref<2x8x10x256xf32, #tpu.memory_space<vmem>> -> memref<1x8x1x256xf32, #tpu.memory_space<vmem>>
        %dma_wait3A_1507 = tpu.memref_squeeze %dma_wait3A_1506 : memref<1x8x1x256xf32, #tpu.memory_space<vmem>> -> memref<8x1x256xf32, #tpu.memory_space<vmem>>
        tpu.wait_dma2 semaphore(%dma_wait3A_1499 : memref<!tpu.dma_semaphore, #tpu.memory_space<semaphore_mem>>) src(%dma_wait3A_1507 : memref<8x1x256xf32, #tpu.memory_space<vmem>>) dst(%dma_wait3A_1502 : memref<8x1x256xf32, #tpu.memory_space<hbm>>)
        %dma_wait3A_1508 = arith.constant 1 : i32
        %dma_wait3A_1509 = arith.constant 1 : i32
        %dma_wait3A_1510 = arith.constant 0 : i32
        %dma_wait3A_1511 = arith.constant 1 : i32
        %dma_wait3A_1512 = arith.constant 0 : i32
        %dma_wait3A_1513 = tpu.memref_slice %arg4[%dma_wait3A_1508, %dma_wait3A_1510, %dma_wait3A_1511, %dma_wait3A_1512] : memref<2x8x10x256xf32, #tpu.memory_space<vmem>> -> memref<1x8x1x256xf32, #tpu.memory_space<vmem>>
        %dma_wait3A_1514 = tpu.memref_squeeze %dma_wait3A_1513 : memref<1x8x1x256xf32, #tpu.memory_space<vmem>> -> memref<8x1x256xf32, #tpu.memory_space<vmem>>
        %dma_wait3A_1515 = arith.constant 5 : i32
        %dma_wait3A_1516 = arith.constant 0 : i32
        %dma_wait3A_1517 = tpu.memref_slice %arg3[%add3A_1407, %dma_wait3A_1515, %dma_wait3A_1516] : memref<16384x16x256xf32, #tpu.memory_space<hbm>> -> memref<8x1x256xf32, #tpu.memory_space<hbm>>
        %dma_wait3A_1518 = tpu.memref_slice %arg6[%dma_wait3A_1509] : memref<2x!tpu.dma_semaphore, #tpu.memory_space<semaphore_mem>> -> memref<1x!tpu.dma_semaphore, #tpu.memory_space<semaphore_mem>>
        %dma_wait3A_1519 = tpu.memref_squeeze %dma_wait3A_1518 : memref<1x!tpu.dma_semaphore, #tpu.memory_space<semaphore_mem>> -> memref<!tpu.dma_semaphore, #tpu.memory_space<semaphore_mem>>
        %dma_wait3A_1520 = arith.constant 5 : i32
        %dma_wait3A_1521 = arith.constant 0 : i32
        %dma_wait3A_1522 = tpu.memref_slice %arg3[%add3A_1407, %dma_wait3A_1520, %dma_wait3A_1521] : memref<16384x16x256xf32, #tpu.memory_space<hbm>> -> memref<8x1x256xf32, #tpu.memory_space<hbm>>
        %dma_wait3A_1523 = arith.constant 0 : i32
        %dma_wait3A_1524 = arith.constant 1 : i32
        %dma_wait3A_1525 = arith.constant 0 : i32
        %dma_wait3A_1526 = tpu.memref_slice %arg4[%dma_wait3A_1508, %dma_wait3A_1523, %dma_wait3A_1524, %dma_wait3A_1525] : memref<2x8x10x256xf32, #tpu.memory_space<vmem>> -> memref<1x8x1x256xf32, #tpu.memory_space<vmem>>
        %dma_wait3A_1527 = tpu.memref_squeeze %dma_wait3A_1526 : memref<1x8x1x256xf32, #tpu.memory_space<vmem>> -> memref<8x1x256xf32, #tpu.memory_space<vmem>>
        tpu.wait_dma2 semaphore(%dma_wait3A_1519 : memref<!tpu.dma_semaphore, #tpu.memory_space<semaphore_mem>>) src(%dma_wait3A_1527 : memref<8x1x256xf32, #tpu.memory_space<vmem>>) dst(%dma_wait3A_1522 : memref<8x1x256xf32, #tpu.memory_space<hbm>>)
        %dma_wait3A_1528 = arith.constant 1 : i32
        %dma_wait3A_1529 = arith.constant 1 : i32
        %dma_wait3A_1530 = arith.constant 0 : i32
        %dma_wait3A_1531 = arith.constant 1 : i32
        %dma_wait3A_1532 = arith.constant 0 : i32
        %dma_wait3A_1533 = tpu.memref_slice %arg4[%dma_wait3A_1528, %dma_wait3A_1530, %dma_wait3A_1531, %dma_wait3A_1532] : memref<2x8x10x256xf32, #tpu.memory_space<vmem>> -> memref<1x8x1x256xf32, #tpu.memory_space<vmem>>
        %dma_wait3A_1534 = tpu.memref_squeeze %dma_wait3A_1533 : memref<1x8x1x256xf32, #tpu.memory_space<vmem>> -> memref<8x1x256xf32, #tpu.memory_space<vmem>>
        %dma_wait3A_1535 = arith.constant 6 : i32
        %dma_wait3A_1536 = arith.constant 0 : i32
        %dma_wait3A_1537 = tpu.memref_slice %arg3[%add3A_1407, %dma_wait3A_1535, %dma_wait3A_1536] : memref<16384x16x256xf32, #tpu.memory_space<hbm>> -> memref<8x1x256xf32, #tpu.memory_space<hbm>>
        %dma_wait3A_1538 = tpu.memref_slice %arg6[%dma_wait3A_1529] : memref<2x!tpu.dma_semaphore, #tpu.memory_space<semaphore_mem>> -> memref<1x!tpu.dma_semaphore, #tpu.memory_space<semaphore_mem>>
        %dma_wait3A_1539 = tpu.memref_squeeze %dma_wait3A_1538 : memref<1x!tpu.dma_semaphore, #tpu.memory_space<semaphore_mem>> -> memref<!tpu.dma_semaphore, #tpu.memory_space<semaphore_mem>>
        %dma_wait3A_1540 = arith.constant 6 : i32
        %dma_wait3A_1541 = arith.constant 0 : i32
        %dma_wait3A_1542 = tpu.memref_slice %arg3[%add3A_1407, %dma_wait3A_1540, %dma_wait3A_1541] : memref<16384x16x256xf32, #tpu.memory_space<hbm>> -> memref<8x1x256xf32, #tpu.memory_space<hbm>>
        %dma_wait3A_1543 = arith.constant 0 : i32
        %dma_wait3A_1544 = arith.constant 1 : i32
        %dma_wait3A_1545 = arith.constant 0 : i32
        %dma_wait3A_1546 = tpu.memref_slice %arg4[%dma_wait3A_1528, %dma_wait3A_1543, %dma_wait3A_1544, %dma_wait3A_1545] : memref<2x8x10x256xf32, #tpu.memory_space<vmem>> -> memref<1x8x1x256xf32, #tpu.memory_space<vmem>>
        %dma_wait3A_1547 = tpu.memref_squeeze %dma_wait3A_1546 : memref<1x8x1x256xf32, #tpu.memory_space<vmem>> -> memref<8x1x256xf32, #tpu.memory_space<vmem>>
        tpu.wait_dma2 semaphore(%dma_wait3A_1539 : memref<!tpu.dma_semaphore, #tpu.memory_space<semaphore_mem>>) src(%dma_wait3A_1547 : memref<8x1x256xf32, #tpu.memory_space<vmem>>) dst(%dma_wait3A_1542 : memref<8x1x256xf32, #tpu.memory_space<hbm>>)
        %dma_wait3A_1548 = arith.constant 1 : i32
        %dma_wait3A_1549 = arith.constant 1 : i32
        %dma_wait3A_1550 = arith.constant 0 : i32
        %dma_wait3A_1551 = arith.constant 4 : i32
        %dma_wait3A_1552 = arith.constant 0 : i32
        %dma_wait3A_1553 = tpu.memref_slice %arg4[%dma_wait3A_1548, %dma_wait3A_1550, %dma_wait3A_1551, %dma_wait3A_1552] : memref<2x8x10x256xf32, #tpu.memory_space<vmem>> -> memref<1x8x1x256xf32, #tpu.memory_space<vmem>>
        %dma_wait3A_1554 = tpu.memref_squeeze %dma_wait3A_1553 : memref<1x8x1x256xf32, #tpu.memory_space<vmem>> -> memref<8x1x256xf32, #tpu.memory_space<vmem>>
        %dma_wait3A_1555 = arith.constant 7 : i32
        %dma_wait3A_1556 = arith.constant 0 : i32
        %dma_wait3A_1557 = tpu.memref_slice %arg3[%add3A_1407, %dma_wait3A_1555, %dma_wait3A_1556] : memref<16384x16x256xf32, #tpu.memory_space<hbm>> -> memref<8x1x256xf32, #tpu.memory_space<hbm>>
        %dma_wait3A_1558 = tpu.memref_slice %arg6[%dma_wait3A_1549] : memref<2x!tpu.dma_semaphore, #tpu.memory_space<semaphore_mem>> -> memref<1x!tpu.dma_semaphore, #tpu.memory_space<semaphore_mem>>
        %dma_wait3A_1559 = tpu.memref_squeeze %dma_wait3A_1558 : memref<1x!tpu.dma_semaphore, #tpu.memory_space<semaphore_mem>> -> memref<!tpu.dma_semaphore, #tpu.memory_space<semaphore_mem>>
        %dma_wait3A_1560 = arith.constant 7 : i32
        %dma_wait3A_1561 = arith.constant 0 : i32
        %dma_wait3A_1562 = tpu.memref_slice %arg3[%add3A_1407, %dma_wait3A_1560, %dma_wait3A_1561] : memref<16384x16x256xf32, #tpu.memory_space<hbm>> -> memref<8x1x256xf32, #tpu.memory_space<hbm>>
        %dma_wait3A_1563 = arith.constant 0 : i32
        %dma_wait3A_1564 = arith.constant 4 : i32
        %dma_wait3A_1565 = arith.constant 0 : i32
        %dma_wait3A_1566 = tpu.memref_slice %arg4[%dma_wait3A_1548, %dma_wait3A_1563, %dma_wait3A_1564, %dma_wait3A_1565] : memref<2x8x10x256xf32, #tpu.memory_space<vmem>> -> memref<1x8x1x256xf32, #tpu.memory_space<vmem>>
        %dma_wait3A_1567 = tpu.memref_squeeze %dma_wait3A_1566 : memref<1x8x1x256xf32, #tpu.memory_space<vmem>> -> memref<8x1x256xf32, #tpu.memory_space<vmem>>
        tpu.wait_dma2 semaphore(%dma_wait3A_1559 : memref<!tpu.dma_semaphore, #tpu.memory_space<semaphore_mem>>) src(%dma_wait3A_1567 : memref<8x1x256xf32, #tpu.memory_space<vmem>>) dst(%dma_wait3A_1562 : memref<8x1x256xf32, #tpu.memory_space<hbm>>)
        %dma_wait3A_1568 = arith.constant 1 : i32
        %dma_wait3A_1569 = arith.constant 1 : i32
        %dma_wait3A_1570 = arith.constant 0 : i32
        %dma_wait3A_1571 = arith.constant 4 : i32
        %dma_wait3A_1572 = arith.constant 0 : i32
        %dma_wait3A_1573 = tpu.memref_slice %arg4[%dma_wait3A_1568, %dma_wait3A_1570, %dma_wait3A_1571, %dma_wait3A_1572] : memref<2x8x10x256xf32, #tpu.memory_space<vmem>> -> memref<1x8x1x256xf32, #tpu.memory_space<vmem>>
        %dma_wait3A_1574 = tpu.memref_squeeze %dma_wait3A_1573 : memref<1x8x1x256xf32, #tpu.memory_space<vmem>> -> memref<8x1x256xf32, #tpu.memory_space<vmem>>
        %dma_wait3A_1575 = arith.constant 8 : i32
        %dma_wait3A_1576 = arith.constant 0 : i32
        %dma_wait3A_1577 = tpu.memref_slice %arg3[%add3A_1407, %dma_wait3A_1575, %dma_wait3A_1576] : memref<16384x16x256xf32, #tpu.memory_space<hbm>> -> memref<8x1x256xf32, #tpu.memory_space<hbm>>
        %dma_wait3A_1578 = tpu.memref_slice %arg6[%dma_wait3A_1569] : memref<2x!tpu.dma_semaphore, #tpu.memory_space<semaphore_mem>> -> memref<1x!tpu.dma_semaphore, #tpu.memory_space<semaphore_mem>>
        %dma_wait3A_1579 = tpu.memref_squeeze %dma_wait3A_1578 : memref<1x!tpu.dma_semaphore, #tpu.memory_space<semaphore_mem>> -> memref<!tpu.dma_semaphore, #tpu.memory_space<semaphore_mem>>
        %dma_wait3A_1580 = arith.constant 8 : i32
        %dma_wait3A_1581 = arith.constant 0 : i32
        %dma_wait3A_1582 = tpu.memref_slice %arg3[%add3A_1407, %dma_wait3A_1580, %dma_wait3A_1581] : memref<16384x16x256xf32, #tpu.memory_space<hbm>> -> memref<8x1x256xf32, #tpu.memory_space<hbm>>
        %dma_wait3A_1583 = arith.constant 0 : i32
        %dma_wait3A_1584 = arith.constant 4 : i32
        %dma_wait3A_1585 = arith.constant 0 : i32
        %dma_wait3A_1586 = tpu.memref_slice %arg4[%dma_wait3A_1568, %dma_wait3A_1583, %dma_wait3A_1584, %dma_wait3A_1585] : memref<2x8x10x256xf32, #tpu.memory_space<vmem>> -> memref<1x8x1x256xf32, #tpu.memory_space<vmem>>
        %dma_wait3A_1587 = tpu.memref_squeeze %dma_wait3A_1586 : memref<1x8x1x256xf32, #tpu.memory_space<vmem>> -> memref<8x1x256xf32, #tpu.memory_space<vmem>>
        tpu.wait_dma2 semaphore(%dma_wait3A_1579 : memref<!tpu.dma_semaphore, #tpu.memory_space<semaphore_mem>>) src(%dma_wait3A_1587 : memref<8x1x256xf32, #tpu.memory_space<vmem>>) dst(%dma_wait3A_1582 : memref<8x1x256xf32, #tpu.memory_space<hbm>>)
        %dma_wait3A_1588 = arith.constant 1 : i32
        %dma_wait3A_1589 = arith.constant 1 : i32
        %dma_wait3A_1590 = arith.constant 0 : i32
        %dma_wait3A_1591 = arith.constant 5 : i32
        %dma_wait3A_1592 = arith.constant 0 : i32
        %dma_wait3A_1593 = tpu.memref_slice %arg4[%dma_wait3A_1588, %dma_wait3A_1590, %dma_wait3A_1591, %dma_wait3A_1592] : memref<2x8x10x256xf32, #tpu.memory_space<vmem>> -> memref<1x8x1x256xf32, #tpu.memory_space<vmem>>
        %dma_wait3A_1594 = tpu.memref_squeeze %dma_wait3A_1593 : memref<1x8x1x256xf32, #tpu.memory_space<vmem>> -> memref<8x1x256xf32, #tpu.memory_space<vmem>>
        %dma_wait3A_1595 = arith.constant 9 : i32
        %dma_wait3A_1596 = arith.constant 0 : i32
        %dma_wait3A_1597 = tpu.memref_slice %arg3[%add3A_1407, %dma_wait3A_1595, %dma_wait3A_1596] : memref<16384x16x256xf32, #tpu.memory_space<hbm>> -> memref<8x1x256xf32, #tpu.memory_space<hbm>>
        %dma_wait3A_1598 = tpu.memref_slice %arg6[%dma_wait3A_1589] : memref<2x!tpu.dma_semaphore, #tpu.memory_space<semaphore_mem>> -> memref<1x!tpu.dma_semaphore, #tpu.memory_space<semaphore_mem>>
        %dma_wait3A_1599 = tpu.memref_squeeze %dma_wait3A_1598 : memref<1x!tpu.dma_semaphore, #tpu.memory_space<semaphore_mem>> -> memref<!tpu.dma_semaphore, #tpu.memory_space<semaphore_mem>>
        %dma_wait3A_1600 = arith.constant 9 : i32
        %dma_wait3A_1601 = arith.constant 0 : i32
        %dma_wait3A_1602 = tpu.memref_slice %arg3[%add3A_1407, %dma_wait3A_1600, %dma_wait3A_1601] : memref<16384x16x256xf32, #tpu.memory_space<hbm>> -> memref<8x1x256xf32, #tpu.memory_space<hbm>>
        %dma_wait3A_1603 = arith.constant 0 : i32
        %dma_wait3A_1604 = arith.constant 5 : i32
        %dma_wait3A_1605 = arith.constant 0 : i32
        %dma_wait3A_1606 = tpu.memref_slice %arg4[%dma_wait3A_1588, %dma_wait3A_1603, %dma_wait3A_1604, %dma_wait3A_1605] : memref<2x8x10x256xf32, #tpu.memory_space<vmem>> -> memref<1x8x1x256xf32, #tpu.memory_space<vmem>>
        %dma_wait3A_1607 = tpu.memref_squeeze %dma_wait3A_1606 : memref<1x8x1x256xf32, #tpu.memory_space<vmem>> -> memref<8x1x256xf32, #tpu.memory_space<vmem>>
        tpu.wait_dma2 semaphore(%dma_wait3A_1599 : memref<!tpu.dma_semaphore, #tpu.memory_space<semaphore_mem>>) src(%dma_wait3A_1607 : memref<8x1x256xf32, #tpu.memory_space<vmem>>) dst(%dma_wait3A_1602 : memref<8x1x256xf32, #tpu.memory_space<hbm>>)
        %dma_wait3A_1608 = arith.constant 1 : i32
        %dma_wait3A_1609 = arith.constant 1 : i32
        %dma_wait3A_1610 = arith.constant 0 : i32
        %dma_wait3A_1611 = arith.constant 6 : i32
        %dma_wait3A_1612 = arith.constant 0 : i32
        %dma_wait3A_1613 = tpu.memref_slice %arg4[%dma_wait3A_1608, %dma_wait3A_1610, %dma_wait3A_1611, %dma_wait3A_1612] : memref<2x8x10x256xf32, #tpu.memory_space<vmem>> -> memref<1x8x1x256xf32, #tpu.memory_space<vmem>>
        %dma_wait3A_1614 = tpu.memref_squeeze %dma_wait3A_1613 : memref<1x8x1x256xf32, #tpu.memory_space<vmem>> -> memref<8x1x256xf32, #tpu.memory_space<vmem>>
        %dma_wait3A_1615 = arith.constant 10 : i32
        %dma_wait3A_1616 = arith.constant 0 : i32
        %dma_wait3A_1617 = tpu.memref_slice %arg3[%add3A_1407, %dma_wait3A_1615, %dma_wait3A_1616] : memref<16384x16x256xf32, #tpu.memory_space<hbm>> -> memref<8x1x256xf32, #tpu.memory_space<hbm>>
        %dma_wait3A_1618 = tpu.memref_slice %arg6[%dma_wait3A_1609] : memref<2x!tpu.dma_semaphore, #tpu.memory_space<semaphore_mem>> -> memref<1x!tpu.dma_semaphore, #tpu.memory_space<semaphore_mem>>
        %dma_wait3A_1619 = tpu.memref_squeeze %dma_wait3A_1618 : memref<1x!tpu.dma_semaphore, #tpu.memory_space<semaphore_mem>> -> memref<!tpu.dma_semaphore, #tpu.memory_space<semaphore_mem>>
        %dma_wait3A_1620 = arith.constant 10 : i32
        %dma_wait3A_1621 = arith.constant 0 : i32
        %dma_wait3A_1622 = tpu.memref_slice %arg3[%add3A_1407, %dma_wait3A_1620, %dma_wait3A_1621] : memref<16384x16x256xf32, #tpu.memory_space<hbm>> -> memref<8x1x256xf32, #tpu.memory_space<hbm>>
        %dma_wait3A_1623 = arith.constant 0 : i32
        %dma_wait3A_1624 = arith.constant 6 : i32
        %dma_wait3A_1625 = arith.constant 0 : i32
        %dma_wait3A_1626 = tpu.memref_slice %arg4[%dma_wait3A_1608, %dma_wait3A_1623, %dma_wait3A_1624, %dma_wait3A_1625] : memref<2x8x10x256xf32, #tpu.memory_space<vmem>> -> memref<1x8x1x256xf32, #tpu.memory_space<vmem>>
        %dma_wait3A_1627 = tpu.memref_squeeze %dma_wait3A_1626 : memref<1x8x1x256xf32, #tpu.memory_space<vmem>> -> memref<8x1x256xf32, #tpu.memory_space<vmem>>
        tpu.wait_dma2 semaphore(%dma_wait3A_1619 : memref<!tpu.dma_semaphore, #tpu.memory_space<semaphore_mem>>) src(%dma_wait3A_1627 : memref<8x1x256xf32, #tpu.memory_space<vmem>>) dst(%dma_wait3A_1622 : memref<8x1x256xf32, #tpu.memory_space<hbm>>)
        %dma_wait3A_1628 = arith.constant 1 : i32
        %dma_wait3A_1629 = arith.constant 1 : i32
        %dma_wait3A_1630 = arith.constant 0 : i32
        %dma_wait3A_1631 = arith.constant 7 : i32
        %dma_wait3A_1632 = arith.constant 0 : i32
        %dma_wait3A_1633 = tpu.memref_slice %arg4[%dma_wait3A_1628, %dma_wait3A_1630, %dma_wait3A_1631, %dma_wait3A_1632] : memref<2x8x10x256xf32, #tpu.memory_space<vmem>> -> memref<1x8x1x256xf32, #tpu.memory_space<vmem>>
        %dma_wait3A_1634 = tpu.memref_squeeze %dma_wait3A_1633 : memref<1x8x1x256xf32, #tpu.memory_space<vmem>> -> memref<8x1x256xf32, #tpu.memory_space<vmem>>
        %dma_wait3A_1635 = arith.constant 11 : i32
        %dma_wait3A_1636 = arith.constant 0 : i32
        %dma_wait3A_1637 = tpu.memref_slice %arg3[%add3A_1407, %dma_wait3A_1635, %dma_wait3A_1636] : memref<16384x16x256xf32, #tpu.memory_space<hbm>> -> memref<8x1x256xf32, #tpu.memory_space<hbm>>
        %dma_wait3A_1638 = tpu.memref_slice %arg6[%dma_wait3A_1629] : memref<2x!tpu.dma_semaphore, #tpu.memory_space<semaphore_mem>> -> memref<1x!tpu.dma_semaphore, #tpu.memory_space<semaphore_mem>>
        %dma_wait3A_1639 = tpu.memref_squeeze %dma_wait3A_1638 : memref<1x!tpu.dma_semaphore, #tpu.memory_space<semaphore_mem>> -> memref<!tpu.dma_semaphore, #tpu.memory_space<semaphore_mem>>
        %dma_wait3A_1640 = arith.constant 11 : i32
        %dma_wait3A_1641 = arith.constant 0 : i32
        %dma_wait3A_1642 = tpu.memref_slice %arg3[%add3A_1407, %dma_wait3A_1640, %dma_wait3A_1641] : memref<16384x16x256xf32, #tpu.memory_space<hbm>> -> memref<8x1x256xf32, #tpu.memory_space<hbm>>
        %dma_wait3A_1643 = arith.constant 0 : i32
        %dma_wait3A_1644 = arith.constant 7 : i32
        %dma_wait3A_1645 = arith.constant 0 : i32
        %dma_wait3A_1646 = tpu.memref_slice %arg4[%dma_wait3A_1628, %dma_wait3A_1643, %dma_wait3A_1644, %dma_wait3A_1645] : memref<2x8x10x256xf32, #tpu.memory_space<vmem>> -> memref<1x8x1x256xf32, #tpu.memory_space<vmem>>
        %dma_wait3A_1647 = tpu.memref_squeeze %dma_wait3A_1646 : memref<1x8x1x256xf32, #tpu.memory_space<vmem>> -> memref<8x1x256xf32, #tpu.memory_space<vmem>>
        tpu.wait_dma2 semaphore(%dma_wait3A_1639 : memref<!tpu.dma_semaphore, #tpu.memory_space<semaphore_mem>>) src(%dma_wait3A_1647 : memref<8x1x256xf32, #tpu.memory_space<vmem>>) dst(%dma_wait3A_1642 : memref<8x1x256xf32, #tpu.memory_space<hbm>>)
        %dma_wait3A_1648 = arith.constant 1 : i32
        %dma_wait3A_1649 = arith.constant 1 : i32
        %dma_wait3A_1650 = arith.constant 0 : i32
        %dma_wait3A_1651 = arith.constant 7 : i32
        %dma_wait3A_1652 = arith.constant 0 : i32
        %dma_wait3A_1653 = tpu.memref_slice %arg4[%dma_wait3A_1648, %dma_wait3A_1650, %dma_wait3A_1651, %dma_wait3A_1652] : memref<2x8x10x256xf32, #tpu.memory_space<vmem>> -> memref<1x8x1x256xf32, #tpu.memory_space<vmem>>
        %dma_wait3A_1654 = tpu.memref_squeeze %dma_wait3A_1653 : memref<1x8x1x256xf32, #tpu.memory_space<vmem>> -> memref<8x1x256xf32, #tpu.memory_space<vmem>>
        %dma_wait3A_1655 = arith.constant 12 : i32
        %dma_wait3A_1656 = arith.constant 0 : i32
        %dma_wait3A_1657 = tpu.memref_slice %arg3[%add3A_1407, %dma_wait3A_1655, %dma_wait3A_1656] : memref<16384x16x256xf32, #tpu.memory_space<hbm>> -> memref<8x1x256xf32, #tpu.memory_space<hbm>>
        %dma_wait3A_1658 = tpu.memref_slice %arg6[%dma_wait3A_1649] : memref<2x!tpu.dma_semaphore, #tpu.memory_space<semaphore_mem>> -> memref<1x!tpu.dma_semaphore, #tpu.memory_space<semaphore_mem>>
        %dma_wait3A_1659 = tpu.memref_squeeze %dma_wait3A_1658 : memref<1x!tpu.dma_semaphore, #tpu.memory_space<semaphore_mem>> -> memref<!tpu.dma_semaphore, #tpu.memory_space<semaphore_mem>>
        %dma_wait3A_1660 = arith.constant 12 : i32
        %dma_wait3A_1661 = arith.constant 0 : i32
        %dma_wait3A_1662 = tpu.memref_slice %arg3[%add3A_1407, %dma_wait3A_1660, %dma_wait3A_1661] : memref<16384x16x256xf32, #tpu.memory_space<hbm>> -> memref<8x1x256xf32, #tpu.memory_space<hbm>>
        %dma_wait3A_1663 = arith.constant 0 : i32
        %dma_wait3A_1664 = arith.constant 7 : i32
        %dma_wait3A_1665 = arith.constant 0 : i32
        %dma_wait3A_1666 = tpu.memref_slice %arg4[%dma_wait3A_1648, %dma_wait3A_1663, %dma_wait3A_1664, %dma_wait3A_1665] : memref<2x8x10x256xf32, #tpu.memory_space<vmem>> -> memref<1x8x1x256xf32, #tpu.memory_space<vmem>>
        %dma_wait3A_1667 = tpu.memref_squeeze %dma_wait3A_1666 : memref<1x8x1x256xf32, #tpu.memory_space<vmem>> -> memref<8x1x256xf32, #tpu.memory_space<vmem>>
        tpu.wait_dma2 semaphore(%dma_wait3A_1659 : memref<!tpu.dma_semaphore, #tpu.memory_space<semaphore_mem>>) src(%dma_wait3A_1667 : memref<8x1x256xf32, #tpu.memory_space<vmem>>) dst(%dma_wait3A_1662 : memref<8x1x256xf32, #tpu.memory_space<hbm>>)
        %dma_wait3A_1668 = arith.constant 1 : i32
        %dma_wait3A_1669 = arith.constant 1 : i32
        %dma_wait3A_1670 = arith.constant 0 : i32
        %dma_wait3A_1671 = arith.constant 8 : i32
        %dma_wait3A_1672 = arith.constant 0 : i32
        %dma_wait3A_1673 = tpu.memref_slice %arg4[%dma_wait3A_1668, %dma_wait3A_1670, %dma_wait3A_1671, %dma_wait3A_1672] : memref<2x8x10x256xf32, #tpu.memory_space<vmem>> -> memref<1x8x1x256xf32, #tpu.memory_space<vmem>>
        %dma_wait3A_1674 = tpu.memref_squeeze %dma_wait3A_1673 : memref<1x8x1x256xf32, #tpu.memory_space<vmem>> -> memref<8x1x256xf32, #tpu.memory_space<vmem>>
        %dma_wait3A_1675 = arith.constant 13 : i32
        %dma_wait3A_1676 = arith.constant 0 : i32
        %dma_wait3A_1677 = tpu.memref_slice %arg3[%add3A_1407, %dma_wait3A_1675, %dma_wait3A_1676] : memref<16384x16x256xf32, #tpu.memory_space<hbm>> -> memref<8x1x256xf32, #tpu.memory_space<hbm>>
        %dma_wait3A_1678 = tpu.memref_slice %arg6[%dma_wait3A_1669] : memref<2x!tpu.dma_semaphore, #tpu.memory_space<semaphore_mem>> -> memref<1x!tpu.dma_semaphore, #tpu.memory_space<semaphore_mem>>
        %dma_wait3A_1679 = tpu.memref_squeeze %dma_wait3A_1678 : memref<1x!tpu.dma_semaphore, #tpu.memory_space<semaphore_mem>> -> memref<!tpu.dma_semaphore, #tpu.memory_space<semaphore_mem>>
        %dma_wait3A_1680 = arith.constant 13 : i32
        %dma_wait3A_1681 = arith.constant 0 : i32
        %dma_wait3A_1682 = tpu.memref_slice %arg3[%add3A_1407, %dma_wait3A_1680, %dma_wait3A_1681] : memref<16384x16x256xf32, #tpu.memory_space<hbm>> -> memref<8x1x256xf32, #tpu.memory_space<hbm>>
        %dma_wait3A_1683 = arith.constant 0 : i32
        %dma_wait3A_1684 = arith.constant 8 : i32
        %dma_wait3A_1685 = arith.constant 0 : i32
        %dma_wait3A_1686 = tpu.memref_slice %arg4[%dma_wait3A_1668, %dma_wait3A_1683, %dma_wait3A_1684, %dma_wait3A_1685] : memref<2x8x10x256xf32, #tpu.memory_space<vmem>> -> memref<1x8x1x256xf32, #tpu.memory_space<vmem>>
        %dma_wait3A_1687 = tpu.memref_squeeze %dma_wait3A_1686 : memref<1x8x1x256xf32, #tpu.memory_space<vmem>> -> memref<8x1x256xf32, #tpu.memory_space<vmem>>
        tpu.wait_dma2 semaphore(%dma_wait3A_1679 : memref<!tpu.dma_semaphore, #tpu.memory_space<semaphore_mem>>) src(%dma_wait3A_1687 : memref<8x1x256xf32, #tpu.memory_space<vmem>>) dst(%dma_wait3A_1682 : memref<8x1x256xf32, #tpu.memory_space<hbm>>)
        %dma_wait3A_1688 = arith.constant 1 : i32
        %dma_wait3A_1689 = arith.constant 1 : i32
        %dma_wait3A_1690 = arith.constant 0 : i32
        %dma_wait3A_1691 = arith.constant 9 : i32
        %dma_wait3A_1692 = arith.constant 0 : i32
        %dma_wait3A_1693 = tpu.memref_slice %arg4[%dma_wait3A_1688, %dma_wait3A_1690, %dma_wait3A_1691, %dma_wait3A_1692] : memref<2x8x10x256xf32, #tpu.memory_space<vmem>> -> memref<1x8x1x256xf32, #tpu.memory_space<vmem>>
        %dma_wait3A_1694 = tpu.memref_squeeze %dma_wait3A_1693 : memref<1x8x1x256xf32, #tpu.memory_space<vmem>> -> memref<8x1x256xf32, #tpu.memory_space<vmem>>
        %dma_wait3A_1695 = arith.constant 14 : i32
        %dma_wait3A_1696 = arith.constant 0 : i32
        %dma_wait3A_1697 = tpu.memref_slice %arg3[%add3A_1407, %dma_wait3A_1695, %dma_wait3A_1696] : memref<16384x16x256xf32, #tpu.memory_space<hbm>> -> memref<8x1x256xf32, #tpu.memory_space<hbm>>
        %dma_wait3A_1698 = tpu.memref_slice %arg6[%dma_wait3A_1689] : memref<2x!tpu.dma_semaphore, #tpu.memory_space<semaphore_mem>> -> memref<1x!tpu.dma_semaphore, #tpu.memory_space<semaphore_mem>>
        %dma_wait3A_1699 = tpu.memref_squeeze %dma_wait3A_1698 : memref<1x!tpu.dma_semaphore, #tpu.memory_space<semaphore_mem>> -> memref<!tpu.dma_semaphore, #tpu.memory_space<semaphore_mem>>
        %dma_wait3A_1700 = arith.constant 14 : i32
        %dma_wait3A_1701 = arith.constant 0 : i32
        %dma_wait3A_1702 = tpu.memref_slice %arg3[%add3A_1407, %dma_wait3A_1700, %dma_wait3A_1701] : memref<16384x16x256xf32, #tpu.memory_space<hbm>> -> memref<8x1x256xf32, #tpu.memory_space<hbm>>
        %dma_wait3A_1703 = arith.constant 0 : i32
        %dma_wait3A_1704 = arith.constant 9 : i32
        %dma_wait3A_1705 = arith.constant 0 : i32
        %dma_wait3A_1706 = tpu.memref_slice %arg4[%dma_wait3A_1688, %dma_wait3A_1703, %dma_wait3A_1704, %dma_wait3A_1705] : memref<2x8x10x256xf32, #tpu.memory_space<vmem>> -> memref<1x8x1x256xf32, #tpu.memory_space<vmem>>
        %dma_wait3A_1707 = tpu.memref_squeeze %dma_wait3A_1706 : memref<1x8x1x256xf32, #tpu.memory_space<vmem>> -> memref<8x1x256xf32, #tpu.memory_space<vmem>>
        tpu.wait_dma2 semaphore(%dma_wait3A_1699 : memref<!tpu.dma_semaphore, #tpu.memory_space<semaphore_mem>>) src(%dma_wait3A_1707 : memref<8x1x256xf32, #tpu.memory_space<vmem>>) dst(%dma_wait3A_1702 : memref<8x1x256xf32, #tpu.memory_space<hbm>>)
        %dma_wait3A_1708 = arith.constant 1 : i32
        %dma_wait3A_1709 = arith.constant 1 : i32
        %dma_wait3A_1710 = arith.constant 0 : i32
        %dma_wait3A_1711 = arith.constant 9 : i32
        %dma_wait3A_1712 = arith.constant 0 : i32
        %dma_wait3A_1713 = tpu.memref_slice %arg4[%dma_wait3A_1708, %dma_wait3A_1710, %dma_wait3A_1711, %dma_wait3A_1712] : memref<2x8x10x256xf32, #tpu.memory_space<vmem>> -> memref<1x8x1x256xf32, #tpu.memory_space<vmem>>
        %dma_wait3A_1714 = tpu.memref_squeeze %dma_wait3A_1713 : memref<1x8x1x256xf32, #tpu.memory_space<vmem>> -> memref<8x1x256xf32, #tpu.memory_space<vmem>>
        %dma_wait3A_1715 = arith.constant 15 : i32
        %dma_wait3A_1716 = arith.constant 0 : i32
        %dma_wait3A_1717 = tpu.memref_slice %arg3[%add3A_1407, %dma_wait3A_1715, %dma_wait3A_1716] : memref<16384x16x256xf32, #tpu.memory_space<hbm>> -> memref<8x1x256xf32, #tpu.memory_space<hbm>>
        %dma_wait3A_1718 = tpu.memref_slice %arg6[%dma_wait3A_1709] : memref<2x!tpu.dma_semaphore, #tpu.memory_space<semaphore_mem>> -> memref<1x!tpu.dma_semaphore, #tpu.memory_space<semaphore_mem>>
        %dma_wait3A_1719 = tpu.memref_squeeze %dma_wait3A_1718 : memref<1x!tpu.dma_semaphore, #tpu.memory_space<semaphore_mem>> -> memref<!tpu.dma_semaphore, #tpu.memory_space<semaphore_mem>>
        %dma_wait3A_1720 = arith.constant 15 : i32
        %dma_wait3A_1721 = arith.constant 0 : i32
        %dma_wait3A_1722 = tpu.memref_slice %arg3[%add3A_1407, %dma_wait3A_1720, %dma_wait3A_1721] : memref<16384x16x256xf32, #tpu.memory_space<hbm>> -> memref<8x1x256xf32, #tpu.memory_space<hbm>>
        %dma_wait3A_1723 = arith.constant 0 : i32
        %dma_wait3A_1724 = arith.constant 9 : i32
        %dma_wait3A_1725 = arith.constant 0 : i32
        %dma_wait3A_1726 = tpu.memref_slice %arg4[%dma_wait3A_1708, %dma_wait3A_1723, %dma_wait3A_1724, %dma_wait3A_1725] : memref<2x8x10x256xf32, #tpu.memory_space<vmem>> -> memref<1x8x1x256xf32, #tpu.memory_space<vmem>>
        %dma_wait3A_1727 = tpu.memref_squeeze %dma_wait3A_1726 : memref<1x8x1x256xf32, #tpu.memory_space<vmem>> -> memref<8x1x256xf32, #tpu.memory_space<vmem>>
        tpu.wait_dma2 semaphore(%dma_wait3A_1719 : memref<!tpu.dma_semaphore, #tpu.memory_space<semaphore_mem>>) src(%dma_wait3A_1727 : memref<8x1x256xf32, #tpu.memory_space<vmem>>) dst(%dma_wait3A_1722 : memref<8x1x256xf32, #tpu.memory_space<hbm>>)
        %add3A_1728 = arith.constant 2 : i32
        %add3A_1729 = arith.addi %add3A_1052, %add3A_1728 : i32
        %mul3A_1730 = arith.constant 8 : i32
        %mul3A_1731 = arith.muli %add3A_1729, %mul3A_1730 : i32
        %add3A_1732 = arith.addi %mul3A_2, %mul3A_1731 : i32
        %dma_start3A_1733 = arith.constant 1 : i32
        %dma_start3A_1734 = arith.constant 1 : i32
        %dma_start3A_1735 = arith.constant 0 : i32
        %dma_start3A_1736 = arith.constant 0 : i32
        %dma_start3A_1737 = arith.constant 0 : i32
        %dma_start3A_1738 = tpu.memref_slice %arg4[%dma_start3A_1733, %dma_start3A_1735, %dma_start3A_1736, %dma_start3A_1737] : memref<2x8x10x256xf32, #tpu.memory_space<vmem>> -> memref<1x8x10x256xf32, #tpu.memory_space<vmem>>
        %dma_start3A_1739 = tpu.memref_squeeze %dma_start3A_1738 : memref<1x8x10x256xf32, #tpu.memory_space<vmem>> -> memref<8x10x256xf32, #tpu.memory_space<vmem>>
        %dma_start3A_1740 = arith.constant 0 : i32
        %dma_start3A_1741 = arith.constant 0 : i32
        %dma_start3A_1742 = tpu.memref_slice %arg2[%add3A_1732, %dma_start3A_1740, %dma_start3A_1741] : memref<16384x10x256xf32, #tpu.memory_space<hbm>> -> memref<8x10x256xf32, #tpu.memory_space<hbm>>
        %dma_start3A_1743 = tpu.memref_slice %arg5[%dma_start3A_1734] : memref<2x!tpu.dma_semaphore, #tpu.memory_space<semaphore_mem>> -> memref<1x!tpu.dma_semaphore, #tpu.memory_space<semaphore_mem>>
        %dma_start3A_1744 = tpu.memref_squeeze %dma_start3A_1743 : memref<1x!tpu.dma_semaphore, #tpu.memory_space<semaphore_mem>> -> memref<!tpu.dma_semaphore, #tpu.memory_space<semaphore_mem>>
        %dma_start3A_1745 = arith.constant 0 : i32
        %dma_start3A_1746 = arith.constant 0 : i32
        %dma_start3A_1747 = arith.constant 0 : i32
        %dma_start3A_1748 = tpu.memref_slice %arg4[%dma_start3A_1733, %dma_start3A_1745, %dma_start3A_1746, %dma_start3A_1747] : memref<2x8x10x256xf32, #tpu.memory_space<vmem>> -> memref<1x8x10x256xf32, #tpu.memory_space<vmem>>
        %dma_start3A_1749 = tpu.memref_squeeze %dma_start3A_1748 : memref<1x8x10x256xf32, #tpu.memory_space<vmem>> -> memref<8x10x256xf32, #tpu.memory_space<vmem>>
        %dma_start3A_1750 = arith.constant 0 : i32
        %dma_start3A_1751 = arith.constant 0 : i32
        %dma_start3A_1752 = tpu.memref_slice %arg2[%add3A_1732, %dma_start3A_1750, %dma_start3A_1751] : memref<16384x10x256xf32, #tpu.memory_space<hbm>> -> memref<8x10x256xf32, #tpu.memory_space<hbm>>
        tpu.enqueue_dma source(%dma_start3A_1752 : memref<8x10x256xf32, #tpu.memory_space<hbm>>) target(%dma_start3A_1749 : memref<8x10x256xf32, #tpu.memory_space<vmem>>) target_semaphore(%dma_start3A_1744 : memref<!tpu.dma_semaphore, #tpu.memory_space<semaphore_mem>>)
      } else {
      }
      %scan3A_1404 = arith.constant 0 : i32
      scf.yield %scan3A_1404 : i32
    }
    %scan3A_51 = arith.constant 32 : i32
    %add3A_52 = arith.constant 496 : i32
    %add3A_53 = arith.addi %mul3A_2, %add3A_52 : i32
    %dma_wait3A = arith.constant 0 : i32
    %dma_wait3A_54 = arith.constant 0 : i32
    %dma_wait3A_55 = arith.constant 0 : i32
    %dma_wait3A_56 = arith.constant 4 : i32
    %dma_wait3A_57 = arith.constant 0 : i32
    %dma_wait3A_58 = tpu.memref_slice %arg4[%dma_wait3A, %dma_wait3A_55, %dma_wait3A_56, %dma_wait3A_57] : memref<2x8x10x256xf32, #tpu.memory_space<vmem>> -> memref<1x8x1x256xf32, #tpu.memory_space<vmem>>
    %dma_wait3A_59 = tpu.memref_squeeze %dma_wait3A_58 : memref<1x8x1x256xf32, #tpu.memory_space<vmem>> -> memref<8x1x256xf32, #tpu.memory_space<vmem>>
    %dma_wait3A_60 = arith.constant 0 : i32
    %dma_wait3A_61 = arith.constant 0 : i32
    %dma_wait3A_62 = tpu.memref_slice %arg3[%add3A_53, %dma_wait3A_60, %dma_wait3A_61] : memref<16384x16x256xf32, #tpu.memory_space<hbm>> -> memref<8x1x256xf32, #tpu.memory_space<hbm>>
    %dma_wait3A_63 = tpu.memref_slice %arg6[%dma_wait3A_54] : memref<2x!tpu.dma_semaphore, #tpu.memory_space<semaphore_mem>> -> memref<1x!tpu.dma_semaphore, #tpu.memory_space<semaphore_mem>>
    %dma_wait3A_64 = tpu.memref_squeeze %dma_wait3A_63 : memref<1x!tpu.dma_semaphore, #tpu.memory_space<semaphore_mem>> -> memref<!tpu.dma_semaphore, #tpu.memory_space<semaphore_mem>>
    %dma_wait3A_65 = arith.constant 0 : i32
    %dma_wait3A_66 = arith.constant 0 : i32
    %dma_wait3A_67 = tpu.memref_slice %arg3[%add3A_53, %dma_wait3A_65, %dma_wait3A_66] : memref<16384x16x256xf32, #tpu.memory_space<hbm>> -> memref<8x1x256xf32, #tpu.memory_space<hbm>>
    %dma_wait3A_68 = arith.constant 0 : i32
    %dma_wait3A_69 = arith.constant 4 : i32
    %dma_wait3A_70 = arith.constant 0 : i32
    %dma_wait3A_71 = tpu.memref_slice %arg4[%dma_wait3A, %dma_wait3A_68, %dma_wait3A_69, %dma_wait3A_70] : memref<2x8x10x256xf32, #tpu.memory_space<vmem>> -> memref<1x8x1x256xf32, #tpu.memory_space<vmem>>
    %dma_wait3A_72 = tpu.memref_squeeze %dma_wait3A_71 : memref<1x8x1x256xf32, #tpu.memory_space<vmem>> -> memref<8x1x256xf32, #tpu.memory_space<vmem>>
    tpu.wait_dma2 semaphore(%dma_wait3A_64 : memref<!tpu.dma_semaphore, #tpu.memory_space<semaphore_mem>>) src(%dma_wait3A_72 : memref<8x1x256xf32, #tpu.memory_space<vmem>>) dst(%dma_wait3A_67 : memref<8x1x256xf32, #tpu.memory_space<hbm>>)
    %dma_wait3A_73 = arith.constant 0 : i32
    %dma_wait3A_74 = arith.constant 0 : i32
    %dma_wait3A_75 = arith.constant 0 : i32
    %dma_wait3A_76 = arith.constant 2 : i32
    %dma_wait3A_77 = arith.constant 0 : i32
    %dma_wait3A_78 = tpu.memref_slice %arg4[%dma_wait3A_73, %dma_wait3A_75, %dma_wait3A_76, %dma_wait3A_77] : memref<2x8x10x256xf32, #tpu.memory_space<vmem>> -> memref<1x8x1x256xf32, #tpu.memory_space<vmem>>
    %dma_wait3A_79 = tpu.memref_squeeze %dma_wait3A_78 : memref<1x8x1x256xf32, #tpu.memory_space<vmem>> -> memref<8x1x256xf32, #tpu.memory_space<vmem>>
    %dma_wait3A_80 = arith.constant 1 : i32
    %dma_wait3A_81 = arith.constant 0 : i32
    %dma_wait3A_82 = tpu.memref_slice %arg3[%add3A_53, %dma_wait3A_80, %dma_wait3A_81] : memref<16384x16x256xf32, #tpu.memory_space<hbm>> -> memref<8x1x256xf32, #tpu.memory_space<hbm>>
    %dma_wait3A_83 = tpu.memref_slice %arg6[%dma_wait3A_74] : memref<2x!tpu.dma_semaphore, #tpu.memory_space<semaphore_mem>> -> memref<1x!tpu.dma_semaphore, #tpu.memory_space<semaphore_mem>>
    %dma_wait3A_84 = tpu.memref_squeeze %dma_wait3A_83 : memref<1x!tpu.dma_semaphore, #tpu.memory_space<semaphore_mem>> -> memref<!tpu.dma_semaphore, #tpu.memory_space<semaphore_mem>>
    %dma_wait3A_85 = arith.constant 1 : i32
    %dma_wait3A_86 = arith.constant 0 : i32
    %dma_wait3A_87 = tpu.memref_slice %arg3[%add3A_53, %dma_wait3A_85, %dma_wait3A_86] : memref<16384x16x256xf32, #tpu.memory_space<hbm>> -> memref<8x1x256xf32, #tpu.memory_space<hbm>>
    %dma_wait3A_88 = arith.constant 0 : i32
    %dma_wait3A_89 = arith.constant 2 : i32
    %dma_wait3A_90 = arith.constant 0 : i32
    %dma_wait3A_91 = tpu.memref_slice %arg4[%dma_wait3A_73, %dma_wait3A_88, %dma_wait3A_89, %dma_wait3A_90] : memref<2x8x10x256xf32, #tpu.memory_space<vmem>> -> memref<1x8x1x256xf32, #tpu.memory_space<vmem>>
    %dma_wait3A_92 = tpu.memref_squeeze %dma_wait3A_91 : memref<1x8x1x256xf32, #tpu.memory_space<vmem>> -> memref<8x1x256xf32, #tpu.memory_space<vmem>>
    tpu.wait_dma2 semaphore(%dma_wait3A_84 : memref<!tpu.dma_semaphore, #tpu.memory_space<semaphore_mem>>) src(%dma_wait3A_92 : memref<8x1x256xf32, #tpu.memory_space<vmem>>) dst(%dma_wait3A_87 : memref<8x1x256xf32, #tpu.memory_space<hbm>>)
    %dma_wait3A_93 = arith.constant 0 : i32
    %dma_wait3A_94 = arith.constant 0 : i32
    %dma_wait3A_95 = arith.constant 0 : i32
    %dma_wait3A_96 = arith.constant 3 : i32
    %dma_wait3A_97 = arith.constant 0 : i32
    %dma_wait3A_98 = tpu.memref_slice %arg4[%dma_wait3A_93, %dma_wait3A_95, %dma_wait3A_96, %dma_wait3A_97] : memref<2x8x10x256xf32, #tpu.memory_space<vmem>> -> memref<1x8x1x256xf32, #tpu.memory_space<vmem>>
    %dma_wait3A_99 = tpu.memref_squeeze %dma_wait3A_98 : memref<1x8x1x256xf32, #tpu.memory_space<vmem>> -> memref<8x1x256xf32, #tpu.memory_space<vmem>>
    %dma_wait3A_100 = arith.constant 2 : i32
    %dma_wait3A_101 = arith.constant 0 : i32
    %dma_wait3A_102 = tpu.memref_slice %arg3[%add3A_53, %dma_wait3A_100, %dma_wait3A_101] : memref<16384x16x256xf32, #tpu.memory_space<hbm>> -> memref<8x1x256xf32, #tpu.memory_space<hbm>>
    %dma_wait3A_103 = tpu.memref_slice %arg6[%dma_wait3A_94] : memref<2x!tpu.dma_semaphore, #tpu.memory_space<semaphore_mem>> -> memref<1x!tpu.dma_semaphore, #tpu.memory_space<semaphore_mem>>
    %dma_wait3A_104 = tpu.memref_squeeze %dma_wait3A_103 : memref<1x!tpu.dma_semaphore, #tpu.memory_space<semaphore_mem>> -> memref<!tpu.dma_semaphore, #tpu.memory_space<semaphore_mem>>
    %dma_wait3A_105 = arith.constant 2 : i32
    %dma_wait3A_106 = arith.constant 0 : i32
    %dma_wait3A_107 = tpu.memref_slice %arg3[%add3A_53, %dma_wait3A_105, %dma_wait3A_106] : memref<16384x16x256xf32, #tpu.memory_space<hbm>> -> memref<8x1x256xf32, #tpu.memory_space<hbm>>
    %dma_wait3A_108 = arith.constant 0 : i32
    %dma_wait3A_109 = arith.constant 3 : i32
    %dma_wait3A_110 = arith.constant 0 : i32
    %dma_wait3A_111 = tpu.memref_slice %arg4[%dma_wait3A_93, %dma_wait3A_108, %dma_wait3A_109, %dma_wait3A_110] : memref<2x8x10x256xf32, #tpu.memory_space<vmem>> -> memref<1x8x1x256xf32, #tpu.memory_space<vmem>>
    %dma_wait3A_112 = tpu.memref_squeeze %dma_wait3A_111 : memref<1x8x1x256xf32, #tpu.memory_space<vmem>> -> memref<8x1x256xf32, #tpu.memory_space<vmem>>
    tpu.wait_dma2 semaphore(%dma_wait3A_104 : memref<!tpu.dma_semaphore, #tpu.memory_space<semaphore_mem>>) src(%dma_wait3A_112 : memref<8x1x256xf32, #tpu.memory_space<vmem>>) dst(%dma_wait3A_107 : memref<8x1x256xf32, #tpu.memory_space<hbm>>)
    %dma_wait3A_113 = arith.constant 0 : i32
    %dma_wait3A_114 = arith.constant 0 : i32
    %dma_wait3A_115 = arith.constant 0 : i32
    %dma_wait3A_116 = arith.constant 3 : i32
    %dma_wait3A_117 = arith.constant 0 : i32
    %dma_wait3A_118 = tpu.memref_slice %arg4[%dma_wait3A_113, %dma_wait3A_115, %dma_wait3A_116, %dma_wait3A_117] : memref<2x8x10x256xf32, #tpu.memory_space<vmem>> -> memref<1x8x1x256xf32, #tpu.memory_space<vmem>>
    %dma_wait3A_119 = tpu.memref_squeeze %dma_wait3A_118 : memref<1x8x1x256xf32, #tpu.memory_space<vmem>> -> memref<8x1x256xf32, #tpu.memory_space<vmem>>
    %dma_wait3A_120 = arith.constant 3 : i32
    %dma_wait3A_121 = arith.constant 0 : i32
    %dma_wait3A_122 = tpu.memref_slice %arg3[%add3A_53, %dma_wait3A_120, %dma_wait3A_121] : memref<16384x16x256xf32, #tpu.memory_space<hbm>> -> memref<8x1x256xf32, #tpu.memory_space<hbm>>
    %dma_wait3A_123 = tpu.memref_slice %arg6[%dma_wait3A_114] : memref<2x!tpu.dma_semaphore, #tpu.memory_space<semaphore_mem>> -> memref<1x!tpu.dma_semaphore, #tpu.memory_space<semaphore_mem>>
    %dma_wait3A_124 = tpu.memref_squeeze %dma_wait3A_123 : memref<1x!tpu.dma_semaphore, #tpu.memory_space<semaphore_mem>> -> memref<!tpu.dma_semaphore, #tpu.memory_space<semaphore_mem>>
    %dma_wait3A_125 = arith.constant 3 : i32
    %dma_wait3A_126 = arith.constant 0 : i32
    %dma_wait3A_127 = tpu.memref_slice %arg3[%add3A_53, %dma_wait3A_125, %dma_wait3A_126] : memref<16384x16x256xf32, #tpu.memory_space<hbm>> -> memref<8x1x256xf32, #tpu.memory_space<hbm>>
    %dma_wait3A_128 = arith.constant 0 : i32
    %dma_wait3A_129 = arith.constant 3 : i32
    %dma_wait3A_130 = arith.constant 0 : i32
    %dma_wait3A_131 = tpu.memref_slice %arg4[%dma_wait3A_113, %dma_wait3A_128, %dma_wait3A_129, %dma_wait3A_130] : memref<2x8x10x256xf32, #tpu.memory_space<vmem>> -> memref<1x8x1x256xf32, #tpu.memory_space<vmem>>
    %dma_wait3A_132 = tpu.memref_squeeze %dma_wait3A_131 : memref<1x8x1x256xf32, #tpu.memory_space<vmem>> -> memref<8x1x256xf32, #tpu.memory_space<vmem>>
    tpu.wait_dma2 semaphore(%dma_wait3A_124 : memref<!tpu.dma_semaphore, #tpu.memory_space<semaphore_mem>>) src(%dma_wait3A_132 : memref<8x1x256xf32, #tpu.memory_space<vmem>>) dst(%dma_wait3A_127 : memref<8x1x256xf32, #tpu.memory_space<hbm>>)
    %dma_wait3A_133 = arith.constant 0 : i32
    %dma_wait3A_134 = arith.constant 0 : i32
    %dma_wait3A_135 = arith.constant 0 : i32
    %dma_wait3A_136 = arith.constant 0 : i32
    %dma_wait3A_137 = arith.constant 0 : i32
    %dma_wait3A_138 = tpu.memref_slice %arg4[%dma_wait3A_133, %dma_wait3A_135, %dma_wait3A_136, %dma_wait3A_137] : memref<2x8x10x256xf32, #tpu.memory_space<vmem>> -> memref<1x8x1x256xf32, #tpu.memory_space<vmem>>
    %dma_wait3A_139 = tpu.memref_squeeze %dma_wait3A_138 : memref<1x8x1x256xf32, #tpu.memory_space<vmem>> -> memref<8x1x256xf32, #tpu.memory_space<vmem>>
    %dma_wait3A_140 = arith.constant 4 : i32
    %dma_wait3A_141 = arith.constant 0 : i32
    %dma_wait3A_142 = tpu.memref_slice %arg3[%add3A_53, %dma_wait3A_140, %dma_wait3A_141] : memref<16384x16x256xf32, #tpu.memory_space<hbm>> -> memref<8x1x256xf32, #tpu.memory_space<hbm>>
    %dma_wait3A_143 = tpu.memref_slice %arg6[%dma_wait3A_134] : memref<2x!tpu.dma_semaphore, #tpu.memory_space<semaphore_mem>> -> memref<1x!tpu.dma_semaphore, #tpu.memory_space<semaphore_mem>>
    %dma_wait3A_144 = tpu.memref_squeeze %dma_wait3A_143 : memref<1x!tpu.dma_semaphore, #tpu.memory_space<semaphore_mem>> -> memref<!tpu.dma_semaphore, #tpu.memory_space<semaphore_mem>>
    %dma_wait3A_145 = arith.constant 4 : i32
    %dma_wait3A_146 = arith.constant 0 : i32
    %dma_wait3A_147 = tpu.memref_slice %arg3[%add3A_53, %dma_wait3A_145, %dma_wait3A_146] : memref<16384x16x256xf32, #tpu.memory_space<hbm>> -> memref<8x1x256xf32, #tpu.memory_space<hbm>>
    %dma_wait3A_148 = arith.constant 0 : i32
    %dma_wait3A_149 = arith.constant 0 : i32
    %dma_wait3A_150 = arith.constant 0 : i32
    %dma_wait3A_151 = tpu.memref_slice %arg4[%dma_wait3A_133, %dma_wait3A_148, %dma_wait3A_149, %dma_wait3A_150] : memref<2x8x10x256xf32, #tpu.memory_space<vmem>> -> memref<1x8x1x256xf32, #tpu.memory_space<vmem>>
    %dma_wait3A_152 = tpu.memref_squeeze %dma_wait3A_151 : memref<1x8x1x256xf32, #tpu.memory_space<vmem>> -> memref<8x1x256xf32, #tpu.memory_space<vmem>>
    tpu.wait_dma2 semaphore(%dma_wait3A_144 : memref<!tpu.dma_semaphore, #tpu.memory_space<semaphore_mem>>) src(%dma_wait3A_152 : memref<8x1x256xf32, #tpu.memory_space<vmem>>) dst(%dma_wait3A_147 : memref<8x1x256xf32, #tpu.memory_space<hbm>>)
    %dma_wait3A_153 = arith.constant 0 : i32
    %dma_wait3A_154 = arith.constant 0 : i32
    %dma_wait3A_155 = arith.constant 0 : i32
    %dma_wait3A_156 = arith.constant 1 : i32
    %dma_wait3A_157 = arith.constant 0 : i32
    %dma_wait3A_158 = tpu.memref_slice %arg4[%dma_wait3A_153, %dma_wait3A_155, %dma_wait3A_156, %dma_wait3A_157] : memref<2x8x10x256xf32, #tpu.memory_space<vmem>> -> memref<1x8x1x256xf32, #tpu.memory_space<vmem>>
    %dma_wait3A_159 = tpu.memref_squeeze %dma_wait3A_158 : memref<1x8x1x256xf32, #tpu.memory_space<vmem>> -> memref<8x1x256xf32, #tpu.memory_space<vmem>>
    %dma_wait3A_160 = arith.constant 5 : i32
    %dma_wait3A_161 = arith.constant 0 : i32
    %dma_wait3A_162 = tpu.memref_slice %arg3[%add3A_53, %dma_wait3A_160, %dma_wait3A_161] : memref<16384x16x256xf32, #tpu.memory_space<hbm>> -> memref<8x1x256xf32, #tpu.memory_space<hbm>>
    %dma_wait3A_163 = tpu.memref_slice %arg6[%dma_wait3A_154] : memref<2x!tpu.dma_semaphore, #tpu.memory_space<semaphore_mem>> -> memref<1x!tpu.dma_semaphore, #tpu.memory_space<semaphore_mem>>
    %dma_wait3A_164 = tpu.memref_squeeze %dma_wait3A_163 : memref<1x!tpu.dma_semaphore, #tpu.memory_space<semaphore_mem>> -> memref<!tpu.dma_semaphore, #tpu.memory_space<semaphore_mem>>
    %dma_wait3A_165 = arith.constant 5 : i32
    %dma_wait3A_166 = arith.constant 0 : i32
    %dma_wait3A_167 = tpu.memref_slice %arg3[%add3A_53, %dma_wait3A_165, %dma_wait3A_166] : memref<16384x16x256xf32, #tpu.memory_space<hbm>> -> memref<8x1x256xf32, #tpu.memory_space<hbm>>
    %dma_wait3A_168 = arith.constant 0 : i32
    %dma_wait3A_169 = arith.constant 1 : i32
    %dma_wait3A_170 = arith.constant 0 : i32
    %dma_wait3A_171 = tpu.memref_slice %arg4[%dma_wait3A_153, %dma_wait3A_168, %dma_wait3A_169, %dma_wait3A_170] : memref<2x8x10x256xf32, #tpu.memory_space<vmem>> -> memref<1x8x1x256xf32, #tpu.memory_space<vmem>>
    %dma_wait3A_172 = tpu.memref_squeeze %dma_wait3A_171 : memref<1x8x1x256xf32, #tpu.memory_space<vmem>> -> memref<8x1x256xf32, #tpu.memory_space<vmem>>
    tpu.wait_dma2 semaphore(%dma_wait3A_164 : memref<!tpu.dma_semaphore, #tpu.memory_space<semaphore_mem>>) src(%dma_wait3A_172 : memref<8x1x256xf32, #tpu.memory_space<vmem>>) dst(%dma_wait3A_167 : memref<8x1x256xf32, #tpu.memory_space<hbm>>)
    %dma_wait3A_173 = arith.constant 0 : i32
    %dma_wait3A_174 = arith.constant 0 : i32
    %dma_wait3A_175 = arith.constant 0 : i32
    %dma_wait3A_176 = arith.constant 1 : i32
    %dma_wait3A_177 = arith.constant 0 : i32
    %dma_wait3A_178 = tpu.memref_slice %arg4[%dma_wait3A_173, %dma_wait3A_175, %dma_wait3A_176, %dma_wait3A_177] : memref<2x8x10x256xf32, #tpu.memory_space<vmem>> -> memref<1x8x1x256xf32, #tpu.memory_space<vmem>>
    %dma_wait3A_179 = tpu.memref_squeeze %dma_wait3A_178 : memref<1x8x1x256xf32, #tpu.memory_space<vmem>> -> memref<8x1x256xf32, #tpu.memory_space<vmem>>
    %dma_wait3A_180 = arith.constant 6 : i32
    %dma_wait3A_181 = arith.constant 0 : i32
    %dma_wait3A_182 = tpu.memref_slice %arg3[%add3A_53, %dma_wait3A_180, %dma_wait3A_181] : memref<16384x16x256xf32, #tpu.memory_space<hbm>> -> memref<8x1x256xf32, #tpu.memory_space<hbm>>
    %dma_wait3A_183 = tpu.memref_slice %arg6[%dma_wait3A_174] : memref<2x!tpu.dma_semaphore, #tpu.memory_space<semaphore_mem>> -> memref<1x!tpu.dma_semaphore, #tpu.memory_space<semaphore_mem>>
    %dma_wait3A_184 = tpu.memref_squeeze %dma_wait3A_183 : memref<1x!tpu.dma_semaphore, #tpu.memory_space<semaphore_mem>> -> memref<!tpu.dma_semaphore, #tpu.memory_space<semaphore_mem>>
    %dma_wait3A_185 = arith.constant 6 : i32
    %dma_wait3A_186 = arith.constant 0 : i32
    %dma_wait3A_187 = tpu.memref_slice %arg3[%add3A_53, %dma_wait3A_185, %dma_wait3A_186] : memref<16384x16x256xf32, #tpu.memory_space<hbm>> -> memref<8x1x256xf32, #tpu.memory_space<hbm>>
    %dma_wait3A_188 = arith.constant 0 : i32
    %dma_wait3A_189 = arith.constant 1 : i32
    %dma_wait3A_190 = arith.constant 0 : i32
    %dma_wait3A_191 = tpu.memref_slice %arg4[%dma_wait3A_173, %dma_wait3A_188, %dma_wait3A_189, %dma_wait3A_190] : memref<2x8x10x256xf32, #tpu.memory_space<vmem>> -> memref<1x8x1x256xf32, #tpu.memory_space<vmem>>
    %dma_wait3A_192 = tpu.memref_squeeze %dma_wait3A_191 : memref<1x8x1x256xf32, #tpu.memory_space<vmem>> -> memref<8x1x256xf32, #tpu.memory_space<vmem>>
    tpu.wait_dma2 semaphore(%dma_wait3A_184 : memref<!tpu.dma_semaphore, #tpu.memory_space<semaphore_mem>>) src(%dma_wait3A_192 : memref<8x1x256xf32, #tpu.memory_space<vmem>>) dst(%dma_wait3A_187 : memref<8x1x256xf32, #tpu.memory_space<hbm>>)
    %dma_wait3A_193 = arith.constant 0 : i32
    %dma_wait3A_194 = arith.constant 0 : i32
    %dma_wait3A_195 = arith.constant 0 : i32
    %dma_wait3A_196 = arith.constant 4 : i32
    %dma_wait3A_197 = arith.constant 0 : i32
    %dma_wait3A_198 = tpu.memref_slice %arg4[%dma_wait3A_193, %dma_wait3A_195, %dma_wait3A_196, %dma_wait3A_197] : memref<2x8x10x256xf32, #tpu.memory_space<vmem>> -> memref<1x8x1x256xf32, #tpu.memory_space<vmem>>
    %dma_wait3A_199 = tpu.memref_squeeze %dma_wait3A_198 : memref<1x8x1x256xf32, #tpu.memory_space<vmem>> -> memref<8x1x256xf32, #tpu.memory_space<vmem>>
    %dma_wait3A_200 = arith.constant 7 : i32
    %dma_wait3A_201 = arith.constant 0 : i32
    %dma_wait3A_202 = tpu.memref_slice %arg3[%add3A_53, %dma_wait3A_200, %dma_wait3A_201] : memref<16384x16x256xf32, #tpu.memory_space<hbm>> -> memref<8x1x256xf32, #tpu.memory_space<hbm>>
    %dma_wait3A_203 = tpu.memref_slice %arg6[%dma_wait3A_194] : memref<2x!tpu.dma_semaphore, #tpu.memory_space<semaphore_mem>> -> memref<1x!tpu.dma_semaphore, #tpu.memory_space<semaphore_mem>>
    %dma_wait3A_204 = tpu.memref_squeeze %dma_wait3A_203 : memref<1x!tpu.dma_semaphore, #tpu.memory_space<semaphore_mem>> -> memref<!tpu.dma_semaphore, #tpu.memory_space<semaphore_mem>>
    %dma_wait3A_205 = arith.constant 7 : i32
    %dma_wait3A_206 = arith.constant 0 : i32
    %dma_wait3A_207 = tpu.memref_slice %arg3[%add3A_53, %dma_wait3A_205, %dma_wait3A_206] : memref<16384x16x256xf32, #tpu.memory_space<hbm>> -> memref<8x1x256xf32, #tpu.memory_space<hbm>>
    %dma_wait3A_208 = arith.constant 0 : i32
    %dma_wait3A_209 = arith.constant 4 : i32
    %dma_wait3A_210 = arith.constant 0 : i32
    %dma_wait3A_211 = tpu.memref_slice %arg4[%dma_wait3A_193, %dma_wait3A_208, %dma_wait3A_209, %dma_wait3A_210] : memref<2x8x10x256xf32, #tpu.memory_space<vmem>> -> memref<1x8x1x256xf32, #tpu.memory_space<vmem>>
    %dma_wait3A_212 = tpu.memref_squeeze %dma_wait3A_211 : memref<1x8x1x256xf32, #tpu.memory_space<vmem>> -> memref<8x1x256xf32, #tpu.memory_space<vmem>>
    tpu.wait_dma2 semaphore(%dma_wait3A_204 : memref<!tpu.dma_semaphore, #tpu.memory_space<semaphore_mem>>) src(%dma_wait3A_212 : memref<8x1x256xf32, #tpu.memory_space<vmem>>) dst(%dma_wait3A_207 : memref<8x1x256xf32, #tpu.memory_space<hbm>>)
    %dma_wait3A_213 = arith.constant 0 : i32
    %dma_wait3A_214 = arith.constant 0 : i32
    %dma_wait3A_215 = arith.constant 0 : i32
    %dma_wait3A_216 = arith.constant 4 : i32
    %dma_wait3A_217 = arith.constant 0 : i32
    %dma_wait3A_218 = tpu.memref_slice %arg4[%dma_wait3A_213, %dma_wait3A_215, %dma_wait3A_216, %dma_wait3A_217] : memref<2x8x10x256xf32, #tpu.memory_space<vmem>> -> memref<1x8x1x256xf32, #tpu.memory_space<vmem>>
    %dma_wait3A_219 = tpu.memref_squeeze %dma_wait3A_218 : memref<1x8x1x256xf32, #tpu.memory_space<vmem>> -> memref<8x1x256xf32, #tpu.memory_space<vmem>>
    %dma_wait3A_220 = arith.constant 8 : i32
    %dma_wait3A_221 = arith.constant 0 : i32
    %dma_wait3A_222 = tpu.memref_slice %arg3[%add3A_53, %dma_wait3A_220, %dma_wait3A_221] : memref<16384x16x256xf32, #tpu.memory_space<hbm>> -> memref<8x1x256xf32, #tpu.memory_space<hbm>>
    %dma_wait3A_223 = tpu.memref_slice %arg6[%dma_wait3A_214] : memref<2x!tpu.dma_semaphore, #tpu.memory_space<semaphore_mem>> -> memref<1x!tpu.dma_semaphore, #tpu.memory_space<semaphore_mem>>
    %dma_wait3A_224 = tpu.memref_squeeze %dma_wait3A_223 : memref<1x!tpu.dma_semaphore, #tpu.memory_space<semaphore_mem>> -> memref<!tpu.dma_semaphore, #tpu.memory_space<semaphore_mem>>
    %dma_wait3A_225 = arith.constant 8 : i32
    %dma_wait3A_226 = arith.constant 0 : i32
    %dma_wait3A_227 = tpu.memref_slice %arg3[%add3A_53, %dma_wait3A_225, %dma_wait3A_226] : memref<16384x16x256xf32, #tpu.memory_space<hbm>> -> memref<8x1x256xf32, #tpu.memory_space<hbm>>
    %dma_wait3A_228 = arith.constant 0 : i32
    %dma_wait3A_229 = arith.constant 4 : i32
    %dma_wait3A_230 = arith.constant 0 : i32
    %dma_wait3A_231 = tpu.memref_slice %arg4[%dma_wait3A_213, %dma_wait3A_228, %dma_wait3A_229, %dma_wait3A_230] : memref<2x8x10x256xf32, #tpu.memory_space<vmem>> -> memref<1x8x1x256xf32, #tpu.memory_space<vmem>>
    %dma_wait3A_232 = tpu.memref_squeeze %dma_wait3A_231 : memref<1x8x1x256xf32, #tpu.memory_space<vmem>> -> memref<8x1x256xf32, #tpu.memory_space<vmem>>
    tpu.wait_dma2 semaphore(%dma_wait3A_224 : memref<!tpu.dma_semaphore, #tpu.memory_space<semaphore_mem>>) src(%dma_wait3A_232 : memref<8x1x256xf32, #tpu.memory_space<vmem>>) dst(%dma_wait3A_227 : memref<8x1x256xf32, #tpu.memory_space<hbm>>)
    %dma_wait3A_233 = arith.constant 0 : i32
    %dma_wait3A_234 = arith.constant 0 : i32
    %dma_wait3A_235 = arith.constant 0 : i32
    %dma_wait3A_236 = arith.constant 5 : i32
    %dma_wait3A_237 = arith.constant 0 : i32
    %dma_wait3A_238 = tpu.memref_slice %arg4[%dma_wait3A_233, %dma_wait3A_235, %dma_wait3A_236, %dma_wait3A_237] : memref<2x8x10x256xf32, #tpu.memory_space<vmem>> -> memref<1x8x1x256xf32, #tpu.memory_space<vmem>>
    %dma_wait3A_239 = tpu.memref_squeeze %dma_wait3A_238 : memref<1x8x1x256xf32, #tpu.memory_space<vmem>> -> memref<8x1x256xf32, #tpu.memory_space<vmem>>
    %dma_wait3A_240 = arith.constant 9 : i32
    %dma_wait3A_241 = arith.constant 0 : i32
    %dma_wait3A_242 = tpu.memref_slice %arg3[%add3A_53, %dma_wait3A_240, %dma_wait3A_241] : memref<16384x16x256xf32, #tpu.memory_space<hbm>> -> memref<8x1x256xf32, #tpu.memory_space<hbm>>
    %dma_wait3A_243 = tpu.memref_slice %arg6[%dma_wait3A_234] : memref<2x!tpu.dma_semaphore, #tpu.memory_space<semaphore_mem>> -> memref<1x!tpu.dma_semaphore, #tpu.memory_space<semaphore_mem>>
    %dma_wait3A_244 = tpu.memref_squeeze %dma_wait3A_243 : memref<1x!tpu.dma_semaphore, #tpu.memory_space<semaphore_mem>> -> memref<!tpu.dma_semaphore, #tpu.memory_space<semaphore_mem>>
    %dma_wait3A_245 = arith.constant 9 : i32
    %dma_wait3A_246 = arith.constant 0 : i32
    %dma_wait3A_247 = tpu.memref_slice %arg3[%add3A_53, %dma_wait3A_245, %dma_wait3A_246] : memref<16384x16x256xf32, #tpu.memory_space<hbm>> -> memref<8x1x256xf32, #tpu.memory_space<hbm>>
    %dma_wait3A_248 = arith.constant 0 : i32
    %dma_wait3A_249 = arith.constant 5 : i32
    %dma_wait3A_250 = arith.constant 0 : i32
    %dma_wait3A_251 = tpu.memref_slice %arg4[%dma_wait3A_233, %dma_wait3A_248, %dma_wait3A_249, %dma_wait3A_250] : memref<2x8x10x256xf32, #tpu.memory_space<vmem>> -> memref<1x8x1x256xf32, #tpu.memory_space<vmem>>
    %dma_wait3A_252 = tpu.memref_squeeze %dma_wait3A_251 : memref<1x8x1x256xf32, #tpu.memory_space<vmem>> -> memref<8x1x256xf32, #tpu.memory_space<vmem>>
    tpu.wait_dma2 semaphore(%dma_wait3A_244 : memref<!tpu.dma_semaphore, #tpu.memory_space<semaphore_mem>>) src(%dma_wait3A_252 : memref<8x1x256xf32, #tpu.memory_space<vmem>>) dst(%dma_wait3A_247 : memref<8x1x256xf32, #tpu.memory_space<hbm>>)
    %dma_wait3A_253 = arith.constant 0 : i32
    %dma_wait3A_254 = arith.constant 0 : i32
    %dma_wait3A_255 = arith.constant 0 : i32
    %dma_wait3A_256 = arith.constant 6 : i32
    %dma_wait3A_257 = arith.constant 0 : i32
    %dma_wait3A_258 = tpu.memref_slice %arg4[%dma_wait3A_253, %dma_wait3A_255, %dma_wait3A_256, %dma_wait3A_257] : memref<2x8x10x256xf32, #tpu.memory_space<vmem>> -> memref<1x8x1x256xf32, #tpu.memory_space<vmem>>
    %dma_wait3A_259 = tpu.memref_squeeze %dma_wait3A_258 : memref<1x8x1x256xf32, #tpu.memory_space<vmem>> -> memref<8x1x256xf32, #tpu.memory_space<vmem>>
    %dma_wait3A_260 = arith.constant 10 : i32
    %dma_wait3A_261 = arith.constant 0 : i32
    %dma_wait3A_262 = tpu.memref_slice %arg3[%add3A_53, %dma_wait3A_260, %dma_wait3A_261] : memref<16384x16x256xf32, #tpu.memory_space<hbm>> -> memref<8x1x256xf32, #tpu.memory_space<hbm>>
    %dma_wait3A_263 = tpu.memref_slice %arg6[%dma_wait3A_254] : memref<2x!tpu.dma_semaphore, #tpu.memory_space<semaphore_mem>> -> memref<1x!tpu.dma_semaphore, #tpu.memory_space<semaphore_mem>>
    %dma_wait3A_264 = tpu.memref_squeeze %dma_wait3A_263 : memref<1x!tpu.dma_semaphore, #tpu.memory_space<semaphore_mem>> -> memref<!tpu.dma_semaphore, #tpu.memory_space<semaphore_mem>>
    %dma_wait3A_265 = arith.constant 10 : i32
    %dma_wait3A_266 = arith.constant 0 : i32
    %dma_wait3A_267 = tpu.memref_slice %arg3[%add3A_53, %dma_wait3A_265, %dma_wait3A_266] : memref<16384x16x256xf32, #tpu.memory_space<hbm>> -> memref<8x1x256xf32, #tpu.memory_space<hbm>>
    %dma_wait3A_268 = arith.constant 0 : i32
    %dma_wait3A_269 = arith.constant 6 : i32
    %dma_wait3A_270 = arith.constant 0 : i32
    %dma_wait3A_271 = tpu.memref_slice %arg4[%dma_wait3A_253, %dma_wait3A_268, %dma_wait3A_269, %dma_wait3A_270] : memref<2x8x10x256xf32, #tpu.memory_space<vmem>> -> memref<1x8x1x256xf32, #tpu.memory_space<vmem>>
    %dma_wait3A_272 = tpu.memref_squeeze %dma_wait3A_271 : memref<1x8x1x256xf32, #tpu.memory_space<vmem>> -> memref<8x1x256xf32, #tpu.memory_space<vmem>>
    tpu.wait_dma2 semaphore(%dma_wait3A_264 : memref<!tpu.dma_semaphore, #tpu.memory_space<semaphore_mem>>) src(%dma_wait3A_272 : memref<8x1x256xf32, #tpu.memory_space<vmem>>) dst(%dma_wait3A_267 : memref<8x1x256xf32, #tpu.memory_space<hbm>>)
    %dma_wait3A_273 = arith.constant 0 : i32
    %dma_wait3A_274 = arith.constant 0 : i32
    %dma_wait3A_275 = arith.constant 0 : i32
    %dma_wait3A_276 = arith.constant 7 : i32
    %dma_wait3A_277 = arith.constant 0 : i32
    %dma_wait3A_278 = tpu.memref_slice %arg4[%dma_wait3A_273, %dma_wait3A_275, %dma_wait3A_276, %dma_wait3A_277] : memref<2x8x10x256xf32, #tpu.memory_space<vmem>> -> memref<1x8x1x256xf32, #tpu.memory_space<vmem>>
    %dma_wait3A_279 = tpu.memref_squeeze %dma_wait3A_278 : memref<1x8x1x256xf32, #tpu.memory_space<vmem>> -> memref<8x1x256xf32, #tpu.memory_space<vmem>>
    %dma_wait3A_280 = arith.constant 11 : i32
    %dma_wait3A_281 = arith.constant 0 : i32
    %dma_wait3A_282 = tpu.memref_slice %arg3[%add3A_53, %dma_wait3A_280, %dma_wait3A_281] : memref<16384x16x256xf32, #tpu.memory_space<hbm>> -> memref<8x1x256xf32, #tpu.memory_space<hbm>>
    %dma_wait3A_283 = tpu.memref_slice %arg6[%dma_wait3A_274] : memref<2x!tpu.dma_semaphore, #tpu.memory_space<semaphore_mem>> -> memref<1x!tpu.dma_semaphore, #tpu.memory_space<semaphore_mem>>
    %dma_wait3A_284 = tpu.memref_squeeze %dma_wait3A_283 : memref<1x!tpu.dma_semaphore, #tpu.memory_space<semaphore_mem>> -> memref<!tpu.dma_semaphore, #tpu.memory_space<semaphore_mem>>
    %dma_wait3A_285 = arith.constant 11 : i32
    %dma_wait3A_286 = arith.constant 0 : i32
    %dma_wait3A_287 = tpu.memref_slice %arg3[%add3A_53, %dma_wait3A_285, %dma_wait3A_286] : memref<16384x16x256xf32, #tpu.memory_space<hbm>> -> memref<8x1x256xf32, #tpu.memory_space<hbm>>
    %dma_wait3A_288 = arith.constant 0 : i32
    %dma_wait3A_289 = arith.constant 7 : i32
    %dma_wait3A_290 = arith.constant 0 : i32
    %dma_wait3A_291 = tpu.memref_slice %arg4[%dma_wait3A_273, %dma_wait3A_288, %dma_wait3A_289, %dma_wait3A_290] : memref<2x8x10x256xf32, #tpu.memory_space<vmem>> -> memref<1x8x1x256xf32, #tpu.memory_space<vmem>>
    %dma_wait3A_292 = tpu.memref_squeeze %dma_wait3A_291 : memref<1x8x1x256xf32, #tpu.memory_space<vmem>> -> memref<8x1x256xf32, #tpu.memory_space<vmem>>
    tpu.wait_dma2 semaphore(%dma_wait3A_284 : memref<!tpu.dma_semaphore, #tpu.memory_space<semaphore_mem>>) src(%dma_wait3A_292 : memref<8x1x256xf32, #tpu.memory_space<vmem>>) dst(%dma_wait3A_287 : memref<8x1x256xf32, #tpu.memory_space<hbm>>)
    %dma_wait3A_293 = arith.constant 0 : i32
    %dma_wait3A_294 = arith.constant 0 : i32
    %dma_wait3A_295 = arith.constant 0 : i32
    %dma_wait3A_296 = arith.constant 7 : i32
    %dma_wait3A_297 = arith.constant 0 : i32
    %dma_wait3A_298 = tpu.memref_slice %arg4[%dma_wait3A_293, %dma_wait3A_295, %dma_wait3A_296, %dma_wait3A_297] : memref<2x8x10x256xf32, #tpu.memory_space<vmem>> -> memref<1x8x1x256xf32, #tpu.memory_space<vmem>>
    %dma_wait3A_299 = tpu.memref_squeeze %dma_wait3A_298 : memref<1x8x1x256xf32, #tpu.memory_space<vmem>> -> memref<8x1x256xf32, #tpu.memory_space<vmem>>
    %dma_wait3A_300 = arith.constant 12 : i32
    %dma_wait3A_301 = arith.constant 0 : i32
    %dma_wait3A_302 = tpu.memref_slice %arg3[%add3A_53, %dma_wait3A_300, %dma_wait3A_301] : memref<16384x16x256xf32, #tpu.memory_space<hbm>> -> memref<8x1x256xf32, #tpu.memory_space<hbm>>
    %dma_wait3A_303 = tpu.memref_slice %arg6[%dma_wait3A_294] : memref<2x!tpu.dma_semaphore, #tpu.memory_space<semaphore_mem>> -> memref<1x!tpu.dma_semaphore, #tpu.memory_space<semaphore_mem>>
    %dma_wait3A_304 = tpu.memref_squeeze %dma_wait3A_303 : memref<1x!tpu.dma_semaphore, #tpu.memory_space<semaphore_mem>> -> memref<!tpu.dma_semaphore, #tpu.memory_space<semaphore_mem>>
    %dma_wait3A_305 = arith.constant 12 : i32
    %dma_wait3A_306 = arith.constant 0 : i32
    %dma_wait3A_307 = tpu.memref_slice %arg3[%add3A_53, %dma_wait3A_305, %dma_wait3A_306] : memref<16384x16x256xf32, #tpu.memory_space<hbm>> -> memref<8x1x256xf32, #tpu.memory_space<hbm>>
    %dma_wait3A_308 = arith.constant 0 : i32
    %dma_wait3A_309 = arith.constant 7 : i32
    %dma_wait3A_310 = arith.constant 0 : i32
    %dma_wait3A_311 = tpu.memref_slice %arg4[%dma_wait3A_293, %dma_wait3A_308, %dma_wait3A_309, %dma_wait3A_310] : memref<2x8x10x256xf32, #tpu.memory_space<vmem>> -> memref<1x8x1x256xf32, #tpu.memory_space<vmem>>
    %dma_wait3A_312 = tpu.memref_squeeze %dma_wait3A_311 : memref<1x8x1x256xf32, #tpu.memory_space<vmem>> -> memref<8x1x256xf32, #tpu.memory_space<vmem>>
    tpu.wait_dma2 semaphore(%dma_wait3A_304 : memref<!tpu.dma_semaphore, #tpu.memory_space<semaphore_mem>>) src(%dma_wait3A_312 : memref<8x1x256xf32, #tpu.memory_space<vmem>>) dst(%dma_wait3A_307 : memref<8x1x256xf32, #tpu.memory_space<hbm>>)
    %dma_wait3A_313 = arith.constant 0 : i32
    %dma_wait3A_314 = arith.constant 0 : i32
    %dma_wait3A_315 = arith.constant 0 : i32
    %dma_wait3A_316 = arith.constant 8 : i32
    %dma_wait3A_317 = arith.constant 0 : i32
    %dma_wait3A_318 = tpu.memref_slice %arg4[%dma_wait3A_313, %dma_wait3A_315, %dma_wait3A_316, %dma_wait3A_317] : memref<2x8x10x256xf32, #tpu.memory_space<vmem>> -> memref<1x8x1x256xf32, #tpu.memory_space<vmem>>
    %dma_wait3A_319 = tpu.memref_squeeze %dma_wait3A_318 : memref<1x8x1x256xf32, #tpu.memory_space<vmem>> -> memref<8x1x256xf32, #tpu.memory_space<vmem>>
    %dma_wait3A_320 = arith.constant 13 : i32
    %dma_wait3A_321 = arith.constant 0 : i32
    %dma_wait3A_322 = tpu.memref_slice %arg3[%add3A_53, %dma_wait3A_320, %dma_wait3A_321] : memref<16384x16x256xf32, #tpu.memory_space<hbm>> -> memref<8x1x256xf32, #tpu.memory_space<hbm>>
    %dma_wait3A_323 = tpu.memref_slice %arg6[%dma_wait3A_314] : memref<2x!tpu.dma_semaphore, #tpu.memory_space<semaphore_mem>> -> memref<1x!tpu.dma_semaphore, #tpu.memory_space<semaphore_mem>>
    %dma_wait3A_324 = tpu.memref_squeeze %dma_wait3A_323 : memref<1x!tpu.dma_semaphore, #tpu.memory_space<semaphore_mem>> -> memref<!tpu.dma_semaphore, #tpu.memory_space<semaphore_mem>>
    %dma_wait3A_325 = arith.constant 13 : i32
    %dma_wait3A_326 = arith.constant 0 : i32
    %dma_wait3A_327 = tpu.memref_slice %arg3[%add3A_53, %dma_wait3A_325, %dma_wait3A_326] : memref<16384x16x256xf32, #tpu.memory_space<hbm>> -> memref<8x1x256xf32, #tpu.memory_space<hbm>>
    %dma_wait3A_328 = arith.constant 0 : i32
    %dma_wait3A_329 = arith.constant 8 : i32
    %dma_wait3A_330 = arith.constant 0 : i32
    %dma_wait3A_331 = tpu.memref_slice %arg4[%dma_wait3A_313, %dma_wait3A_328, %dma_wait3A_329, %dma_wait3A_330] : memref<2x8x10x256xf32, #tpu.memory_space<vmem>> -> memref<1x8x1x256xf32, #tpu.memory_space<vmem>>
    %dma_wait3A_332 = tpu.memref_squeeze %dma_wait3A_331 : memref<1x8x1x256xf32, #tpu.memory_space<vmem>> -> memref<8x1x256xf32, #tpu.memory_space<vmem>>
    tpu.wait_dma2 semaphore(%dma_wait3A_324 : memref<!tpu.dma_semaphore, #tpu.memory_space<semaphore_mem>>) src(%dma_wait3A_332 : memref<8x1x256xf32, #tpu.memory_space<vmem>>) dst(%dma_wait3A_327 : memref<8x1x256xf32, #tpu.memory_space<hbm>>)
    %dma_wait3A_333 = arith.constant 0 : i32
    %dma_wait3A_334 = arith.constant 0 : i32
    %dma_wait3A_335 = arith.constant 0 : i32
    %dma_wait3A_336 = arith.constant 9 : i32
    %dma_wait3A_337 = arith.constant 0 : i32
    %dma_wait3A_338 = tpu.memref_slice %arg4[%dma_wait3A_333, %dma_wait3A_335, %dma_wait3A_336, %dma_wait3A_337] : memref<2x8x10x256xf32, #tpu.memory_space<vmem>> -> memref<1x8x1x256xf32, #tpu.memory_space<vmem>>
    %dma_wait3A_339 = tpu.memref_squeeze %dma_wait3A_338 : memref<1x8x1x256xf32, #tpu.memory_space<vmem>> -> memref<8x1x256xf32, #tpu.memory_space<vmem>>
    %dma_wait3A_340 = arith.constant 14 : i32
    %dma_wait3A_341 = arith.constant 0 : i32
    %dma_wait3A_342 = tpu.memref_slice %arg3[%add3A_53, %dma_wait3A_340, %dma_wait3A_341] : memref<16384x16x256xf32, #tpu.memory_space<hbm>> -> memref<8x1x256xf32, #tpu.memory_space<hbm>>
    %dma_wait3A_343 = tpu.memref_slice %arg6[%dma_wait3A_334] : memref<2x!tpu.dma_semaphore, #tpu.memory_space<semaphore_mem>> -> memref<1x!tpu.dma_semaphore, #tpu.memory_space<semaphore_mem>>
    %dma_wait3A_344 = tpu.memref_squeeze %dma_wait3A_343 : memref<1x!tpu.dma_semaphore, #tpu.memory_space<semaphore_mem>> -> memref<!tpu.dma_semaphore, #tpu.memory_space<semaphore_mem>>
    %dma_wait3A_345 = arith.constant 14 : i32
    %dma_wait3A_346 = arith.constant 0 : i32
    %dma_wait3A_347 = tpu.memref_slice %arg3[%add3A_53, %dma_wait3A_345, %dma_wait3A_346] : memref<16384x16x256xf32, #tpu.memory_space<hbm>> -> memref<8x1x256xf32, #tpu.memory_space<hbm>>
    %dma_wait3A_348 = arith.constant 0 : i32
    %dma_wait3A_349 = arith.constant 9 : i32
    %dma_wait3A_350 = arith.constant 0 : i32
    %dma_wait3A_351 = tpu.memref_slice %arg4[%dma_wait3A_333, %dma_wait3A_348, %dma_wait3A_349, %dma_wait3A_350] : memref<2x8x10x256xf32, #tpu.memory_space<vmem>> -> memref<1x8x1x256xf32, #tpu.memory_space<vmem>>
    %dma_wait3A_352 = tpu.memref_squeeze %dma_wait3A_351 : memref<1x8x1x256xf32, #tpu.memory_space<vmem>> -> memref<8x1x256xf32, #tpu.memory_space<vmem>>
    tpu.wait_dma2 semaphore(%dma_wait3A_344 : memref<!tpu.dma_semaphore, #tpu.memory_space<semaphore_mem>>) src(%dma_wait3A_352 : memref<8x1x256xf32, #tpu.memory_space<vmem>>) dst(%dma_wait3A_347 : memref<8x1x256xf32, #tpu.memory_space<hbm>>)
    %dma_wait3A_353 = arith.constant 0 : i32
    %dma_wait3A_354 = arith.constant 0 : i32
    %dma_wait3A_355 = arith.constant 0 : i32
    %dma_wait3A_356 = arith.constant 9 : i32
    %dma_wait3A_357 = arith.constant 0 : i32
    %dma_wait3A_358 = tpu.memref_slice %arg4[%dma_wait3A_353, %dma_wait3A_355, %dma_wait3A_356, %dma_wait3A_357] : memref<2x8x10x256xf32, #tpu.memory_space<vmem>> -> memref<1x8x1x256xf32, #tpu.memory_space<vmem>>
    %dma_wait3A_359 = tpu.memref_squeeze %dma_wait3A_358 : memref<1x8x1x256xf32, #tpu.memory_space<vmem>> -> memref<8x1x256xf32, #tpu.memory_space<vmem>>
    %dma_wait3A_360 = arith.constant 15 : i32
    %dma_wait3A_361 = arith.constant 0 : i32
    %dma_wait3A_362 = tpu.memref_slice %arg3[%add3A_53, %dma_wait3A_360, %dma_wait3A_361] : memref<16384x16x256xf32, #tpu.memory_space<hbm>> -> memref<8x1x256xf32, #tpu.memory_space<hbm>>
    %dma_wait3A_363 = tpu.memref_slice %arg6[%dma_wait3A_354] : memref<2x!tpu.dma_semaphore, #tpu.memory_space<semaphore_mem>> -> memref<1x!tpu.dma_semaphore, #tpu.memory_space<semaphore_mem>>
    %dma_wait3A_364 = tpu.memref_squeeze %dma_wait3A_363 : memref<1x!tpu.dma_semaphore, #tpu.memory_space<semaphore_mem>> -> memref<!tpu.dma_semaphore, #tpu.memory_space<semaphore_mem>>
    %dma_wait3A_365 = arith.constant 15 : i32
    %dma_wait3A_366 = arith.constant 0 : i32
    %dma_wait3A_367 = tpu.memref_slice %arg3[%add3A_53, %dma_wait3A_365, %dma_wait3A_366] : memref<16384x16x256xf32, #tpu.memory_space<hbm>> -> memref<8x1x256xf32, #tpu.memory_space<hbm>>
    %dma_wait3A_368 = arith.constant 0 : i32
    %dma_wait3A_369 = arith.constant 9 : i32
    %dma_wait3A_370 = arith.constant 0 : i32
    %dma_wait3A_371 = tpu.memref_slice %arg4[%dma_wait3A_353, %dma_wait3A_368, %dma_wait3A_369, %dma_wait3A_370] : memref<2x8x10x256xf32, #tpu.memory_space<vmem>> -> memref<1x8x1x256xf32, #tpu.memory_space<vmem>>
    %dma_wait3A_372 = tpu.memref_squeeze %dma_wait3A_371 : memref<1x8x1x256xf32, #tpu.memory_space<vmem>> -> memref<8x1x256xf32, #tpu.memory_space<vmem>>
    tpu.wait_dma2 semaphore(%dma_wait3A_364 : memref<!tpu.dma_semaphore, #tpu.memory_space<semaphore_mem>>) src(%dma_wait3A_372 : memref<8x1x256xf32, #tpu.memory_space<vmem>>) dst(%dma_wait3A_367 : memref<8x1x256xf32, #tpu.memory_space<hbm>>)
    %add3A_373 = arith.constant 504 : i32
    %add3A_374 = arith.addi %mul3A_2, %add3A_373 : i32
    %dma_wait3A_375 = arith.constant 1 : i32
    %dma_wait3A_376 = arith.constant 1 : i32
    %dma_wait3A_377 = arith.constant 0 : i32
    %dma_wait3A_378 = arith.constant 4 : i32
    %dma_wait3A_379 = arith.constant 0 : i32
    %dma_wait3A_380 = tpu.memref_slice %arg4[%dma_wait3A_375, %dma_wait3A_377, %dma_wait3A_378, %dma_wait3A_379] : memref<2x8x10x256xf32, #tpu.memory_space<vmem>> -> memref<1x8x1x256xf32, #tpu.memory_space<vmem>>
    %dma_wait3A_381 = tpu.memref_squeeze %dma_wait3A_380 : memref<1x8x1x256xf32, #tpu.memory_space<vmem>> -> memref<8x1x256xf32, #tpu.memory_space<vmem>>
    %dma_wait3A_382 = arith.constant 0 : i32
    %dma_wait3A_383 = arith.constant 0 : i32
    %dma_wait3A_384 = tpu.memref_slice %arg3[%add3A_374, %dma_wait3A_382, %dma_wait3A_383] : memref<16384x16x256xf32, #tpu.memory_space<hbm>> -> memref<8x1x256xf32, #tpu.memory_space<hbm>>
    %dma_wait3A_385 = tpu.memref_slice %arg6[%dma_wait3A_376] : memref<2x!tpu.dma_semaphore, #tpu.memory_space<semaphore_mem>> -> memref<1x!tpu.dma_semaphore, #tpu.memory_space<semaphore_mem>>
    %dma_wait3A_386 = tpu.memref_squeeze %dma_wait3A_385 : memref<1x!tpu.dma_semaphore, #tpu.memory_space<semaphore_mem>> -> memref<!tpu.dma_semaphore, #tpu.memory_space<semaphore_mem>>
    %dma_wait3A_387 = arith.constant 0 : i32
    %dma_wait3A_388 = arith.constant 0 : i32
    %dma_wait3A_389 = tpu.memref_slice %arg3[%add3A_374, %dma_wait3A_387, %dma_wait3A_388] : memref<16384x16x256xf32, #tpu.memory_space<hbm>> -> memref<8x1x256xf32, #tpu.memory_space<hbm>>
    %dma_wait3A_390 = arith.constant 0 : i32
    %dma_wait3A_391 = arith.constant 4 : i32
    %dma_wait3A_392 = arith.constant 0 : i32
    %dma_wait3A_393 = tpu.memref_slice %arg4[%dma_wait3A_375, %dma_wait3A_390, %dma_wait3A_391, %dma_wait3A_392] : memref<2x8x10x256xf32, #tpu.memory_space<vmem>> -> memref<1x8x1x256xf32, #tpu.memory_space<vmem>>
    %dma_wait3A_394 = tpu.memref_squeeze %dma_wait3A_393 : memref<1x8x1x256xf32, #tpu.memory_space<vmem>> -> memref<8x1x256xf32, #tpu.memory_space<vmem>>
    tpu.wait_dma2 semaphore(%dma_wait3A_386 : memref<!tpu.dma_semaphore, #tpu.memory_space<semaphore_mem>>) src(%dma_wait3A_394 : memref<8x1x256xf32, #tpu.memory_space<vmem>>) dst(%dma_wait3A_389 : memref<8x1x256xf32, #tpu.memory_space<hbm>>)
    %dma_wait3A_395 = arith.constant 1 : i32
    %dma_wait3A_396 = arith.constant 1 : i32
    %dma_wait3A_397 = arith.constant 0 : i32
    %dma_wait3A_398 = arith.constant 2 : i32
    %dma_wait3A_399 = arith.constant 0 : i32
    %dma_wait3A_400 = tpu.memref_slice %arg4[%dma_wait3A_395, %dma_wait3A_397, %dma_wait3A_398, %dma_wait3A_399] : memref<2x8x10x256xf32, #tpu.memory_space<vmem>> -> memref<1x8x1x256xf32, #tpu.memory_space<vmem>>
    %dma_wait3A_401 = tpu.memref_squeeze %dma_wait3A_400 : memref<1x8x1x256xf32, #tpu.memory_space<vmem>> -> memref<8x1x256xf32, #tpu.memory_space<vmem>>
    %dma_wait3A_402 = arith.constant 1 : i32
    %dma_wait3A_403 = arith.constant 0 : i32
    %dma_wait3A_404 = tpu.memref_slice %arg3[%add3A_374, %dma_wait3A_402, %dma_wait3A_403] : memref<16384x16x256xf32, #tpu.memory_space<hbm>> -> memref<8x1x256xf32, #tpu.memory_space<hbm>>
    %dma_wait3A_405 = tpu.memref_slice %arg6[%dma_wait3A_396] : memref<2x!tpu.dma_semaphore, #tpu.memory_space<semaphore_mem>> -> memref<1x!tpu.dma_semaphore, #tpu.memory_space<semaphore_mem>>
    %dma_wait3A_406 = tpu.memref_squeeze %dma_wait3A_405 : memref<1x!tpu.dma_semaphore, #tpu.memory_space<semaphore_mem>> -> memref<!tpu.dma_semaphore, #tpu.memory_space<semaphore_mem>>
    %dma_wait3A_407 = arith.constant 1 : i32
    %dma_wait3A_408 = arith.constant 0 : i32
    %dma_wait3A_409 = tpu.memref_slice %arg3[%add3A_374, %dma_wait3A_407, %dma_wait3A_408] : memref<16384x16x256xf32, #tpu.memory_space<hbm>> -> memref<8x1x256xf32, #tpu.memory_space<hbm>>
    %dma_wait3A_410 = arith.constant 0 : i32
    %dma_wait3A_411 = arith.constant 2 : i32
    %dma_wait3A_412 = arith.constant 0 : i32
    %dma_wait3A_413 = tpu.memref_slice %arg4[%dma_wait3A_395, %dma_wait3A_410, %dma_wait3A_411, %dma_wait3A_412] : memref<2x8x10x256xf32, #tpu.memory_space<vmem>> -> memref<1x8x1x256xf32, #tpu.memory_space<vmem>>
    %dma_wait3A_414 = tpu.memref_squeeze %dma_wait3A_413 : memref<1x8x1x256xf32, #tpu.memory_space<vmem>> -> memref<8x1x256xf32, #tpu.memory_space<vmem>>
    tpu.wait_dma2 semaphore(%dma_wait3A_406 : memref<!tpu.dma_semaphore, #tpu.memory_space<semaphore_mem>>) src(%dma_wait3A_414 : memref<8x1x256xf32, #tpu.memory_space<vmem>>) dst(%dma_wait3A_409 : memref<8x1x256xf32, #tpu.memory_space<hbm>>)
    %dma_wait3A_415 = arith.constant 1 : i32
    %dma_wait3A_416 = arith.constant 1 : i32
    %dma_wait3A_417 = arith.constant 0 : i32
    %dma_wait3A_418 = arith.constant 3 : i32
    %dma_wait3A_419 = arith.constant 0 : i32
    %dma_wait3A_420 = tpu.memref_slice %arg4[%dma_wait3A_415, %dma_wait3A_417, %dma_wait3A_418, %dma_wait3A_419] : memref<2x8x10x256xf32, #tpu.memory_space<vmem>> -> memref<1x8x1x256xf32, #tpu.memory_space<vmem>>
    %dma_wait3A_421 = tpu.memref_squeeze %dma_wait3A_420 : memref<1x8x1x256xf32, #tpu.memory_space<vmem>> -> memref<8x1x256xf32, #tpu.memory_space<vmem>>
    %dma_wait3A_422 = arith.constant 2 : i32
    %dma_wait3A_423 = arith.constant 0 : i32
    %dma_wait3A_424 = tpu.memref_slice %arg3[%add3A_374, %dma_wait3A_422, %dma_wait3A_423] : memref<16384x16x256xf32, #tpu.memory_space<hbm>> -> memref<8x1x256xf32, #tpu.memory_space<hbm>>
    %dma_wait3A_425 = tpu.memref_slice %arg6[%dma_wait3A_416] : memref<2x!tpu.dma_semaphore, #tpu.memory_space<semaphore_mem>> -> memref<1x!tpu.dma_semaphore, #tpu.memory_space<semaphore_mem>>
    %dma_wait3A_426 = tpu.memref_squeeze %dma_wait3A_425 : memref<1x!tpu.dma_semaphore, #tpu.memory_space<semaphore_mem>> -> memref<!tpu.dma_semaphore, #tpu.memory_space<semaphore_mem>>
    %dma_wait3A_427 = arith.constant 2 : i32
    %dma_wait3A_428 = arith.constant 0 : i32
    %dma_wait3A_429 = tpu.memref_slice %arg3[%add3A_374, %dma_wait3A_427, %dma_wait3A_428] : memref<16384x16x256xf32, #tpu.memory_space<hbm>> -> memref<8x1x256xf32, #tpu.memory_space<hbm>>
    %dma_wait3A_430 = arith.constant 0 : i32
    %dma_wait3A_431 = arith.constant 3 : i32
    %dma_wait3A_432 = arith.constant 0 : i32
    %dma_wait3A_433 = tpu.memref_slice %arg4[%dma_wait3A_415, %dma_wait3A_430, %dma_wait3A_431, %dma_wait3A_432] : memref<2x8x10x256xf32, #tpu.memory_space<vmem>> -> memref<1x8x1x256xf32, #tpu.memory_space<vmem>>
    %dma_wait3A_434 = tpu.memref_squeeze %dma_wait3A_433 : memref<1x8x1x256xf32, #tpu.memory_space<vmem>> -> memref<8x1x256xf32, #tpu.memory_space<vmem>>
    tpu.wait_dma2 semaphore(%dma_wait3A_426 : memref<!tpu.dma_semaphore, #tpu.memory_space<semaphore_mem>>) src(%dma_wait3A_434 : memref<8x1x256xf32, #tpu.memory_space<vmem>>) dst(%dma_wait3A_429 : memref<8x1x256xf32, #tpu.memory_space<hbm>>)
    %dma_wait3A_435 = arith.constant 1 : i32
    %dma_wait3A_436 = arith.constant 1 : i32
    %dma_wait3A_437 = arith.constant 0 : i32
    %dma_wait3A_438 = arith.constant 3 : i32
    %dma_wait3A_439 = arith.constant 0 : i32
    %dma_wait3A_440 = tpu.memref_slice %arg4[%dma_wait3A_435, %dma_wait3A_437, %dma_wait3A_438, %dma_wait3A_439] : memref<2x8x10x256xf32, #tpu.memory_space<vmem>> -> memref<1x8x1x256xf32, #tpu.memory_space<vmem>>
    %dma_wait3A_441 = tpu.memref_squeeze %dma_wait3A_440 : memref<1x8x1x256xf32, #tpu.memory_space<vmem>> -> memref<8x1x256xf32, #tpu.memory_space<vmem>>
    %dma_wait3A_442 = arith.constant 3 : i32
    %dma_wait3A_443 = arith.constant 0 : i32
    %dma_wait3A_444 = tpu.memref_slice %arg3[%add3A_374, %dma_wait3A_442, %dma_wait3A_443] : memref<16384x16x256xf32, #tpu.memory_space<hbm>> -> memref<8x1x256xf32, #tpu.memory_space<hbm>>
    %dma_wait3A_445 = tpu.memref_slice %arg6[%dma_wait3A_436] : memref<2x!tpu.dma_semaphore, #tpu.memory_space<semaphore_mem>> -> memref<1x!tpu.dma_semaphore, #tpu.memory_space<semaphore_mem>>
    %dma_wait3A_446 = tpu.memref_squeeze %dma_wait3A_445 : memref<1x!tpu.dma_semaphore, #tpu.memory_space<semaphore_mem>> -> memref<!tpu.dma_semaphore, #tpu.memory_space<semaphore_mem>>
    %dma_wait3A_447 = arith.constant 3 : i32
    %dma_wait3A_448 = arith.constant 0 : i32
    %dma_wait3A_449 = tpu.memref_slice %arg3[%add3A_374, %dma_wait3A_447, %dma_wait3A_448] : memref<16384x16x256xf32, #tpu.memory_space<hbm>> -> memref<8x1x256xf32, #tpu.memory_space<hbm>>
    %dma_wait3A_450 = arith.constant 0 : i32
    %dma_wait3A_451 = arith.constant 3 : i32
    %dma_wait3A_452 = arith.constant 0 : i32
    %dma_wait3A_453 = tpu.memref_slice %arg4[%dma_wait3A_435, %dma_wait3A_450, %dma_wait3A_451, %dma_wait3A_452] : memref<2x8x10x256xf32, #tpu.memory_space<vmem>> -> memref<1x8x1x256xf32, #tpu.memory_space<vmem>>
    %dma_wait3A_454 = tpu.memref_squeeze %dma_wait3A_453 : memref<1x8x1x256xf32, #tpu.memory_space<vmem>> -> memref<8x1x256xf32, #tpu.memory_space<vmem>>
    tpu.wait_dma2 semaphore(%dma_wait3A_446 : memref<!tpu.dma_semaphore, #tpu.memory_space<semaphore_mem>>) src(%dma_wait3A_454 : memref<8x1x256xf32, #tpu.memory_space<vmem>>) dst(%dma_wait3A_449 : memref<8x1x256xf32, #tpu.memory_space<hbm>>)
    %dma_wait3A_455 = arith.constant 1 : i32
    %dma_wait3A_456 = arith.constant 1 : i32
    %dma_wait3A_457 = arith.constant 0 : i32
    %dma_wait3A_458 = arith.constant 0 : i32
    %dma_wait3A_459 = arith.constant 0 : i32
    %dma_wait3A_460 = tpu.memref_slice %arg4[%dma_wait3A_455, %dma_wait3A_457, %dma_wait3A_458, %dma_wait3A_459] : memref<2x8x10x256xf32, #tpu.memory_space<vmem>> -> memref<1x8x1x256xf32, #tpu.memory_space<vmem>>
    %dma_wait3A_461 = tpu.memref_squeeze %dma_wait3A_460 : memref<1x8x1x256xf32, #tpu.memory_space<vmem>> -> memref<8x1x256xf32, #tpu.memory_space<vmem>>
    %dma_wait3A_462 = arith.constant 4 : i32
    %dma_wait3A_463 = arith.constant 0 : i32
    %dma_wait3A_464 = tpu.memref_slice %arg3[%add3A_374, %dma_wait3A_462, %dma_wait3A_463] : memref<16384x16x256xf32, #tpu.memory_space<hbm>> -> memref<8x1x256xf32, #tpu.memory_space<hbm>>
    %dma_wait3A_465 = tpu.memref_slice %arg6[%dma_wait3A_456] : memref<2x!tpu.dma_semaphore, #tpu.memory_space<semaphore_mem>> -> memref<1x!tpu.dma_semaphore, #tpu.memory_space<semaphore_mem>>
    %dma_wait3A_466 = tpu.memref_squeeze %dma_wait3A_465 : memref<1x!tpu.dma_semaphore, #tpu.memory_space<semaphore_mem>> -> memref<!tpu.dma_semaphore, #tpu.memory_space<semaphore_mem>>
    %dma_wait3A_467 = arith.constant 4 : i32
    %dma_wait3A_468 = arith.constant 0 : i32
    %dma_wait3A_469 = tpu.memref_slice %arg3[%add3A_374, %dma_wait3A_467, %dma_wait3A_468] : memref<16384x16x256xf32, #tpu.memory_space<hbm>> -> memref<8x1x256xf32, #tpu.memory_space<hbm>>
    %dma_wait3A_470 = arith.constant 0 : i32
    %dma_wait3A_471 = arith.constant 0 : i32
    %dma_wait3A_472 = arith.constant 0 : i32
    %dma_wait3A_473 = tpu.memref_slice %arg4[%dma_wait3A_455, %dma_wait3A_470, %dma_wait3A_471, %dma_wait3A_472] : memref<2x8x10x256xf32, #tpu.memory_space<vmem>> -> memref<1x8x1x256xf32, #tpu.memory_space<vmem>>
    %dma_wait3A_474 = tpu.memref_squeeze %dma_wait3A_473 : memref<1x8x1x256xf32, #tpu.memory_space<vmem>> -> memref<8x1x256xf32, #tpu.memory_space<vmem>>
    tpu.wait_dma2 semaphore(%dma_wait3A_466 : memref<!tpu.dma_semaphore, #tpu.memory_space<semaphore_mem>>) src(%dma_wait3A_474 : memref<8x1x256xf32, #tpu.memory_space<vmem>>) dst(%dma_wait3A_469 : memref<8x1x256xf32, #tpu.memory_space<hbm>>)
    %dma_wait3A_475 = arith.constant 1 : i32
    %dma_wait3A_476 = arith.constant 1 : i32
    %dma_wait3A_477 = arith.constant 0 : i32
    %dma_wait3A_478 = arith.constant 1 : i32
    %dma_wait3A_479 = arith.constant 0 : i32
    %dma_wait3A_480 = tpu.memref_slice %arg4[%dma_wait3A_475, %dma_wait3A_477, %dma_wait3A_478, %dma_wait3A_479] : memref<2x8x10x256xf32, #tpu.memory_space<vmem>> -> memref<1x8x1x256xf32, #tpu.memory_space<vmem>>
    %dma_wait3A_481 = tpu.memref_squeeze %dma_wait3A_480 : memref<1x8x1x256xf32, #tpu.memory_space<vmem>> -> memref<8x1x256xf32, #tpu.memory_space<vmem>>
    %dma_wait3A_482 = arith.constant 5 : i32
    %dma_wait3A_483 = arith.constant 0 : i32
    %dma_wait3A_484 = tpu.memref_slice %arg3[%add3A_374, %dma_wait3A_482, %dma_wait3A_483] : memref<16384x16x256xf32, #tpu.memory_space<hbm>> -> memref<8x1x256xf32, #tpu.memory_space<hbm>>
    %dma_wait3A_485 = tpu.memref_slice %arg6[%dma_wait3A_476] : memref<2x!tpu.dma_semaphore, #tpu.memory_space<semaphore_mem>> -> memref<1x!tpu.dma_semaphore, #tpu.memory_space<semaphore_mem>>
    %dma_wait3A_486 = tpu.memref_squeeze %dma_wait3A_485 : memref<1x!tpu.dma_semaphore, #tpu.memory_space<semaphore_mem>> -> memref<!tpu.dma_semaphore, #tpu.memory_space<semaphore_mem>>
    %dma_wait3A_487 = arith.constant 5 : i32
    %dma_wait3A_488 = arith.constant 0 : i32
    %dma_wait3A_489 = tpu.memref_slice %arg3[%add3A_374, %dma_wait3A_487, %dma_wait3A_488] : memref<16384x16x256xf32, #tpu.memory_space<hbm>> -> memref<8x1x256xf32, #tpu.memory_space<hbm>>
    %dma_wait3A_490 = arith.constant 0 : i32
    %dma_wait3A_491 = arith.constant 1 : i32
    %dma_wait3A_492 = arith.constant 0 : i32
    %dma_wait3A_493 = tpu.memref_slice %arg4[%dma_wait3A_475, %dma_wait3A_490, %dma_wait3A_491, %dma_wait3A_492] : memref<2x8x10x256xf32, #tpu.memory_space<vmem>> -> memref<1x8x1x256xf32, #tpu.memory_space<vmem>>
    %dma_wait3A_494 = tpu.memref_squeeze %dma_wait3A_493 : memref<1x8x1x256xf32, #tpu.memory_space<vmem>> -> memref<8x1x256xf32, #tpu.memory_space<vmem>>
    tpu.wait_dma2 semaphore(%dma_wait3A_486 : memref<!tpu.dma_semaphore, #tpu.memory_space<semaphore_mem>>) src(%dma_wait3A_494 : memref<8x1x256xf32, #tpu.memory_space<vmem>>) dst(%dma_wait3A_489 : memref<8x1x256xf32, #tpu.memory_space<hbm>>)
    %dma_wait3A_495 = arith.constant 1 : i32
    %dma_wait3A_496 = arith.constant 1 : i32
    %dma_wait3A_497 = arith.constant 0 : i32
    %dma_wait3A_498 = arith.constant 1 : i32
    %dma_wait3A_499 = arith.constant 0 : i32
    %dma_wait3A_500 = tpu.memref_slice %arg4[%dma_wait3A_495, %dma_wait3A_497, %dma_wait3A_498, %dma_wait3A_499] : memref<2x8x10x256xf32, #tpu.memory_space<vmem>> -> memref<1x8x1x256xf32, #tpu.memory_space<vmem>>
    %dma_wait3A_501 = tpu.memref_squeeze %dma_wait3A_500 : memref<1x8x1x256xf32, #tpu.memory_space<vmem>> -> memref<8x1x256xf32, #tpu.memory_space<vmem>>
    %dma_wait3A_502 = arith.constant 6 : i32
    %dma_wait3A_503 = arith.constant 0 : i32
    %dma_wait3A_504 = tpu.memref_slice %arg3[%add3A_374, %dma_wait3A_502, %dma_wait3A_503] : memref<16384x16x256xf32, #tpu.memory_space<hbm>> -> memref<8x1x256xf32, #tpu.memory_space<hbm>>
    %dma_wait3A_505 = tpu.memref_slice %arg6[%dma_wait3A_496] : memref<2x!tpu.dma_semaphore, #tpu.memory_space<semaphore_mem>> -> memref<1x!tpu.dma_semaphore, #tpu.memory_space<semaphore_mem>>
    %dma_wait3A_506 = tpu.memref_squeeze %dma_wait3A_505 : memref<1x!tpu.dma_semaphore, #tpu.memory_space<semaphore_mem>> -> memref<!tpu.dma_semaphore, #tpu.memory_space<semaphore_mem>>
    %dma_wait3A_507 = arith.constant 6 : i32
    %dma_wait3A_508 = arith.constant 0 : i32
    %dma_wait3A_509 = tpu.memref_slice %arg3[%add3A_374, %dma_wait3A_507, %dma_wait3A_508] : memref<16384x16x256xf32, #tpu.memory_space<hbm>> -> memref<8x1x256xf32, #tpu.memory_space<hbm>>
    %dma_wait3A_510 = arith.constant 0 : i32
    %dma_wait3A_511 = arith.constant 1 : i32
    %dma_wait3A_512 = arith.constant 0 : i32
    %dma_wait3A_513 = tpu.memref_slice %arg4[%dma_wait3A_495, %dma_wait3A_510, %dma_wait3A_511, %dma_wait3A_512] : memref<2x8x10x256xf32, #tpu.memory_space<vmem>> -> memref<1x8x1x256xf32, #tpu.memory_space<vmem>>
    %dma_wait3A_514 = tpu.memref_squeeze %dma_wait3A_513 : memref<1x8x1x256xf32, #tpu.memory_space<vmem>> -> memref<8x1x256xf32, #tpu.memory_space<vmem>>
    tpu.wait_dma2 semaphore(%dma_wait3A_506 : memref<!tpu.dma_semaphore, #tpu.memory_space<semaphore_mem>>) src(%dma_wait3A_514 : memref<8x1x256xf32, #tpu.memory_space<vmem>>) dst(%dma_wait3A_509 : memref<8x1x256xf32, #tpu.memory_space<hbm>>)
    %dma_wait3A_515 = arith.constant 1 : i32
    %dma_wait3A_516 = arith.constant 1 : i32
    %dma_wait3A_517 = arith.constant 0 : i32
    %dma_wait3A_518 = arith.constant 4 : i32
    %dma_wait3A_519 = arith.constant 0 : i32
    %dma_wait3A_520 = tpu.memref_slice %arg4[%dma_wait3A_515, %dma_wait3A_517, %dma_wait3A_518, %dma_wait3A_519] : memref<2x8x10x256xf32, #tpu.memory_space<vmem>> -> memref<1x8x1x256xf32, #tpu.memory_space<vmem>>
    %dma_wait3A_521 = tpu.memref_squeeze %dma_wait3A_520 : memref<1x8x1x256xf32, #tpu.memory_space<vmem>> -> memref<8x1x256xf32, #tpu.memory_space<vmem>>
    %dma_wait3A_522 = arith.constant 7 : i32
    %dma_wait3A_523 = arith.constant 0 : i32
    %dma_wait3A_524 = tpu.memref_slice %arg3[%add3A_374, %dma_wait3A_522, %dma_wait3A_523] : memref<16384x16x256xf32, #tpu.memory_space<hbm>> -> memref<8x1x256xf32, #tpu.memory_space<hbm>>
    %dma_wait3A_525 = tpu.memref_slice %arg6[%dma_wait3A_516] : memref<2x!tpu.dma_semaphore, #tpu.memory_space<semaphore_mem>> -> memref<1x!tpu.dma_semaphore, #tpu.memory_space<semaphore_mem>>
    %dma_wait3A_526 = tpu.memref_squeeze %dma_wait3A_525 : memref<1x!tpu.dma_semaphore, #tpu.memory_space<semaphore_mem>> -> memref<!tpu.dma_semaphore, #tpu.memory_space<semaphore_mem>>
    %dma_wait3A_527 = arith.constant 7 : i32
    %dma_wait3A_528 = arith.constant 0 : i32
    %dma_wait3A_529 = tpu.memref_slice %arg3[%add3A_374, %dma_wait3A_527, %dma_wait3A_528] : memref<16384x16x256xf32, #tpu.memory_space<hbm>> -> memref<8x1x256xf32, #tpu.memory_space<hbm>>
    %dma_wait3A_530 = arith.constant 0 : i32
    %dma_wait3A_531 = arith.constant 4 : i32
    %dma_wait3A_532 = arith.constant 0 : i32
    %dma_wait3A_533 = tpu.memref_slice %arg4[%dma_wait3A_515, %dma_wait3A_530, %dma_wait3A_531, %dma_wait3A_532] : memref<2x8x10x256xf32, #tpu.memory_space<vmem>> -> memref<1x8x1x256xf32, #tpu.memory_space<vmem>>
    %dma_wait3A_534 = tpu.memref_squeeze %dma_wait3A_533 : memref<1x8x1x256xf32, #tpu.memory_space<vmem>> -> memref<8x1x256xf32, #tpu.memory_space<vmem>>
    tpu.wait_dma2 semaphore(%dma_wait3A_526 : memref<!tpu.dma_semaphore, #tpu.memory_space<semaphore_mem>>) src(%dma_wait3A_534 : memref<8x1x256xf32, #tpu.memory_space<vmem>>) dst(%dma_wait3A_529 : memref<8x1x256xf32, #tpu.memory_space<hbm>>)
    %dma_wait3A_535 = arith.constant 1 : i32
    %dma_wait3A_536 = arith.constant 1 : i32
    %dma_wait3A_537 = arith.constant 0 : i32
    %dma_wait3A_538 = arith.constant 4 : i32
    %dma_wait3A_539 = arith.constant 0 : i32
    %dma_wait3A_540 = tpu.memref_slice %arg4[%dma_wait3A_535, %dma_wait3A_537, %dma_wait3A_538, %dma_wait3A_539] : memref<2x8x10x256xf32, #tpu.memory_space<vmem>> -> memref<1x8x1x256xf32, #tpu.memory_space<vmem>>
    %dma_wait3A_541 = tpu.memref_squeeze %dma_wait3A_540 : memref<1x8x1x256xf32, #tpu.memory_space<vmem>> -> memref<8x1x256xf32, #tpu.memory_space<vmem>>
    %dma_wait3A_542 = arith.constant 8 : i32
    %dma_wait3A_543 = arith.constant 0 : i32
    %dma_wait3A_544 = tpu.memref_slice %arg3[%add3A_374, %dma_wait3A_542, %dma_wait3A_543] : memref<16384x16x256xf32, #tpu.memory_space<hbm>> -> memref<8x1x256xf32, #tpu.memory_space<hbm>>
    %dma_wait3A_545 = tpu.memref_slice %arg6[%dma_wait3A_536] : memref<2x!tpu.dma_semaphore, #tpu.memory_space<semaphore_mem>> -> memref<1x!tpu.dma_semaphore, #tpu.memory_space<semaphore_mem>>
    %dma_wait3A_546 = tpu.memref_squeeze %dma_wait3A_545 : memref<1x!tpu.dma_semaphore, #tpu.memory_space<semaphore_mem>> -> memref<!tpu.dma_semaphore, #tpu.memory_space<semaphore_mem>>
    %dma_wait3A_547 = arith.constant 8 : i32
    %dma_wait3A_548 = arith.constant 0 : i32
    %dma_wait3A_549 = tpu.memref_slice %arg3[%add3A_374, %dma_wait3A_547, %dma_wait3A_548] : memref<16384x16x256xf32, #tpu.memory_space<hbm>> -> memref<8x1x256xf32, #tpu.memory_space<hbm>>
    %dma_wait3A_550 = arith.constant 0 : i32
    %dma_wait3A_551 = arith.constant 4 : i32
    %dma_wait3A_552 = arith.constant 0 : i32
    %dma_wait3A_553 = tpu.memref_slice %arg4[%dma_wait3A_535, %dma_wait3A_550, %dma_wait3A_551, %dma_wait3A_552] : memref<2x8x10x256xf32, #tpu.memory_space<vmem>> -> memref<1x8x1x256xf32, #tpu.memory_space<vmem>>
    %dma_wait3A_554 = tpu.memref_squeeze %dma_wait3A_553 : memref<1x8x1x256xf32, #tpu.memory_space<vmem>> -> memref<8x1x256xf32, #tpu.memory_space<vmem>>
    tpu.wait_dma2 semaphore(%dma_wait3A_546 : memref<!tpu.dma_semaphore, #tpu.memory_space<semaphore_mem>>) src(%dma_wait3A_554 : memref<8x1x256xf32, #tpu.memory_space<vmem>>) dst(%dma_wait3A_549 : memref<8x1x256xf32, #tpu.memory_space<hbm>>)
    %dma_wait3A_555 = arith.constant 1 : i32
    %dma_wait3A_556 = arith.constant 1 : i32
    %dma_wait3A_557 = arith.constant 0 : i32
    %dma_wait3A_558 = arith.constant 5 : i32
    %dma_wait3A_559 = arith.constant 0 : i32
    %dma_wait3A_560 = tpu.memref_slice %arg4[%dma_wait3A_555, %dma_wait3A_557, %dma_wait3A_558, %dma_wait3A_559] : memref<2x8x10x256xf32, #tpu.memory_space<vmem>> -> memref<1x8x1x256xf32, #tpu.memory_space<vmem>>
    %dma_wait3A_561 = tpu.memref_squeeze %dma_wait3A_560 : memref<1x8x1x256xf32, #tpu.memory_space<vmem>> -> memref<8x1x256xf32, #tpu.memory_space<vmem>>
    %dma_wait3A_562 = arith.constant 9 : i32
    %dma_wait3A_563 = arith.constant 0 : i32
    %dma_wait3A_564 = tpu.memref_slice %arg3[%add3A_374, %dma_wait3A_562, %dma_wait3A_563] : memref<16384x16x256xf32, #tpu.memory_space<hbm>> -> memref<8x1x256xf32, #tpu.memory_space<hbm>>
    %dma_wait3A_565 = tpu.memref_slice %arg6[%dma_wait3A_556] : memref<2x!tpu.dma_semaphore, #tpu.memory_space<semaphore_mem>> -> memref<1x!tpu.dma_semaphore, #tpu.memory_space<semaphore_mem>>
    %dma_wait3A_566 = tpu.memref_squeeze %dma_wait3A_565 : memref<1x!tpu.dma_semaphore, #tpu.memory_space<semaphore_mem>> -> memref<!tpu.dma_semaphore, #tpu.memory_space<semaphore_mem>>
    %dma_wait3A_567 = arith.constant 9 : i32
    %dma_wait3A_568 = arith.constant 0 : i32
    %dma_wait3A_569 = tpu.memref_slice %arg3[%add3A_374, %dma_wait3A_567, %dma_wait3A_568] : memref<16384x16x256xf32, #tpu.memory_space<hbm>> -> memref<8x1x256xf32, #tpu.memory_space<hbm>>
    %dma_wait3A_570 = arith.constant 0 : i32
    %dma_wait3A_571 = arith.constant 5 : i32
    %dma_wait3A_572 = arith.constant 0 : i32
    %dma_wait3A_573 = tpu.memref_slice %arg4[%dma_wait3A_555, %dma_wait3A_570, %dma_wait3A_571, %dma_wait3A_572] : memref<2x8x10x256xf32, #tpu.memory_space<vmem>> -> memref<1x8x1x256xf32, #tpu.memory_space<vmem>>
    %dma_wait3A_574 = tpu.memref_squeeze %dma_wait3A_573 : memref<1x8x1x256xf32, #tpu.memory_space<vmem>> -> memref<8x1x256xf32, #tpu.memory_space<vmem>>
    tpu.wait_dma2 semaphore(%dma_wait3A_566 : memref<!tpu.dma_semaphore, #tpu.memory_space<semaphore_mem>>) src(%dma_wait3A_574 : memref<8x1x256xf32, #tpu.memory_space<vmem>>) dst(%dma_wait3A_569 : memref<8x1x256xf32, #tpu.memory_space<hbm>>)
    %dma_wait3A_575 = arith.constant 1 : i32
    %dma_wait3A_576 = arith.constant 1 : i32
    %dma_wait3A_577 = arith.constant 0 : i32
    %dma_wait3A_578 = arith.constant 6 : i32
    %dma_wait3A_579 = arith.constant 0 : i32
    %dma_wait3A_580 = tpu.memref_slice %arg4[%dma_wait3A_575, %dma_wait3A_577, %dma_wait3A_578, %dma_wait3A_579] : memref<2x8x10x256xf32, #tpu.memory_space<vmem>> -> memref<1x8x1x256xf32, #tpu.memory_space<vmem>>
    %dma_wait3A_581 = tpu.memref_squeeze %dma_wait3A_580 : memref<1x8x1x256xf32, #tpu.memory_space<vmem>> -> memref<8x1x256xf32, #tpu.memory_space<vmem>>
    %dma_wait3A_582 = arith.constant 10 : i32
    %dma_wait3A_583 = arith.constant 0 : i32
    %dma_wait3A_584 = tpu.memref_slice %arg3[%add3A_374, %dma_wait3A_582, %dma_wait3A_583] : memref<16384x16x256xf32, #tpu.memory_space<hbm>> -> memref<8x1x256xf32, #tpu.memory_space<hbm>>
    %dma_wait3A_585 = tpu.memref_slice %arg6[%dma_wait3A_576] : memref<2x!tpu.dma_semaphore, #tpu.memory_space<semaphore_mem>> -> memref<1x!tpu.dma_semaphore, #tpu.memory_space<semaphore_mem>>
    %dma_wait3A_586 = tpu.memref_squeeze %dma_wait3A_585 : memref<1x!tpu.dma_semaphore, #tpu.memory_space<semaphore_mem>> -> memref<!tpu.dma_semaphore, #tpu.memory_space<semaphore_mem>>
    %dma_wait3A_587 = arith.constant 10 : i32
    %dma_wait3A_588 = arith.constant 0 : i32
    %dma_wait3A_589 = tpu.memref_slice %arg3[%add3A_374, %dma_wait3A_587, %dma_wait3A_588] : memref<16384x16x256xf32, #tpu.memory_space<hbm>> -> memref<8x1x256xf32, #tpu.memory_space<hbm>>
    %dma_wait3A_590 = arith.constant 0 : i32
    %dma_wait3A_591 = arith.constant 6 : i32
    %dma_wait3A_592 = arith.constant 0 : i32
    %dma_wait3A_593 = tpu.memref_slice %arg4[%dma_wait3A_575, %dma_wait3A_590, %dma_wait3A_591, %dma_wait3A_592] : memref<2x8x10x256xf32, #tpu.memory_space<vmem>> -> memref<1x8x1x256xf32, #tpu.memory_space<vmem>>
    %dma_wait3A_594 = tpu.memref_squeeze %dma_wait3A_593 : memref<1x8x1x256xf32, #tpu.memory_space<vmem>> -> memref<8x1x256xf32, #tpu.memory_space<vmem>>
    tpu.wait_dma2 semaphore(%dma_wait3A_586 : memref<!tpu.dma_semaphore, #tpu.memory_space<semaphore_mem>>) src(%dma_wait3A_594 : memref<8x1x256xf32, #tpu.memory_space<vmem>>) dst(%dma_wait3A_589 : memref<8x1x256xf32, #tpu.memory_space<hbm>>)
    %dma_wait3A_595 = arith.constant 1 : i32
    %dma_wait3A_596 = arith.constant 1 : i32
    %dma_wait3A_597 = arith.constant 0 : i32
    %dma_wait3A_598 = arith.constant 7 : i32
    %dma_wait3A_599 = arith.constant 0 : i32
    %dma_wait3A_600 = tpu.memref_slice %arg4[%dma_wait3A_595, %dma_wait3A_597, %dma_wait3A_598, %dma_wait3A_599] : memref<2x8x10x256xf32, #tpu.memory_space<vmem>> -> memref<1x8x1x256xf32, #tpu.memory_space<vmem>>
    %dma_wait3A_601 = tpu.memref_squeeze %dma_wait3A_600 : memref<1x8x1x256xf32, #tpu.memory_space<vmem>> -> memref<8x1x256xf32, #tpu.memory_space<vmem>>
    %dma_wait3A_602 = arith.constant 11 : i32
    %dma_wait3A_603 = arith.constant 0 : i32
    %dma_wait3A_604 = tpu.memref_slice %arg3[%add3A_374, %dma_wait3A_602, %dma_wait3A_603] : memref<16384x16x256xf32, #tpu.memory_space<hbm>> -> memref<8x1x256xf32, #tpu.memory_space<hbm>>
    %dma_wait3A_605 = tpu.memref_slice %arg6[%dma_wait3A_596] : memref<2x!tpu.dma_semaphore, #tpu.memory_space<semaphore_mem>> -> memref<1x!tpu.dma_semaphore, #tpu.memory_space<semaphore_mem>>
    %dma_wait3A_606 = tpu.memref_squeeze %dma_wait3A_605 : memref<1x!tpu.dma_semaphore, #tpu.memory_space<semaphore_mem>> -> memref<!tpu.dma_semaphore, #tpu.memory_space<semaphore_mem>>
    %dma_wait3A_607 = arith.constant 11 : i32
    %dma_wait3A_608 = arith.constant 0 : i32
    %dma_wait3A_609 = tpu.memref_slice %arg3[%add3A_374, %dma_wait3A_607, %dma_wait3A_608] : memref<16384x16x256xf32, #tpu.memory_space<hbm>> -> memref<8x1x256xf32, #tpu.memory_space<hbm>>
    %dma_wait3A_610 = arith.constant 0 : i32
    %dma_wait3A_611 = arith.constant 7 : i32
    %dma_wait3A_612 = arith.constant 0 : i32
    %dma_wait3A_613 = tpu.memref_slice %arg4[%dma_wait3A_595, %dma_wait3A_610, %dma_wait3A_611, %dma_wait3A_612] : memref<2x8x10x256xf32, #tpu.memory_space<vmem>> -> memref<1x8x1x256xf32, #tpu.memory_space<vmem>>
    %dma_wait3A_614 = tpu.memref_squeeze %dma_wait3A_613 : memref<1x8x1x256xf32, #tpu.memory_space<vmem>> -> memref<8x1x256xf32, #tpu.memory_space<vmem>>
    tpu.wait_dma2 semaphore(%dma_wait3A_606 : memref<!tpu.dma_semaphore, #tpu.memory_space<semaphore_mem>>) src(%dma_wait3A_614 : memref<8x1x256xf32, #tpu.memory_space<vmem>>) dst(%dma_wait3A_609 : memref<8x1x256xf32, #tpu.memory_space<hbm>>)
    %dma_wait3A_615 = arith.constant 1 : i32
    %dma_wait3A_616 = arith.constant 1 : i32
    %dma_wait3A_617 = arith.constant 0 : i32
    %dma_wait3A_618 = arith.constant 7 : i32
    %dma_wait3A_619 = arith.constant 0 : i32
    %dma_wait3A_620 = tpu.memref_slice %arg4[%dma_wait3A_615, %dma_wait3A_617, %dma_wait3A_618, %dma_wait3A_619] : memref<2x8x10x256xf32, #tpu.memory_space<vmem>> -> memref<1x8x1x256xf32, #tpu.memory_space<vmem>>
    %dma_wait3A_621 = tpu.memref_squeeze %dma_wait3A_620 : memref<1x8x1x256xf32, #tpu.memory_space<vmem>> -> memref<8x1x256xf32, #tpu.memory_space<vmem>>
    %dma_wait3A_622 = arith.constant 12 : i32
    %dma_wait3A_623 = arith.constant 0 : i32
    %dma_wait3A_624 = tpu.memref_slice %arg3[%add3A_374, %dma_wait3A_622, %dma_wait3A_623] : memref<16384x16x256xf32, #tpu.memory_space<hbm>> -> memref<8x1x256xf32, #tpu.memory_space<hbm>>
    %dma_wait3A_625 = tpu.memref_slice %arg6[%dma_wait3A_616] : memref<2x!tpu.dma_semaphore, #tpu.memory_space<semaphore_mem>> -> memref<1x!tpu.dma_semaphore, #tpu.memory_space<semaphore_mem>>
    %dma_wait3A_626 = tpu.memref_squeeze %dma_wait3A_625 : memref<1x!tpu.dma_semaphore, #tpu.memory_space<semaphore_mem>> -> memref<!tpu.dma_semaphore, #tpu.memory_space<semaphore_mem>>
    %dma_wait3A_627 = arith.constant 12 : i32
    %dma_wait3A_628 = arith.constant 0 : i32
    %dma_wait3A_629 = tpu.memref_slice %arg3[%add3A_374, %dma_wait3A_627, %dma_wait3A_628] : memref<16384x16x256xf32, #tpu.memory_space<hbm>> -> memref<8x1x256xf32, #tpu.memory_space<hbm>>
    %dma_wait3A_630 = arith.constant 0 : i32
    %dma_wait3A_631 = arith.constant 7 : i32
    %dma_wait3A_632 = arith.constant 0 : i32
    %dma_wait3A_633 = tpu.memref_slice %arg4[%dma_wait3A_615, %dma_wait3A_630, %dma_wait3A_631, %dma_wait3A_632] : memref<2x8x10x256xf32, #tpu.memory_space<vmem>> -> memref<1x8x1x256xf32, #tpu.memory_space<vmem>>
    %dma_wait3A_634 = tpu.memref_squeeze %dma_wait3A_633 : memref<1x8x1x256xf32, #tpu.memory_space<vmem>> -> memref<8x1x256xf32, #tpu.memory_space<vmem>>
    tpu.wait_dma2 semaphore(%dma_wait3A_626 : memref<!tpu.dma_semaphore, #tpu.memory_space<semaphore_mem>>) src(%dma_wait3A_634 : memref<8x1x256xf32, #tpu.memory_space<vmem>>) dst(%dma_wait3A_629 : memref<8x1x256xf32, #tpu.memory_space<hbm>>)
    %dma_wait3A_635 = arith.constant 1 : i32
    %dma_wait3A_636 = arith.constant 1 : i32
    %dma_wait3A_637 = arith.constant 0 : i32
    %dma_wait3A_638 = arith.constant 8 : i32
    %dma_wait3A_639 = arith.constant 0 : i32
    %dma_wait3A_640 = tpu.memref_slice %arg4[%dma_wait3A_635, %dma_wait3A_637, %dma_wait3A_638, %dma_wait3A_639] : memref<2x8x10x256xf32, #tpu.memory_space<vmem>> -> memref<1x8x1x256xf32, #tpu.memory_space<vmem>>
    %dma_wait3A_641 = tpu.memref_squeeze %dma_wait3A_640 : memref<1x8x1x256xf32, #tpu.memory_space<vmem>> -> memref<8x1x256xf32, #tpu.memory_space<vmem>>
    %dma_wait3A_642 = arith.constant 13 : i32
    %dma_wait3A_643 = arith.constant 0 : i32
    %dma_wait3A_644 = tpu.memref_slice %arg3[%add3A_374, %dma_wait3A_642, %dma_wait3A_643] : memref<16384x16x256xf32, #tpu.memory_space<hbm>> -> memref<8x1x256xf32, #tpu.memory_space<hbm>>
    %dma_wait3A_645 = tpu.memref_slice %arg6[%dma_wait3A_636] : memref<2x!tpu.dma_semaphore, #tpu.memory_space<semaphore_mem>> -> memref<1x!tpu.dma_semaphore, #tpu.memory_space<semaphore_mem>>
    %dma_wait3A_646 = tpu.memref_squeeze %dma_wait3A_645 : memref<1x!tpu.dma_semaphore, #tpu.memory_space<semaphore_mem>> -> memref<!tpu.dma_semaphore, #tpu.memory_space<semaphore_mem>>
    %dma_wait3A_647 = arith.constant 13 : i32
    %dma_wait3A_648 = arith.constant 0 : i32
    %dma_wait3A_649 = tpu.memref_slice %arg3[%add3A_374, %dma_wait3A_647, %dma_wait3A_648] : memref<16384x16x256xf32, #tpu.memory_space<hbm>> -> memref<8x1x256xf32, #tpu.memory_space<hbm>>
    %dma_wait3A_650 = arith.constant 0 : i32
    %dma_wait3A_651 = arith.constant 8 : i32
    %dma_wait3A_652 = arith.constant 0 : i32
    %dma_wait3A_653 = tpu.memref_slice %arg4[%dma_wait3A_635, %dma_wait3A_650, %dma_wait3A_651, %dma_wait3A_652] : memref<2x8x10x256xf32, #tpu.memory_space<vmem>> -> memref<1x8x1x256xf32, #tpu.memory_space<vmem>>
    %dma_wait3A_654 = tpu.memref_squeeze %dma_wait3A_653 : memref<1x8x1x256xf32, #tpu.memory_space<vmem>> -> memref<8x1x256xf32, #tpu.memory_space<vmem>>
    tpu.wait_dma2 semaphore(%dma_wait3A_646 : memref<!tpu.dma_semaphore, #tpu.memory_space<semaphore_mem>>) src(%dma_wait3A_654 : memref<8x1x256xf32, #tpu.memory_space<vmem>>) dst(%dma_wait3A_649 : memref<8x1x256xf32, #tpu.memory_space<hbm>>)
    %dma_wait3A_655 = arith.constant 1 : i32
    %dma_wait3A_656 = arith.constant 1 : i32
    %dma_wait3A_657 = arith.constant 0 : i32
    %dma_wait3A_658 = arith.constant 9 : i32
    %dma_wait3A_659 = arith.constant 0 : i32
    %dma_wait3A_660 = tpu.memref_slice %arg4[%dma_wait3A_655, %dma_wait3A_657, %dma_wait3A_658, %dma_wait3A_659] : memref<2x8x10x256xf32, #tpu.memory_space<vmem>> -> memref<1x8x1x256xf32, #tpu.memory_space<vmem>>
    %dma_wait3A_661 = tpu.memref_squeeze %dma_wait3A_660 : memref<1x8x1x256xf32, #tpu.memory_space<vmem>> -> memref<8x1x256xf32, #tpu.memory_space<vmem>>
    %dma_wait3A_662 = arith.constant 14 : i32
    %dma_wait3A_663 = arith.constant 0 : i32
    %dma_wait3A_664 = tpu.memref_slice %arg3[%add3A_374, %dma_wait3A_662, %dma_wait3A_663] : memref<16384x16x256xf32, #tpu.memory_space<hbm>> -> memref<8x1x256xf32, #tpu.memory_space<hbm>>
    %dma_wait3A_665 = tpu.memref_slice %arg6[%dma_wait3A_656] : memref<2x!tpu.dma_semaphore, #tpu.memory_space<semaphore_mem>> -> memref<1x!tpu.dma_semaphore, #tpu.memory_space<semaphore_mem>>
    %dma_wait3A_666 = tpu.memref_squeeze %dma_wait3A_665 : memref<1x!tpu.dma_semaphore, #tpu.memory_space<semaphore_mem>> -> memref<!tpu.dma_semaphore, #tpu.memory_space<semaphore_mem>>
    %dma_wait3A_667 = arith.constant 14 : i32
    %dma_wait3A_668 = arith.constant 0 : i32
    %dma_wait3A_669 = tpu.memref_slice %arg3[%add3A_374, %dma_wait3A_667, %dma_wait3A_668] : memref<16384x16x256xf32, #tpu.memory_space<hbm>> -> memref<8x1x256xf32, #tpu.memory_space<hbm>>
    %dma_wait3A_670 = arith.constant 0 : i32
    %dma_wait3A_671 = arith.constant 9 : i32
    %dma_wait3A_672 = arith.constant 0 : i32
    %dma_wait3A_673 = tpu.memref_slice %arg4[%dma_wait3A_655, %dma_wait3A_670, %dma_wait3A_671, %dma_wait3A_672] : memref<2x8x10x256xf32, #tpu.memory_space<vmem>> -> memref<1x8x1x256xf32, #tpu.memory_space<vmem>>
    %dma_wait3A_674 = tpu.memref_squeeze %dma_wait3A_673 : memref<1x8x1x256xf32, #tpu.memory_space<vmem>> -> memref<8x1x256xf32, #tpu.memory_space<vmem>>
    tpu.wait_dma2 semaphore(%dma_wait3A_666 : memref<!tpu.dma_semaphore, #tpu.memory_space<semaphore_mem>>) src(%dma_wait3A_674 : memref<8x1x256xf32, #tpu.memory_space<vmem>>) dst(%dma_wait3A_669 : memref<8x1x256xf32, #tpu.memory_space<hbm>>)
    %dma_wait3A_675 = arith.constant 1 : i32
    %dma_wait3A_676 = arith.constant 1 : i32
    %dma_wait3A_677 = arith.constant 0 : i32
    %dma_wait3A_678 = arith.constant 9 : i32
    %dma_wait3A_679 = arith.constant 0 : i32
    %dma_wait3A_680 = tpu.memref_slice %arg4[%dma_wait3A_675, %dma_wait3A_677, %dma_wait3A_678, %dma_wait3A_679] : memref<2x8x10x256xf32, #tpu.memory_space<vmem>> -> memref<1x8x1x256xf32, #tpu.memory_space<vmem>>
    %dma_wait3A_681 = tpu.memref_squeeze %dma_wait3A_680 : memref<1x8x1x256xf32, #tpu.memory_space<vmem>> -> memref<8x1x256xf32, #tpu.memory_space<vmem>>
    %dma_wait3A_682 = arith.constant 15 : i32
    %dma_wait3A_683 = arith.constant 0 : i32
    %dma_wait3A_684 = tpu.memref_slice %arg3[%add3A_374, %dma_wait3A_682, %dma_wait3A_683] : memref<16384x16x256xf32, #tpu.memory_space<hbm>> -> memref<8x1x256xf32, #tpu.memory_space<hbm>>
    %dma_wait3A_685 = tpu.memref_slice %arg6[%dma_wait3A_676] : memref<2x!tpu.dma_semaphore, #tpu.memory_space<semaphore_mem>> -> memref<1x!tpu.dma_semaphore, #tpu.memory_space<semaphore_mem>>
    %dma_wait3A_686 = tpu.memref_squeeze %dma_wait3A_685 : memref<1x!tpu.dma_semaphore, #tpu.memory_space<semaphore_mem>> -> memref<!tpu.dma_semaphore, #tpu.memory_space<semaphore_mem>>
    %dma_wait3A_687 = arith.constant 15 : i32
    %dma_wait3A_688 = arith.constant 0 : i32
    %dma_wait3A_689 = tpu.memref_slice %arg3[%add3A_374, %dma_wait3A_687, %dma_wait3A_688] : memref<16384x16x256xf32, #tpu.memory_space<hbm>> -> memref<8x1x256xf32, #tpu.memory_space<hbm>>
    %dma_wait3A_690 = arith.constant 0 : i32
    %dma_wait3A_691 = arith.constant 9 : i32
    %dma_wait3A_692 = arith.constant 0 : i32
    %dma_wait3A_693 = tpu.memref_slice %arg4[%dma_wait3A_675, %dma_wait3A_690, %dma_wait3A_691, %dma_wait3A_692] : memref<2x8x10x256xf32, #tpu.memory_space<vmem>> -> memref<1x8x1x256xf32, #tpu.memory_space<vmem>>
    %dma_wait3A_694 = tpu.memref_squeeze %dma_wait3A_693 : memref<1x8x1x256xf32, #tpu.memory_space<vmem>> -> memref<8x1x256xf32, #tpu.memory_space<vmem>>
    tpu.wait_dma2 semaphore(%dma_wait3A_686 : memref<!tpu.dma_semaphore, #tpu.memory_space<semaphore_mem>>) src(%dma_wait3A_694 : memref<8x1x256xf32, #tpu.memory_space<vmem>>) dst(%dma_wait3A_689 : memref<8x1x256xf32, #tpu.memory_space<hbm>>)
    return
  }
}

</mosaic_0001>

<sc_bundles>
// kernel: kernel.3.cloned.1.call-start
scs
__scs_entry_jumppad:
0x0: {  	(pc) =	sbr.rel $0x88, $3  }
0x1: {  	(tag) =	ssettag $0x0;
	lr =	simm.s32 $0x1  }
0x2: {  	[smem:$0x3FA0] =	sst lr;
	_ =	strace $0xD0000000  }
0x3: {  	_ = 	snop  }
0x4: {  	_ = 	snop  }
0x5: {  	_ = 	snop  }
0x6: {  	_ = 	snop  }
0x7: {  	_ = 	snop  }
__scs_overlays_trampoline_lowered:
0x8: {  	[smem:$0x3FAF] =	sst s0  }
0x9: {  	[smem:$0x3FB0] =	sst s1  }
0xa: {  	[smem:$0x3FB1] =	sst s2  }
0xb: {  	[smem:$0x3FB2] =	sst s3  }
0xc: {  	[smem:$0x3FB3] =	sst s4  }
0xd: {  	[smem:$0x3FB4] =	sst s5  }
0xe: {  	[smem:$0x3FB5] =	sst s6  }
0xf: {  	[smem:$0x3FB6] =	sst s7  }
0x10: {  	[smem:$0x3FB7] =	sst s8  }
0x11: {  	[smem:$0x3FB8] =	sst s9;
	s0 =	simm.s32 @!p0 $0x0  }
0x12: {  	s1 =	sld [smem:$0x3F9E];
	s0 =	simm.s32 @p0 $0x1  }
0x13: {  	[smem:$0x3FB9] =	sst s0;
	s0 =	simm.s32 @!p1 $0x0  }
0x14: {  	s2 =	sld [smem:$0x3F9D];
	s0 =	simm.s32 @p1 $0x1  }
0x15: {  	[smem:$0x3FBA] =	sst s0;
	s0 =	simm.s32 @!p2 $0x0  }
0x16: {  	s3 =	sld [smem:$0x3FDB];
	s0 =	simm.s32 @p2 $0x1  }
0x17: {  	s4 =	simm.s32 $0x1BF5;
	[smem:$0x3FBC] =	sst s0  }
0x18: {  	s0 =	sld [smem:$0x3F9F];
	_ =	swait.ge [sflag:s4], $0x0  }
0x19: {  	s7 =	sld [smem:$0x3FA0]  }
0x1a: {  	s8 =	sadd.s32 $0xFFFFE003, lr  }
0x1b: {  	s9 =	sadd.s32 $0xFFFFFEF7, lr;
	s5 =	simm.s32 $0xFFFFFFFF;
	p2 =	slt.u32 s8, $0xFFFFF086  }
0x1c: {  	p1 =	slt.u32 s9, $0xF7A;
	s5 =	simm.s32 @!p2 $0x0  }
0x1d: {  	s5 =	simm.s32 @p1 $0x1;
	p0 =	seq.s32 s7, s2  }
0x1e: {  	s7 =	smul.u32 @!p0 $0xF7A, s2;
	p2 =	seq.s32 @!p0 s5, $0x0  }
0x1f: {  	s9 =	smul.u32 $0xF7A, s1;
	s8 =	simm.s32 @!p0 $0x1BF5;
	p2 =	por !p2, p0  }
0x20: {  	[sflag:s8] =	ssyncset.s32 @!p0 $0xFFFFF086;
	s6 =	sadd.s32 @!p0 s3, s7;
	s7 =	simm.s32 @!p0 $0x108  }
0x21: {  	s3 =	sadd.s32 s3, s9;
	s6 =	sadd.s32 @!p0 $0x88, s6;
	s7 =	simm.s32 @p2 $0x1082  }
0x22: {  	[simem:s7], [sflag:s8] =	dma.local @!p0 [hbm:s6], $0xF7A  }
0x23: {  	s9 =	sor.u32 $0xD0000000, s2;
	s6 =	simm.s32 $0x108;
	_ =	swait.ge @!p0 [sflag:s8], $0x0  }
0x24: {  	s3 =	sadd.s32 $0x88, s3;
	s6 =	simm.s32 @!p1 $0x1082;
	[sflag:s4] =	ssyncset.s32 $0xFFFFF086  }
0x25: {  	[simem:s6], [sflag:s4] =	dma.local [hbm:s3], $0xF7A  }
0x26: {  	[smem:$0x3FA0] =	sst s1;
	(tag) =	ssettag s2;
	_ =	strace s9  }
0x27: {  	s1 =	sld [smem:$0x3FB0]  }
0x28: {  	s2 =	sld [smem:$0x3FB1]  }
0x29: {  	s4 =	sld [smem:$0x3FB3]  }
0x2a: {  	p0 =	seq.s32 s5, $0x0;
	s5 =	sld [smem:$0x3FB4]  }
0x2b: {  	s6 =	sld [smem:$0x3FB5]  }
0x2c: {  	s7 =	sld [smem:$0x3FB6]  }
0x2d: {  	s3 =	simm.s32 $0x108;
	s8 =	sld [smem:$0x3FB7]  }
0x2e: {  	s3 =	simm.s32 @!p0 $0x1082;
	s9 =	sld [smem:$0x3FB8]  }
0x2f: {  	lr =	sadd.s32 s0, s3;
	s0 =	sld [smem:$0x3FAF]  }
0x30: {  	s3 =	sld [smem:$0x3FB2]  }
0x31: {  	[smem:$0x3FBB] =	sst s10  }
0x32: {  	s10 =	sld [smem:$0x3FB9];
	_ =	sdelay $0x3  }
0x33: {  	p0 =	seq.s32 s10, $0x1;
	s10 =	sld [smem:$0x3FBB];
	_ =	sdelay $0x3  }
0x34: {  	[smem:$0x3FBB] =	sst s10  }
0x35: {  	s10 =	sld [smem:$0x3FBA];
	_ =	sdelay $0x3  }
0x36: {  	p1 =	seq.s32 s10, $0x1;
	s10 =	sld [smem:$0x3FBB];
	_ =	sdelay $0x3  }
0x37: {  	[smem:$0x3FBB] =	sst s10  }
0x38: {  	s10 =	sld [smem:$0x3FBC]  }
0x39: {  	_ = 	snop;
	(pc) =	sbr.ind lr, $3  }
0x3a: {  	_ = 	snop  }
0x3b: {  	_ = 	snop  }
0x3c: {  	p2 =	seq.s32 s10, $0x1;
	s10 =	sld [smem:$0x3FBB]  }
0x3d: {  	_ =	shalt  }
0x3e: {  	_ =	shalt  }
0x3f: {  	_ =	shalt  }
0x40: {  	_ =	shalt  }
0x41: {  	_ =	shalt  }
0x42: {  	_ =	shalt  }
0x43: {  	_ =	shalt  }
0x44: {  	_ =	shalt  }
0x45: {  	_ =	shalt  }
0x46: {  	_ =	shalt  }
0x47: {  	_ =	shalt  }
0x48: {  	_ =	shalt  }
0x49: {  	_ =	shalt  }
0x4a: {  	_ =	shalt  }
0x4b: {  	_ =	shalt  }
0x4c: {  	_ =	shalt  }
0x4d: {  	_ =	shalt  }
0x4e: {  	_ =	shalt  }
0x4f: {  	_ =	shalt  }
0x50: {  	_ =	shalt  }
0x51: {  	_ =	shalt  }
0x52: {  	_ =	shalt  }
0x53: {  	_ =	shalt  }
0x54: {  	_ =	shalt  }
0x55: {  	_ =	shalt  }
0x56: {  	_ =	shalt  }
0x57: {  	_ =	shalt  }
0x58: {  	_ =	shalt  }
0x59: {  	_ =	shalt  }
0x5a: {  	_ =	shalt  }
0x5b: {  	_ =	shalt  }
0x5c: {  	_ =	shalt  }
0x5d: {  	_ =	shalt  }
0x5e: {  	_ =	shalt  }
0x5f: {  	_ =	shalt  }
0x60: {  	_ =	shalt  }
0x61: {  	_ =	shalt  }
0x62: {  	_ =	shalt  }
0x63: {  	_ =	shalt  }
0x64: {  	_ =	shalt  }
0x65: {  	_ =	shalt  }
0x66: {  	_ =	shalt  }
0x67: {  	_ =	shalt  }
0x68: {  	_ =	shalt  }
0x69: {  	_ =	shalt  }
0x6a: {  	_ =	shalt  }
0x6b: {  	_ =	shalt  }
0x6c: {  	_ =	shalt  }
0x6d: {  	_ =	shalt  }
0x6e: {  	_ =	shalt  }
0x6f: {  	_ =	shalt  }
0x70: {  	_ =	shalt  }
0x71: {  	_ =	shalt  }
0x72: {  	_ =	shalt  }
0x73: {  	_ =	shalt  }
0x74: {  	_ =	shalt  }
0x75: {  	_ =	shalt  }
0x76: {  	_ =	shalt  }
0x77: {  	_ =	shalt  }
0x78: {  	_ =	shalt  }
0x79: {  	_ =	shalt  }
0x7a: {  	_ =	shalt  }
0x7b: {  	_ =	shalt  }
0x7c: {  	_ =	shalt  }
0x7d: {  	_ =	shalt  }
0x7e: {  	_ =	shalt  }
0x7f: {  	_ =	shalt  }
0x80: {  	_ =	shalt  }
0x81: {  	_ =	shalt  }
0x82: {  	_ =	shalt  }
0x83: {  	_ =	shalt  }
0x84: {  	_ =	shalt  }
0x85: {  	_ =	shalt  }
0x86: {  	_ =	shalt  }
0x87: {  	_ =	shalt  }
.Lfunc_end0:
.L_simem_size_0:
called_computation_lowered:
.L_overlay_start_0:
0x88: {  	s2 =	sld [smem:$0x3FD9]  }
0x89: {  	s3 =	sld [smem:$0x3FFE];
	_ =	sdelay $0x1  }
0x8a: {  	s1 =	srdreg.scid  }
0x8b: {  	s0 =	sand.u32 $0x1, s1  }
0x8c: {  	s17 =	sshll.u32 s0, $0xA;
	s2 =	sadd.s32 s3, s2  }
0x8d: {  	s2 =	sadd.s32 s2, s17  }
0x8e: {  	[smem:$0x3FC7] =	sst s2  }
0x8f: {  	_ = 	snop  }
0x90: {  	s2 =	sld [smem:$0x3FD0];
	(tm) =	ssettm $0x1  }
0x91: {  	s18 =	sld [smem:$0x3FFB];
	_ =	sdelay $0x3  }
0x92: {  	_ =	strace s18  }
0x93: {  	s3 =	sld [smem:$0x3FFC];
	_ =	sdelay $0x3  }
0x94: {  	_ =	strace s3  }
0x95: {  	s3 =	sld [smem:$0x3FFD];
	_ =	sdelay $0x3  }
0x96: {  	_ =	strace s3  }
0x97: {  	_ =	strace $0x8FFFFFFF  }
0x98: {  	s19 =	sld [smem:$0x3FDB];
	_ =	sdelay $0x1  }
0x99: {  	s4 =	simm.s32 $_scs_section_size  }
0x9a: {  	s5 =	simm.s32 $_size__tile_overlayer_lowered;
	s6 =	simm.s32 $_tile_overlayer_lowered  }
0x9b: {  	s22 =	simm.s32 $0x1BFF;
	s21 =	sshll.u32 s6, $0x1;
	s3 =	sadd.s32 s4, s19  }
0x9c: {  	s7 =	simm.s32 $0x0;
	s20 =	sshll.u32 s5, $0x1;
	s5 =	sadd.s32 s21, s3  }
0x9d: {  	[timem:s7], [sflag:s22] =	dma.local [hbm:s5], s20  }
0x9e: {  	_ =	swait.ge [sflag:s22], s20  }
0x9f: {  	s4 =	ssub.s32 $0x0, s20;
	[sflag:s22] =	ssyncset.done $0x0  }
0xa0: {  	[sflag:s22] =	ssyncadd.s32 s4;
	_ =	sdelay $0x1  }
0xa1: {  	s23 =	simm.s32 $0x1B8B  }
0xa2: {  	_ =	swait.ge [sflag:s23], $0x1  }
0xa3: {  	[sflag:s23] =	ssyncset.done $0x0  }
0xa4: {  	s25 =	simm.s32 $0x1B8E;
	s24 =	sld [smem:$0x3FFE];
	[sflag:s23] =	ssyncadd.s32 $0xFFFFFFFF  }
0xa5: {  	s26 =	simm.s32 $execute0_lowered;
	[smem:$0x3FD2] =	sst s25  }
0xa6: {  	s5 =	sshll.u32 s26, $0x1;
	_ =	strace $0x80000046;
	[dreg:$0x1] =	wrdreg $0xFFFFFFFF  }
0xa7: {  	s28 =	simm.s32 $_size_execute0_lowered;
	s3 =	sadd.s32 s3, s5;
	[dreg:$0x0] =	wrdreg $0x0  }
0xa8: {  	s5 =	sshll.u32 s28, $0x1;
	[dreg:$0x2] =	wrdreg s3  }
0xa9: {  	[dreg:$0x3] =	wrdreg s5  }
0xaa: {  	[dreg:$0x4] =	wrdreg $0xC0  }
0xab: {  	_ =	task [dreg:s7], $0x5FFFF  }
0xac: {  	[dreg:$0x1] =	wrdreg $0xFFFFFFFF  }
0xad: {  	[dreg:$0x0] =	wrdreg $0x60  }
0xae: {  	[dreg:$0x2] =	wrdreg s24  }
0xaf: {  	[dreg:$0x3] =	wrdreg s2  }
0xb0: {  	[dreg:$0x4] =	wrdreg $0x9  }
0xb1: {  	_ =	task.clear_ibuf [dreg:s7], $0x5FFFF;
	_ =	strace $0x90000046  }
0xb2: {  	s29 =	simm.s32 $0x9;
	_ =	strace $0x80000048  }
0xb3: {  	_ =	swait.ge [sflag:s29], $0x1  }
0xb4: {  	[sflag:s29] =	ssyncadd.s32 $0xFFFFFFFF  }
0xb5: {  	_ =	strace $0x90000048  }
0xb6: {  	_ =	sfence  }
0xb7: {  	s30 =	sld [smem:$0x0];
	_ =	sdelay $0x2  }
0xb8: {  	s31 =	sshll.u32 s1, $0xD;
	s1 =	sshrl.u32 s1, $0x2  }
0xb9: {  	s3 =	sand.u32 $0x4000, s31;
	s1 =	sadd.s32 s1, s30  }
0xba: {  	s0 =	sor.u32 s3, s0;
	s1 =	sshll.u32 s1, $0x11  }
0xbb: {  	s0 =	sor.u32 s1, s0  }
0xbc: {  	s0 =	sadd.s32 $0x8F2B, s0  }
0xbd: {  	[sflag:s0] =	ssyncadd.remote.s32 $0x1  }
0xbe: {  	_ =	sfence.sel $0xFFFF  }
0xbf: {  	[dreg:$0x0] =	wrdreg $0xFFFFFFFF;
	(pc) =	sbr.abs _section_cstart, $3  }
0xc0: {  	[dreg:$0x1] =	wrdreg $0xFFFFFFFF  }
0xc1: {  	_ =	task.clear_ibuf [dreg:s7], $0x2FFFF;
	_ =	strace $0x9FFFFFFF  }
0xc2: {  	(tm) =	ssettm $0x7FFFFFFF  }
0xc3: {  	_ =	shalt  }
tec
execute0_lowered:
.L_overlay_start_1:
0x0: {  	(tag) =	ssettag $0x1  }
0x1: {  	s0 =	rddreg [dreg:$0x0]  }
0x2: {  	s1 =	rddreg [dreg:$0x1];
	s2 =	simm.s32 $0x0;
	s3 =	srdreg.scid  }
0x3: {  	s5 =	stileid.u32;
	[smem:$0x7FF] =	sst s2;
	s3 =	sand.u32 $0x1, s3  }
0x4: {  	s5 =	sshll.u32 s5, $0x13;
	s0 =	sadd.s32 $0x400, s0;
	s4 =	ssub.s32 $0x2, s3  }
0x5: {  	s3 =	sshll.u32 s3, $0x12;
	_ =	strace $0x80000047;
	s1 =	sadd.s32 s5, s1  }
0x6: {  	s6 =	sshrl.u32 s4, $0x1;
	s7 =	sor.u32 s3, s5;
	s1 =	sadd.s32 s3, s1  }
.Ltmp0:
0x7: {  	s31 =	sadd.s32 s0, s7;
	[dreg:$0x6] =	wrdreg s1;
	(pc) =	sbr.rel .LBB2_1-.Ltmp0, $4  }
0x8: {  	s4 =	ssub.s32 s4, s6;
	[dreg:$0x3] =	wrdreg s31;
	s6 =	sadd.s32 $0x1000, s31  }
0x9: {  	s0 =	sadd.s32 s5, s0;
	s4 =	smax.u32 s4, $0x1;
	[dreg:$0x4] =	wrdreg s6  }
0xa: {  	s17 =	simm.s32 $0x8000;
	s0 =	sadd.s32 s3, s0;
	[dreg:$0x5] =	wrdreg s4  }
0xb: {  	s20 =	simm.s32 $0x4;
	s1 =	simm.s32 $0x0;
	[dreg:$0x9] =	wrdreg s0  }
.LBB2_4:
0xc: {  	s1 =	simm.s32 $0x3  }
0xd: {  	_ =	swait.ge [sflag:s1], $0x800  }
0xe: {  	[sflag:s1] =	ssyncset.done $0x0  }
0xf: {  	[sflag:s1] =	ssyncadd.s32 $0xFFFFF800  }
0x10: {  	_ =	swait.ge [sflag:s1], $0x800  }
0x11: {  	[sflag:s1] =	ssyncset.done $0x0  }
0x12: {  	[sflag:s1] =	ssyncadd.s32 $0xFFFFF800  }
0x13: {  	_ =	swait.ge [sflag:s1], $0x800  }
0x14: {  	[sflag:s1] =	ssyncset.done $0x0  }
0x15: {  	[sflag:s1] =	ssyncadd.s32 $0xFFFFF800  }
0x16: {  	_ =	swait.ge [sflag:s1], $0x800  }
0x17: {  	[sflag:s1] =	ssyncset.done $0x0  }
0x18: {  	[sflag:s1] =	ssyncadd.s32 $0xFFFFF800  }
0x19: {  	_ =	swait.ge [sflag:s1], $0x800  }
0x1a: {  	[sflag:s1] =	ssyncset.done $0x0  }
0x1b: {  	[sflag:s1] =	ssyncadd.s32 $0xFFFFF800  }
0x1c: {  	_ =	swait.ge [sflag:s1], $0x800  }
0x1d: {  	[sflag:s1] =	ssyncset.done $0x0  }
0x1e: {  	[sflag:s1] =	ssyncadd.s32 $0xFFFFF800  }
0x1f: {  	_ =	swait.ge [sflag:s1], $0x800  }
0x20: {  	[sflag:s1] =	ssyncset.done $0x0  }
0x21: {  	[sflag:s1] =	ssyncadd.s32 $0xFFFFF800  }
0x22: {  	_ =	swait.ge [sflag:s1], $0x800  }
0x23: {  	[sflag:s1] =	ssyncset.done $0x0  }
0x24: {  	[sflag:s1] =	ssyncadd.s32 $0xFFFFF800  }
0x25: {  	_ =	swait.ge [sflag:s1], $0x800  }
0x26: {  	[sflag:s1] =	ssyncset.done $0x0  }
0x27: {  	[sflag:s1] =	ssyncadd.s32 $0xFFFFF800  }
0x28: {  	_ =	swait.ge [sflag:s1], $0x800  }
0x29: {  	[sflag:s1] =	ssyncset.done $0x0  }
0x2a: {  	[sflag:s1] =	ssyncadd.s32 $0xFFFFF800  }
0x2b: {  	_ =	swait.ge [sflag:s1], $0x800  }
0x2c: {  	[sflag:s1] =	ssyncset.done $0x0  }
0x2d: {  	[sflag:s1] =	ssyncadd.s32 $0xFFFFF800  }
0x2e: {  	_ =	swait.ge [sflag:s1], $0x800  }
0x2f: {  	[sflag:s1] =	ssyncset.done $0x0  }
0x30: {  	[sflag:s1] =	ssyncadd.s32 $0xFFFFF800  }
0x31: {  	_ =	swait.ge [sflag:s1], $0x800  }
0x32: {  	[sflag:s1] =	ssyncset.done $0x0  }
0x33: {  	[sflag:s1] =	ssyncadd.s32 $0xFFFFF800  }
0x34: {  	_ =	swait.ge [sflag:s1], $0x800  }
0x35: {  	[sflag:s1] =	ssyncset.done $0x0  }
0x36: {  	[sflag:s1] =	ssyncadd.s32 $0xFFFFF800  }
0x37: {  	_ =	swait.ge [sflag:s1], $0x800  }
0x38: {  	[sflag:s1] =	ssyncset.done $0x0  }
0x39: {  	[sflag:s1] =	ssyncadd.s32 $0xFFFFF800  }
0x3a: {  	_ =	swait.ge [sflag:s1], $0x800  }
0x3b: {  	[sflag:s1] =	ssyncset.done $0x0  }
0x3c: {  	[sflag:s1] =	ssyncadd.s32 $0xFFFFF800  }
0x3d: {  	_ =	swait.ge [sflag:s20], $0x800  }
0x3e: {  	[sflag:s20] =	ssyncset.done $0x0  }
0x3f: {  	[sflag:s20] =	ssyncadd.s32 $0xFFFFF800  }
0x40: {  	_ =	swait.ge [sflag:s20], $0x800  }
0x41: {  	[sflag:s20] =	ssyncset.done $0x0  }
0x42: {  	[sflag:s20] =	ssyncadd.s32 $0xFFFFF800  }
0x43: {  	_ =	swait.ge [sflag:s20], $0x800  }
0x44: {  	[sflag:s20] =	ssyncset.done $0x0  }
0x45: {  	[sflag:s20] =	ssyncadd.s32 $0xFFFFF800  }
0x46: {  	_ =	swait.ge [sflag:s20], $0x800  }
0x47: {  	[sflag:s20] =	ssyncset.done $0x0  }
0x48: {  	[sflag:s20] =	ssyncadd.s32 $0xFFFFF800  }
0x49: {  	_ =	swait.ge [sflag:s20], $0x800  }
0x4a: {  	[sflag:s20] =	ssyncset.done $0x0  }
0x4b: {  	[sflag:s20] =	ssyncadd.s32 $0xFFFFF800  }
0x4c: {  	_ =	swait.ge [sflag:s20], $0x800  }
0x4d: {  	[sflag:s20] =	ssyncset.done $0x0  }
0x4e: {  	[sflag:s20] =	ssyncadd.s32 $0xFFFFF800  }
0x4f: {  	_ =	swait.ge [sflag:s20], $0x800  }
0x50: {  	[sflag:s20] =	ssyncset.done $0x0  }
0x51: {  	[sflag:s20] =	ssyncadd.s32 $0xFFFFF800  }
0x52: {  	_ =	swait.ge [sflag:s20], $0x800  }
0x53: {  	[sflag:s20] =	ssyncset.done $0x0  }
0x54: {  	[sflag:s20] =	ssyncadd.s32 $0xFFFFF800  }
0x55: {  	_ =	swait.ge [sflag:s20], $0x800  }
0x56: {  	[sflag:s20] =	ssyncset.done $0x0  }
0x57: {  	[sflag:s20] =	ssyncadd.s32 $0xFFFFF800  }
0x58: {  	_ =	swait.ge [sflag:s20], $0x800  }
0x59: {  	[sflag:s20] =	ssyncset.done $0x0  }
0x5a: {  	[sflag:s20] =	ssyncadd.s32 $0xFFFFF800  }
0x5b: {  	_ =	swait.ge [sflag:s20], $0x800  }
0x5c: {  	[sflag:s20] =	ssyncset.done $0x0  }
0x5d: {  	[sflag:s20] =	ssyncadd.s32 $0xFFFFF800  }
0x5e: {  	_ =	swait.ge [sflag:s20], $0x800  }
0x5f: {  	[sflag:s20] =	ssyncset.done $0x0  }
0x60: {  	[sflag:s20] =	ssyncadd.s32 $0xFFFFF800  }
0x61: {  	_ =	swait.ge [sflag:s20], $0x800  }
0x62: {  	[sflag:s20] =	ssyncset.done $0x0  }
0x63: {  	[sflag:s20] =	ssyncadd.s32 $0xFFFFF800  }
0x64: {  	_ =	swait.ge [sflag:s20], $0x800  }
0x65: {  	[sflag:s20] =	ssyncset.done $0x0  }
0x66: {  	[sflag:s20] =	ssyncadd.s32 $0xFFFFF800  }
0x67: {  	_ =	swait.ge [sflag:s20], $0x800  }
0x68: {  	[sflag:s20] =	ssyncset.done $0x0  }
0x69: {  	[sflag:s20] =	ssyncadd.s32 $0xFFFFF800  }
0x6a: {  	_ =	swait.ge [sflag:s20], $0x800  }
0x6b: {  	s31 =	rddreg [dreg:$0x7]  }
0x6c: {  	s15 =	rddreg [dreg:$0x5];
	s1 =	sadd.s32 $0x1, s31  }
0x6d: {  	p0 =	sne.s32 s1, s15  }
.Ltmp1:
0x6e: {  	_ = 	snop;
	(pc) =	sbr.rel @!p0 .LBB2_5-.Ltmp1, $3  }
0x6f: {  	_ =	sdelay $0x1  }
0x70: {  	[sflag:s20] =	ssyncset.done $0x0  }
0x71: {  	[sflag:s20] =	ssyncadd.s32 $0xFFFFF800  }
.LBB2_1:
0x72: {  	[dreg:$0x7] =	wrdreg s1  }
0x73: {  	s15 =	rddreg [dreg:$0x3]  }
0x74: {  	s30 =	rddreg [dreg:$0x4];
	s31 =	simm.s32 $0x0  }
0x75: {  	[tilespmem:s2], [sflag:$0x1] =	stream.linear.gather [hbm4b:s15+s2], $0x8000, $0x38;
	[tilespmem:$0x10000] =	vst v63  }
0x76: {  	[dreg:$0x8] =	wrdreg s31  }
0x77: {  	[tilespmem:s17], [sflag:$0x2] =	stream.linear.gather [hbm4b:s30+s2], $0x8000, $0x38;
	[tilespmem:$0x10000] =	vst v63  }
.LBB2_2:
0x78: {  	s16 =	simm.s32 $0x1  }
0x79: {  	_ =	swait.ge [sflag:s16], $0x8000  }
0x7a: {  	s25 =	rddreg [dreg:$0x6]  }
0x7b: {  	[sflag:s16] =	ssyncset.done $0x0;
	s0 =	rddreg [dreg:$0x8]  }
0x7c: {  	s18 =	simm.s32 $0x200;
	[sflag:s16] =	ssyncadd.s32 $0xFFFF8000;
	s16 =	sadd.s32 s0, s25  }
0x7d: {  	[hbm4b:s16+s2] =	stream.linear.scatter [tilespmem:s18], [sflag:$0x3], $0x80, $0x38;
	[tilespmem:$0x10000] =	vst v63  }
0x7e: {  	s26 =	simm.s32 $0x600;
	s17 =	sadd.s32 $0x80, s16  }
0x7f: {  	[hbm4b:s17+s2] =	stream.linear.scatter [tilespmem:s26], [sflag:$0x3], $0x80, $0x38;
	[tilespmem:$0x10000] =	vst v63  }
0x80: {  	s21 =	simm.s32 $0x1200;
	s28 =	sadd.s32 $0x200, s16  }
0x81: {  	[hbm4b:s28+s2] =	stream.linear.scatter [tilespmem:s21], [sflag:$0x3], $0x80, $0x38;
	[tilespmem:$0x10000] =	vst v63  }
0x82: {  	s22 =	simm.s32 $0x1600;
	s29 =	sadd.s32 $0x280, s16  }
0x83: {  	[hbm4b:s29+s2] =	stream.linear.scatter [tilespmem:s22], [sflag:$0x3], $0x80, $0x38;
	[tilespmem:$0x10000] =	vst v63  }
0x84: {  	s23 =	simm.s32 $0x2200;
	s30 =	sadd.s32 $0x400, s16  }
0x85: {  	[hbm4b:s30+s2] =	stream.linear.scatter [tilespmem:s23], [sflag:$0x3], $0x80, $0x38;
	[tilespmem:$0x10000] =	vst v63  }
0x86: {  	s24 =	simm.s32 $0x2600;
	s31 =	sadd.s32 $0x480, s16  }
0x87: {  	[hbm4b:s31+s2] =	stream.linear.scatter [tilespmem:s24], [sflag:$0x3], $0x80, $0x38;
	[tilespmem:$0x10000] =	vst v63  }
0x88: {  	[dreg:$0x8] =	wrdreg s0;
	s25 =	simm.s32 $0x3200;
	s0 =	sadd.s32 $0x600, s16  }
0x89: {  	[hbm4b:s0+s2] =	stream.linear.scatter [tilespmem:s25], [sflag:$0x3], $0x80, $0x38;
	[tilespmem:$0x10000] =	vst v63  }
0x8a: {  	s1 =	sadd.s32 $0x680, s16;
	s26 =	simm.s32 $0x3600  }
0x8b: {  	[hbm4b:s1+s2] =	stream.linear.scatter [tilespmem:s26], [sflag:$0x3], $0x80, $0x38;
	[tilespmem:$0x10000] =	vst v63  }
0x8c: {  	s3 =	sadd.s32 $0x800, s16;
	s28 =	simm.s32 $0x4200  }
0x8d: {  	[hbm4b:s3+s2] =	stream.linear.scatter [tilespmem:s28], [sflag:$0x3], $0x80, $0x38;
	[tilespmem:$0x10000] =	vst v63  }
0x8e: {  	s4 =	sadd.s32 $0x880, s16;
	s29 =	simm.s32 $0x4600  }
0x8f: {  	[hbm4b:s4+s2] =	stream.linear.scatter [tilespmem:s29], [sflag:$0x3], $0x80, $0x38;
	[tilespmem:$0x10000] =	vst v63  }
0x90: {  	s5 =	sadd.s32 $0xA00, s16;
	s30 =	simm.s32 $0x5200  }
0x91: {  	[hbm4b:s5+s2] =	stream.linear.scatter [tilespmem:s30], [sflag:$0x3], $0x80, $0x38;
	[tilespmem:$0x10000] =	vst v63  }
0x92: {  	s6 =	sadd.s32 $0xA80, s16;
	s31 =	simm.s32 $0x5600  }
0x93: {  	[hbm4b:s6+s2] =	stream.linear.scatter [tilespmem:s31], [sflag:$0x3], $0x80, $0x38;
	[tilespmem:$0x10000] =	vst v63  }
0x94: {  	s8 =	simm.s32 $0x6200;
	s7 =	sadd.s32 $0xC00, s16  }
0x95: {  	[hbm4b:s7+s2] =	stream.linear.scatter [tilespmem:s8], [sflag:$0x3], $0x80, $0x38;
	[tilespmem:$0x10000] =	vst v63  }
0x96: {  	s10 =	simm.s32 $0x6600;
	s9 =	sadd.s32 $0xC80, s16  }
0x97: {  	[hbm4b:s9+s2] =	stream.linear.scatter [tilespmem:s10], [sflag:$0x3], $0x80, $0x38;
	[tilespmem:$0x10000] =	vst v63  }
0x98: {  	s12 =	simm.s32 $0x7200;
	s11 =	sadd.s32 $0xE00, s16  }
0x99: {  	[hbm4b:s11+s2] =	stream.linear.scatter [tilespmem:s12], [sflag:$0x3], $0x80, $0x38;
	[tilespmem:$0x10000] =	vst v63  }
0x9a: {  	s14 =	simm.s32 $0x7600;
	s13 =	sadd.s32 $0xE80, s16  }
0x9b: {  	[hbm4b:s13+s2] =	stream.linear.scatter [tilespmem:s14], [sflag:$0x3], $0x80, $0x38;
	[tilespmem:$0x10000] =	vst v63  }
0x9c: {  	s15 =	sadd.s32 $0x10, s16;
	s4 =	simm.s32 $0x100  }
0x9d: {  	[hbm4b:s15+s2] =	stream.linear.scatter [tilespmem:s4], [sflag:$0x3], $0x80, $0x38;
	[tilespmem:$0x10000] =	vst v63  }
0x9e: {  	s19 =	sadd.s32 $0x90, s16;
	s0 =	simm.s32 $0x500  }
0x9f: {  	[hbm4b:s19+s2] =	stream.linear.scatter [tilespmem:s0], [sflag:$0x3], $0x80, $0x38;
	[tilespmem:$0x10000] =	vst v63  }
0xa0: {  	s1 =	sadd.s32 $0x210, s16;
	s3 =	simm.s32 $0x1100  }
0xa1: {  	[hbm4b:s1+s2] =	stream.linear.scatter [tilespmem:s3], [sflag:$0x3], $0x80, $0x38;
	[tilespmem:$0x10000] =	vst v63  }
0xa2: {  	s5 =	simm.s32 $0x1500;
	s4 =	sadd.s32 $0x290, s16  }
0xa3: {  	[hbm4b:s4+s2] =	stream.linear.scatter [tilespmem:s5], [sflag:$0x3], $0x80, $0x38;
	[tilespmem:$0x10000] =	vst v63  }
0xa4: {  	s6 =	sadd.s32 $0x410, s16;
	s7 =	simm.s32 $0x2100  }
0xa5: {  	[hbm4b:s6+s2] =	stream.linear.scatter [tilespmem:s7], [sflag:$0x3], $0x80, $0x38;
	[tilespmem:$0x10000] =	vst v63  }
0xa6: {  	s8 =	sadd.s32 $0x490, s16;
	s9 =	simm.s32 $0x2500  }
0xa7: {  	[hbm4b:s8+s2] =	stream.linear.scatter [tilespmem:s9], [sflag:$0x3], $0x80, $0x38;
	[tilespmem:$0x10000] =	vst v63  }
0xa8: {  	s10 =	sadd.s32 $0x610, s16;
	s11 =	simm.s32 $0x3100  }
0xa9: {  	[hbm4b:s10+s2] =	stream.linear.scatter [tilespmem:s11], [sflag:$0x3], $0x80, $0x38;
	[tilespmem:$0x10000] =	vst v63  }
0xaa: {  	s12 =	sadd.s32 $0x690, s16;
	s13 =	simm.s32 $0x3500  }
0xab: {  	[hbm4b:s12+s2] =	stream.linear.scatter [tilespmem:s13], [sflag:$0x3], $0x80, $0x38;
	[tilespmem:$0x10000] =	vst v63  }
0xac: {  	s14 =	sadd.s32 $0x810, s16;
	s15 =	simm.s32 $0x4100  }
0xad: {  	[hbm4b:s14+s2] =	stream.linear.scatter [tilespmem:s15], [sflag:$0x3], $0x80, $0x38;
	[tilespmem:$0x10000] =	vst v63  }
0xae: {  	s19 =	sadd.s32 $0x890, s16;
	s0 =	simm.s32 $0x4500  }
0xaf: {  	[hbm4b:s19+s2] =	stream.linear.scatter [tilespmem:s0], [sflag:$0x3], $0x80, $0x38;
	[tilespmem:$0x10000] =	vst v63  }
0xb0: {  	s1 =	sadd.s32 $0xA10, s16;
	s3 =	simm.s32 $0x5100  }
0xb1: {  	[hbm4b:s1+s2] =	stream.linear.scatter [tilespmem:s3], [sflag:$0x3], $0x80, $0x38;
	[tilespmem:$0x10000] =	vst v63  }
0xb2: {  	s4 =	sadd.s32 $0xA90, s16;
	s5 =	simm.s32 $0x5500  }
0xb3: {  	[hbm4b:s4+s2] =	stream.linear.scatter [tilespmem:s5], [sflag:$0x3], $0x80, $0x38;
	[tilespmem:$0x10000] =	vst v63  }
0xb4: {  	s6 =	sadd.s32 $0xC10, s16;
	s7 =	simm.s32 $0x6100  }
0xb5: {  	[hbm4b:s6+s2] =	stream.linear.scatter [tilespmem:s7], [sflag:$0x3], $0x80, $0x38;
	[tilespmem:$0x10000] =	vst v63  }
0xb6: {  	s8 =	sadd.s32 $0xC90, s16;
	s9 =	simm.s32 $0x6500  }
0xb7: {  	[hbm4b:s8+s2] =	stream.linear.scatter [tilespmem:s9], [sflag:$0x3], $0x80, $0x38;
	[tilespmem:$0x10000] =	vst v63  }
0xb8: {  	s10 =	sadd.s32 $0xE10, s16;
	s11 =	simm.s32 $0x7100  }
0xb9: {  	[hbm4b:s10+s2] =	stream.linear.scatter [tilespmem:s11], [sflag:$0x3], $0x80, $0x38;
	[tilespmem:$0x10000] =	vst v63  }
0xba: {  	s12 =	sadd.s32 $0xE90, s16;
	s13 =	simm.s32 $0x7500  }
0xbb: {  	[hbm4b:s12+s2] =	stream.linear.scatter [tilespmem:s13], [sflag:$0x3], $0x80, $0x38;
	[tilespmem:$0x10000] =	vst v63  }
0xbc: {  	s14 =	sadd.s32 $0x20, s16;
	s4 =	simm.s32 $0x180  }
0xbd: {  	[hbm4b:s14+s2] =	stream.linear.scatter [tilespmem:s4], [sflag:$0x3], $0x80, $0x38;
	[tilespmem:$0x10000] =	vst v63  }
0xbe: {  	s15 =	sadd.s32 $0xA0, s16;
	s5 =	simm.s32 $0x580  }
0xbf: {  	[hbm4b:s15+s2] =	stream.linear.scatter [tilespmem:s5], [sflag:$0x3], $0x80, $0x38;
	[tilespmem:$0x10000] =	vst v63  }
0xc0: {  	s19 =	sadd.s32 $0x220, s16;
	s3 =	simm.s32 $0x1180  }
0xc1: {  	[hbm4b:s19+s2] =	stream.linear.scatter [tilespmem:s3], [sflag:$0x3], $0x80, $0x38;
	[tilespmem:$0x10000] =	vst v63  }
0xc2: {  	s0 =	sadd.s32 $0x2A0, s16;
	s9 =	simm.s32 $0x1580  }
0xc3: {  	[hbm4b:s0+s2] =	stream.linear.scatter [tilespmem:s9], [sflag:$0x3], $0x80, $0x38;
	[tilespmem:$0x10000] =	vst v63  }
0xc4: {  	s1 =	sadd.s32 $0x420, s16;
	s10 =	simm.s32 $0x2180  }
0xc5: {  	[hbm4b:s1+s2] =	stream.linear.scatter [tilespmem:s10], [sflag:$0x3], $0x80, $0x38;
	[tilespmem:$0x10000] =	vst v63  }
0xc6: {  	s6 =	sadd.s32 $0x4A0, s16;
	s11 =	simm.s32 $0x2580  }
0xc7: {  	[hbm4b:s6+s2] =	stream.linear.scatter [tilespmem:s11], [sflag:$0x3], $0x80, $0x38;
	[tilespmem:$0x10000] =	vst v63  }
0xc8: {  	s7 =	sadd.s32 $0x620, s16;
	s12 =	simm.s32 $0x3180  }
0xc9: {  	[hbm4b:s7+s2] =	stream.linear.scatter [tilespmem:s12], [sflag:$0x3], $0x80, $0x38;
	[tilespmem:$0x10000] =	vst v63  }
0xca: {  	s8 =	sadd.s32 $0x6A0, s16;
	s13 =	simm.s32 $0x3580  }
0xcb: {  	[hbm4b:s8+s2] =	stream.linear.scatter [tilespmem:s13], [sflag:$0x3], $0x80, $0x38;
	[tilespmem:$0x10000] =	vst v63  }
0xcc: {  	s14 =	sadd.s32 $0x820, s16;
	s7 =	simm.s32 $0x4180  }
0xcd: {  	[hbm4b:s14+s2] =	stream.linear.scatter [tilespmem:s7], [sflag:$0x3], $0x80, $0x38;
	[tilespmem:$0x10000] =	vst v63  }
0xce: {  	s15 =	sadd.s32 $0x8A0, s16;
	s19 =	simm.s32 $0x4580  }
0xcf: {  	[hbm4b:s15+s2] =	stream.linear.scatter [tilespmem:s19], [sflag:$0x3], $0x80, $0x38;
	[tilespmem:$0x10000] =	vst v63  }
0xd0: {  	s0 =	sadd.s32 $0xA20, s16;
	s15 =	simm.s32 $0x5180  }
0xd1: {  	[hbm4b:s0+s2] =	stream.linear.scatter [tilespmem:s15], [sflag:$0x3], $0x80, $0x38;
	[tilespmem:$0x10000] =	vst v63  }
0xd2: {  	s1 =	sadd.s32 $0xAA0, s16;
	s0 =	simm.s32 $0x5580  }
0xd3: {  	[hbm4b:s1+s2] =	stream.linear.scatter [tilespmem:s0], [sflag:$0x3], $0x80, $0x38;
	[tilespmem:$0x10000] =	vst v63  }
0xd4: {  	s6 =	sadd.s32 $0xC20, s16;
	s1 =	simm.s32 $0x6180  }
0xd5: {  	[hbm4b:s6+s2] =	stream.linear.scatter [tilespmem:s1], [sflag:$0x3], $0x80, $0x38;
	[tilespmem:$0x10000] =	vst v63  }
0xd6: {  	s8 =	sadd.s32 $0xCA0, s16;
	s6 =	simm.s32 $0x6580  }
0xd7: {  	[hbm4b:s8+s2] =	stream.linear.scatter [tilespmem:s6], [sflag:$0x3], $0x80, $0x38;
	[tilespmem:$0x10000] =	vst v63  }
0xd8: {  	s14 =	sadd.s32 $0xE20, s16;
	s8 =	simm.s32 $0x7180  }
0xd9: {  	[hbm4b:s14+s2] =	stream.linear.scatter [tilespmem:s8], [sflag:$0x3], $0x80, $0x38;
	[tilespmem:$0x10000] =	vst v63  }
0xda: {  	s17 =	sadd.s32 $0xEA0, s16;
	s14 =	simm.s32 $0x7580  }
0xdb: {  	[hbm4b:s17+s2] =	stream.linear.scatter [tilespmem:s14], [sflag:$0x3], $0x80, $0x38;
	[tilespmem:$0x10000] =	vst v63  }
0xdc: {  	s17 =	sadd.s32 $0x30, s16  }
0xdd: {  	[hbm4b:s17+s2] =	stream.linear.scatter [tilespmem:s4], [sflag:$0x3], $0x80, $0x38;
	[tilespmem:$0x10000] =	vst v63  }
0xde: {  	s4 =	sadd.s32 $0xB0, s16  }
0xdf: {  	[hbm4b:s4+s2] =	stream.linear.scatter [tilespmem:s5], [sflag:$0x3], $0x80, $0x38;
	[tilespmem:$0x10000] =	vst v63  }
0xe0: {  	s4 =	sadd.s32 $0x230, s16  }
0xe1: {  	[hbm4b:s4+s2] =	stream.linear.scatter [tilespmem:s3], [sflag:$0x3], $0x80, $0x38;
	[tilespmem:$0x10000] =	vst v63  }
0xe2: {  	s5 =	sadd.s32 $0x2B0, s16  }
0xe3: {  	[hbm4b:s5+s2] =	stream.linear.scatter [tilespmem:s9], [sflag:$0x3], $0x80, $0x38;
	[tilespmem:$0x10000] =	vst v63  }
0xe4: {  	s9 =	sadd.s32 $0x430, s16  }
0xe5: {  	[hbm4b:s9+s2] =	stream.linear.scatter [tilespmem:s10], [sflag:$0x3], $0x80, $0x38;
	[tilespmem:$0x10000] =	vst v63  }
0xe6: {  	s3 =	sadd.s32 $0x4B0, s16  }
0xe7: {  	[hbm4b:s3+s2] =	stream.linear.scatter [tilespmem:s11], [sflag:$0x3], $0x80, $0x38;
	[tilespmem:$0x10000] =	vst v63  }
0xe8: {  	s4 =	sadd.s32 $0x630, s16  }
0xe9: {  	[hbm4b:s4+s2] =	stream.linear.scatter [tilespmem:s12], [sflag:$0x3], $0x80, $0x38;
	[tilespmem:$0x10000] =	vst v63  }
0xea: {  	s5 =	sadd.s32 $0x6B0, s16  }
0xeb: {  	[hbm4b:s5+s2] =	stream.linear.scatter [tilespmem:s13], [sflag:$0x3], $0x80, $0x38;
	[tilespmem:$0x10000] =	vst v63  }
0xec: {  	s9 =	sadd.s32 $0x830, s16  }
0xed: {  	[hbm4b:s9+s2] =	stream.linear.scatter [tilespmem:s7], [sflag:$0x3], $0x80, $0x38;
	[tilespmem:$0x10000] =	vst v63  }
0xee: {  	s10 =	sadd.s32 $0x8B0, s16  }
0xef: {  	[hbm4b:s10+s2] =	stream.linear.scatter [tilespmem:s19], [sflag:$0x3], $0x80, $0x38;
	[tilespmem:$0x10000] =	vst v63  }
0xf0: {  	s11 =	sadd.s32 $0xA30, s16  }
0xf1: {  	[hbm4b:s11+s2] =	stream.linear.scatter [tilespmem:s15], [sflag:$0x3], $0x80, $0x38;
	[tilespmem:$0x10000] =	vst v63  }
0xf2: {  	s12 =	sadd.s32 $0xAB0, s16  }
0xf3: {  	[hbm4b:s12+s2] =	stream.linear.scatter [tilespmem:s0], [sflag:$0x3], $0x80, $0x38;
	[tilespmem:$0x10000] =	vst v63  }
0xf4: {  	s13 =	sadd.s32 $0xC30, s16  }
0xf5: {  	[hbm4b:s13+s2] =	stream.linear.scatter [tilespmem:s1], [sflag:$0x3], $0x80, $0x38;
	[tilespmem:$0x10000] =	vst v63  }
0xf6: {  	s15 =	sadd.s32 $0xCB0, s16  }
0xf7: {  	[hbm4b:s15+s2] =	stream.linear.scatter [tilespmem:s6], [sflag:$0x3], $0x80, $0x38;
	[tilespmem:$0x10000] =	vst v63  }
0xf8: {  	s19 =	sadd.s32 $0xE30, s16  }
0xf9: {  	[hbm4b:s19+s2] =	stream.linear.scatter [tilespmem:s8], [sflag:$0x3], $0x80, $0x38;
	[tilespmem:$0x10000] =	vst v63  }
0xfa: {  	s0 =	sadd.s32 $0xEB0, s16  }
0xfb: {  	[hbm4b:s0+s2] =	stream.linear.scatter [tilespmem:s14], [sflag:$0x3], $0x80, $0x38;
	[tilespmem:$0x10000] =	vst v63  }
0xfc: {  	s1 =	sadd.s32 $0x40, s16  }
0xfd: {  	[hbm4b:s1+s2] =	stream.linear.scatter [tilespmem:s2], [sflag:$0x3], $0x80, $0x38;
	[tilespmem:$0x10000] =	vst v63  }
0xfe: {  	s3 =	sadd.s32 $0xC0, s16;
	s4 =	simm.s32 $0x400  }
0xff: {  	[hbm4b:s3+s2] =	stream.linear.scatter [tilespmem:s4], [sflag:$0x3], $0x80, $0x38;
	[tilespmem:$0x10000] =	vst v63  }
0x100: {  	s5 =	sadd.s32 $0x240, s16;
	s6 =	simm.s32 $0x1000  }
0x101: {  	[hbm4b:s5+s2] =	stream.linear.scatter [tilespmem:s6], [sflag:$0x3], $0x80, $0x38;
	[tilespmem:$0x10000] =	vst v63  }
0x102: {  	s7 =	sadd.s32 $0x2C0, s16;
	s8 =	simm.s32 $0x1400  }
0x103: {  	[hbm4b:s7+s2] =	stream.linear.scatter [tilespmem:s8], [sflag:$0x3], $0x80, $0x38;
	[tilespmem:$0x10000] =	vst v63  }
0x104: {  	s9 =	sadd.s32 $0x440, s16;
	s10 =	simm.s32 $0x2000  }
0x105: {  	[hbm4b:s9+s2] =	stream.linear.scatter [tilespmem:s10], [sflag:$0x3], $0x80, $0x38;
	[tilespmem:$0x10000] =	vst v63  }
0x106: {  	s11 =	sadd.s32 $0x4C0, s16;
	s12 =	simm.s32 $0x2400  }
0x107: {  	[hbm4b:s11+s2] =	stream.linear.scatter [tilespmem:s12], [sflag:$0x3], $0x80, $0x38;
	[tilespmem:$0x10000] =	vst v63  }
0x108: {  	s13 =	sadd.s32 $0x640, s16;
	s14 =	simm.s32 $0x3000  }
0x109: {  	[hbm4b:s13+s2] =	stream.linear.scatter [tilespmem:s14], [sflag:$0x3], $0x80, $0x38;
	[tilespmem:$0x10000] =	vst v63  }
0x10a: {  	s15 =	sadd.s32 $0x6C0, s16;
	s19 =	simm.s32 $0x3400  }
0x10b: {  	[hbm4b:s15+s2] =	stream.linear.scatter [tilespmem:s19], [sflag:$0x3], $0x80, $0x38;
	[tilespmem:$0x10000] =	vst v63  }
0x10c: {  	s0 =	sadd.s32 $0x840, s16;
	s1 =	simm.s32 $0x4000  }
0x10d: {  	[hbm4b:s0+s2] =	stream.linear.scatter [tilespmem:s1], [sflag:$0x3], $0x80, $0x38;
	[tilespmem:$0x10000] =	vst v63  }
0x10e: {  	s3 =	sadd.s32 $0x8C0, s16;
	s4 =	simm.s32 $0x4400  }
0x10f: {  	[hbm4b:s3+s2] =	stream.linear.scatter [tilespmem:s4], [sflag:$0x3], $0x80, $0x38;
	[tilespmem:$0x10000] =	vst v63  }
0x110: {  	s5 =	sadd.s32 $0xA40, s16;
	s6 =	simm.s32 $0x5000  }
0x111: {  	[hbm4b:s5+s2] =	stream.linear.scatter [tilespmem:s6], [sflag:$0x3], $0x80, $0x38;
	[tilespmem:$0x10000] =	vst v63  }
0x112: {  	s7 =	sadd.s32 $0xAC0, s16;
	s8 =	simm.s32 $0x5400  }
0x113: {  	[hbm4b:s7+s2] =	stream.linear.scatter [tilespmem:s8], [sflag:$0x3], $0x80, $0x38;
	[tilespmem:$0x10000] =	vst v63  }
0x114: {  	s9 =	sadd.s32 $0xC40, s16;
	s10 =	simm.s32 $0x6000  }
0x115: {  	[hbm4b:s9+s2] =	stream.linear.scatter [tilespmem:s10], [sflag:$0x3], $0x80, $0x38;
	[tilespmem:$0x10000] =	vst v63  }
0x116: {  	s11 =	sadd.s32 $0xCC0, s16;
	s12 =	simm.s32 $0x6400  }
0x117: {  	[hbm4b:s11+s2] =	stream.linear.scatter [tilespmem:s12], [sflag:$0x3], $0x80, $0x38;
	[tilespmem:$0x10000] =	vst v63  }
0x118: {  	s13 =	sadd.s32 $0xE40, s16;
	s14 =	simm.s32 $0x7000  }
0x119: {  	[hbm4b:s13+s2] =	stream.linear.scatter [tilespmem:s14], [sflag:$0x3], $0x80, $0x38;
	[tilespmem:$0x10000] =	vst v63  }
0x11a: {  	s15 =	sadd.s32 $0xEC0, s16;
	s19 =	simm.s32 $0x7400  }
0x11b: {  	[hbm4b:s15+s2] =	stream.linear.scatter [tilespmem:s19], [sflag:$0x3], $0x80, $0x38;
	[tilespmem:$0x10000] =	vst v63  }
0x11c: {  	s1 =	sadd.s32 $0x50, s16;
	s0 =	simm.s32 $0x80  }
0x11d: {  	[hbm4b:s1+s2] =	stream.linear.scatter [tilespmem:s0], [sflag:$0x3], $0x80, $0x38;
	[tilespmem:$0x10000] =	vst v63  }
0x11e: {  	s3 =	sadd.s32 $0xD0, s16;
	s1 =	simm.s32 $0x480  }
0x11f: {  	[hbm4b:s3+s2] =	stream.linear.scatter [tilespmem:s1], [sflag:$0x3], $0x80, $0x38;
	[tilespmem:$0x10000] =	vst v63  }
0x120: {  	s4 =	sadd.s32 $0x250, s16;
	s3 =	simm.s32 $0x1080  }
0x121: {  	[hbm4b:s4+s2] =	stream.linear.scatter [tilespmem:s3], [sflag:$0x3], $0x80, $0x38;
	[tilespmem:$0x10000] =	vst v63  }
0x122: {  	s5 =	sadd.s32 $0x2D0, s16;
	s4 =	simm.s32 $0x1480  }
0x123: {  	[hbm4b:s5+s2] =	stream.linear.scatter [tilespmem:s4], [sflag:$0x3], $0x80, $0x38;
	[tilespmem:$0x10000] =	vst v63  }
0x124: {  	s6 =	sadd.s32 $0x450, s16;
	s5 =	simm.s32 $0x2080  }
0x125: {  	[hbm4b:s6+s2] =	stream.linear.scatter [tilespmem:s5], [sflag:$0x3], $0x80, $0x38;
	[tilespmem:$0x10000] =	vst v63  }
0x126: {  	s7 =	sadd.s32 $0x4D0, s16;
	s6 =	simm.s32 $0x2480  }
0x127: {  	[hbm4b:s7+s2] =	stream.linear.scatter [tilespmem:s6], [sflag:$0x3], $0x80, $0x38;
	[tilespmem:$0x10000] =	vst v63  }
0x128: {  	s8 =	sadd.s32 $0x650, s16;
	s7 =	simm.s32 $0x3080  }
0x129: {  	[hbm4b:s8+s2] =	stream.linear.scatter [tilespmem:s7], [sflag:$0x3], $0x80, $0x38;
	[tilespmem:$0x10000] =	vst v63  }
0x12a: {  	s9 =	sadd.s32 $0x6D0, s16;
	s8 =	simm.s32 $0x3480  }
0x12b: {  	[hbm4b:s9+s2] =	stream.linear.scatter [tilespmem:s8], [sflag:$0x3], $0x80, $0x38;
	[tilespmem:$0x10000] =	vst v63  }
0x12c: {  	s10 =	sadd.s32 $0x850, s16;
	s9 =	simm.s32 $0x4080  }
0x12d: {  	[hbm4b:s10+s2] =	stream.linear.scatter [tilespmem:s9], [sflag:$0x3], $0x80, $0x38;
	[tilespmem:$0x10000] =	vst v63  }
0x12e: {  	s11 =	sadd.s32 $0x8D0, s16;
	s10 =	simm.s32 $0x4480  }
0x12f: {  	[hbm4b:s11+s2] =	stream.linear.scatter [tilespmem:s10], [sflag:$0x3], $0x80, $0x38;
	[tilespmem:$0x10000] =	vst v63  }
0x130: {  	s12 =	sadd.s32 $0xA50, s16;
	s11 =	simm.s32 $0x5080  }
0x131: {  	[hbm4b:s12+s2] =	stream.linear.scatter [tilespmem:s11], [sflag:$0x3], $0x80, $0x38;
	[tilespmem:$0x10000] =	vst v63  }
0x132: {  	s13 =	sadd.s32 $0xAD0, s16;
	s12 =	simm.s32 $0x5480  }
0x133: {  	[hbm4b:s13+s2] =	stream.linear.scatter [tilespmem:s12], [sflag:$0x3], $0x80, $0x38;
	[tilespmem:$0x10000] =	vst v63  }
0x134: {  	s14 =	sadd.s32 $0xC50, s16;
	s13 =	simm.s32 $0x6080  }
0x135: {  	[hbm4b:s14+s2] =	stream.linear.scatter [tilespmem:s13], [sflag:$0x3], $0x80, $0x38;
	[tilespmem:$0x10000] =	vst v63  }
0x136: {  	s15 =	sadd.s32 $0xCD0, s16;
	s14 =	simm.s32 $0x6480  }
0x137: {  	[hbm4b:s15+s2] =	stream.linear.scatter [tilespmem:s14], [sflag:$0x3], $0x80, $0x38;
	[tilespmem:$0x10000] =	vst v63  }
0x138: {  	s19 =	sadd.s32 $0xE50, s16;
	s15 =	simm.s32 $0x7080  }
0x139: {  	[hbm4b:s19+s2] =	stream.linear.scatter [tilespmem:s15], [sflag:$0x3], $0x80, $0x38;
	[tilespmem:$0x10000] =	vst v63  }
0x13a: {  	s17 =	sadd.s32 $0xED0, s16;
	s19 =	simm.s32 $0x7480  }
0x13b: {  	[hbm4b:s17+s2] =	stream.linear.scatter [tilespmem:s19], [sflag:$0x3], $0x80, $0x38;
	[tilespmem:$0x10000] =	vst v63  }
0x13c: {  	s17 =	sadd.s32 $0x60, s16  }
0x13d: {  	[hbm4b:s17+s2] =	stream.linear.scatter [tilespmem:s0], [sflag:$0x3], $0x80, $0x38;
	[tilespmem:$0x10000] =	vst v63  }
0x13e: {  	s0 =	sadd.s32 $0xE0, s16  }
0x13f: {  	[hbm4b:s0+s2] =	stream.linear.scatter [tilespmem:s1], [sflag:$0x3], $0x80, $0x38;
	[tilespmem:$0x10000] =	vst v63  }
0x140: {  	s1 =	sadd.s32 $0x260, s16  }
0x141: {  	[hbm4b:s1+s2] =	stream.linear.scatter [tilespmem:s3], [sflag:$0x3], $0x80, $0x38;
	[tilespmem:$0x10000] =	vst v63  }
0x142: {  	s3 =	sadd.s32 $0x2E0, s16  }
0x143: {  	[hbm4b:s3+s2] =	stream.linear.scatter [tilespmem:s4], [sflag:$0x3], $0x80, $0x38;
	[tilespmem:$0x10000] =	vst v63  }
0x144: {  	s4 =	sadd.s32 $0x460, s16  }
0x145: {  	[hbm4b:s4+s2] =	stream.linear.scatter [tilespmem:s5], [sflag:$0x3], $0x80, $0x38;
	[tilespmem:$0x10000] =	vst v63  }
0x146: {  	s5 =	sadd.s32 $0x4E0, s16  }
0x147: {  	[hbm4b:s5+s2] =	stream.linear.scatter [tilespmem:s6], [sflag:$0x3], $0x80, $0x38;
	[tilespmem:$0x10000] =	vst v63  }
0x148: {  	s6 =	sadd.s32 $0x660, s16  }
0x149: {  	[hbm4b:s6+s2] =	stream.linear.scatter [tilespmem:s7], [sflag:$0x3], $0x80, $0x38;
	[tilespmem:$0x10000] =	vst v63  }
0x14a: {  	s0 =	sadd.s32 $0x6E0, s16  }
0x14b: {  	[hbm4b:s0+s2] =	stream.linear.scatter [tilespmem:s8], [sflag:$0x3], $0x80, $0x38;
	[tilespmem:$0x10000] =	vst v63  }
0x14c: {  	s1 =	sadd.s32 $0x860, s16  }
0x14d: {  	[hbm4b:s1+s2] =	stream.linear.scatter [tilespmem:s9], [sflag:$0x3], $0x80, $0x38;
	[tilespmem:$0x10000] =	vst v63  }
0x14e: {  	s3 =	sadd.s32 $0x8E0, s16  }
0x14f: {  	[hbm4b:s3+s2] =	stream.linear.scatter [tilespmem:s10], [sflag:$0x3], $0x80, $0x38;
	[tilespmem:$0x10000] =	vst v63  }
0x150: {  	s4 =	sadd.s32 $0xA60, s16  }
0x151: {  	[hbm4b:s4+s2] =	stream.linear.scatter [tilespmem:s11], [sflag:$0x3], $0x80, $0x38;
	[tilespmem:$0x10000] =	vst v63  }
0x152: {  	s5 =	sadd.s32 $0xAE0, s16  }
0x153: {  	[hbm4b:s5+s2] =	stream.linear.scatter [tilespmem:s12], [sflag:$0x3], $0x80, $0x38;
	[tilespmem:$0x10000] =	vst v63  }
0x154: {  	s6 =	sadd.s32 $0xC60, s16  }
0x155: {  	[hbm4b:s6+s2] =	stream.linear.scatter [tilespmem:s13], [sflag:$0x3], $0x80, $0x38;
	[tilespmem:$0x10000] =	vst v63  }
0x156: {  	s7 =	sadd.s32 $0xCE0, s16  }
0x157: {  	[hbm4b:s7+s2] =	stream.linear.scatter [tilespmem:s14], [sflag:$0x3], $0x80, $0x38;
	[tilespmem:$0x10000] =	vst v63  }
0x158: {  	s8 =	sadd.s32 $0xE60, s16  }
0x159: {  	[hbm4b:s8+s2] =	stream.linear.scatter [tilespmem:s15], [sflag:$0x3], $0x80, $0x38;
	[tilespmem:$0x10000] =	vst v63  }
0x15a: {  	s9 =	sadd.s32 $0xEE0, s16  }
0x15b: {  	[hbm4b:s9+s2] =	stream.linear.scatter [tilespmem:s19], [sflag:$0x3], $0x80, $0x38;
	[tilespmem:$0x10000] =	vst v63  }
0x15c: {  	s10 =	sadd.s32 $0x70, s16  }
0x15d: {  	[hbm4b:s10+s2] =	stream.linear.scatter [tilespmem:s18], [sflag:$0x3], $0x80, $0x38;
	[tilespmem:$0x10000] =	vst v63  }
0x15e: {  	s11 =	sadd.s32 $0xF0, s16;
	s5 =	simm.s32 $0x600  }
0x15f: {  	[hbm4b:s11+s2] =	stream.linear.scatter [tilespmem:s5], [sflag:$0x3], $0x80, $0x38;
	[tilespmem:$0x10000] =	vst v63  }
0x160: {  	s12 =	sadd.s32 $0x270, s16  }
0x161: {  	[hbm4b:s12+s2] =	stream.linear.scatter [tilespmem:s21], [sflag:$0x3], $0x80, $0x38;
	[tilespmem:$0x10000] =	vst v63  }
0x162: {  	s13 =	sadd.s32 $0x2F0, s16  }
0x163: {  	[hbm4b:s13+s2] =	stream.linear.scatter [tilespmem:s22], [sflag:$0x3], $0x80, $0x38;
	[tilespmem:$0x10000] =	vst v63  }
0x164: {  	s14 =	sadd.s32 $0x470, s16  }
0x165: {  	[hbm4b:s14+s2] =	stream.linear.scatter [tilespmem:s23], [sflag:$0x3], $0x80, $0x38;
	[tilespmem:$0x10000] =	vst v63  }
0x166: {  	s15 =	sadd.s32 $0x4F0, s16  }
0x167: {  	[hbm4b:s15+s2] =	stream.linear.scatter [tilespmem:s24], [sflag:$0x3], $0x80, $0x38;
	[tilespmem:$0x10000] =	vst v63  }
0x168: {  	s19 =	sadd.s32 $0x670, s16  }
0x169: {  	[hbm4b:s19+s2] =	stream.linear.scatter [tilespmem:s25], [sflag:$0x3], $0x80, $0x38;
	[tilespmem:$0x10000] =	vst v63  }
0x16a: {  	s0 =	sadd.s32 $0x6F0, s16  }
0x16b: {  	[hbm4b:s0+s2] =	stream.linear.scatter [tilespmem:s26], [sflag:$0x3], $0x80, $0x38;
	[tilespmem:$0x10000] =	vst v63  }
0x16c: {  	s1 =	sadd.s32 $0x870, s16  }
0x16d: {  	[hbm4b:s1+s2] =	stream.linear.scatter [tilespmem:s28], [sflag:$0x3], $0x80, $0x38;
	[tilespmem:$0x10000] =	vst v63  }
0x16e: {  	s3 =	sadd.s32 $0x8F0, s16  }
0x16f: {  	[hbm4b:s3+s2] =	stream.linear.scatter [tilespmem:s29], [sflag:$0x3], $0x80, $0x38;
	[tilespmem:$0x10000] =	vst v63  }
0x170: {  	s4 =	sadd.s32 $0xA70, s16  }
0x171: {  	[hbm4b:s4+s2] =	stream.linear.scatter [tilespmem:s30], [sflag:$0x3], $0x80, $0x38;
	[tilespmem:$0x10000] =	vst v63  }
0x172: {  	s6 =	sadd.s32 $0xAF0, s16  }
0x173: {  	[hbm4b:s6+s2] =	stream.linear.scatter [tilespmem:s31], [sflag:$0x3], $0x80, $0x38;
	[tilespmem:$0x10000] =	vst v63  }
0x174: {  	s7 =	sadd.s32 $0xC70, s16;
	s8 =	simm.s32 $0x6200  }
0x175: {  	[hbm4b:s7+s2] =	stream.linear.scatter [tilespmem:s8], [sflag:$0x3], $0x80, $0x38;
	[tilespmem:$0x10000] =	vst v63  }
0x176: {  	s9 =	sadd.s32 $0xCF0, s16;
	s10 =	simm.s32 $0x6600  }
0x177: {  	[hbm4b:s9+s2] =	stream.linear.scatter [tilespmem:s10], [sflag:$0x3], $0x80, $0x38;
	[tilespmem:$0x10000] =	vst v63  }
0x178: {  	s11 =	sadd.s32 $0xE70, s16;
	s12 =	simm.s32 $0x7200  }
0x179: {  	[hbm4b:s11+s2] =	stream.linear.scatter [tilespmem:s12], [sflag:$0x3], $0x80, $0x38;
	[tilespmem:$0x10000] =	vst v63  }
0x17a: {  	s13 =	sadd.s32 $0xEF0, s16;
	s14 =	simm.s32 $0x7600  }
0x17b: {  	[hbm4b:s13+s2] =	stream.linear.scatter [tilespmem:s14], [sflag:$0x3], $0x80, $0x38;
	[tilespmem:$0x10000] =	vst v63  }
0x17c: {  	s15 =	sadd.s32 $0x100, s16  }
0x17d: {  	[hbm4b:s15+s2] =	stream.linear.scatter [tilespmem:s18], [sflag:$0x3], $0x80, $0x38;
	[tilespmem:$0x10000] =	vst v63  }
0x17e: {  	s18 =	sadd.s32 $0x180, s16  }
0x17f: {  	[hbm4b:s18+s2] =	stream.linear.scatter [tilespmem:s5], [sflag:$0x3], $0x80, $0x38;
	[tilespmem:$0x10000] =	vst v63  }
0x180: {  	s19 =	sadd.s32 $0x300, s16  }
0x181: {  	[hbm4b:s19+s2] =	stream.linear.scatter [tilespmem:s21], [sflag:$0x3], $0x80, $0x38;
	[tilespmem:$0x10000] =	vst v63  }
0x182: {  	s21 =	sadd.s32 $0x380, s16  }
0x183: {  	[hbm4b:s21+s2] =	stream.linear.scatter [tilespmem:s22], [sflag:$0x3], $0x80, $0x38;
	[tilespmem:$0x10000] =	vst v63  }
0x184: {  	s22 =	sadd.s32 $0x500, s16  }
0x185: {  	[hbm4b:s22+s2] =	stream.linear.scatter [tilespmem:s23], [sflag:$0x3], $0x80, $0x38;
	[tilespmem:$0x10000] =	vst v63  }
0x186: {  	s23 =	sadd.s32 $0x580, s16  }
0x187: {  	[hbm4b:s23+s2] =	stream.linear.scatter [tilespmem:s24], [sflag:$0x3], $0x80, $0x38;
	[tilespmem:$0x10000] =	vst v63  }
0x188: {  	s24 =	sadd.s32 $0x700, s16  }
0x189: {  	[hbm4b:s24+s2] =	stream.linear.scatter [tilespmem:s25], [sflag:$0x3], $0x80, $0x38;
	[tilespmem:$0x10000] =	vst v63  }
0x18a: {  	s25 =	sadd.s32 $0x780, s16  }
0x18b: {  	[hbm4b:s25+s2] =	stream.linear.scatter [tilespmem:s26], [sflag:$0x3], $0x80, $0x38;
	[tilespmem:$0x10000] =	vst v63  }
0x18c: {  	s26 =	sadd.s32 $0x900, s16  }
0x18d: {  	[hbm4b:s26+s2] =	stream.linear.scatter [tilespmem:s28], [sflag:$0x3], $0x80, $0x38;
	[tilespmem:$0x10000] =	vst v63  }
0x18e: {  	s28 =	sadd.s32 $0x980, s16  }
0x18f: {  	[hbm4b:s28+s2] =	stream.linear.scatter [tilespmem:s29], [sflag:$0x3], $0x80, $0x38;
	[tilespmem:$0x10000] =	vst v63  }
0x190: {  	s29 =	sadd.s32 $0xB00, s16  }
0x191: {  	[hbm4b:s29+s2] =	stream.linear.scatter [tilespmem:s30], [sflag:$0x3], $0x80, $0x38;
	[tilespmem:$0x10000] =	vst v63  }
0x192: {  	s30 =	sadd.s32 $0xB80, s16  }
0x193: {  	[hbm4b:s30+s2] =	stream.linear.scatter [tilespmem:s31], [sflag:$0x3], $0x80, $0x38;
	[tilespmem:$0x10000] =	vst v63  }
0x194: {  	s31 =	sadd.s32 $0xD00, s16  }
0x195: {  	[hbm4b:s31+s2] =	stream.linear.scatter [tilespmem:s8], [sflag:$0x3], $0x80, $0x38;
	[tilespmem:$0x10000] =	vst v63  }
0x196: {  	s0 =	sadd.s32 $0xD80, s16  }
0x197: {  	[hbm4b:s0+s2] =	stream.linear.scatter [tilespmem:s10], [sflag:$0x3], $0x80, $0x38;
	[tilespmem:$0x10000] =	vst v63  }
0x198: {  	s1 =	sadd.s32 $0xF00, s16  }
0x199: {  	[hbm4b:s1+s2] =	stream.linear.scatter [tilespmem:s12], [sflag:$0x3], $0x80, $0x38;
	[tilespmem:$0x10000] =	vst v63  }
0x19a: {  	s5 =	sadd.s32 $0xF80, s16  }
0x19b: {  	[hbm4b:s5+s2] =	stream.linear.scatter [tilespmem:s14], [sflag:$0x3], $0x80, $0x38;
	[tilespmem:$0x10000] =	vst v63  }
0x19c: {  	s6 =	sadd.s32 $0x110, s16;
	s7 =	simm.s32 $0x280  }
0x19d: {  	[hbm4b:s6+s2] =	stream.linear.scatter [tilespmem:s7], [sflag:$0x3], $0x80, $0x38;
	[tilespmem:$0x10000] =	vst v63  }
0x19e: {  	s9 =	simm.s32 $0x680;
	s8 =	sadd.s32 $0x190, s16  }
0x19f: {  	[hbm4b:s8+s2] =	stream.linear.scatter [tilespmem:s9], [sflag:$0x3], $0x80, $0x38;
	[tilespmem:$0x10000] =	vst v63  }
0x1a0: {  	s11 =	simm.s32 $0x1280;
	s10 =	sadd.s32 $0x310, s16  }
0x1a1: {  	[hbm4b:s10+s2] =	stream.linear.scatter [tilespmem:s11], [sflag:$0x3], $0x80, $0x38;
	[tilespmem:$0x10000] =	vst v63  }
0x1a2: {  	s13 =	simm.s32 $0x1680;
	s12 =	sadd.s32 $0x390, s16  }
0x1a3: {  	[hbm4b:s12+s2] =	stream.linear.scatter [tilespmem:s13], [sflag:$0x3], $0x80, $0x38;
	[tilespmem:$0x10000] =	vst v63  }
0x1a4: {  	s15 =	simm.s32 $0x2280;
	s14 =	sadd.s32 $0x510, s16  }
0x1a5: {  	[hbm4b:s14+s2] =	stream.linear.scatter [tilespmem:s15], [sflag:$0x3], $0x80, $0x38;
	[tilespmem:$0x10000] =	vst v63  }
0x1a6: {  	s18 =	sadd.s32 $0x590, s16;
	s19 =	simm.s32 $0x2680  }
0x1a7: {  	[hbm4b:s18+s2] =	stream.linear.scatter [tilespmem:s19], [sflag:$0x3], $0x80, $0x38;
	[tilespmem:$0x10000] =	vst v63  }
0x1a8: {  	s21 =	sadd.s32 $0x710, s16;
	s22 =	simm.s32 $0x3280  }
0x1a9: {  	[hbm4b:s21+s2] =	stream.linear.scatter [tilespmem:s22], [sflag:$0x3], $0x80, $0x38;
	[tilespmem:$0x10000] =	vst v63  }
0x1aa: {  	s23 =	sadd.s32 $0x790, s16;
	s24 =	simm.s32 $0x3680  }
0x1ab: {  	[hbm4b:s23+s2] =	stream.linear.scatter [tilespmem:s24], [sflag:$0x3], $0x80, $0x38;
	[tilespmem:$0x10000] =	vst v63  }
0x1ac: {  	s25 =	sadd.s32 $0x910, s16;
	s26 =	simm.s32 $0x4280  }
0x1ad: {  	[hbm4b:s25+s2] =	stream.linear.scatter [tilespmem:s26], [sflag:$0x3], $0x80, $0x38;
	[tilespmem:$0x10000] =	vst v63  }
0x1ae: {  	s28 =	sadd.s32 $0x990, s16;
	s29 =	simm.s32 $0x4680  }
0x1af: {  	[hbm4b:s28+s2] =	stream.linear.scatter [tilespmem:s29], [sflag:$0x3], $0x80, $0x38;
	[tilespmem:$0x10000] =	vst v63  }
0x1b0: {  	s30 =	sadd.s32 $0xB10, s16;
	s31 =	simm.s32 $0x5280  }
0x1b1: {  	[hbm4b:s30+s2] =	stream.linear.scatter [tilespmem:s31], [sflag:$0x3], $0x80, $0x38;
	[tilespmem:$0x10000] =	vst v63  }
0x1b2: {  	s3 =	simm.s32 $0x5680;
	s1 =	sadd.s32 $0xB90, s16  }
0x1b3: {  	[hbm4b:s1+s2] =	stream.linear.scatter [tilespmem:s3], [sflag:$0x3], $0x80, $0x38;
	[tilespmem:$0x10000] =	vst v63  }
0x1b4: {  	s4 =	sadd.s32 $0xD10, s16;
	s5 =	simm.s32 $0x6280  }
0x1b5: {  	[hbm4b:s4+s2] =	stream.linear.scatter [tilespmem:s5], [sflag:$0x3], $0x80, $0x38;
	[tilespmem:$0x10000] =	vst v63  }
0x1b6: {  	s6 =	sadd.s32 $0xD90, s16;
	s7 =	simm.s32 $0x6680  }
0x1b7: {  	[hbm4b:s6+s2] =	stream.linear.scatter [tilespmem:s7], [sflag:$0x3], $0x80, $0x38;
	[tilespmem:$0x10000] =	vst v63  }
0x1b8: {  	s8 =	sadd.s32 $0xF10, s16;
	s9 =	simm.s32 $0x7280  }
0x1b9: {  	[hbm4b:s8+s2] =	stream.linear.scatter [tilespmem:s9], [sflag:$0x3], $0x80, $0x38;
	[tilespmem:$0x10000] =	vst v63  }
0x1ba: {  	s10 =	sadd.s32 $0xF90, s16;
	s11 =	simm.s32 $0x7680  }
0x1bb: {  	[hbm4b:s10+s2] =	stream.linear.scatter [tilespmem:s11], [sflag:$0x3], $0x80, $0x38;
	[tilespmem:$0x10000] =	vst v63  }
0x1bc: {  	s12 =	sadd.s32 $0x120, s16;
	s13 =	simm.s32 $0x300  }
0x1bd: {  	[hbm4b:s12+s2] =	stream.linear.scatter [tilespmem:s13], [sflag:$0x3], $0x80, $0x38;
	[tilespmem:$0x10000] =	vst v63  }
0x1be: {  	s14 =	sadd.s32 $0x1A0, s16;
	s15 =	simm.s32 $0x700  }
0x1bf: {  	[hbm4b:s14+s2] =	stream.linear.scatter [tilespmem:s15], [sflag:$0x3], $0x80, $0x38;
	[tilespmem:$0x10000] =	vst v63  }
0x1c0: {  	s18 =	sadd.s32 $0x320, s16;
	s19 =	simm.s32 $0x1300  }
0x1c1: {  	[hbm4b:s18+s2] =	stream.linear.scatter [tilespmem:s19], [sflag:$0x3], $0x80, $0x38;
	[tilespmem:$0x10000] =	vst v63  }
0x1c2: {  	s21 =	sadd.s32 $0x3A0, s16;
	s22 =	simm.s32 $0x1700  }
0x1c3: {  	[hbm4b:s21+s2] =	stream.linear.scatter [tilespmem:s22], [sflag:$0x3], $0x80, $0x38;
	[tilespmem:$0x10000] =	vst v63  }
0x1c4: {  	s23 =	sadd.s32 $0x520, s16;
	s24 =	simm.s32 $0x2300  }
0x1c5: {  	[hbm4b:s23+s2] =	stream.linear.scatter [tilespmem:s24], [sflag:$0x3], $0x80, $0x38;
	[tilespmem:$0x10000] =	vst v63  }
0x1c6: {  	s25 =	sadd.s32 $0x5A0, s16;
	s26 =	simm.s32 $0x2700  }
0x1c7: {  	[hbm4b:s25+s2] =	stream.linear.scatter [tilespmem:s26], [sflag:$0x3], $0x80, $0x38;
	[tilespmem:$0x10000] =	vst v63  }
0x1c8: {  	s28 =	sadd.s32 $0x720, s16;
	s29 =	simm.s32 $0x3300  }
0x1c9: {  	[hbm4b:s28+s2] =	stream.linear.scatter [tilespmem:s29], [sflag:$0x3], $0x80, $0x38;
	[tilespmem:$0x10000] =	vst v63  }
0x1ca: {  	s30 =	sadd.s32 $0x7A0, s16;
	s31 =	simm.s32 $0x3700  }
0x1cb: {  	[hbm4b:s30+s2] =	stream.linear.scatter [tilespmem:s31], [sflag:$0x3], $0x80, $0x38;
	[tilespmem:$0x10000] =	vst v63  }
0x1cc: {  	s1 =	sadd.s32 $0x920, s16;
	s3 =	simm.s32 $0x4300  }
0x1cd: {  	[hbm4b:s1+s2] =	stream.linear.scatter [tilespmem:s3], [sflag:$0x3], $0x80, $0x38;
	[tilespmem:$0x10000] =	vst v63  }
0x1ce: {  	s4 =	sadd.s32 $0x9A0, s16;
	s5 =	simm.s32 $0x4700  }
0x1cf: {  	[hbm4b:s4+s2] =	stream.linear.scatter [tilespmem:s5], [sflag:$0x3], $0x80, $0x38;
	[tilespmem:$0x10000] =	vst v63  }
0x1d0: {  	s6 =	sadd.s32 $0xB20, s16;
	s7 =	simm.s32 $0x5300  }
0x1d1: {  	[hbm4b:s6+s2] =	stream.linear.scatter [tilespmem:s7], [sflag:$0x3], $0x80, $0x38;
	[tilespmem:$0x10000] =	vst v63  }
0x1d2: {  	s8 =	sadd.s32 $0xBA0, s16;
	s9 =	simm.s32 $0x5700  }
0x1d3: {  	[hbm4b:s8+s2] =	stream.linear.scatter [tilespmem:s9], [sflag:$0x3], $0x80, $0x38;
	[tilespmem:$0x10000] =	vst v63  }
0x1d4: {  	s10 =	sadd.s32 $0xD20, s16;
	s11 =	simm.s32 $0x6300  }
0x1d5: {  	[hbm4b:s10+s2] =	stream.linear.scatter [tilespmem:s11], [sflag:$0x3], $0x80, $0x38;
	[tilespmem:$0x10000] =	vst v63  }
0x1d6: {  	s12 =	sadd.s32 $0xDA0, s16;
	s13 =	simm.s32 $0x6700  }
0x1d7: {  	[hbm4b:s12+s2] =	stream.linear.scatter [tilespmem:s13], [sflag:$0x3], $0x80, $0x38;
	[tilespmem:$0x10000] =	vst v63  }
0x1d8: {  	s14 =	sadd.s32 $0xF20, s16;
	s15 =	simm.s32 $0x7300  }
0x1d9: {  	[hbm4b:s14+s2] =	stream.linear.scatter [tilespmem:s15], [sflag:$0x3], $0x80, $0x38;
	[tilespmem:$0x10000] =	vst v63  }
0x1da: {  	s18 =	sadd.s32 $0xFA0, s16;
	s19 =	simm.s32 $0x7700  }
0x1db: {  	[hbm4b:s18+s2] =	stream.linear.scatter [tilespmem:s19], [sflag:$0x3], $0x80, $0x38;
	[tilespmem:$0x10000] =	vst v63  }
0x1dc: {  	s0 =	simm.s32 $0x380;
	s21 =	sadd.s32 $0x130, s16  }
0x1dd: {  	[hbm4b:s21+s2] =	stream.linear.scatter [tilespmem:s0], [sflag:$0x3], $0x80, $0x38;
	[tilespmem:$0x10000] =	vst v63  }
0x1de: {  	s22 =	sadd.s32 $0x1B0, s16;
	s1 =	simm.s32 $0x780  }
0x1df: {  	[hbm4b:s22+s2] =	stream.linear.scatter [tilespmem:s1], [sflag:$0x3], $0x80, $0x38;
	[tilespmem:$0x10000] =	vst v63  }
0x1e0: {  	s23 =	sadd.s32 $0x330, s16;
	s3 =	simm.s32 $0x1380  }
0x1e1: {  	[hbm4b:s23+s2] =	stream.linear.scatter [tilespmem:s3], [sflag:$0x3], $0x80, $0x38;
	[tilespmem:$0x10000] =	vst v63  }
0x1e2: {  	s24 =	sadd.s32 $0x3B0, s16;
	s4 =	simm.s32 $0x1780  }
0x1e3: {  	[hbm4b:s24+s2] =	stream.linear.scatter [tilespmem:s4], [sflag:$0x3], $0x80, $0x38;
	[tilespmem:$0x10000] =	vst v63  }
0x1e4: {  	s25 =	sadd.s32 $0x530, s16;
	s5 =	simm.s32 $0x2380  }
0x1e5: {  	[hbm4b:s25+s2] =	stream.linear.scatter [tilespmem:s5], [sflag:$0x3], $0x80, $0x38;
	[tilespmem:$0x10000] =	vst v63  }
0x1e6: {  	s26 =	sadd.s32 $0x5B0, s16;
	s6 =	simm.s32 $0x2780  }
0x1e7: {  	[hbm4b:s26+s2] =	stream.linear.scatter [tilespmem:s6], [sflag:$0x3], $0x80, $0x38;
	[tilespmem:$0x10000] =	vst v63  }
0x1e8: {  	s28 =	sadd.s32 $0x730, s16;
	s7 =	simm.s32 $0x3380  }
0x1e9: {  	[hbm4b:s28+s2] =	stream.linear.scatter [tilespmem:s7], [sflag:$0x3], $0x80, $0x38;
	[tilespmem:$0x10000] =	vst v63  }
0x1ea: {  	s29 =	sadd.s32 $0x7B0, s16;
	s8 =	simm.s32 $0x3780  }
0x1eb: {  	[hbm4b:s29+s2] =	stream.linear.scatter [tilespmem:s8], [sflag:$0x3], $0x80, $0x38;
	[tilespmem:$0x10000] =	vst v63  }
0x1ec: {  	s30 =	sadd.s32 $0x930, s16;
	s9 =	simm.s32 $0x4380  }
0x1ed: {  	[hbm4b:s30+s2] =	stream.linear.scatter [tilespmem:s9], [sflag:$0x3], $0x80, $0x38;
	[tilespmem:$0x10000] =	vst v63  }
0x1ee: {  	s31 =	sadd.s32 $0x9B0, s16;
	s10 =	simm.s32 $0x4780  }
0x1ef: {  	[hbm4b:s31+s2] =	stream.linear.scatter [tilespmem:s10], [sflag:$0x3], $0x80, $0x38;
	[tilespmem:$0x10000] =	vst v63  }
0x1f0: {  	s11 =	sadd.s32 $0xB30, s16;
	s12 =	simm.s32 $0x5380  }
0x1f1: {  	[hbm4b:s11+s2] =	stream.linear.scatter [tilespmem:s12], [sflag:$0x3], $0x80, $0x38;
	[tilespmem:$0x10000] =	vst v63  }
0x1f2: {  	s13 =	sadd.s32 $0xBB0, s16;
	s14 =	simm.s32 $0x5780  }
0x1f3: {  	[hbm4b:s13+s2] =	stream.linear.scatter [tilespmem:s14], [sflag:$0x3], $0x80, $0x38;
	[tilespmem:$0x10000] =	vst v63  }
0x1f4: {  	s15 =	sadd.s32 $0xD30, s16;
	s18 =	simm.s32 $0x6380  }
0x1f5: {  	[hbm4b:s15+s2] =	stream.linear.scatter [tilespmem:s18], [sflag:$0x3], $0x80, $0x38;
	[tilespmem:$0x10000] =	vst v63  }
0x1f6: {  	s19 =	sadd.s32 $0xDB0, s16;
	s21 =	simm.s32 $0x6780  }
0x1f7: {  	[hbm4b:s19+s2] =	stream.linear.scatter [tilespmem:s21], [sflag:$0x3], $0x80, $0x38;
	[tilespmem:$0x10000] =	vst v63  }
0x1f8: {  	s22 =	sadd.s32 $0xF30, s16;
	s23 =	simm.s32 $0x7380  }
0x1f9: {  	[hbm4b:s22+s2] =	stream.linear.scatter [tilespmem:s23], [sflag:$0x3], $0x80, $0x38;
	[tilespmem:$0x10000] =	vst v63  }
0x1fa: {  	s24 =	sadd.s32 $0xFB0, s16;
	s25 =	simm.s32 $0x7780  }
0x1fb: {  	[hbm4b:s24+s2] =	stream.linear.scatter [tilespmem:s25], [sflag:$0x3], $0x80, $0x38;
	[tilespmem:$0x10000] =	vst v63  }
0x1fc: {  	s26 =	sadd.s32 $0x140, s16  }
0x1fd: {  	[hbm4b:s26+s2] =	stream.linear.scatter [tilespmem:s0], [sflag:$0x3], $0x80, $0x38;
	[tilespmem:$0x10000] =	vst v63  }
0x1fe: {  	s28 =	sadd.s32 $0x1C0, s16  }
0x1ff: {  	[hbm4b:s28+s2] =	stream.linear.scatter [tilespmem:s1], [sflag:$0x3], $0x80, $0x38;
	[tilespmem:$0x10000] =	vst v63  }
0x200: {  	s29 =	sadd.s32 $0x340, s16  }
0x201: {  	[hbm4b:s29+s2] =	stream.linear.scatter [tilespmem:s3], [sflag:$0x3], $0x80, $0x38;
	[tilespmem:$0x10000] =	vst v63  }
0x202: {  	s30 =	sadd.s32 $0x3C0, s16  }
0x203: {  	[hbm4b:s30+s2] =	stream.linear.scatter [tilespmem:s4], [sflag:$0x3], $0x80, $0x38;
	[tilespmem:$0x10000] =	vst v63  }
0x204: {  	s31 =	sadd.s32 $0x540, s16  }
0x205: {  	[hbm4b:s31+s2] =	stream.linear.scatter [tilespmem:s5], [sflag:$0x3], $0x80, $0x38;
	[tilespmem:$0x10000] =	vst v63  }
0x206: {  	s0 =	sadd.s32 $0x5C0, s16  }
0x207: {  	[hbm4b:s0+s2] =	stream.linear.scatter [tilespmem:s6], [sflag:$0x3], $0x80, $0x38;
	[tilespmem:$0x10000] =	vst v63  }
0x208: {  	s1 =	sadd.s32 $0x740, s16  }
0x209: {  	[hbm4b:s1+s2] =	stream.linear.scatter [tilespmem:s7], [sflag:$0x3], $0x80, $0x38;
	[tilespmem:$0x10000] =	vst v63  }
0x20a: {  	s3 =	sadd.s32 $0x7C0, s16  }
0x20b: {  	[hbm4b:s3+s2] =	stream.linear.scatter [tilespmem:s8], [sflag:$0x3], $0x80, $0x38;
	[tilespmem:$0x10000] =	vst v63  }
0x20c: {  	s4 =	sadd.s32 $0x940, s16  }
0x20d: {  	[hbm4b:s4+s2] =	stream.linear.scatter [tilespmem:s9], [sflag:$0x3], $0x80, $0x38;
	[tilespmem:$0x10000] =	vst v63  }
0x20e: {  	s5 =	sadd.s32 $0x9C0, s16  }
0x20f: {  	[hbm4b:s5+s2] =	stream.linear.scatter [tilespmem:s10], [sflag:$0x3], $0x80, $0x38;
	[tilespmem:$0x10000] =	vst v63  }
0x210: {  	s6 =	sadd.s32 $0xB40, s16  }
0x211: {  	[hbm4b:s6+s2] =	stream.linear.scatter [tilespmem:s12], [sflag:$0x3], $0x80, $0x38;
	[tilespmem:$0x10000] =	vst v63  }
0x212: {  	s7 =	sadd.s32 $0xBC0, s16  }
0x213: {  	[hbm4b:s7+s2] =	stream.linear.scatter [tilespmem:s14], [sflag:$0x3], $0x80, $0x38;
	[tilespmem:$0x10000] =	vst v63  }
0x214: {  	s8 =	sadd.s32 $0xD40, s16  }
0x215: {  	[hbm4b:s8+s2] =	stream.linear.scatter [tilespmem:s18], [sflag:$0x3], $0x80, $0x38;
	[tilespmem:$0x10000] =	vst v63  }
0x216: {  	s9 =	sadd.s32 $0xDC0, s16  }
0x217: {  	[hbm4b:s9+s2] =	stream.linear.scatter [tilespmem:s21], [sflag:$0x3], $0x80, $0x38;
	[tilespmem:$0x10000] =	vst v63  }
0x218: {  	s10 =	sadd.s32 $0xF40, s16  }
0x219: {  	[hbm4b:s10+s2] =	stream.linear.scatter [tilespmem:s23], [sflag:$0x3], $0x80, $0x38;
	[tilespmem:$0x10000] =	vst v63  }
0x21a: {  	s11 =	sadd.s32 $0xFC0, s16  }
0x21b: {  	[hbm4b:s11+s2] =	stream.linear.scatter [tilespmem:s25], [sflag:$0x3], $0x80, $0x38;
	[tilespmem:$0x10000] =	vst v63  }
0x21c: {  	s13 =	simm.s32 $0x800;
	s12 =	sadd.s32 $0x150, s16  }
0x21d: {  	[hbm4b:s12+s2] =	stream.linear.scatter [tilespmem:s13], [sflag:$0x3], $0x80, $0x38;
	[tilespmem:$0x10000] =	vst v63  }
0x21e: {  	s15 =	simm.s32 $0xC00;
	s14 =	sadd.s32 $0x1D0, s16  }
0x21f: {  	[hbm4b:s14+s2] =	stream.linear.scatter [tilespmem:s15], [sflag:$0x3], $0x80, $0x38;
	[tilespmem:$0x10000] =	vst v63  }
0x220: {  	s19 =	simm.s32 $0x1800;
	s18 =	sadd.s32 $0x350, s16  }
0x221: {  	[hbm4b:s18+s2] =	stream.linear.scatter [tilespmem:s19], [sflag:$0x3], $0x80, $0x38;
	[tilespmem:$0x10000] =	vst v63  }
0x222: {  	s22 =	simm.s32 $0x1C00;
	s21 =	sadd.s32 $0x3D0, s16  }
0x223: {  	[hbm4b:s21+s2] =	stream.linear.scatter [tilespmem:s22], [sflag:$0x3], $0x80, $0x38;
	[tilespmem:$0x10000] =	vst v63  }
0x224: {  	s24 =	simm.s32 $0x2800;
	s23 =	sadd.s32 $0x550, s16  }
0x225: {  	[hbm4b:s23+s2] =	stream.linear.scatter [tilespmem:s24], [sflag:$0x3], $0x80, $0x38;
	[tilespmem:$0x10000] =	vst v63  }
0x226: {  	s26 =	simm.s32 $0x2C00;
	s25 =	sadd.s32 $0x5D0, s16  }
0x227: {  	[hbm4b:s25+s2] =	stream.linear.scatter [tilespmem:s26], [sflag:$0x3], $0x80, $0x38;
	[tilespmem:$0x10000] =	vst v63  }
0x228: {  	s28 =	sadd.s32 $0x750, s16;
	s29 =	simm.s32 $0x3800  }
0x229: {  	[hbm4b:s28+s2] =	stream.linear.scatter [tilespmem:s29], [sflag:$0x3], $0x80, $0x38;
	[tilespmem:$0x10000] =	vst v63  }
0x22a: {  	s30 =	sadd.s32 $0x7D0, s16;
	s31 =	simm.s32 $0x3C00  }
0x22b: {  	[hbm4b:s30+s2] =	stream.linear.scatter [tilespmem:s31], [sflag:$0x3], $0x80, $0x38;
	[tilespmem:$0x10000] =	vst v63  }
0x22c: {  	s0 =	sadd.s32 $0x950, s16;
	s1 =	simm.s32 $0x4800  }
0x22d: {  	[hbm4b:s0+s2] =	stream.linear.scatter [tilespmem:s1], [sflag:$0x3], $0x80, $0x38;
	[tilespmem:$0x10000] =	vst v63  }
0x22e: {  	s3 =	sadd.s32 $0x9D0, s16;
	s4 =	simm.s32 $0x4C00  }
0x22f: {  	[hbm4b:s3+s2] =	stream.linear.scatter [tilespmem:s4], [sflag:$0x3], $0x80, $0x38;
	[tilespmem:$0x10000] =	vst v63  }
0x230: {  	s5 =	sadd.s32 $0xB50, s16;
	s6 =	simm.s32 $0x5800  }
0x231: {  	[hbm4b:s5+s2] =	stream.linear.scatter [tilespmem:s6], [sflag:$0x3], $0x80, $0x38;
	[tilespmem:$0x10000] =	vst v63  }
0x232: {  	s7 =	sadd.s32 $0xBD0, s16;
	s8 =	simm.s32 $0x5C00  }
0x233: {  	[hbm4b:s7+s2] =	stream.linear.scatter [tilespmem:s8], [sflag:$0x3], $0x80, $0x38;
	[tilespmem:$0x10000] =	vst v63  }
0x234: {  	s9 =	sadd.s32 $0xD50, s16;
	s10 =	simm.s32 $0x6800  }
0x235: {  	[hbm4b:s9+s2] =	stream.linear.scatter [tilespmem:s10], [sflag:$0x3], $0x80, $0x38;
	[tilespmem:$0x10000] =	vst v63  }
0x236: {  	s11 =	sadd.s32 $0xDD0, s16;
	s12 =	simm.s32 $0x6C00  }
0x237: {  	[hbm4b:s11+s2] =	stream.linear.scatter [tilespmem:s12], [sflag:$0x3], $0x80, $0x38;
	[tilespmem:$0x10000] =	vst v63  }
0x238: {  	s13 =	sadd.s32 $0xF50, s16;
	s14 =	simm.s32 $0x7800  }
0x239: {  	[hbm4b:s13+s2] =	stream.linear.scatter [tilespmem:s14], [sflag:$0x3], $0x80, $0x38;
	[tilespmem:$0x10000] =	vst v63  }
0x23a: {  	s15 =	sadd.s32 $0xFD0, s16;
	s18 =	simm.s32 $0x7C00  }
0x23b: {  	[hbm4b:s15+s2] =	stream.linear.scatter [tilespmem:s18], [sflag:$0x3], $0x80, $0x38;
	[tilespmem:$0x10000] =	vst v63  }
0x23c: {  	s19 =	sadd.s32 $0x160, s16;
	s0 =	simm.s32 $0x880  }
0x23d: {  	[hbm4b:s19+s2] =	stream.linear.scatter [tilespmem:s0], [sflag:$0x3], $0x80, $0x38;
	[tilespmem:$0x10000] =	vst v63  }
0x23e: {  	s21 =	sadd.s32 $0x1E0, s16;
	s1 =	simm.s32 $0xC80  }
0x23f: {  	[hbm4b:s21+s2] =	stream.linear.scatter [tilespmem:s1], [sflag:$0x3], $0x80, $0x38;
	[tilespmem:$0x10000] =	vst v63  }
0x240: {  	s22 =	sadd.s32 $0x360, s16;
	s3 =	simm.s32 $0x1880  }
0x241: {  	[hbm4b:s22+s2] =	stream.linear.scatter [tilespmem:s3], [sflag:$0x3], $0x80, $0x38;
	[tilespmem:$0x10000] =	vst v63  }
0x242: {  	s23 =	sadd.s32 $0x3E0, s16;
	s4 =	simm.s32 $0x1C80  }
0x243: {  	[hbm4b:s23+s2] =	stream.linear.scatter [tilespmem:s4], [sflag:$0x3], $0x80, $0x38;
	[tilespmem:$0x10000] =	vst v63  }
0x244: {  	s24 =	sadd.s32 $0x560, s16;
	s5 =	simm.s32 $0x2880  }
0x245: {  	[hbm4b:s24+s2] =	stream.linear.scatter [tilespmem:s5], [sflag:$0x3], $0x80, $0x38;
	[tilespmem:$0x10000] =	vst v63  }
0x246: {  	s25 =	sadd.s32 $0x5E0, s16;
	s6 =	simm.s32 $0x2C80  }
0x247: {  	[hbm4b:s25+s2] =	stream.linear.scatter [tilespmem:s6], [sflag:$0x3], $0x80, $0x38;
	[tilespmem:$0x10000] =	vst v63  }
0x248: {  	s26 =	sadd.s32 $0x760, s16;
	s7 =	simm.s32 $0x3880  }
0x249: {  	[hbm4b:s26+s2] =	stream.linear.scatter [tilespmem:s7], [sflag:$0x3], $0x80, $0x38;
	[tilespmem:$0x10000] =	vst v63  }
0x24a: {  	s28 =	sadd.s32 $0x7E0, s16;
	s8 =	simm.s32 $0x3C80  }
0x24b: {  	[hbm4b:s28+s2] =	stream.linear.scatter [tilespmem:s8], [sflag:$0x3], $0x80, $0x38;
	[tilespmem:$0x10000] =	vst v63  }
0x24c: {  	s29 =	sadd.s32 $0x960, s16;
	s9 =	simm.s32 $0x4880  }
0x24d: {  	[hbm4b:s29+s2] =	stream.linear.scatter [tilespmem:s9], [sflag:$0x3], $0x80, $0x38;
	[tilespmem:$0x10000] =	vst v63  }
0x24e: {  	s30 =	sadd.s32 $0x9E0, s16;
	s10 =	simm.s32 $0x4C80  }
0x24f: {  	[hbm4b:s30+s2] =	stream.linear.scatter [tilespmem:s10], [sflag:$0x3], $0x80, $0x38;
	[tilespmem:$0x10000] =	vst v63  }
0x250: {  	s31 =	sadd.s32 $0xB60, s16;
	s11 =	simm.s32 $0x5880  }
0x251: {  	[hbm4b:s31+s2] =	stream.linear.scatter [tilespmem:s11], [sflag:$0x3], $0x80, $0x38;
	[tilespmem:$0x10000] =	vst v63  }
0x252: {  	s12 =	sadd.s32 $0xBE0, s16;
	s13 =	simm.s32 $0x5C80  }
0x253: {  	[hbm4b:s12+s2] =	stream.linear.scatter [tilespmem:s13], [sflag:$0x3], $0x80, $0x38;
	[tilespmem:$0x10000] =	vst v63  }
0x254: {  	s14 =	sadd.s32 $0xD60, s16;
	s15 =	simm.s32 $0x6880  }
0x255: {  	[hbm4b:s14+s2] =	stream.linear.scatter [tilespmem:s15], [sflag:$0x3], $0x80, $0x38;
	[tilespmem:$0x10000] =	vst v63  }
0x256: {  	s18 =	sadd.s32 $0xDE0, s16;
	s19 =	simm.s32 $0x6C80  }
0x257: {  	[hbm4b:s18+s2] =	stream.linear.scatter [tilespmem:s19], [sflag:$0x3], $0x80, $0x38;
	[tilespmem:$0x10000] =	vst v63  }
0x258: {  	s21 =	sadd.s32 $0xF60, s16;
	s22 =	simm.s32 $0x7880  }
0x259: {  	[hbm4b:s21+s2] =	stream.linear.scatter [tilespmem:s22], [sflag:$0x3], $0x80, $0x38;
	[tilespmem:$0x10000] =	vst v63  }
0x25a: {  	s23 =	sadd.s32 $0xFE0, s16;
	s24 =	simm.s32 $0x7C80  }
0x25b: {  	[hbm4b:s23+s2] =	stream.linear.scatter [tilespmem:s24], [sflag:$0x3], $0x80, $0x38;
	[tilespmem:$0x10000] =	vst v63  }
0x25c: {  	s25 =	sadd.s32 $0x170, s16  }
0x25d: {  	[hbm4b:s25+s2] =	stream.linear.scatter [tilespmem:s0], [sflag:$0x3], $0x80, $0x38;
	[tilespmem:$0x10000] =	vst v63  }
0x25e: {  	s26 =	sadd.s32 $0x1F0, s16  }
0x25f: {  	[hbm4b:s26+s2] =	stream.linear.scatter [tilespmem:s1], [sflag:$0x3], $0x80, $0x38;
	[tilespmem:$0x10000] =	vst v63  }
0x260: {  	s28 =	sadd.s32 $0x370, s16  }
0x261: {  	[hbm4b:s28+s2] =	stream.linear.scatter [tilespmem:s3], [sflag:$0x3], $0x80, $0x38;
	[tilespmem:$0x10000] =	vst v63  }
0x262: {  	s29 =	sadd.s32 $0x3F0, s16  }
0x263: {  	[hbm4b:s29+s2] =	stream.linear.scatter [tilespmem:s4], [sflag:$0x3], $0x80, $0x38;
	[tilespmem:$0x10000] =	vst v63  }
0x264: {  	s30 =	sadd.s32 $0x570, s16  }
0x265: {  	[hbm4b:s30+s2] =	stream.linear.scatter [tilespmem:s5], [sflag:$0x3], $0x80, $0x38;
	[tilespmem:$0x10000] =	vst v63  }
0x266: {  	s31 =	sadd.s32 $0x5F0, s16  }
0x267: {  	[hbm4b:s31+s2] =	stream.linear.scatter [tilespmem:s6], [sflag:$0x3], $0x80, $0x38;
	[tilespmem:$0x10000] =	vst v63  }
0x268: {  	s0 =	sadd.s32 $0x770, s16  }
0x269: {  	[hbm4b:s0+s2] =	stream.linear.scatter [tilespmem:s7], [sflag:$0x3], $0x80, $0x38;
	[tilespmem:$0x10000] =	vst v63  }
0x26a: {  	s1 =	sadd.s32 $0x7F0, s16  }
0x26b: {  	[hbm4b:s1+s2] =	stream.linear.scatter [tilespmem:s8], [sflag:$0x3], $0x80, $0x38;
	[tilespmem:$0x10000] =	vst v63  }
0x26c: {  	s3 =	sadd.s32 $0x970, s16  }
0x26d: {  	[hbm4b:s3+s2] =	stream.linear.scatter [tilespmem:s9], [sflag:$0x3], $0x80, $0x38;
	[tilespmem:$0x10000] =	vst v63  }
0x26e: {  	s4 =	sadd.s32 $0x9F0, s16  }
0x26f: {  	[hbm4b:s4+s2] =	stream.linear.scatter [tilespmem:s10], [sflag:$0x3], $0x80, $0x38;
	[tilespmem:$0x10000] =	vst v63  }
0x270: {  	s5 =	sadd.s32 $0xB70, s16  }
0x271: {  	[hbm4b:s5+s2] =	stream.linear.scatter [tilespmem:s11], [sflag:$0x3], $0x80, $0x38;
	[tilespmem:$0x10000] =	vst v63  }
0x272: {  	s6 =	sadd.s32 $0xBF0, s16  }
0x273: {  	[hbm4b:s6+s2] =	stream.linear.scatter [tilespmem:s13], [sflag:$0x3], $0x80, $0x38;
	[tilespmem:$0x10000] =	vst v63  }
0x274: {  	s7 =	sadd.s32 $0xD70, s16  }
0x275: {  	[hbm4b:s7+s2] =	stream.linear.scatter [tilespmem:s15], [sflag:$0x3], $0x80, $0x38;
	[tilespmem:$0x10000] =	vst v63  }
0x276: {  	s0 =	rddreg [dreg:$0x8];
	s8 =	sadd.s32 $0xDF0, s16  }
0x277: {  	[hbm4b:s8+s2] =	stream.linear.scatter [tilespmem:s19], [sflag:$0x3], $0x80, $0x38;
	[tilespmem:$0x10000] =	vst v63  }
0x278: {  	p0 =	seq.s32 s0, $0x3E000;
	s9 =	sadd.s32 $0xF70, s16  }
0x279: {  	[hbm4b:s9+s2] =	stream.linear.scatter [tilespmem:s22], [sflag:$0x3], $0x80, $0x38;
	[tilespmem:$0x10000] =	vst v63  }
0x27a: {  	s17 =	simm.s32 @!p0 $0x3;
	s10 =	sadd.s32 $0xFF0, s16  }
0x27b: {  	[hbm4b:s10+s2] =	stream.linear.scatter [tilespmem:s24], [sflag:$0x3], $0x80, $0x38;
	[tilespmem:$0x10000] =	vst v63  }
0x27c: {  	_ =	swait.ge @!p0 [sflag:s17], $0x800  }
0x27d: {  	[sflag:s17] =	ssyncset.done @!p0 $0x0  }
0x27e: {  	[sflag:s17] =	ssyncadd.s32 @!p0 $0xFFFFF800  }
0x27f: {  	_ =	swait.ge @!p0 [sflag:s17], $0x800  }
0x280: {  	[sflag:s17] =	ssyncset.done @!p0 $0x0  }
0x281: {  	[sflag:s17] =	ssyncadd.s32 @!p0 $0xFFFFF800  }
0x282: {  	_ =	swait.ge @!p0 [sflag:s17], $0x800  }
0x283: {  	[sflag:s17] =	ssyncset.done @!p0 $0x0  }
0x284: {  	[sflag:s17] =	ssyncadd.s32 @!p0 $0xFFFFF800  }
0x285: {  	_ =	swait.ge @!p0 [sflag:s17], $0x800  }
0x286: {  	[sflag:s17] =	ssyncset.done @!p0 $0x0  }
0x287: {  	[sflag:s17] =	ssyncadd.s32 @!p0 $0xFFFFF800  }
0x288: {  	_ =	swait.ge @!p0 [sflag:s17], $0x800  }
0x289: {  	[sflag:s17] =	ssyncset.done @!p0 $0x0  }
0x28a: {  	[sflag:s17] =	ssyncadd.s32 @!p0 $0xFFFFF800  }
0x28b: {  	_ =	swait.ge @!p0 [sflag:s17], $0x800  }
0x28c: {  	[sflag:s17] =	ssyncset.done @!p0 $0x0  }
0x28d: {  	[sflag:s17] =	ssyncadd.s32 @!p0 $0xFFFFF800  }
0x28e: {  	_ =	swait.ge @!p0 [sflag:s17], $0x800  }
0x28f: {  	[sflag:s17] =	ssyncset.done @!p0 $0x0  }
0x290: {  	[sflag:s17] =	ssyncadd.s32 @!p0 $0xFFFFF800  }
0x291: {  	_ =	swait.ge @!p0 [sflag:s17], $0x800  }
0x292: {  	[sflag:s17] =	ssyncset.done @!p0 $0x0  }
0x293: {  	[sflag:s17] =	ssyncadd.s32 @!p0 $0xFFFFF800  }
0x294: {  	_ =	swait.ge @!p0 [sflag:s17], $0x800  }
0x295: {  	[sflag:s17] =	ssyncset.done @!p0 $0x0  }
0x296: {  	[sflag:s17] =	ssyncadd.s32 @!p0 $0xFFFFF800  }
0x297: {  	_ =	swait.ge @!p0 [sflag:s17], $0x800  }
0x298: {  	[sflag:s17] =	ssyncset.done @!p0 $0x0  }
0x299: {  	[sflag:s17] =	ssyncadd.s32 @!p0 $0xFFFFF800  }
0x29a: {  	_ =	swait.ge @!p0 [sflag:s17], $0x800  }
0x29b: {  	[sflag:s17] =	ssyncset.done @!p0 $0x0  }
0x29c: {  	[sflag:s17] =	ssyncadd.s32 @!p0 $0xFFFFF800  }
0x29d: {  	_ =	swait.ge @!p0 [sflag:s17], $0x800  }
0x29e: {  	[sflag:s17] =	ssyncset.done @!p0 $0x0  }
0x29f: {  	[sflag:s17] =	ssyncadd.s32 @!p0 $0xFFFFF800  }
0x2a0: {  	_ =	swait.ge @!p0 [sflag:s17], $0x800  }
0x2a1: {  	[sflag:s17] =	ssyncset.done @!p0 $0x0  }
0x2a2: {  	[sflag:s17] =	ssyncadd.s32 @!p0 $0xFFFFF800  }
0x2a3: {  	_ =	swait.ge @!p0 [sflag:s17], $0x800  }
0x2a4: {  	[sflag:s17] =	ssyncset.done @!p0 $0x0  }
0x2a5: {  	[sflag:s17] =	ssyncadd.s32 @!p0 $0xFFFFF800  }
0x2a6: {  	_ =	swait.ge @!p0 [sflag:s17], $0x800  }
0x2a7: {  	[sflag:s17] =	ssyncset.done @!p0 $0x0  }
0x2a8: {  	[sflag:s17] =	ssyncadd.s32 @!p0 $0xFFFFF800  }
0x2a9: {  	_ =	swait.ge @!p0 [sflag:s17], $0x800  }
0x2aa: {  	s1 =	rddreg [dreg:$0x9]  }
0x2ab: {  	s11 =	simm.s32 $0x2;
	[sflag:s17] =	ssyncset.done @!p0 $0x0;
	s18 =	sadd.s32 @!p0 s0, s1  }
0x2ac: {  	[sflag:s17] =	ssyncadd.s32 @!p0 $0xFFFFF800;
	s17 =	sadd.s32 @!p0 $0x2000, s18;
	s18 =	simm.s32 @!p0 $0x0  }
0x2ad: {  	[tilespmem:s18], [sflag:$0x1] =	stream.linear.gather @!p0 [hbm4b:s17+s18], $0x8000, $0x38;
	[tilespmem:$0x10000] =	vst v63  }
0x2ae: {  	_ =	swait.ge [sflag:s11], $0x8000  }
0x2af: {  	[sflag:s11] =	ssyncset.done $0x0  }
0x2b0: {  	s12 =	sadd.s32 $0x1000, s16;
	s13 =	simm.s32 $0x8200;
	[sflag:s11] =	ssyncadd.s32 $0xFFFF8000  }
0x2b1: {  	[hbm4b:s12+s2] =	stream.linear.scatter [tilespmem:s13], [sflag:$0x4], $0x80, $0x38;
	[tilespmem:$0x10000] =	vst v63  }
0x2b2: {  	s14 =	sadd.s32 $0x1080, s16;
	s15 =	simm.s32 $0x8600  }
0x2b3: {  	[hbm4b:s14+s2] =	stream.linear.scatter [tilespmem:s15], [sflag:$0x4], $0x80, $0x38;
	[tilespmem:$0x10000] =	vst v63  }
0x2b4: {  	s19 =	simm.s32 $0x9200;
	s18 =	sadd.s32 $0x1200, s16  }
0x2b5: {  	[hbm4b:s18+s2] =	stream.linear.scatter [tilespmem:s19], [sflag:$0x4], $0x80, $0x38;
	[tilespmem:$0x10000] =	vst v63  }
0x2b6: {  	s21 =	sadd.s32 $0x1280, s16;
	s22 =	simm.s32 $0x9600  }
0x2b7: {  	[hbm4b:s21+s2] =	stream.linear.scatter [tilespmem:s22], [sflag:$0x4], $0x80, $0x38;
	[tilespmem:$0x10000] =	vst v63  }
0x2b8: {  	s23 =	sadd.s32 $0x1400, s16;
	s24 =	simm.s32 $0xA200  }
0x2b9: {  	[hbm4b:s23+s2] =	stream.linear.scatter [tilespmem:s24], [sflag:$0x4], $0x80, $0x38;
	[tilespmem:$0x10000] =	vst v63  }
0x2ba: {  	s25 =	sadd.s32 $0x1480, s16;
	s6 =	simm.s32 $0xA600  }
0x2bb: {  	[hbm4b:s25+s2] =	stream.linear.scatter [tilespmem:s6], [sflag:$0x4], $0x80, $0x38;
	[tilespmem:$0x10000] =	vst v63  }
0x2bc: {  	s26 =	sadd.s32 $0x1600, s16;
	s7 =	simm.s32 $0xB200  }
0x2bd: {  	[hbm4b:s26+s2] =	stream.linear.scatter [tilespmem:s7], [sflag:$0x4], $0x80, $0x38;
	[tilespmem:$0x10000] =	vst v63  }
0x2be: {  	s28 =	sadd.s32 $0x1680, s16;
	s8 =	simm.s32 $0xB600  }
0x2bf: {  	[hbm4b:s28+s2] =	stream.linear.scatter [tilespmem:s8], [sflag:$0x4], $0x80, $0x38;
	[tilespmem:$0x10000] =	vst v63  }
0x2c0: {  	s29 =	sadd.s32 $0x1800, s16;
	s9 =	simm.s32 $0xC200  }
0x2c1: {  	[hbm4b:s29+s2] =	stream.linear.scatter [tilespmem:s9], [sflag:$0x4], $0x80, $0x38;
	[tilespmem:$0x10000] =	vst v63  }
0x2c2: {  	s30 =	sadd.s32 $0x1880, s16;
	s10 =	simm.s32 $0xC600  }
0x2c3: {  	[hbm4b:s30+s2] =	stream.linear.scatter [tilespmem:s10], [sflag:$0x4], $0x80, $0x38;
	[tilespmem:$0x10000] =	vst v63  }
0x2c4: {  	s31 =	sadd.s32 $0x1A00, s16;
	s11 =	simm.s32 $0xD200  }
0x2c5: {  	[hbm4b:s31+s2] =	stream.linear.scatter [tilespmem:s11], [sflag:$0x4], $0x80, $0x38;
	[tilespmem:$0x10000] =	vst v63  }
0x2c6: {  	s0 =	sadd.s32 $0x1A80, s16;
	s12 =	simm.s32 $0xD600  }
0x2c7: {  	[hbm4b:s0+s2] =	stream.linear.scatter [tilespmem:s12], [sflag:$0x4], $0x80, $0x38;
	[tilespmem:$0x10000] =	vst v63  }
0x2c8: {  	s1 =	sadd.s32 $0x1C00, s16;
	s13 =	simm.s32 $0xE200  }
0x2c9: {  	[hbm4b:s1+s2] =	stream.linear.scatter [tilespmem:s13], [sflag:$0x4], $0x80, $0x38;
	[tilespmem:$0x10000] =	vst v63  }
0x2ca: {  	s3 =	sadd.s32 $0x1C80, s16;
	s14 =	simm.s32 $0xE600  }
0x2cb: {  	[hbm4b:s3+s2] =	stream.linear.scatter [tilespmem:s14], [sflag:$0x4], $0x80, $0x38;
	[tilespmem:$0x10000] =	vst v63  }
0x2cc: {  	s4 =	sadd.s32 $0x1E00, s16;
	s15 =	simm.s32 $0xF200  }
0x2cd: {  	[hbm4b:s4+s2] =	stream.linear.scatter [tilespmem:s15], [sflag:$0x4], $0x80, $0x38;
	[tilespmem:$0x10000] =	vst v63  }
0x2ce: {  	s5 =	sadd.s32 $0x1E80, s16;
	s18 =	simm.s32 $0xF600  }
0x2cf: {  	[hbm4b:s5+s2] =	stream.linear.scatter [tilespmem:s18], [sflag:$0x4], $0x80, $0x38;
	[tilespmem:$0x10000] =	vst v63  }
0x2d0: {  	s19 =	sadd.s32 $0x1010, s16;
	s21 =	simm.s32 $0x8100  }
0x2d1: {  	[hbm4b:s19+s2] =	stream.linear.scatter [tilespmem:s21], [sflag:$0x4], $0x80, $0x38;
	[tilespmem:$0x10000] =	vst v63  }
0x2d2: {  	s22 =	sadd.s32 $0x1090, s16;
	s23 =	simm.s32 $0x8500  }
0x2d3: {  	[hbm4b:s22+s2] =	stream.linear.scatter [tilespmem:s23], [sflag:$0x4], $0x80, $0x38;
	[tilespmem:$0x10000] =	vst v63  }
0x2d4: {  	s24 =	sadd.s32 $0x1210, s16;
	s25 =	simm.s32 $0x9100  }
0x2d5: {  	[hbm4b:s24+s2] =	stream.linear.scatter [tilespmem:s25], [sflag:$0x4], $0x80, $0x38;
	[tilespmem:$0x10000] =	vst v63  }
0x2d6: {  	s26 =	sadd.s32 $0x1290, s16;
	s28 =	simm.s32 $0x9500  }
0x2d7: {  	[hbm4b:s26+s2] =	stream.linear.scatter [tilespmem:s28], [sflag:$0x4], $0x80, $0x38;
	[tilespmem:$0x10000] =	vst v63  }
0x2d8: {  	s29 =	sadd.s32 $0x1410, s16;
	s30 =	simm.s32 $0xA100  }
0x2d9: {  	[hbm4b:s29+s2] =	stream.linear.scatter [tilespmem:s30], [sflag:$0x4], $0x80, $0x38;
	[tilespmem:$0x10000] =	vst v63  }
0x2da: {  	s31 =	sadd.s32 $0x1490, s16;
	s0 =	simm.s32 $0xA500  }
0x2db: {  	[hbm4b:s31+s2] =	stream.linear.scatter [tilespmem:s0], [sflag:$0x4], $0x80, $0x38;
	[tilespmem:$0x10000] =	vst v63  }
0x2dc: {  	s1 =	sadd.s32 $0x1610, s16;
	s3 =	simm.s32 $0xB100  }
0x2dd: {  	[hbm4b:s1+s2] =	stream.linear.scatter [tilespmem:s3], [sflag:$0x4], $0x80, $0x38;
	[tilespmem:$0x10000] =	vst v63  }
0x2de: {  	s4 =	sadd.s32 $0x1690, s16;
	s5 =	simm.s32 $0xB500  }
0x2df: {  	[hbm4b:s4+s2] =	stream.linear.scatter [tilespmem:s5], [sflag:$0x4], $0x80, $0x38;
	[tilespmem:$0x10000] =	vst v63  }
0x2e0: {  	s19 =	sadd.s32 $0x1810, s16;
	s21 =	simm.s32 $0xC100  }
0x2e1: {  	[hbm4b:s19+s2] =	stream.linear.scatter [tilespmem:s21], [sflag:$0x4], $0x80, $0x38;
	[tilespmem:$0x10000] =	vst v63  }
0x2e2: {  	s22 =	sadd.s32 $0x1890, s16;
	s23 =	simm.s32 $0xC500  }
0x2e3: {  	[hbm4b:s22+s2] =	stream.linear.scatter [tilespmem:s23], [sflag:$0x4], $0x80, $0x38;
	[tilespmem:$0x10000] =	vst v63  }
0x2e4: {  	s24 =	sadd.s32 $0x1A10, s16;
	s25 =	simm.s32 $0xD100  }
0x2e5: {  	[hbm4b:s24+s2] =	stream.linear.scatter [tilespmem:s25], [sflag:$0x4], $0x80, $0x38;
	[tilespmem:$0x10000] =	vst v63  }
0x2e6: {  	s26 =	sadd.s32 $0x1A90, s16;
	s28 =	simm.s32 $0xD500  }
0x2e7: {  	[hbm4b:s26+s2] =	stream.linear.scatter [tilespmem:s28], [sflag:$0x4], $0x80, $0x38;
	[tilespmem:$0x10000] =	vst v63  }
0x2e8: {  	s29 =	sadd.s32 $0x1C10, s16;
	s30 =	simm.s32 $0xE100  }
0x2e9: {  	[hbm4b:s29+s2] =	stream.linear.scatter [tilespmem:s30], [sflag:$0x4], $0x80, $0x38;
	[tilespmem:$0x10000] =	vst v63  }
0x2ea: {  	s31 =	sadd.s32 $0x1C90, s16;
	s0 =	simm.s32 $0xE500  }
0x2eb: {  	[hbm4b:s31+s2] =	stream.linear.scatter [tilespmem:s0], [sflag:$0x4], $0x80, $0x38;
	[tilespmem:$0x10000] =	vst v63  }
0x2ec: {  	s1 =	sadd.s32 $0x1E10, s16;
	s3 =	simm.s32 $0xF100  }
0x2ed: {  	[hbm4b:s1+s2] =	stream.linear.scatter [tilespmem:s3], [sflag:$0x4], $0x80, $0x38;
	[tilespmem:$0x10000] =	vst v63  }
0x2ee: {  	s4 =	sadd.s32 $0x1E90, s16;
	s5 =	simm.s32 $0xF500  }
0x2ef: {  	[hbm4b:s4+s2] =	stream.linear.scatter [tilespmem:s5], [sflag:$0x4], $0x80, $0x38;
	[tilespmem:$0x10000] =	vst v63  }
0x2f0: {  	s21 =	sadd.s32 $0x1020, s16;
	s19 =	simm.s32 $0x8180  }
0x2f1: {  	[hbm4b:s21+s2] =	stream.linear.scatter [tilespmem:s19], [sflag:$0x4], $0x80, $0x38;
	[tilespmem:$0x10000] =	vst v63  }
0x2f2: {  	s22 =	sadd.s32 $0x10A0, s16;
	s21 =	simm.s32 $0x8580  }
0x2f3: {  	[hbm4b:s22+s2] =	stream.linear.scatter [tilespmem:s21], [sflag:$0x4], $0x80, $0x38;
	[tilespmem:$0x10000] =	vst v63  }
0x2f4: {  	s23 =	sadd.s32 $0x1220, s16;
	s22 =	simm.s32 $0x9180  }
0x2f5: {  	[hbm4b:s23+s2] =	stream.linear.scatter [tilespmem:s22], [sflag:$0x4], $0x80, $0x38;
	[tilespmem:$0x10000] =	vst v63  }
0x2f6: {  	s24 =	sadd.s32 $0x12A0, s16;
	s23 =	simm.s32 $0x9580  }
0x2f7: {  	[hbm4b:s24+s2] =	stream.linear.scatter [tilespmem:s23], [sflag:$0x4], $0x80, $0x38;
	[tilespmem:$0x10000] =	vst v63  }
0x2f8: {  	s25 =	sadd.s32 $0x1420, s16;
	s24 =	simm.s32 $0xA180  }
0x2f9: {  	[hbm4b:s25+s2] =	stream.linear.scatter [tilespmem:s24], [sflag:$0x4], $0x80, $0x38;
	[tilespmem:$0x10000] =	vst v63  }
0x2fa: {  	s26 =	sadd.s32 $0x14A0, s16;
	s25 =	simm.s32 $0xA580  }
0x2fb: {  	[hbm4b:s26+s2] =	stream.linear.scatter [tilespmem:s25], [sflag:$0x4], $0x80, $0x38;
	[tilespmem:$0x10000] =	vst v63  }
0x2fc: {  	s28 =	sadd.s32 $0x1620, s16;
	s26 =	simm.s32 $0xB180  }
0x2fd: {  	[hbm4b:s28+s2] =	stream.linear.scatter [tilespmem:s26], [sflag:$0x4], $0x80, $0x38;
	[tilespmem:$0x10000] =	vst v63  }
0x2fe: {  	s29 =	sadd.s32 $0x16A0, s16;
	s28 =	simm.s32 $0xB580  }
0x2ff: {  	[hbm4b:s29+s2] =	stream.linear.scatter [tilespmem:s28], [sflag:$0x4], $0x80, $0x38;
	[tilespmem:$0x10000] =	vst v63  }
0x300: {  	s30 =	sadd.s32 $0x1820, s16;
	s29 =	simm.s32 $0xC180  }
0x301: {  	[hbm4b:s30+s2] =	stream.linear.scatter [tilespmem:s29], [sflag:$0x4], $0x80, $0x38;
	[tilespmem:$0x10000] =	vst v63  }
0x302: {  	s31 =	sadd.s32 $0x18A0, s16;
	s30 =	simm.s32 $0xC580  }
0x303: {  	[hbm4b:s31+s2] =	stream.linear.scatter [tilespmem:s30], [sflag:$0x4], $0x80, $0x38;
	[tilespmem:$0x10000] =	vst v63  }
0x304: {  	s0 =	sadd.s32 $0x1A20, s16;
	s31 =	simm.s32 $0xD180  }
0x305: {  	[hbm4b:s0+s2] =	stream.linear.scatter [tilespmem:s31], [sflag:$0x4], $0x80, $0x38;
	[tilespmem:$0x10000] =	vst v63  }
0x306: {  	s1 =	sadd.s32 $0x1AA0, s16;
	s0 =	simm.s32 $0xD580  }
0x307: {  	[hbm4b:s1+s2] =	stream.linear.scatter [tilespmem:s0], [sflag:$0x4], $0x80, $0x38;
	[tilespmem:$0x10000] =	vst v63  }
0x308: {  	s3 =	sadd.s32 $0x1C20, s16;
	s1 =	simm.s32 $0xE180  }
0x309: {  	[hbm4b:s3+s2] =	stream.linear.scatter [tilespmem:s1], [sflag:$0x4], $0x80, $0x38;
	[tilespmem:$0x10000] =	vst v63  }
0x30a: {  	s4 =	sadd.s32 $0x1CA0, s16;
	s3 =	simm.s32 $0xE580  }
0x30b: {  	[hbm4b:s4+s2] =	stream.linear.scatter [tilespmem:s3], [sflag:$0x4], $0x80, $0x38;
	[tilespmem:$0x10000] =	vst v63  }
0x30c: {  	s5 =	sadd.s32 $0x1E20, s16;
	s4 =	simm.s32 $0xF180  }
0x30d: {  	[hbm4b:s5+s2] =	stream.linear.scatter [tilespmem:s4], [sflag:$0x4], $0x80, $0x38;
	[tilespmem:$0x10000] =	vst v63  }
0x30e: {  	s17 =	sadd.s32 $0x1EA0, s16;
	s5 =	simm.s32 $0xF580  }
0x30f: {  	[hbm4b:s17+s2] =	stream.linear.scatter [tilespmem:s5], [sflag:$0x4], $0x80, $0x38;
	[tilespmem:$0x10000] =	vst v63  }
0x310: {  	s17 =	sadd.s32 $0x1030, s16  }
0x311: {  	[hbm4b:s17+s2] =	stream.linear.scatter [tilespmem:s19], [sflag:$0x4], $0x80, $0x38;
	[tilespmem:$0x10000] =	vst v63  }
0x312: {  	s19 =	sadd.s32 $0x10B0, s16  }
0x313: {  	[hbm4b:s19+s2] =	stream.linear.scatter [tilespmem:s21], [sflag:$0x4], $0x80, $0x38;
	[tilespmem:$0x10000] =	vst v63  }
0x314: {  	s21 =	sadd.s32 $0x1230, s16  }
0x315: {  	[hbm4b:s21+s2] =	stream.linear.scatter [tilespmem:s22], [sflag:$0x4], $0x80, $0x38;
	[tilespmem:$0x10000] =	vst v63  }
0x316: {  	s22 =	sadd.s32 $0x12B0, s16  }
0x317: {  	[hbm4b:s22+s2] =	stream.linear.scatter [tilespmem:s23], [sflag:$0x4], $0x80, $0x38;
	[tilespmem:$0x10000] =	vst v63  }
0x318: {  	s23 =	sadd.s32 $0x1430, s16  }
0x319: {  	[hbm4b:s23+s2] =	stream.linear.scatter [tilespmem:s24], [sflag:$0x4], $0x80, $0x38;
	[tilespmem:$0x10000] =	vst v63  }
0x31a: {  	s19 =	sadd.s32 $0x14B0, s16  }
0x31b: {  	[hbm4b:s19+s2] =	stream.linear.scatter [tilespmem:s25], [sflag:$0x4], $0x80, $0x38;
	[tilespmem:$0x10000] =	vst v63  }
0x31c: {  	s21 =	sadd.s32 $0x1630, s16  }
0x31d: {  	[hbm4b:s21+s2] =	stream.linear.scatter [tilespmem:s26], [sflag:$0x4], $0x80, $0x38;
	[tilespmem:$0x10000] =	vst v63  }
0x31e: {  	s22 =	sadd.s32 $0x16B0, s16  }
0x31f: {  	[hbm4b:s22+s2] =	stream.linear.scatter [tilespmem:s28], [sflag:$0x4], $0x80, $0x38;
	[tilespmem:$0x10000] =	vst v63  }
0x320: {  	s23 =	sadd.s32 $0x1830, s16  }
0x321: {  	[hbm4b:s23+s2] =	stream.linear.scatter [tilespmem:s29], [sflag:$0x4], $0x80, $0x38;
	[tilespmem:$0x10000] =	vst v63  }
0x322: {  	s24 =	sadd.s32 $0x18B0, s16  }
0x323: {  	[hbm4b:s24+s2] =	stream.linear.scatter [tilespmem:s30], [sflag:$0x4], $0x80, $0x38;
	[tilespmem:$0x10000] =	vst v63  }
0x324: {  	s25 =	sadd.s32 $0x1A30, s16  }
0x325: {  	[hbm4b:s25+s2] =	stream.linear.scatter [tilespmem:s31], [sflag:$0x4], $0x80, $0x38;
	[tilespmem:$0x10000] =	vst v63  }
0x326: {  	s26 =	sadd.s32 $0x1AB0, s16  }
0x327: {  	[hbm4b:s26+s2] =	stream.linear.scatter [tilespmem:s0], [sflag:$0x4], $0x80, $0x38;
	[tilespmem:$0x10000] =	vst v63  }
0x328: {  	s28 =	sadd.s32 $0x1C30, s16  }
0x329: {  	[hbm4b:s28+s2] =	stream.linear.scatter [tilespmem:s1], [sflag:$0x4], $0x80, $0x38;
	[tilespmem:$0x10000] =	vst v63  }
0x32a: {  	s29 =	sadd.s32 $0x1CB0, s16  }
0x32b: {  	[hbm4b:s29+s2] =	stream.linear.scatter [tilespmem:s3], [sflag:$0x4], $0x80, $0x38;
	[tilespmem:$0x10000] =	vst v63  }
0x32c: {  	s30 =	sadd.s32 $0x1E30, s16  }
0x32d: {  	[hbm4b:s30+s2] =	stream.linear.scatter [tilespmem:s4], [sflag:$0x4], $0x80, $0x38;
	[tilespmem:$0x10000] =	vst v63  }
0x32e: {  	s31 =	sadd.s32 $0x1EB0, s16  }
0x32f: {  	[hbm4b:s31+s2] =	stream.linear.scatter [tilespmem:s5], [sflag:$0x4], $0x80, $0x38;
	[tilespmem:$0x10000] =	vst v63  }
0x330: {  	s0 =	sadd.s32 $0x1040, s16;
	s1 =	simm.s32 $0x8000  }
0x331: {  	[hbm4b:s0+s2] =	stream.linear.scatter [tilespmem:s1], [sflag:$0x4], $0x80, $0x38;
	[tilespmem:$0x10000] =	vst v63  }
0x332: {  	s3 =	sadd.s32 $0x10C0, s16;
	s4 =	simm.s32 $0x8400  }
0x333: {  	[hbm4b:s3+s2] =	stream.linear.scatter [tilespmem:s4], [sflag:$0x4], $0x80, $0x38;
	[tilespmem:$0x10000] =	vst v63  }
0x334: {  	s19 =	simm.s32 $0x9000;
	s5 =	sadd.s32 $0x1240, s16  }
0x335: {  	[hbm4b:s5+s2] =	stream.linear.scatter [tilespmem:s19], [sflag:$0x4], $0x80, $0x38;
	[tilespmem:$0x10000] =	vst v63  }
0x336: {  	s21 =	sadd.s32 $0x12C0, s16;
	s22 =	simm.s32 $0x9400  }
0x337: {  	[hbm4b:s21+s2] =	stream.linear.scatter [tilespmem:s22], [sflag:$0x4], $0x80, $0x38;
	[tilespmem:$0x10000] =	vst v63  }
0x338: {  	s23 =	sadd.s32 $0x1440, s16;
	s24 =	simm.s32 $0xA000  }
0x339: {  	[hbm4b:s23+s2] =	stream.linear.scatter [tilespmem:s24], [sflag:$0x4], $0x80, $0x38;
	[tilespmem:$0x10000] =	vst v63  }
0x33a: {  	s25 =	sadd.s32 $0x14C0, s16;
	s26 =	simm.s32 $0xA400  }
0x33b: {  	[hbm4b:s25+s2] =	stream.linear.scatter [tilespmem:s26], [sflag:$0x4], $0x80, $0x38;
	[tilespmem:$0x10000] =	vst v63  }
0x33c: {  	s28 =	sadd.s32 $0x1640, s16;
	s29 =	simm.s32 $0xB000  }
0x33d: {  	[hbm4b:s28+s2] =	stream.linear.scatter [tilespmem:s29], [sflag:$0x4], $0x80, $0x38;
	[tilespmem:$0x10000] =	vst v63  }
0x33e: {  	s30 =	sadd.s32 $0x16C0, s16;
	s31 =	simm.s32 $0xB400  }
0x33f: {  	[hbm4b:s30+s2] =	stream.linear.scatter [tilespmem:s31], [sflag:$0x4], $0x80, $0x38;
	[tilespmem:$0x10000] =	vst v63  }
0x340: {  	s0 =	sadd.s32 $0x1840, s16;
	s1 =	simm.s32 $0xC000  }
0x341: {  	[hbm4b:s0+s2] =	stream.linear.scatter [tilespmem:s1], [sflag:$0x4], $0x80, $0x38;
	[tilespmem:$0x10000] =	vst v63  }
0x342: {  	s3 =	sadd.s32 $0x18C0, s16;
	s4 =	simm.s32 $0xC400  }
0x343: {  	[hbm4b:s3+s2] =	stream.linear.scatter [tilespmem:s4], [sflag:$0x4], $0x80, $0x38;
	[tilespmem:$0x10000] =	vst v63  }
0x344: {  	s5 =	sadd.s32 $0x1A40, s16;
	s19 =	simm.s32 $0xD000  }
0x345: {  	[hbm4b:s5+s2] =	stream.linear.scatter [tilespmem:s19], [sflag:$0x4], $0x80, $0x38;
	[tilespmem:$0x10000] =	vst v63  }
0x346: {  	s21 =	sadd.s32 $0x1AC0, s16;
	s22 =	simm.s32 $0xD400  }
0x347: {  	[hbm4b:s21+s2] =	stream.linear.scatter [tilespmem:s22], [sflag:$0x4], $0x80, $0x38;
	[tilespmem:$0x10000] =	vst v63  }
0x348: {  	s23 =	sadd.s32 $0x1C40, s16;
	s24 =	simm.s32 $0xE000  }
0x349: {  	[hbm4b:s23+s2] =	stream.linear.scatter [tilespmem:s24], [sflag:$0x4], $0x80, $0x38;
	[tilespmem:$0x10000] =	vst v63  }
0x34a: {  	s25 =	sadd.s32 $0x1CC0, s16;
	s26 =	simm.s32 $0xE400  }
0x34b: {  	[hbm4b:s25+s2] =	stream.linear.scatter [tilespmem:s26], [sflag:$0x4], $0x80, $0x38;
	[tilespmem:$0x10000] =	vst v63  }
0x34c: {  	s28 =	sadd.s32 $0x1E40, s16;
	s29 =	simm.s32 $0xF000  }
0x34d: {  	[hbm4b:s28+s2] =	stream.linear.scatter [tilespmem:s29], [sflag:$0x4], $0x80, $0x38;
	[tilespmem:$0x10000] =	vst v63  }
0x34e: {  	s30 =	sadd.s32 $0x1EC0, s16;
	s31 =	simm.s32 $0xF400  }
0x34f: {  	[hbm4b:s30+s2] =	stream.linear.scatter [tilespmem:s31], [sflag:$0x4], $0x80, $0x38;
	[tilespmem:$0x10000] =	vst v63  }
0x350: {  	s1 =	sadd.s32 $0x1050, s16;
	s0 =	simm.s32 $0x8080  }
0x351: {  	[hbm4b:s1+s2] =	stream.linear.scatter [tilespmem:s0], [sflag:$0x4], $0x80, $0x38;
	[tilespmem:$0x10000] =	vst v63  }
0x352: {  	s3 =	sadd.s32 $0x10D0, s16;
	s1 =	simm.s32 $0x8480  }
0x353: {  	[hbm4b:s3+s2] =	stream.linear.scatter [tilespmem:s1], [sflag:$0x4], $0x80, $0x38;
	[tilespmem:$0x10000] =	vst v63  }
0x354: {  	s4 =	sadd.s32 $0x1250, s16;
	s3 =	simm.s32 $0x9080  }
0x355: {  	[hbm4b:s4+s2] =	stream.linear.scatter [tilespmem:s3], [sflag:$0x4], $0x80, $0x38;
	[tilespmem:$0x10000] =	vst v63  }
0x356: {  	s5 =	sadd.s32 $0x12D0, s16;
	s4 =	simm.s32 $0x9480  }
0x357: {  	[hbm4b:s5+s2] =	stream.linear.scatter [tilespmem:s4], [sflag:$0x4], $0x80, $0x38;
	[tilespmem:$0x10000] =	vst v63  }
0x358: {  	s19 =	sadd.s32 $0x1450, s16;
	s5 =	simm.s32 $0xA080  }
0x359: {  	[hbm4b:s19+s2] =	stream.linear.scatter [tilespmem:s5], [sflag:$0x4], $0x80, $0x38;
	[tilespmem:$0x10000] =	vst v63  }
0x35a: {  	s21 =	sadd.s32 $0x14D0, s16;
	s19 =	simm.s32 $0xA480  }
0x35b: {  	[hbm4b:s21+s2] =	stream.linear.scatter [tilespmem:s19], [sflag:$0x4], $0x80, $0x38;
	[tilespmem:$0x10000] =	vst v63  }
0x35c: {  	s22 =	sadd.s32 $0x1650, s16;
	s21 =	simm.s32 $0xB080  }
0x35d: {  	[hbm4b:s22+s2] =	stream.linear.scatter [tilespmem:s21], [sflag:$0x4], $0x80, $0x38;
	[tilespmem:$0x10000] =	vst v63  }
0x35e: {  	s23 =	sadd.s32 $0x16D0, s16;
	s22 =	simm.s32 $0xB480  }
0x35f: {  	[hbm4b:s23+s2] =	stream.linear.scatter [tilespmem:s22], [sflag:$0x4], $0x80, $0x38;
	[tilespmem:$0x10000] =	vst v63  }
0x360: {  	s24 =	sadd.s32 $0x1850, s16;
	s23 =	simm.s32 $0xC080  }
0x361: {  	[hbm4b:s24+s2] =	stream.linear.scatter [tilespmem:s23], [sflag:$0x4], $0x80, $0x38;
	[tilespmem:$0x10000] =	vst v63  }
0x362: {  	s25 =	sadd.s32 $0x18D0, s16;
	s24 =	simm.s32 $0xC480  }
0x363: {  	[hbm4b:s25+s2] =	stream.linear.scatter [tilespmem:s24], [sflag:$0x4], $0x80, $0x38;
	[tilespmem:$0x10000] =	vst v63  }
0x364: {  	s26 =	sadd.s32 $0x1A50, s16;
	s25 =	simm.s32 $0xD080  }
0x365: {  	[hbm4b:s26+s2] =	stream.linear.scatter [tilespmem:s25], [sflag:$0x4], $0x80, $0x38;
	[tilespmem:$0x10000] =	vst v63  }
0x366: {  	s28 =	sadd.s32 $0x1AD0, s16;
	s26 =	simm.s32 $0xD480  }
0x367: {  	[hbm4b:s28+s2] =	stream.linear.scatter [tilespmem:s26], [sflag:$0x4], $0x80, $0x38;
	[tilespmem:$0x10000] =	vst v63  }
0x368: {  	s29 =	sadd.s32 $0x1C50, s16;
	s28 =	simm.s32 $0xE080  }
0x369: {  	[hbm4b:s29+s2] =	stream.linear.scatter [tilespmem:s28], [sflag:$0x4], $0x80, $0x38;
	[tilespmem:$0x10000] =	vst v63  }
0x36a: {  	s30 =	sadd.s32 $0x1CD0, s16;
	s29 =	simm.s32 $0xE480  }
0x36b: {  	[hbm4b:s30+s2] =	stream.linear.scatter [tilespmem:s29], [sflag:$0x4], $0x80, $0x38;
	[tilespmem:$0x10000] =	vst v63  }
0x36c: {  	s31 =	sadd.s32 $0x1E50, s16;
	s30 =	simm.s32 $0xF080  }
0x36d: {  	[hbm4b:s31+s2] =	stream.linear.scatter [tilespmem:s30], [sflag:$0x4], $0x80, $0x38;
	[tilespmem:$0x10000] =	vst v63  }
0x36e: {  	s17 =	sadd.s32 $0x1ED0, s16;
	s31 =	simm.s32 $0xF480  }
0x36f: {  	[hbm4b:s17+s2] =	stream.linear.scatter [tilespmem:s31], [sflag:$0x4], $0x80, $0x38;
	[tilespmem:$0x10000] =	vst v63  }
0x370: {  	s17 =	sadd.s32 $0x1060, s16  }
0x371: {  	[hbm4b:s17+s2] =	stream.linear.scatter [tilespmem:s0], [sflag:$0x4], $0x80, $0x38;
	[tilespmem:$0x10000] =	vst v63  }
0x372: {  	s0 =	sadd.s32 $0x10E0, s16  }
0x373: {  	[hbm4b:s0+s2] =	stream.linear.scatter [tilespmem:s1], [sflag:$0x4], $0x80, $0x38;
	[tilespmem:$0x10000] =	vst v63  }
0x374: {  	s1 =	sadd.s32 $0x1260, s16  }
0x375: {  	[hbm4b:s1+s2] =	stream.linear.scatter [tilespmem:s3], [sflag:$0x4], $0x80, $0x38;
	[tilespmem:$0x10000] =	vst v63  }
0x376: {  	s3 =	sadd.s32 $0x12E0, s16  }
0x377: {  	[hbm4b:s3+s2] =	stream.linear.scatter [tilespmem:s4], [sflag:$0x4], $0x80, $0x38;
	[tilespmem:$0x10000] =	vst v63  }
0x378: {  	s4 =	sadd.s32 $0x1460, s16  }
0x379: {  	[hbm4b:s4+s2] =	stream.linear.scatter [tilespmem:s5], [sflag:$0x4], $0x80, $0x38;
	[tilespmem:$0x10000] =	vst v63  }
0x37a: {  	s5 =	sadd.s32 $0x14E0, s16  }
0x37b: {  	[hbm4b:s5+s2] =	stream.linear.scatter [tilespmem:s19], [sflag:$0x4], $0x80, $0x38;
	[tilespmem:$0x10000] =	vst v63  }
0x37c: {  	s0 =	sadd.s32 $0x1660, s16  }
0x37d: {  	[hbm4b:s0+s2] =	stream.linear.scatter [tilespmem:s21], [sflag:$0x4], $0x80, $0x38;
	[tilespmem:$0x10000] =	vst v63  }
0x37e: {  	s1 =	sadd.s32 $0x16E0, s16  }
0x37f: {  	[hbm4b:s1+s2] =	stream.linear.scatter [tilespmem:s22], [sflag:$0x4], $0x80, $0x38;
	[tilespmem:$0x10000] =	vst v63  }
0x380: {  	s3 =	sadd.s32 $0x1860, s16  }
0x381: {  	[hbm4b:s3+s2] =	stream.linear.scatter [tilespmem:s23], [sflag:$0x4], $0x80, $0x38;
	[tilespmem:$0x10000] =	vst v63  }
0x382: {  	s4 =	sadd.s32 $0x18E0, s16  }
0x383: {  	[hbm4b:s4+s2] =	stream.linear.scatter [tilespmem:s24], [sflag:$0x4], $0x80, $0x38;
	[tilespmem:$0x10000] =	vst v63  }
0x384: {  	s5 =	sadd.s32 $0x1A60, s16  }
0x385: {  	[hbm4b:s5+s2] =	stream.linear.scatter [tilespmem:s25], [sflag:$0x4], $0x80, $0x38;
	[tilespmem:$0x10000] =	vst v63  }
0x386: {  	s19 =	sadd.s32 $0x1AE0, s16  }
0x387: {  	[hbm4b:s19+s2] =	stream.linear.scatter [tilespmem:s26], [sflag:$0x4], $0x80, $0x38;
	[tilespmem:$0x10000] =	vst v63  }
0x388: {  	s21 =	sadd.s32 $0x1C60, s16  }
0x389: {  	[hbm4b:s21+s2] =	stream.linear.scatter [tilespmem:s28], [sflag:$0x4], $0x80, $0x38;
	[tilespmem:$0x10000] =	vst v63  }
0x38a: {  	s22 =	sadd.s32 $0x1CE0, s16  }
0x38b: {  	[hbm4b:s22+s2] =	stream.linear.scatter [tilespmem:s29], [sflag:$0x4], $0x80, $0x38;
	[tilespmem:$0x10000] =	vst v63  }
0x38c: {  	s23 =	sadd.s32 $0x1E60, s16  }
0x38d: {  	[hbm4b:s23+s2] =	stream.linear.scatter [tilespmem:s30], [sflag:$0x4], $0x80, $0x38;
	[tilespmem:$0x10000] =	vst v63  }
0x38e: {  	s24 =	sadd.s32 $0x1EE0, s16  }
0x38f: {  	[hbm4b:s24+s2] =	stream.linear.scatter [tilespmem:s31], [sflag:$0x4], $0x80, $0x38;
	[tilespmem:$0x10000] =	vst v63  }
0x390: {  	s0 =	simm.s32 $0x8200;
	s25 =	sadd.s32 $0x1070, s16  }
0x391: {  	[hbm4b:s25+s2] =	stream.linear.scatter [tilespmem:s0], [sflag:$0x4], $0x80, $0x38;
	[tilespmem:$0x10000] =	vst v63  }
0x392: {  	s1 =	simm.s32 $0x8600;
	s26 =	sadd.s32 $0x10F0, s16  }
0x393: {  	[hbm4b:s26+s2] =	stream.linear.scatter [tilespmem:s1], [sflag:$0x4], $0x80, $0x38;
	[tilespmem:$0x10000] =	vst v63  }
0x394: {  	s3 =	simm.s32 $0x9200;
	s28 =	sadd.s32 $0x1270, s16  }
0x395: {  	[hbm4b:s28+s2] =	stream.linear.scatter [tilespmem:s3], [sflag:$0x4], $0x80, $0x38;
	[tilespmem:$0x10000] =	vst v63  }
0x396: {  	s4 =	simm.s32 $0x9600;
	s29 =	sadd.s32 $0x12F0, s16  }
0x397: {  	[hbm4b:s29+s2] =	stream.linear.scatter [tilespmem:s4], [sflag:$0x4], $0x80, $0x38;
	[tilespmem:$0x10000] =	vst v63  }
0x398: {  	s5 =	simm.s32 $0xA200;
	s30 =	sadd.s32 $0x1470, s16  }
0x399: {  	[hbm4b:s30+s2] =	stream.linear.scatter [tilespmem:s5], [sflag:$0x4], $0x80, $0x38;
	[tilespmem:$0x10000] =	vst v63  }
0x39a: {  	s31 =	sadd.s32 $0x14F0, s16  }
0x39b: {  	[hbm4b:s31+s2] =	stream.linear.scatter [tilespmem:s6], [sflag:$0x4], $0x80, $0x38;
	[tilespmem:$0x10000] =	vst v63  }
0x39c: {  	s19 =	sadd.s32 $0x1670, s16  }
0x39d: {  	[hbm4b:s19+s2] =	stream.linear.scatter [tilespmem:s7], [sflag:$0x4], $0x80, $0x38;
	[tilespmem:$0x10000] =	vst v63  }
0x39e: {  	s21 =	sadd.s32 $0x16F0, s16  }
0x39f: {  	[hbm4b:s21+s2] =	stream.linear.scatter [tilespmem:s8], [sflag:$0x4], $0x80, $0x38;
	[tilespmem:$0x10000] =	vst v63  }
0x3a0: {  	s22 =	sadd.s32 $0x1870, s16  }
0x3a1: {  	[hbm4b:s22+s2] =	stream.linear.scatter [tilespmem:s9], [sflag:$0x4], $0x80, $0x38;
	[tilespmem:$0x10000] =	vst v63  }
0x3a2: {  	s23 =	sadd.s32 $0x18F0, s16  }
0x3a3: {  	[hbm4b:s23+s2] =	stream.linear.scatter [tilespmem:s10], [sflag:$0x4], $0x80, $0x38;
	[tilespmem:$0x10000] =	vst v63  }
0x3a4: {  	s24 =	sadd.s32 $0x1A70, s16  }
0x3a5: {  	[hbm4b:s24+s2] =	stream.linear.scatter [tilespmem:s11], [sflag:$0x4], $0x80, $0x38;
	[tilespmem:$0x10000] =	vst v63  }
0x3a6: {  	s25 =	sadd.s32 $0x1AF0, s16  }
0x3a7: {  	[hbm4b:s25+s2] =	stream.linear.scatter [tilespmem:s12], [sflag:$0x4], $0x80, $0x38;
	[tilespmem:$0x10000] =	vst v63  }
0x3a8: {  	s26 =	sadd.s32 $0x1C70, s16  }
0x3a9: {  	[hbm4b:s26+s2] =	stream.linear.scatter [tilespmem:s13], [sflag:$0x4], $0x80, $0x38;
	[tilespmem:$0x10000] =	vst v63  }
0x3aa: {  	s28 =	sadd.s32 $0x1CF0, s16  }
0x3ab: {  	[hbm4b:s28+s2] =	stream.linear.scatter [tilespmem:s14], [sflag:$0x4], $0x80, $0x38;
	[tilespmem:$0x10000] =	vst v63  }
0x3ac: {  	s29 =	sadd.s32 $0x1E70, s16  }
0x3ad: {  	[hbm4b:s29+s2] =	stream.linear.scatter [tilespmem:s15], [sflag:$0x4], $0x80, $0x38;
	[tilespmem:$0x10000] =	vst v63  }
0x3ae: {  	s30 =	sadd.s32 $0x1EF0, s16  }
0x3af: {  	[hbm4b:s30+s2] =	stream.linear.scatter [tilespmem:s18], [sflag:$0x4], $0x80, $0x38;
	[tilespmem:$0x10000] =	vst v63  }
0x3b0: {  	s31 =	sadd.s32 $0x1100, s16  }
0x3b1: {  	[hbm4b:s31+s2] =	stream.linear.scatter [tilespmem:s0], [sflag:$0x4], $0x80, $0x38;
	[tilespmem:$0x10000] =	vst v63  }
0x3b2: {  	s0 =	sadd.s32 $0x1180, s16  }
0x3b3: {  	[hbm4b:s0+s2] =	stream.linear.scatter [tilespmem:s1], [sflag:$0x4], $0x80, $0x38;
	[tilespmem:$0x10000] =	vst v63  }
0x3b4: {  	s1 =	sadd.s32 $0x1300, s16  }
0x3b5: {  	[hbm4b:s1+s2] =	stream.linear.scatter [tilespmem:s3], [sflag:$0x4], $0x80, $0x38;
	[tilespmem:$0x10000] =	vst v63  }
0x3b6: {  	s3 =	sadd.s32 $0x1380, s16  }
0x3b7: {  	[hbm4b:s3+s2] =	stream.linear.scatter [tilespmem:s4], [sflag:$0x4], $0x80, $0x38;
	[tilespmem:$0x10000] =	vst v63  }
0x3b8: {  	s4 =	sadd.s32 $0x1500, s16  }
0x3b9: {  	[hbm4b:s4+s2] =	stream.linear.scatter [tilespmem:s5], [sflag:$0x4], $0x80, $0x38;
	[tilespmem:$0x10000] =	vst v63  }
0x3ba: {  	s5 =	sadd.s32 $0x1580, s16  }
0x3bb: {  	[hbm4b:s5+s2] =	stream.linear.scatter [tilespmem:s6], [sflag:$0x4], $0x80, $0x38;
	[tilespmem:$0x10000] =	vst v63  }
0x3bc: {  	s6 =	sadd.s32 $0x1700, s16  }
0x3bd: {  	[hbm4b:s6+s2] =	stream.linear.scatter [tilespmem:s7], [sflag:$0x4], $0x80, $0x38;
	[tilespmem:$0x10000] =	vst v63  }
0x3be: {  	s19 =	sadd.s32 $0x1780, s16  }
0x3bf: {  	[hbm4b:s19+s2] =	stream.linear.scatter [tilespmem:s8], [sflag:$0x4], $0x80, $0x38;
	[tilespmem:$0x10000] =	vst v63  }
0x3c0: {  	s21 =	sadd.s32 $0x1900, s16  }
0x3c1: {  	[hbm4b:s21+s2] =	stream.linear.scatter [tilespmem:s9], [sflag:$0x4], $0x80, $0x38;
	[tilespmem:$0x10000] =	vst v63  }
0x3c2: {  	s22 =	sadd.s32 $0x1980, s16  }
0x3c3: {  	[hbm4b:s22+s2] =	stream.linear.scatter [tilespmem:s10], [sflag:$0x4], $0x80, $0x38;
	[tilespmem:$0x10000] =	vst v63  }
0x3c4: {  	s23 =	sadd.s32 $0x1B00, s16  }
0x3c5: {  	[hbm4b:s23+s2] =	stream.linear.scatter [tilespmem:s11], [sflag:$0x4], $0x80, $0x38;
	[tilespmem:$0x10000] =	vst v63  }
0x3c6: {  	s24 =	sadd.s32 $0x1B80, s16  }
0x3c7: {  	[hbm4b:s24+s2] =	stream.linear.scatter [tilespmem:s12], [sflag:$0x4], $0x80, $0x38;
	[tilespmem:$0x10000] =	vst v63  }
0x3c8: {  	s25 =	sadd.s32 $0x1D00, s16  }
0x3c9: {  	[hbm4b:s25+s2] =	stream.linear.scatter [tilespmem:s13], [sflag:$0x4], $0x80, $0x38;
	[tilespmem:$0x10000] =	vst v63  }
0x3ca: {  	s26 =	sadd.s32 $0x1D80, s16  }
0x3cb: {  	[hbm4b:s26+s2] =	stream.linear.scatter [tilespmem:s14], [sflag:$0x4], $0x80, $0x38;
	[tilespmem:$0x10000] =	vst v63  }
0x3cc: {  	s28 =	sadd.s32 $0x1F00, s16  }
0x3cd: {  	[hbm4b:s28+s2] =	stream.linear.scatter [tilespmem:s15], [sflag:$0x4], $0x80, $0x38;
	[tilespmem:$0x10000] =	vst v63  }
0x3ce: {  	s29 =	sadd.s32 $0x1F80, s16  }
0x3cf: {  	[hbm4b:s29+s2] =	stream.linear.scatter [tilespmem:s18], [sflag:$0x4], $0x80, $0x38;
	[tilespmem:$0x10000] =	vst v63  }
0x3d0: {  	s30 =	sadd.s32 $0x1110, s16;
	s31 =	simm.s32 $0x8280  }
0x3d1: {  	[hbm4b:s30+s2] =	stream.linear.scatter [tilespmem:s31], [sflag:$0x4], $0x80, $0x38;
	[tilespmem:$0x10000] =	vst v63  }
0x3d2: {  	s1 =	sadd.s32 $0x1190, s16;
	s3 =	simm.s32 $0x8680  }
0x3d3: {  	[hbm4b:s1+s2] =	stream.linear.scatter [tilespmem:s3], [sflag:$0x4], $0x80, $0x38;
	[tilespmem:$0x10000] =	vst v63  }
0x3d4: {  	s4 =	sadd.s32 $0x1310, s16;
	s5 =	simm.s32 $0x9280  }
0x3d5: {  	[hbm4b:s4+s2] =	stream.linear.scatter [tilespmem:s5], [sflag:$0x4], $0x80, $0x38;
	[tilespmem:$0x10000] =	vst v63  }
0x3d6: {  	s6 =	sadd.s32 $0x1390, s16;
	s7 =	simm.s32 $0x9680  }
0x3d7: {  	[hbm4b:s6+s2] =	stream.linear.scatter [tilespmem:s7], [sflag:$0x4], $0x80, $0x38;
	[tilespmem:$0x10000] =	vst v63  }
0x3d8: {  	s8 =	sadd.s32 $0x1510, s16;
	s9 =	simm.s32 $0xA280  }
0x3d9: {  	[hbm4b:s8+s2] =	stream.linear.scatter [tilespmem:s9], [sflag:$0x4], $0x80, $0x38;
	[tilespmem:$0x10000] =	vst v63  }
0x3da: {  	s10 =	sadd.s32 $0x1590, s16;
	s11 =	simm.s32 $0xA680  }
0x3db: {  	[hbm4b:s10+s2] =	stream.linear.scatter [tilespmem:s11], [sflag:$0x4], $0x80, $0x38;
	[tilespmem:$0x10000] =	vst v63  }
0x3dc: {  	s12 =	sadd.s32 $0x1710, s16;
	s13 =	simm.s32 $0xB280  }
0x3dd: {  	[hbm4b:s12+s2] =	stream.linear.scatter [tilespmem:s13], [sflag:$0x4], $0x80, $0x38;
	[tilespmem:$0x10000] =	vst v63  }
0x3de: {  	s14 =	sadd.s32 $0x1790, s16;
	s15 =	simm.s32 $0xB680  }
0x3df: {  	[hbm4b:s14+s2] =	stream.linear.scatter [tilespmem:s15], [sflag:$0x4], $0x80, $0x38;
	[tilespmem:$0x10000] =	vst v63  }
0x3e0: {  	s19 =	simm.s32 $0xC280;
	s18 =	sadd.s32 $0x1910, s16  }
0x3e1: {  	[hbm4b:s18+s2] =	stream.linear.scatter [tilespmem:s19], [sflag:$0x4], $0x80, $0x38;
	[tilespmem:$0x10000] =	vst v63  }
0x3e2: {  	s21 =	sadd.s32 $0x1990, s16;
	s22 =	simm.s32 $0xC680  }
0x3e3: {  	[hbm4b:s21+s2] =	stream.linear.scatter [tilespmem:s22], [sflag:$0x4], $0x80, $0x38;
	[tilespmem:$0x10000] =	vst v63  }
0x3e4: {  	s23 =	sadd.s32 $0x1B10, s16;
	s24 =	simm.s32 $0xD280  }
0x3e5: {  	[hbm4b:s23+s2] =	stream.linear.scatter [tilespmem:s24], [sflag:$0x4], $0x80, $0x38;
	[tilespmem:$0x10000] =	vst v63  }
0x3e6: {  	s25 =	sadd.s32 $0x1B90, s16;
	s26 =	simm.s32 $0xD680  }
0x3e7: {  	[hbm4b:s25+s2] =	stream.linear.scatter [tilespmem:s26], [sflag:$0x4], $0x80, $0x38;
	[tilespmem:$0x10000] =	vst v63  }
0x3e8: {  	s28 =	sadd.s32 $0x1D10, s16;
	s29 =	simm.s32 $0xE280  }
0x3e9: {  	[hbm4b:s28+s2] =	stream.linear.scatter [tilespmem:s29], [sflag:$0x4], $0x80, $0x38;
	[tilespmem:$0x10000] =	vst v63  }
0x3ea: {  	s30 =	sadd.s32 $0x1D90, s16;
	s31 =	simm.s32 $0xE680  }
0x3eb: {  	[hbm4b:s30+s2] =	stream.linear.scatter [tilespmem:s31], [sflag:$0x4], $0x80, $0x38;
	[tilespmem:$0x10000] =	vst v63  }
0x3ec: {  	s1 =	sadd.s32 $0x1F10, s16;
	s3 =	simm.s32 $0xF280  }
0x3ed: {  	[hbm4b:s1+s2] =	stream.linear.scatter [tilespmem:s3], [sflag:$0x4], $0x80, $0x38;
	[tilespmem:$0x10000] =	vst v63  }
0x3ee: {  	s4 =	sadd.s32 $0x1F90, s16;
	s5 =	simm.s32 $0xF680  }
0x3ef: {  	[hbm4b:s4+s2] =	stream.linear.scatter [tilespmem:s5], [sflag:$0x4], $0x80, $0x38;
	[tilespmem:$0x10000] =	vst v63  }
0x3f0: {  	s6 =	sadd.s32 $0x1120, s16;
	s7 =	simm.s32 $0x8300  }
0x3f1: {  	[hbm4b:s6+s2] =	stream.linear.scatter [tilespmem:s7], [sflag:$0x4], $0x80, $0x38;
	[tilespmem:$0x10000] =	vst v63  }
0x3f2: {  	s8 =	sadd.s32 $0x11A0, s16;
	s9 =	simm.s32 $0x8700  }
0x3f3: {  	[hbm4b:s8+s2] =	stream.linear.scatter [tilespmem:s9], [sflag:$0x4], $0x80, $0x38;
	[tilespmem:$0x10000] =	vst v63  }
0x3f4: {  	s10 =	sadd.s32 $0x1320, s16;
	s11 =	simm.s32 $0x9300  }
0x3f5: {  	[hbm4b:s10+s2] =	stream.linear.scatter [tilespmem:s11], [sflag:$0x4], $0x80, $0x38;
	[tilespmem:$0x10000] =	vst v63  }
0x3f6: {  	s12 =	sadd.s32 $0x13A0, s16;
	s13 =	simm.s32 $0x9700  }
0x3f7: {  	[hbm4b:s12+s2] =	stream.linear.scatter [tilespmem:s13], [sflag:$0x4], $0x80, $0x38;
	[tilespmem:$0x10000] =	vst v63  }
0x3f8: {  	s14 =	sadd.s32 $0x1520, s16;
	s15 =	simm.s32 $0xA300  }
0x3f9: {  	[hbm4b:s14+s2] =	stream.linear.scatter [tilespmem:s15], [sflag:$0x4], $0x80, $0x38;
	[tilespmem:$0x10000] =	vst v63  }
0x3fa: {  	s18 =	sadd.s32 $0x15A0, s16;
	s19 =	simm.s32 $0xA700  }
0x3fb: {  	[hbm4b:s18+s2] =	stream.linear.scatter [tilespmem:s19], [sflag:$0x4], $0x80, $0x38;
	[tilespmem:$0x10000] =	vst v63  }
0x3fc: {  	s21 =	sadd.s32 $0x1720, s16;
	s22 =	simm.s32 $0xB300  }
0x3fd: {  	[hbm4b:s21+s2] =	stream.linear.scatter [tilespmem:s22], [sflag:$0x4], $0x80, $0x38;
	[tilespmem:$0x10000] =	vst v63  }
0x3fe: {  	s23 =	sadd.s32 $0x17A0, s16;
	s24 =	simm.s32 $0xB700  }
0x3ff: {  	[hbm4b:s23+s2] =	stream.linear.scatter [tilespmem:s24], [sflag:$0x4], $0x80, $0x38;
	[tilespmem:$0x10000] =	vst v63  }
0x400: {  	s25 =	sadd.s32 $0x1920, s16;
	s26 =	simm.s32 $0xC300  }
0x401: {  	[hbm4b:s25+s2] =	stream.linear.scatter [tilespmem:s26], [sflag:$0x4], $0x80, $0x38;
	[tilespmem:$0x10000] =	vst v63  }
0x402: {  	s28 =	sadd.s32 $0x19A0, s16;
	s29 =	simm.s32 $0xC700  }
0x403: {  	[hbm4b:s28+s2] =	stream.linear.scatter [tilespmem:s29], [sflag:$0x4], $0x80, $0x38;
	[tilespmem:$0x10000] =	vst v63  }
0x404: {  	s30 =	sadd.s32 $0x1B20, s16;
	s31 =	simm.s32 $0xD300  }
0x405: {  	[hbm4b:s30+s2] =	stream.linear.scatter [tilespmem:s31], [sflag:$0x4], $0x80, $0x38;
	[tilespmem:$0x10000] =	vst v63  }
0x406: {  	s1 =	sadd.s32 $0x1BA0, s16;
	s3 =	simm.s32 $0xD700  }
0x407: {  	[hbm4b:s1+s2] =	stream.linear.scatter [tilespmem:s3], [sflag:$0x4], $0x80, $0x38;
	[tilespmem:$0x10000] =	vst v63  }
0x408: {  	s4 =	sadd.s32 $0x1D20, s16;
	s5 =	simm.s32 $0xE300  }
0x409: {  	[hbm4b:s4+s2] =	stream.linear.scatter [tilespmem:s5], [sflag:$0x4], $0x80, $0x38;
	[tilespmem:$0x10000] =	vst v63  }
0x40a: {  	s6 =	sadd.s32 $0x1DA0, s16;
	s7 =	simm.s32 $0xE700  }
0x40b: {  	[hbm4b:s6+s2] =	stream.linear.scatter [tilespmem:s7], [sflag:$0x4], $0x80, $0x38;
	[tilespmem:$0x10000] =	vst v63  }
0x40c: {  	s8 =	sadd.s32 $0x1F20, s16;
	s9 =	simm.s32 $0xF300  }
0x40d: {  	[hbm4b:s8+s2] =	stream.linear.scatter [tilespmem:s9], [sflag:$0x4], $0x80, $0x38;
	[tilespmem:$0x10000] =	vst v63  }
0x40e: {  	s10 =	sadd.s32 $0x1FA0, s16;
	s11 =	simm.s32 $0xF700  }
0x40f: {  	[hbm4b:s10+s2] =	stream.linear.scatter [tilespmem:s11], [sflag:$0x4], $0x80, $0x38;
	[tilespmem:$0x10000] =	vst v63  }
0x410: {  	s0 =	simm.s32 $0x8380;
	s12 =	sadd.s32 $0x1130, s16  }
0x411: {  	[hbm4b:s12+s2] =	stream.linear.scatter [tilespmem:s0], [sflag:$0x4], $0x80, $0x38;
	[tilespmem:$0x10000] =	vst v63  }
0x412: {  	s13 =	sadd.s32 $0x11B0, s16;
	s1 =	simm.s32 $0x8780  }
0x413: {  	[hbm4b:s13+s2] =	stream.linear.scatter [tilespmem:s1], [sflag:$0x4], $0x80, $0x38;
	[tilespmem:$0x10000] =	vst v63  }
0x414: {  	s14 =	sadd.s32 $0x1330, s16;
	s3 =	simm.s32 $0x9380  }
0x415: {  	[hbm4b:s14+s2] =	stream.linear.scatter [tilespmem:s3], [sflag:$0x4], $0x80, $0x38;
	[tilespmem:$0x10000] =	vst v63  }
0x416: {  	s15 =	sadd.s32 $0x13B0, s16;
	s4 =	simm.s32 $0x9780  }
0x417: {  	[hbm4b:s15+s2] =	stream.linear.scatter [tilespmem:s4], [sflag:$0x4], $0x80, $0x38;
	[tilespmem:$0x10000] =	vst v63  }
0x418: {  	s18 =	sadd.s32 $0x1530, s16;
	s5 =	simm.s32 $0xA380  }
0x419: {  	[hbm4b:s18+s2] =	stream.linear.scatter [tilespmem:s5], [sflag:$0x4], $0x80, $0x38;
	[tilespmem:$0x10000] =	vst v63  }
0x41a: {  	s19 =	sadd.s32 $0x15B0, s16;
	s6 =	simm.s32 $0xA780  }
0x41b: {  	[hbm4b:s19+s2] =	stream.linear.scatter [tilespmem:s6], [sflag:$0x4], $0x80, $0x38;
	[tilespmem:$0x10000] =	vst v63  }
0x41c: {  	s21 =	sadd.s32 $0x1730, s16;
	s7 =	simm.s32 $0xB380  }
0x41d: {  	[hbm4b:s21+s2] =	stream.linear.scatter [tilespmem:s7], [sflag:$0x4], $0x80, $0x38;
	[tilespmem:$0x10000] =	vst v63  }
0x41e: {  	s22 =	sadd.s32 $0x17B0, s16;
	s8 =	simm.s32 $0xB780  }
0x41f: {  	[hbm4b:s22+s2] =	stream.linear.scatter [tilespmem:s8], [sflag:$0x4], $0x80, $0x38;
	[tilespmem:$0x10000] =	vst v63  }
0x420: {  	s23 =	sadd.s32 $0x1930, s16;
	s9 =	simm.s32 $0xC380  }
0x421: {  	[hbm4b:s23+s2] =	stream.linear.scatter [tilespmem:s9], [sflag:$0x4], $0x80, $0x38;
	[tilespmem:$0x10000] =	vst v63  }
0x422: {  	s24 =	sadd.s32 $0x19B0, s16;
	s10 =	simm.s32 $0xC780  }
0x423: {  	[hbm4b:s24+s2] =	stream.linear.scatter [tilespmem:s10], [sflag:$0x4], $0x80, $0x38;
	[tilespmem:$0x10000] =	vst v63  }
0x424: {  	s25 =	sadd.s32 $0x1B30, s16;
	s11 =	simm.s32 $0xD380  }
0x425: {  	[hbm4b:s25+s2] =	stream.linear.scatter [tilespmem:s11], [sflag:$0x4], $0x80, $0x38;
	[tilespmem:$0x10000] =	vst v63  }
0x426: {  	s26 =	sadd.s32 $0x1BB0, s16;
	s12 =	simm.s32 $0xD780  }
0x427: {  	[hbm4b:s26+s2] =	stream.linear.scatter [tilespmem:s12], [sflag:$0x4], $0x80, $0x38;
	[tilespmem:$0x10000] =	vst v63  }
0x428: {  	s28 =	sadd.s32 $0x1D30, s16;
	s13 =	simm.s32 $0xE380  }
0x429: {  	[hbm4b:s28+s2] =	stream.linear.scatter [tilespmem:s13], [sflag:$0x4], $0x80, $0x38;
	[tilespmem:$0x10000] =	vst v63  }
0x42a: {  	s29 =	sadd.s32 $0x1DB0, s16;
	s14 =	simm.s32 $0xE780  }
0x42b: {  	[hbm4b:s29+s2] =	stream.linear.scatter [tilespmem:s14], [sflag:$0x4], $0x80, $0x38;
	[tilespmem:$0x10000] =	vst v63  }
0x42c: {  	s30 =	sadd.s32 $0x1F30, s16;
	s15 =	simm.s32 $0xF380  }
0x42d: {  	[hbm4b:s30+s2] =	stream.linear.scatter [tilespmem:s15], [sflag:$0x4], $0x80, $0x38;
	[tilespmem:$0x10000] =	vst v63  }
0x42e: {  	s31 =	sadd.s32 $0x1FB0, s16;
	s18 =	simm.s32 $0xF780  }
0x42f: {  	[hbm4b:s31+s2] =	stream.linear.scatter [tilespmem:s18], [sflag:$0x4], $0x80, $0x38;
	[tilespmem:$0x10000] =	vst v63  }
0x430: {  	s19 =	sadd.s32 $0x1140, s16  }
0x431: {  	[hbm4b:s19+s2] =	stream.linear.scatter [tilespmem:s0], [sflag:$0x4], $0x80, $0x38;
	[tilespmem:$0x10000] =	vst v63  }
0x432: {  	s21 =	sadd.s32 $0x11C0, s16  }
0x433: {  	[hbm4b:s21+s2] =	stream.linear.scatter [tilespmem:s1], [sflag:$0x4], $0x80, $0x38;
	[tilespmem:$0x10000] =	vst v63  }
0x434: {  	s22 =	sadd.s32 $0x1340, s16  }
0x435: {  	[hbm4b:s22+s2] =	stream.linear.scatter [tilespmem:s3], [sflag:$0x4], $0x80, $0x38;
	[tilespmem:$0x10000] =	vst v63  }
0x436: {  	s23 =	sadd.s32 $0x13C0, s16  }
0x437: {  	[hbm4b:s23+s2] =	stream.linear.scatter [tilespmem:s4], [sflag:$0x4], $0x80, $0x38;
	[tilespmem:$0x10000] =	vst v63  }
0x438: {  	s24 =	sadd.s32 $0x1540, s16  }
0x439: {  	[hbm4b:s24+s2] =	stream.linear.scatter [tilespmem:s5], [sflag:$0x4], $0x80, $0x38;
	[tilespmem:$0x10000] =	vst v63  }
0x43a: {  	s25 =	sadd.s32 $0x15C0, s16  }
0x43b: {  	[hbm4b:s25+s2] =	stream.linear.scatter [tilespmem:s6], [sflag:$0x4], $0x80, $0x38;
	[tilespmem:$0x10000] =	vst v63  }
0x43c: {  	s26 =	sadd.s32 $0x1740, s16  }
0x43d: {  	[hbm4b:s26+s2] =	stream.linear.scatter [tilespmem:s7], [sflag:$0x4], $0x80, $0x38;
	[tilespmem:$0x10000] =	vst v63  }
0x43e: {  	s28 =	sadd.s32 $0x17C0, s16  }
0x43f: {  	[hbm4b:s28+s2] =	stream.linear.scatter [tilespmem:s8], [sflag:$0x4], $0x80, $0x38;
	[tilespmem:$0x10000] =	vst v63  }
0x440: {  	s29 =	sadd.s32 $0x1940, s16  }
0x441: {  	[hbm4b:s29+s2] =	stream.linear.scatter [tilespmem:s9], [sflag:$0x4], $0x80, $0x38;
	[tilespmem:$0x10000] =	vst v63  }
0x442: {  	s30 =	sadd.s32 $0x19C0, s16  }
0x443: {  	[hbm4b:s30+s2] =	stream.linear.scatter [tilespmem:s10], [sflag:$0x4], $0x80, $0x38;
	[tilespmem:$0x10000] =	vst v63  }
0x444: {  	s31 =	sadd.s32 $0x1B40, s16  }
0x445: {  	[hbm4b:s31+s2] =	stream.linear.scatter [tilespmem:s11], [sflag:$0x4], $0x80, $0x38;
	[tilespmem:$0x10000] =	vst v63  }
0x446: {  	s0 =	sadd.s32 $0x1BC0, s16  }
0x447: {  	[hbm4b:s0+s2] =	stream.linear.scatter [tilespmem:s12], [sflag:$0x4], $0x80, $0x38;
	[tilespmem:$0x10000] =	vst v63  }
0x448: {  	s1 =	sadd.s32 $0x1D40, s16  }
0x449: {  	[hbm4b:s1+s2] =	stream.linear.scatter [tilespmem:s13], [sflag:$0x4], $0x80, $0x38;
	[tilespmem:$0x10000] =	vst v63  }
0x44a: {  	s3 =	sadd.s32 $0x1DC0, s16  }
0x44b: {  	[hbm4b:s3+s2] =	stream.linear.scatter [tilespmem:s14], [sflag:$0x4], $0x80, $0x38;
	[tilespmem:$0x10000] =	vst v63  }
0x44c: {  	s4 =	sadd.s32 $0x1F40, s16  }
0x44d: {  	[hbm4b:s4+s2] =	stream.linear.scatter [tilespmem:s15], [sflag:$0x4], $0x80, $0x38;
	[tilespmem:$0x10000] =	vst v63  }
0x44e: {  	s5 =	sadd.s32 $0x1FC0, s16  }
0x44f: {  	[hbm4b:s5+s2] =	stream.linear.scatter [tilespmem:s18], [sflag:$0x4], $0x80, $0x38;
	[tilespmem:$0x10000] =	vst v63  }
0x450: {  	s6 =	sadd.s32 $0x1150, s16;
	s7 =	simm.s32 $0x8800  }
0x451: {  	[hbm4b:s6+s2] =	stream.linear.scatter [tilespmem:s7], [sflag:$0x4], $0x80, $0x38;
	[tilespmem:$0x10000] =	vst v63  }
0x452: {  	s8 =	sadd.s32 $0x11D0, s16;
	s9 =	simm.s32 $0x8C00  }
0x453: {  	[hbm4b:s8+s2] =	stream.linear.scatter [tilespmem:s9], [sflag:$0x4], $0x80, $0x38;
	[tilespmem:$0x10000] =	vst v63  }
0x454: {  	s10 =	sadd.s32 $0x1350, s16;
	s11 =	simm.s32 $0x9800  }
0x455: {  	[hbm4b:s10+s2] =	stream.linear.scatter [tilespmem:s11], [sflag:$0x4], $0x80, $0x38;
	[tilespmem:$0x10000] =	vst v63  }
0x456: {  	s12 =	sadd.s32 $0x13D0, s16;
	s13 =	simm.s32 $0x9C00  }
0x457: {  	[hbm4b:s12+s2] =	stream.linear.scatter [tilespmem:s13], [sflag:$0x4], $0x80, $0x38;
	[tilespmem:$0x10000] =	vst v63  }
0x458: {  	s14 =	sadd.s32 $0x1550, s16;
	s15 =	simm.s32 $0xA800  }
0x459: {  	[hbm4b:s14+s2] =	stream.linear.scatter [tilespmem:s15], [sflag:$0x4], $0x80, $0x38;
	[tilespmem:$0x10000] =	vst v63  }
0x45a: {  	s19 =	simm.s32 $0xAC00;
	s18 =	sadd.s32 $0x15D0, s16  }
0x45b: {  	[hbm4b:s18+s2] =	stream.linear.scatter [tilespmem:s19], [sflag:$0x4], $0x80, $0x38;
	[tilespmem:$0x10000] =	vst v63  }
0x45c: {  	s21 =	sadd.s32 $0x1750, s16;
	s22 =	simm.s32 $0xB800  }
0x45d: {  	[hbm4b:s21+s2] =	stream.linear.scatter [tilespmem:s22], [sflag:$0x4], $0x80, $0x38;
	[tilespmem:$0x10000] =	vst v63  }
0x45e: {  	s23 =	sadd.s32 $0x17D0, s16;
	s24 =	simm.s32 $0xBC00  }
0x45f: {  	[hbm4b:s23+s2] =	stream.linear.scatter [tilespmem:s24], [sflag:$0x4], $0x80, $0x38;
	[tilespmem:$0x10000] =	vst v63  }
0x460: {  	s25 =	sadd.s32 $0x1950, s16;
	s26 =	simm.s32 $0xC800  }
0x461: {  	[hbm4b:s25+s2] =	stream.linear.scatter [tilespmem:s26], [sflag:$0x4], $0x80, $0x38;
	[tilespmem:$0x10000] =	vst v63  }
0x462: {  	s28 =	sadd.s32 $0x19D0, s16;
	s29 =	simm.s32 $0xCC00  }
0x463: {  	[hbm4b:s28+s2] =	stream.linear.scatter [tilespmem:s29], [sflag:$0x4], $0x80, $0x38;
	[tilespmem:$0x10000] =	vst v63  }
0x464: {  	s30 =	sadd.s32 $0x1B50, s16;
	s31 =	simm.s32 $0xD800  }
0x465: {  	[hbm4b:s30+s2] =	stream.linear.scatter [tilespmem:s31], [sflag:$0x4], $0x80, $0x38;
	[tilespmem:$0x10000] =	vst v63  }
0x466: {  	s0 =	sadd.s32 $0x1BD0, s16;
	s1 =	simm.s32 $0xDC00  }
0x467: {  	[hbm4b:s0+s2] =	stream.linear.scatter [tilespmem:s1], [sflag:$0x4], $0x80, $0x38;
	[tilespmem:$0x10000] =	vst v63  }
0x468: {  	s3 =	sadd.s32 $0x1D50, s16;
	s4 =	simm.s32 $0xE800  }
0x469: {  	[hbm4b:s3+s2] =	stream.linear.scatter [tilespmem:s4], [sflag:$0x4], $0x80, $0x38;
	[tilespmem:$0x10000] =	vst v63  }
0x46a: {  	s5 =	sadd.s32 $0x1DD0, s16;
	s6 =	simm.s32 $0xEC00  }
0x46b: {  	[hbm4b:s5+s2] =	stream.linear.scatter [tilespmem:s6], [sflag:$0x4], $0x80, $0x38;
	[tilespmem:$0x10000] =	vst v63  }
0x46c: {  	s7 =	sadd.s32 $0x1F50, s16;
	s8 =	simm.s32 $0xF800  }
0x46d: {  	[hbm4b:s7+s2] =	stream.linear.scatter [tilespmem:s8], [sflag:$0x4], $0x80, $0x38;
	[tilespmem:$0x10000] =	vst v63  }
0x46e: {  	s9 =	sadd.s32 $0x1FD0, s16;
	s10 =	simm.s32 $0xFC00  }
0x46f: {  	[hbm4b:s9+s2] =	stream.linear.scatter [tilespmem:s10], [sflag:$0x4], $0x80, $0x38;
	[tilespmem:$0x10000] =	vst v63  }
0x470: {  	s11 =	sadd.s32 $0x1160, s16;
	s0 =	simm.s32 $0x8880  }
0x471: {  	[hbm4b:s11+s2] =	stream.linear.scatter [tilespmem:s0], [sflag:$0x4], $0x80, $0x38;
	[tilespmem:$0x10000] =	vst v63  }
0x472: {  	s12 =	sadd.s32 $0x11E0, s16;
	s1 =	simm.s32 $0x8C80  }
0x473: {  	[hbm4b:s12+s2] =	stream.linear.scatter [tilespmem:s1], [sflag:$0x4], $0x80, $0x38;
	[tilespmem:$0x10000] =	vst v63  }
0x474: {  	s13 =	sadd.s32 $0x1360, s16;
	s3 =	simm.s32 $0x9880  }
0x475: {  	[hbm4b:s13+s2] =	stream.linear.scatter [tilespmem:s3], [sflag:$0x4], $0x80, $0x38;
	[tilespmem:$0x10000] =	vst v63  }
0x476: {  	s14 =	sadd.s32 $0x13E0, s16;
	s4 =	simm.s32 $0x9C80  }
0x477: {  	[hbm4b:s14+s2] =	stream.linear.scatter [tilespmem:s4], [sflag:$0x4], $0x80, $0x38;
	[tilespmem:$0x10000] =	vst v63  }
0x478: {  	s15 =	sadd.s32 $0x1560, s16;
	s5 =	simm.s32 $0xA880  }
0x479: {  	[hbm4b:s15+s2] =	stream.linear.scatter [tilespmem:s5], [sflag:$0x4], $0x80, $0x38;
	[tilespmem:$0x10000] =	vst v63  }
0x47a: {  	s18 =	sadd.s32 $0x15E0, s16;
	s6 =	simm.s32 $0xAC80  }
0x47b: {  	[hbm4b:s18+s2] =	stream.linear.scatter [tilespmem:s6], [sflag:$0x4], $0x80, $0x38;
	[tilespmem:$0x10000] =	vst v63  }
0x47c: {  	s19 =	sadd.s32 $0x1760, s16;
	s7 =	simm.s32 $0xB880  }
0x47d: {  	[hbm4b:s19+s2] =	stream.linear.scatter [tilespmem:s7], [sflag:$0x4], $0x80, $0x38;
	[tilespmem:$0x10000] =	vst v63  }
0x47e: {  	s21 =	sadd.s32 $0x17E0, s16;
	s8 =	simm.s32 $0xBC80  }
0x47f: {  	[hbm4b:s21+s2] =	stream.linear.scatter [tilespmem:s8], [sflag:$0x4], $0x80, $0x38;
	[tilespmem:$0x10000] =	vst v63  }
0x480: {  	s22 =	sadd.s32 $0x1960, s16;
	s9 =	simm.s32 $0xC880  }
0x481: {  	[hbm4b:s22+s2] =	stream.linear.scatter [tilespmem:s9], [sflag:$0x4], $0x80, $0x38;
	[tilespmem:$0x10000] =	vst v63  }
0x482: {  	s23 =	sadd.s32 $0x19E0, s16;
	s10 =	simm.s32 $0xCC80  }
0x483: {  	[hbm4b:s23+s2] =	stream.linear.scatter [tilespmem:s10], [sflag:$0x4], $0x80, $0x38;
	[tilespmem:$0x10000] =	vst v63  }
0x484: {  	s24 =	sadd.s32 $0x1B60, s16;
	s11 =	simm.s32 $0xD880  }
0x485: {  	[hbm4b:s24+s2] =	stream.linear.scatter [tilespmem:s11], [sflag:$0x4], $0x80, $0x38;
	[tilespmem:$0x10000] =	vst v63  }
0x486: {  	s25 =	sadd.s32 $0x1BE0, s16;
	s12 =	simm.s32 $0xDC80  }
0x487: {  	[hbm4b:s25+s2] =	stream.linear.scatter [tilespmem:s12], [sflag:$0x4], $0x80, $0x38;
	[tilespmem:$0x10000] =	vst v63  }
0x488: {  	s26 =	sadd.s32 $0x1D60, s16;
	s13 =	simm.s32 $0xE880  }
0x489: {  	[hbm4b:s26+s2] =	stream.linear.scatter [tilespmem:s13], [sflag:$0x4], $0x80, $0x38;
	[tilespmem:$0x10000] =	vst v63  }
0x48a: {  	s28 =	sadd.s32 $0x1DE0, s16;
	s14 =	simm.s32 $0xEC80  }
0x48b: {  	[hbm4b:s28+s2] =	stream.linear.scatter [tilespmem:s14], [sflag:$0x4], $0x80, $0x38;
	[tilespmem:$0x10000] =	vst v63  }
0x48c: {  	s29 =	sadd.s32 $0x1F60, s16;
	s15 =	simm.s32 $0xF880  }
0x48d: {  	[hbm4b:s29+s2] =	stream.linear.scatter [tilespmem:s15], [sflag:$0x4], $0x80, $0x38;
	[tilespmem:$0x10000] =	vst v63  }
0x48e: {  	s30 =	sadd.s32 $0x1FE0, s16;
	s18 =	simm.s32 $0xFC80  }
0x48f: {  	[hbm4b:s30+s2] =	stream.linear.scatter [tilespmem:s18], [sflag:$0x4], $0x80, $0x38;
	[tilespmem:$0x10000] =	vst v63  }
0x490: {  	s31 =	sadd.s32 $0x1170, s16  }
0x491: {  	[hbm4b:s31+s2] =	stream.linear.scatter [tilespmem:s0], [sflag:$0x4], $0x80, $0x38;
	[tilespmem:$0x10000] =	vst v63  }
0x492: {  	s0 =	sadd.s32 $0x11F0, s16  }
0x493: {  	[hbm4b:s0+s2] =	stream.linear.scatter [tilespmem:s1], [sflag:$0x4], $0x80, $0x38;
	[tilespmem:$0x10000] =	vst v63  }
0x494: {  	s1 =	sadd.s32 $0x1370, s16  }
0x495: {  	[hbm4b:s1+s2] =	stream.linear.scatter [tilespmem:s3], [sflag:$0x4], $0x80, $0x38;
	[tilespmem:$0x10000] =	vst v63  }
0x496: {  	s3 =	sadd.s32 $0x13F0, s16  }
0x497: {  	[hbm4b:s3+s2] =	stream.linear.scatter [tilespmem:s4], [sflag:$0x4], $0x80, $0x38;
	[tilespmem:$0x10000] =	vst v63  }
0x498: {  	s19 =	sadd.s32 $0x1570, s16  }
0x499: {  	[hbm4b:s19+s2] =	stream.linear.scatter [tilespmem:s5], [sflag:$0x4], $0x80, $0x38;
	[tilespmem:$0x10000] =	vst v63  }
0x49a: {  	s21 =	sadd.s32 $0x15F0, s16  }
0x49b: {  	[hbm4b:s21+s2] =	stream.linear.scatter [tilespmem:s6], [sflag:$0x4], $0x80, $0x38;
	[tilespmem:$0x10000] =	vst v63  }
0x49c: {  	s22 =	sadd.s32 $0x1770, s16  }
0x49d: {  	[hbm4b:s22+s2] =	stream.linear.scatter [tilespmem:s7], [sflag:$0x4], $0x80, $0x38;
	[tilespmem:$0x10000] =	vst v63  }
0x49e: {  	s23 =	sadd.s32 $0x17F0, s16  }
0x49f: {  	[hbm4b:s23+s2] =	stream.linear.scatter [tilespmem:s8], [sflag:$0x4], $0x80, $0x38;
	[tilespmem:$0x10000] =	vst v63  }
0x4a0: {  	s24 =	sadd.s32 $0x1970, s16  }
0x4a1: {  	[hbm4b:s24+s2] =	stream.linear.scatter [tilespmem:s9], [sflag:$0x4], $0x80, $0x38;
	[tilespmem:$0x10000] =	vst v63  }
0x4a2: {  	s25 =	sadd.s32 $0x19F0, s16  }
0x4a3: {  	[hbm4b:s25+s2] =	stream.linear.scatter [tilespmem:s10], [sflag:$0x4], $0x80, $0x38;
	[tilespmem:$0x10000] =	vst v63  }
0x4a4: {  	s26 =	sadd.s32 $0x1B70, s16  }
0x4a5: {  	[hbm4b:s26+s2] =	stream.linear.scatter [tilespmem:s11], [sflag:$0x4], $0x80, $0x38;
	[tilespmem:$0x10000] =	vst v63  }
0x4a6: {  	s28 =	sadd.s32 $0x1BF0, s16  }
0x4a7: {  	[hbm4b:s28+s2] =	stream.linear.scatter [tilespmem:s12], [sflag:$0x4], $0x80, $0x38;
	[tilespmem:$0x10000] =	vst v63  }
0x4a8: {  	s29 =	sadd.s32 $0x1D70, s16  }
0x4a9: {  	[hbm4b:s29+s2] =	stream.linear.scatter [tilespmem:s13], [sflag:$0x4], $0x80, $0x38;
	[tilespmem:$0x10000] =	vst v63  }
0x4aa: {  	s30 =	sadd.s32 $0x1DF0, s16  }
0x4ab: {  	[hbm4b:s30+s2] =	stream.linear.scatter [tilespmem:s14], [sflag:$0x4], $0x80, $0x38;
	[tilespmem:$0x10000] =	vst v63  }
.Ltmp2:
0x4ac: {  	_ = 	snop;
	(pc) =	sbr.rel @p0 .LBB2_4-.Ltmp2, $4  }
0x4ad: {  	s31 =	sadd.s32 $0x1F70, s16  }
0x4ae: {  	[hbm4b:s31+s2] =	stream.linear.scatter [tilespmem:s15], [sflag:$0x4], $0x80, $0x38;
	[tilespmem:$0x10000] =	vst v63  }
0x4af: {  	s17 =	simm.s32 $0x8000;
	s0 =	rddreg [dreg:$0x9];
	s16 =	sadd.s32 $0x1FF0, s16  }
0x4b0: {  	[hbm4b:s16+s2] =	stream.linear.scatter [tilespmem:s18], [sflag:$0x4], $0x80, $0x38;
	[tilespmem:$0x10000] =	vst v63  }
0x4b1: {  	_ =	swait.ge [sflag:s20], $0x800  }
0x4b2: {  	[sflag:s20] =	ssyncset.done $0x0  }
0x4b3: {  	[sflag:s20] =	ssyncadd.s32 $0xFFFFF800  }
0x4b4: {  	_ =	swait.ge [sflag:s20], $0x800  }
0x4b5: {  	[sflag:s20] =	ssyncset.done $0x0  }
0x4b6: {  	[sflag:s20] =	ssyncadd.s32 $0xFFFFF800  }
0x4b7: {  	_ =	swait.ge [sflag:s20], $0x800  }
0x4b8: {  	[sflag:s20] =	ssyncset.done $0x0  }
0x4b9: {  	[sflag:s20] =	ssyncadd.s32 $0xFFFFF800  }
0x4ba: {  	_ =	swait.ge [sflag:s20], $0x800  }
0x4bb: {  	[sflag:s20] =	ssyncset.done $0x0  }
0x4bc: {  	[sflag:s20] =	ssyncadd.s32 $0xFFFFF800  }
0x4bd: {  	_ =	swait.ge [sflag:s20], $0x800  }
0x4be: {  	[sflag:s20] =	ssyncset.done $0x0  }
0x4bf: {  	[sflag:s20] =	ssyncadd.s32 $0xFFFFF800  }
0x4c0: {  	_ =	swait.ge [sflag:s20], $0x800  }
0x4c1: {  	[sflag:s20] =	ssyncset.done $0x0  }
0x4c2: {  	[sflag:s20] =	ssyncadd.s32 $0xFFFFF800  }
0x4c3: {  	_ =	swait.ge [sflag:s20], $0x800  }
0x4c4: {  	[sflag:s20] =	ssyncset.done $0x0  }
0x4c5: {  	[sflag:s20] =	ssyncadd.s32 $0xFFFFF800  }
0x4c6: {  	_ =	swait.ge [sflag:s20], $0x800  }
0x4c7: {  	[sflag:s20] =	ssyncset.done $0x0  }
0x4c8: {  	[sflag:s20] =	ssyncadd.s32 $0xFFFFF800  }
0x4c9: {  	_ =	swait.ge [sflag:s20], $0x800  }
0x4ca: {  	[sflag:s20] =	ssyncset.done $0x0  }
0x4cb: {  	[sflag:s20] =	ssyncadd.s32 $0xFFFFF800  }
0x4cc: {  	_ =	swait.ge [sflag:s20], $0x800  }
0x4cd: {  	[sflag:s20] =	ssyncset.done $0x0  }
0x4ce: {  	[sflag:s20] =	ssyncadd.s32 $0xFFFFF800  }
0x4cf: {  	_ =	swait.ge [sflag:s20], $0x800  }
0x4d0: {  	[sflag:s20] =	ssyncset.done $0x0  }
0x4d1: {  	[sflag:s20] =	ssyncadd.s32 $0xFFFFF800  }
0x4d2: {  	_ =	swait.ge [sflag:s20], $0x800  }
0x4d3: {  	[sflag:s20] =	ssyncset.done $0x0  }
0x4d4: {  	[sflag:s20] =	ssyncadd.s32 $0xFFFFF800  }
0x4d5: {  	_ =	swait.ge [sflag:s20], $0x800  }
0x4d6: {  	[sflag:s20] =	ssyncset.done $0x0  }
0x4d7: {  	[sflag:s20] =	ssyncadd.s32 $0xFFFFF800  }
0x4d8: {  	_ =	swait.ge [sflag:s20], $0x800  }
0x4d9: {  	[sflag:s20] =	ssyncset.done $0x0  }
0x4da: {  	[sflag:s20] =	ssyncadd.s32 $0xFFFFF800  }
0x4db: {  	_ =	swait.ge [sflag:s20], $0x800  }
0x4dc: {  	[sflag:s20] =	ssyncset.done $0x0  }
0x4dd: {  	[sflag:s20] =	ssyncadd.s32 $0xFFFFF800  }
.Ltmp3:
0x4de: {  	_ =	swait.ge [sflag:s20], $0x800;
	(pc) =	sbr.rel .LBB2_2-.Ltmp3, $4  }
0x4df: {  	s1 =	rddreg [dreg:$0x8]  }
0x4e0: {  	[sflag:s20] =	ssyncset.done $0x0;
	s16 =	sadd.s32 s1, s0;
	s1 =	sadd.s32 $0x2000, s1  }
0x4e1: {  	[sflag:s20] =	ssyncadd.s32 $0xFFFFF800;
	s16 =	sadd.s32 $0x3000, s16;
	[dreg:$0x8] =	wrdreg s1  }
0x4e2: {  	[tilespmem:s17], [sflag:$0x2] =	stream.linear.gather [hbm4b:s16+s2], $0x8000, $0x38;
	[tilespmem:$0x10000] =	vst v63  }
.LBB2_5:
0x4e3: {  	_ =	sfence.sel $0x180000  }
0x4e4: {  	[bflag:$0x0] =	sbarrier.arrive $0xFFFF  }
0x4e5: {  	_ =	strace $0x90000047  }
0x4e6: {  	s0 =	stileid.u32;
	[bflag:$0x2] =	sbarrier.arrive $0xFFFF  }
0x4e7: {  	p0 =	sne.s32 s0, $0x0;
	s0 =	rddreg [dreg:$0x2]  }
0x4e8: {  	s0 =	sadd.s32 @!p0 $0x100000, s0  }
0x4e9: {  	[sflag:s0] =	ssyncadd.tile.s32 @!p0 $0x1;
	_ =	shalt  }
.Lfunc_end2:
_tile_overlayer_lowered:
.L_overlay_start_2:
0x4ea: {  	(tag) =	ssettag $0x2  }
0x4eb: {  	s0 =	rddreg [dreg:$0x0];
	s2 =	stileid.u32  }
0x4ec: {  	s1 =	rddreg [dreg:$0x1];
	p0 =	sne.s32 s2, $0x0  }
0x4ed: {  	s3 =	rddreg [dreg:$0x2];
	[bflag:$0x3] =	sbarrier.arrive $0xFFFF;
	s2 =	simm.s32 @!p0 $0x1C05  }
0x4ee: {  	[timem:s3], [sflag:s2] =	dma.local @!p0 [hbm:s0], s1  }
0x4ef: {  	s0 =	simm.s32 @!p0 $0x5  }
0x4f0: {  	_ =	swait.ge @!p0 [sflag:s0], s1  }
0x4f1: {  	s1 =	ssub.s32 @!p0 $0x0, s1;
	[sflag:s0] =	ssyncset.done @!p0 $0x0  }
0x4f2: {  	[sflag:s0] =	ssyncadd.s32 @!p0 s1  }
0x4f3: {  	[bflag:$0x3] =	sbarrier.arrive $0xFFFF  }
0x4f4: {  	_ =	shalt  }

</sc_bundles>
